<compile_context>
chip_gen: v7x
topology: tpu7x:2x2x1
jax: 0.10.2.dev20260603
libtpu: 0.0.44.dev20260713+nightly
codegen_flags: <defaults>
</compile_context>

<pallas_src>
import functools

import jax
import jax.numpy as jnp
from jax import lax
from jax.experimental import pallas as pl
from jax.experimental.pallas import tpu as pltpu
from jax.experimental.pallas import tpu_sc as plsc

N = 10000
E = 160000
D = 256
H = 128
NC = 2
NS = 16
C = 128

SP_ROWS = 10240
DUMMY = N

E_PAD = 163840
EPT3 = E_PAD // (NC * NS)
G = 8
GROUPS = E_PAD // (NS * C * G)


@functools.cache
def _make_sc_conv():
    mesh = plsc.VectorSubcoreMesh(core_axis_name="c", subcore_axis_name="s",
                                  num_cores=NC, num_subcores=NS)

    @functools.partial(
        pl.kernel, mesh=mesh,
        out_type=jax.ShapeDtypeStruct((NC * SP_ROWS, H), jnp.float32),
        scratch_types=[
            pltpu.VMEM_SHARED((SP_ROWS, H), jnp.float32),
            pltpu.VMEM((C, H), jnp.float32),
            pltpu.VMEM((C, H), jnp.float32),
            pltpu.VMEM((2 * G, C), jnp.int32),
            pltpu.VMEM((2 * G, 1, C), jnp.int32),
            pltpu.SemaphoreType.DMA,
            pltpu.SemaphoreType.DMA,
            pltpu.SemaphoreType.DMA,
            pltpu.SemaphoreType.DMA,
            pltpu.SemaphoreType.DMA,
        ],
    )
    def conv(src2, dst3, ta, tb, zrows, agg_out,
             agg_s, rows0, rows1, sidx, didx, gsem, ssem0, ssem1,
             isem, isem2):
        cid = lax.axis_index("c")
        sid = lax.axis_index("s")
        rows = (rows0, rows1)
        ssem = (ssem0, ssem1)

        pltpu.sync_copy(zrows, rows0)
        for k in range(SP_ROWS // (NS * C)):
            r0 = sid * (SP_ROWS // NS) + k * C
            pltpu.sync_copy(rows0, agg_s.at[pl.ds(r0, C)])
        plsc.subcore_barrier()

        def run_edges(table):
            def idx_copies(g, slot):
                rb = sid * (GROUPS * G) + g * G
                return (pltpu.make_async_copy(
                            src2.at[pl.ds(rb, G)],
                            sidx.at[pl.ds(slot * G, G)], isem),
                        pltpu.make_async_copy(
                            dst3.at[pl.ds(rb, G)],
                            didx.at[pl.ds(slot * G, G)], isem2))

            for d in idx_copies(0, 0):
                d.start()

            def group(g, _):
                o = (g % 2) * G
                for d in idx_copies(g, g % 2):
                    d.wait()

                @pl.when(g + 1 < GROUPS)
                def _():
                    for d in idx_copies(g + 1, (g + 1) % 2):
                        d.start()

                gd = pltpu.async_copy(table.at[sidx.at[o]], rows0, gsem)
                sds = [None, None]
                for j in range(G):
                    b = j % 2
                    gd.wait()
                    sds[b] = pltpu.async_copy(
                        rows[b], agg_s.at[didx.at[o + j, 0]], ssem[b],
                        add=True)
                    if j + 1 < G:
                        nb = (j + 1) % 2
                        if sds[nb] is not None:
                            sds[nb].wait()
                        gd = pltpu.async_copy(table.at[sidx.at[o + j + 1]],
                                              rows[nb], gsem)
                sds[0].wait()
                sds[1].wait()
                return 0

            lax.fori_loop(0, GROUPS, group, 0)

        @pl.when(cid == 0)
        def _():
            run_edges(ta)

        @pl.when(cid == 1)
        def _():
            run_edges(tb)

        plsc.subcore_barrier()

        for k in range(SP_ROWS // (NS * C)):
            r0 = sid * (SP_ROWS // NS) + k * C
            pltpu.sync_copy(agg_s.at[pl.ds(r0, C)],
                            agg_out.at[pl.ds(cid * SP_ROWS + r0, C)])

    return conv


@functools.cache
def _make_sc_deg():
    mesh = plsc.VectorSubcoreMesh(core_axis_name="c", subcore_axis_name="s",
                                  num_cores=NC, num_subcores=NS)

    @functools.partial(
        pl.kernel, mesh=mesh,
        out_type=jax.ShapeDtypeStruct((NC * SP_ROWS, H), jnp.float32),
        scratch_types=[
            pltpu.VMEM_SHARED((SP_ROWS, H), jnp.float32),
            pltpu.VMEM((C, H), jnp.float32),
            pltpu.VMEM((C, H), jnp.float32),
            pltpu.VMEM((G, 1, C), jnp.int32),
            pltpu.SemaphoreType.DMA,
        ],
    )
    def deg(dst3, zrows, orows, deg_out, deg_s, o128, buf, didx, ssem):
        cid = lax.axis_index("c")
        sid = lax.axis_index("s")
        pltpu.sync_copy(orows, o128)
        pltpu.sync_copy(zrows, buf)
        for k in range(SP_ROWS // (NS * C)):
            r0 = sid * (SP_ROWS // NS) + k * C
            pltpu.sync_copy(buf, deg_s.at[pl.ds(r0, C)])
        plsc.subcore_barrier()

        ept = E_PAD // (NC * NS)

        def group(g, _):
            rb = (cid * NS + sid) * (ept // C) + g * G
            pltpu.sync_copy(dst3.at[pl.ds(rb, G)], didx)
            sds = [pltpu.async_copy(o128, deg_s.at[didx.at[j, 0]], ssem,
                                    add=True) for j in range(G)]
            for dsc in sds:
                dsc.wait()
            return 0

        lax.fori_loop(0, ept // (C * G), group, 0)
        plsc.subcore_barrier()

        for k in range(SP_ROWS // (NS * C)):
            r0 = sid * (SP_ROWS // NS) + k * C
            pltpu.sync_copy(deg_s.at[pl.ds(r0, C)], buf)
            pltpu.sync_copy(buf, deg_out.at[pl.ds(cid * SP_ROWS + r0, C)])

    return deg


def _tc1_body(agg, dega, degb, x, w1n, w1r, b1, out, outa, outb):
    scale = 1.0 / jnp.maximum(dega[:] + degb[:], 1.0)
    h = (jnp.dot(agg[:] * scale, w1n[:], preferred_element_type=jnp.float32)
         + jnp.dot(x[:], w1r[:], preferred_element_type=jnp.float32)
         + b1[:])
    h = jnp.maximum(h, 0.0)
    out[:] = h
    outa[:] = h[:, :H]
    outb[:] = h[:, H:]


def _tc2_body(agg, dega, degb, h1, w2n, w2r, b2, g, b,
              wda, wdb, bd, h_out, s_out, t_out):
    scale = 1.0 / jnp.maximum(dega[:] + degb[:], 1.0)
    h2 = (jnp.dot(agg[:] * scale, w2n[:], preferred_element_type=jnp.float32)
          + jnp.dot(h1[:], w2r[:], preferred_element_type=jnp.float32)
          + b2[:])
    h2 = jnp.maximum(h2, 0.0)
    mu = jnp.mean(h2, axis=-1, keepdims=True)
    var = jnp.mean((h2 - mu) ** 2, axis=-1, keepdims=True)
    hn = (h2 - mu) * jax.lax.rsqrt(var + 1e-5) * g[:] + b[:]
    h_out[:] = hn
    s_out[:] = jnp.dot(hn, wda[:], preferred_element_type=jnp.float32) + bd[:]
    t_out[:] = jnp.dot(hn, wdb[:], preferred_element_type=jnp.float32)


@functools.cache
def _make_sc_decode():
    mesh = plsc.VectorSubcoreMesh(core_axis_name="c", subcore_axis_name="s",
                                  num_cores=NC, num_subcores=NS)

    @functools.partial(
        pl.kernel, mesh=mesh,
        out_type=jax.ShapeDtypeStruct((E_PAD,), jnp.float32),
        compiler_params=pltpu.CompilerParams(needs_layout_passes=False),
        scratch_types=[
            pltpu.VMEM((SP_ROWS,), jnp.float32),
            pltpu.VMEM((SP_ROWS,), jnp.float32),
            pltpu.VMEM((EPT3,), jnp.int32),
            pltpu.VMEM((EPT3,), jnp.int32),
            pltpu.VMEM((EPT3,), jnp.float32),
        ],
    )
    def decode(s_hbm, t_hbm, src, dst, out, sv, tv, si, di, ov):
        cid = lax.axis_index("c")
        sid = lax.axis_index("s")
        wid = cid * NS + sid
        base = wid * EPT3
        pltpu.sync_copy(s_hbm, sv)
        pltpu.sync_copy(t_hbm, tv)
        pltpu.sync_copy(src.at[pl.ds(base, EPT3)], si)
        pltpu.sync_copy(dst.at[pl.ds(base, EPT3)], di)

        def step(i, _):
            sl = pl.ds(i * 16, 16)
            a = plsc.load_gather(sv, [si[sl]])
            c = plsc.load_gather(tv, [di[sl]])
            ov[sl] = 1.0 / (1.0 + jnp.exp(-(a + c)))
            return 0

        lax.fori_loop(0, EPT3 // 16, step, 0)
        pltpu.sync_copy(ov, out.at[pl.ds(base, EPT3)])

    return decode


def kernel(x, edge_index, W1n, W1r, b1, W2n, W2r, b2, ln_g, ln_b, Wd, bd):
    src = edge_index[0]
    dst = edge_index[1]
    pad = E_PAD - E
    srcp = jnp.concatenate([src, jnp.zeros((pad,), jnp.int32)])
    dstp = jnp.concatenate([dst, jnp.full((pad,), DUMMY, jnp.int32)])
    srcp2 = srcp.reshape(E_PAD // C, C)
    dst3d = dstp.reshape(E_PAD // C, 1, C)

    zrows = jnp.zeros((C, H), jnp.float32)
    orows = jnp.ones((C, H), jnp.float32)

    degc = _make_sc_deg()(dst3d, zrows, orows)
    dega = degc[:N, :1]
    degb = degc[SP_ROWS:SP_ROWS + N, :1]
    agg1c = _make_sc_conv()(srcp2, dst3d, x[:, :H], x[:, H:], zrows)
    agg1 = jnp.concatenate([agg1c[:N], agg1c[SP_ROWS:SP_ROWS + N]], axis=1)

    B = 2000
    NB = N // B
    row = pl.BlockSpec((B, D), lambda i: (i, 0))
    half = pl.BlockSpec((B, H), lambda i: (i, 0))
    col1 = pl.BlockSpec((B, 1), lambda i: (i, 0))
    wfull = pl.BlockSpec((D, D), lambda i: (0, 0))
    vfull = pl.BlockSpec((D,), lambda i: (0,))

    h1, h1a, h1b = pl.pallas_call(
        _tc1_body,
        grid=(NB,),
        in_specs=[row, col1, col1, row, wfull, wfull, vfull],
        out_specs=[row, half, half],
        out_shape=[
            jax.ShapeDtypeStruct((N, D), jnp.float32),
            jax.ShapeDtypeStruct((N, H), jnp.float32),
            jax.ShapeDtypeStruct((N, H), jnp.float32),
        ],
    )(agg1, dega, degb, x, W1n, W1r, b1)

    agg2c = _make_sc_conv()(srcp2, dst3d, h1a, h1b, zrows)
    agg2 = jnp.concatenate([agg2c[:N], agg2c[SP_ROWS:SP_ROWS + N]], axis=1)

    wcol = pl.BlockSpec((D, 1), lambda i: (0, 0))
    h, s, t = pl.pallas_call(
        _tc2_body,
        grid=(NB,),
        in_specs=[row, col1, col1, row, wfull, wfull, vfull,
                  vfull, vfull, wcol, wcol, pl.BlockSpec((1,), lambda i: (0,))],
        out_specs=[row, col1, col1],
        out_shape=[
            jax.ShapeDtypeStruct((N, D), jnp.float32),
            jax.ShapeDtypeStruct((N, 1), jnp.float32),
            jax.ShapeDtypeStruct((N, 1), jnp.float32),
        ],
    )(agg2, dega, degb, h1, W2n, W2r, b2, ln_g, ln_b, Wd[:D], Wd[D:], bd)

    sp = jnp.pad(s.reshape(N), (0, SP_ROWS - N))
    tp = jnp.pad(t.reshape(N), (0, SP_ROWS - N))
    newp = _make_sc_decode()(sp, tp, srcp, dstp)
    new_h = newp[:E, None]
    return (h, new_h)

# --- scband reference (transcript-rebuilt; emitter-appended) ---
"""Pipeline reference for scband-graph-sage-gnn-23940147708241 (READ-ONLY COPY).

The authoritative reference and input builder live on the scoring server;
editing this copy changes nothing except your own understanding.
"""

import jax, jax.numpy as jnp
import numpy as np

N_NODES = 10000
N_EDGES = 160000
D_IN = 256
D_HID = 256
D_OUT = 256


def setup_inputs(seed: int = 0) -> dict:
    key = jax.random.key(seed)
    ks = jax.random.split(key, 12)
    x = jax.random.normal(ks[0], (N_NODES, D_IN), dtype=jnp.float32)
    edge_index = jax.random.randint(ks[1], (2, N_EDGES), 0, N_NODES, dtype=jnp.int32)
    s_in = 1.0 / np.sqrt(D_IN)
    s_hid = 1.0 / np.sqrt(D_HID)
    s_dec = 1.0 / np.sqrt(2 * D_OUT)
    W1n = jax.random.uniform(ks[2], (D_IN, D_HID), jnp.float32, -s_in, s_in)
    W1r = jax.random.uniform(ks[3], (D_IN, D_HID), jnp.float32, -s_in, s_in)
    b1 = jnp.zeros((D_HID,), jnp.float32)
    W2n = jax.random.uniform(ks[4], (D_HID, D_OUT), jnp.float32, -s_hid, s_hid)
    W2r = jax.random.uniform(ks[5], (D_HID, D_OUT), jnp.float32, -s_hid, s_hid)
    b2 = jnp.zeros((D_OUT,), jnp.float32)
    ln_g = jnp.ones((D_OUT,), jnp.float32)
    ln_b = jnp.zeros((D_OUT,), jnp.float32)
    Wd = jax.random.uniform(ks[6], (2 * D_OUT, 1), jnp.float32, -s_dec, s_dec)
    bd = jnp.zeros((1,), jnp.float32)
    return {"x": x, "edge_index": edge_index, "W1n": W1n, "W1r": W1r, "b1": b1,
            "W2n": W2n, "W2r": W2r, "b2": b2, "ln_g": ln_g, "ln_b": ln_b,
            "Wd": Wd, "bd": bd}


def _sage_conv(x, edge_index, Wn, Wr, b):
    # PyG SAGEConv with mean aggregation: lin_l(mean_neighbors) + lin_r(x_root)
    src = edge_index[0]
    dst = edge_index[1]
    msgs = jnp.take(x, src, axis=0)
    agg = jax.ops.segment_sum(msgs, dst, num_segments=x.shape[0])
    deg = jax.ops.segment_sum(jnp.ones((edge_index.shape[1],), dtype=x.dtype), dst,
                              num_segments=x.shape[0])
    agg = agg / jnp.clip(deg, 1.0, None)[:, None]
    return agg @ Wn + x @ Wr + b


def _layer_norm(h, g, b, eps=1e-5):
    mu = jnp.mean(h, axis=-1, keepdims=True)
    var = jnp.mean((h - mu) ** 2, axis=-1, keepdims=True)
    return (h - mu) / jnp.sqrt(var + eps) * g + b


def reference(x, edge_index, W1n, W1r, b1, W2n, W2r, b2, ln_g, ln_b, Wd, bd):
    h = _sage_conv(x, edge_index, W1n, W1r, b1)
    h = jax.nn.relu(h)
    # F.dropout(p=0.5) treated as identity for a deterministic reference
    h = _sage_conv(h, edge_index, W2n, W2r, b2)
    h = jax.nn.relu(h)
    h = _layer_norm(h, ln_g, ln_b)
    h_src = jnp.take(h, edge_index[0], axis=0)
    h_dst = jnp.take(h, edge_index[1], axis=0)
    h_final = jnp.concatenate([h_src, h_dst], axis=1)
    new_h = jax.nn.sigmoid(h_final @ Wd + bd)
    return (h, new_h)

if __name__ == "__main__":
    import jax
    _d = setup_inputs()
    print(jax.jit(kernel)(*tuple(_d.values())))

</pallas_src>

<mosaic_0001>
#map = affine_map<(d0, d1) -> (0, 0)>
#map1 = affine_map<(d0, d1) -> (0, 0, 0)>
module attributes {stable_mosaic.version = 14 : i64} {
  func.func @conv(%arg0: i32, %arg1: i32, %arg2: memref<1280x128xi32, #tpu.memory_space<hbm>>, %arg3: memref<1280x1x128xi32, #tpu.memory_space<hbm>>, %arg4: memref<10000x128xf32, #tpu.memory_space<hbm>>, %arg5: memref<10000x128xf32, #tpu.memory_space<hbm>>, %arg6: memref<128x128xf32, #tpu.memory_space<hbm>>, %arg7: memref<20480x128xf32, #tpu.memory_space<hbm>>, %arg8: memref<10240x128xf32, #tpu.memory_space<vmem_shared>>, %arg9: memref<128x128xf32, #tpu.memory_space<vmem>>, %arg10: memref<128x128xf32, #tpu.memory_space<vmem>>, %arg11: memref<16x128xi32, #tpu.memory_space<vmem>>, %arg12: memref<16x1x128xi32, #tpu.memory_space<vmem>>, %arg13: memref<!tpu.dma_semaphore, #tpu.memory_space<semaphore_mem>>, %arg14: memref<!tpu.dma_semaphore, #tpu.memory_space<semaphore_mem>>, %arg15: memref<!tpu.dma_semaphore, #tpu.memory_space<semaphore_mem>>, %arg16: memref<!tpu.dma_semaphore, #tpu.memory_space<semaphore_mem>>, %arg17: memref<!tpu.dma_semaphore, #tpu.memory_space<semaphore_mem>>) attributes {dimension_semantics = [#tpu.dimension_semantics<core_parallel>, #tpu.dimension_semantics<subcore_parallel>], iteration_bounds = array<i64: 2, 16>, scalar_prefetch = 0 : i64, scratch_operands = 10 : i64, tpu.core_type = #tpu.core_type<sc_vector_subcore>, window_params = [{transform_indices = #map}, {transform_indices = #map1}, {transform_indices = #map}, {transform_indices = #map}, {transform_indices = #map}, {transform_indices = #map}]} {
    "tpu.region"() ({
      %run_scoped3A = tpu.sem_alloc : memref<!tpu.dma_semaphore, #tpu.memory_space<semaphore_mem>>
      tpu.enqueue_dma source(%arg6 : memref<128x128xf32, #tpu.memory_space<hbm>>) target(%arg9 : memref<128x128xf32, #tpu.memory_space<vmem>>) target_semaphore(%run_scoped3A : memref<!tpu.dma_semaphore, #tpu.memory_space<semaphore_mem>>)
      tpu.wait_dma2 semaphore(%run_scoped3A : memref<!tpu.dma_semaphore, #tpu.memory_space<semaphore_mem>>) src(%arg6 : memref<128x128xf32, #tpu.memory_space<hbm>>) dst(%arg9 : memref<128x128xf32, #tpu.memory_space<vmem>>)
      tpu.yield
    }) : () -> ()
    %mul3A = arith.constant 640 : i32
    %mul3A_0 = arith.muli %arg1, %mul3A : i32
    %add3A = arith.constant 0 : i32
    %add3A_1 = arith.addi %mul3A_0, %add3A : i32
    "tpu.region"() ({
      %run_scoped3A = tpu.sem_alloc : memref<!tpu.dma_semaphore, #tpu.memory_space<semaphore_mem>>
      %dma_start3A = arith.constant 0 : i32
      %dma_start3A_61 = tpu.memref_slice %arg8[%add3A_1, %dma_start3A] : memref<10240x128xf32, #tpu.memory_space<vmem_shared>> -> memref<128x128xf32, #tpu.memory_space<vmem_shared>>
      %dma_start3A_62 = arith.constant 0 : i32
      %dma_start3A_63 = tpu.memref_slice %arg8[%add3A_1, %dma_start3A_62] : memref<10240x128xf32, #tpu.memory_space<vmem_shared>> -> memref<128x128xf32, #tpu.memory_space<vmem_shared>>
      tpu.enqueue_dma source(%arg9 : memref<128x128xf32, #tpu.memory_space<vmem>>) target(%dma_start3A_63 : memref<128x128xf32, #tpu.memory_space<vmem_shared>>) target_semaphore(%run_scoped3A : memref<!tpu.dma_semaphore, #tpu.memory_space<semaphore_mem>>)
      %dma_wait3A = arith.constant 0 : i32
      %dma_wait3A_64 = tpu.memref_slice %arg8[%add3A_1, %dma_wait3A] : memref<10240x128xf32, #tpu.memory_space<vmem_shared>> -> memref<128x128xf32, #tpu.memory_space<vmem_shared>>
      %dma_wait3A_65 = arith.constant 0 : i32
      %dma_wait3A_66 = tpu.memref_slice %arg8[%add3A_1, %dma_wait3A_65] : memref<10240x128xf32, #tpu.memory_space<vmem_shared>> -> memref<128x128xf32, #tpu.memory_space<vmem_shared>>
      tpu.wait_dma2 semaphore(%run_scoped3A : memref<!tpu.dma_semaphore, #tpu.memory_space<semaphore_mem>>) src(%arg9 : memref<128x128xf32, #tpu.memory_space<vmem>>) dst(%dma_wait3A_66 : memref<128x128xf32, #tpu.memory_space<vmem_shared>>)
      tpu.yield
    }) : () -> ()
    %mul3A_2 = arith.constant 640 : i32
    %mul3A_3 = arith.muli %arg1, %mul3A_2 : i32
    %add3A_4 = arith.constant 128 : i32
    %add3A_5 = arith.addi %mul3A_3, %add3A_4 : i32
    "tpu.region"() ({
      %run_scoped3A = tpu.sem_alloc : memref<!tpu.dma_semaphore, #tpu.memory_space<semaphore_mem>>
      %dma_start3A = arith.constant 0 : i32
      %dma_start3A_61 = tpu.memref_slice %arg8[%add3A_5, %dma_start3A] : memref<10240x128xf32, #tpu.memory_space<vmem_shared>> -> memref<128x128xf32, #tpu.memory_space<vmem_shared>>
      %dma_start3A_62 = arith.constant 0 : i32
      %dma_start3A_63 = tpu.memref_slice %arg8[%add3A_5, %dma_start3A_62] : memref<10240x128xf32, #tpu.memory_space<vmem_shared>> -> memref<128x128xf32, #tpu.memory_space<vmem_shared>>
      tpu.enqueue_dma source(%arg9 : memref<128x128xf32, #tpu.memory_space<vmem>>) target(%dma_start3A_63 : memref<128x128xf32, #tpu.memory_space<vmem_shared>>) target_semaphore(%run_scoped3A : memref<!tpu.dma_semaphore, #tpu.memory_space<semaphore_mem>>)
      %dma_wait3A = arith.constant 0 : i32
      %dma_wait3A_64 = tpu.memref_slice %arg8[%add3A_5, %dma_wait3A] : memref<10240x128xf32, #tpu.memory_space<vmem_shared>> -> memref<128x128xf32, #tpu.memory_space<vmem_shared>>
      %dma_wait3A_65 = arith.constant 0 : i32
      %dma_wait3A_66 = tpu.memref_slice %arg8[%add3A_5, %dma_wait3A_65] : memref<10240x128xf32, #tpu.memory_space<vmem_shared>> -> memref<128x128xf32, #tpu.memory_space<vmem_shared>>
      tpu.wait_dma2 semaphore(%run_scoped3A : memref<!tpu.dma_semaphore, #tpu.memory_space<semaphore_mem>>) src(%arg9 : memref<128x128xf32, #tpu.memory_space<vmem>>) dst(%dma_wait3A_66 : memref<128x128xf32, #tpu.memory_space<vmem_shared>>)
      tpu.yield
    }) : () -> ()
    %mul3A_6 = arith.constant 640 : i32
    %mul3A_7 = arith.muli %arg1, %mul3A_6 : i32
    %add3A_8 = arith.constant 256 : i32
    %add3A_9 = arith.addi %mul3A_7, %add3A_8 : i32
    "tpu.region"() ({
      %run_scoped3A = tpu.sem_alloc : memref<!tpu.dma_semaphore, #tpu.memory_space<semaphore_mem>>
      %dma_start3A = arith.constant 0 : i32
      %dma_start3A_61 = tpu.memref_slice %arg8[%add3A_9, %dma_start3A] : memref<10240x128xf32, #tpu.memory_space<vmem_shared>> -> memref<128x128xf32, #tpu.memory_space<vmem_shared>>
      %dma_start3A_62 = arith.constant 0 : i32
      %dma_start3A_63 = tpu.memref_slice %arg8[%add3A_9, %dma_start3A_62] : memref<10240x128xf32, #tpu.memory_space<vmem_shared>> -> memref<128x128xf32, #tpu.memory_space<vmem_shared>>
      tpu.enqueue_dma source(%arg9 : memref<128x128xf32, #tpu.memory_space<vmem>>) target(%dma_start3A_63 : memref<128x128xf32, #tpu.memory_space<vmem_shared>>) target_semaphore(%run_scoped3A : memref<!tpu.dma_semaphore, #tpu.memory_space<semaphore_mem>>)
      %dma_wait3A = arith.constant 0 : i32
      %dma_wait3A_64 = tpu.memref_slice %arg8[%add3A_9, %dma_wait3A] : memref<10240x128xf32, #tpu.memory_space<vmem_shared>> -> memref<128x128xf32, #tpu.memory_space<vmem_shared>>
      %dma_wait3A_65 = arith.constant 0 : i32
      %dma_wait3A_66 = tpu.memref_slice %arg8[%add3A_9, %dma_wait3A_65] : memref<10240x128xf32, #tpu.memory_space<vmem_shared>> -> memref<128x128xf32, #tpu.memory_space<vmem_shared>>
      tpu.wait_dma2 semaphore(%run_scoped3A : memref<!tpu.dma_semaphore, #tpu.memory_space<semaphore_mem>>) src(%arg9 : memref<128x128xf32, #tpu.memory_space<vmem>>) dst(%dma_wait3A_66 : memref<128x128xf32, #tpu.memory_space<vmem_shared>>)
      tpu.yield
    }) : () -> ()
    %mul3A_10 = arith.constant 640 : i32
    %mul3A_11 = arith.muli %arg1, %mul3A_10 : i32
    %add3A_12 = arith.constant 384 : i32
    %add3A_13 = arith.addi %mul3A_11, %add3A_12 : i32
    "tpu.region"() ({
      %run_scoped3A = tpu.sem_alloc : memref<!tpu.dma_semaphore, #tpu.memory_space<semaphore_mem>>
      %dma_start3A = arith.constant 0 : i32
      %dma_start3A_61 = tpu.memref_slice %arg8[%add3A_13, %dma_start3A] : memref<10240x128xf32, #tpu.memory_space<vmem_shared>> -> memref<128x128xf32, #tpu.memory_space<vmem_shared>>
      %dma_start3A_62 = arith.constant 0 : i32
      %dma_start3A_63 = tpu.memref_slice %arg8[%add3A_13, %dma_start3A_62] : memref<10240x128xf32, #tpu.memory_space<vmem_shared>> -> memref<128x128xf32, #tpu.memory_space<vmem_shared>>
      tpu.enqueue_dma source(%arg9 : memref<128x128xf32, #tpu.memory_space<vmem>>) target(%dma_start3A_63 : memref<128x128xf32, #tpu.memory_space<vmem_shared>>) target_semaphore(%run_scoped3A : memref<!tpu.dma_semaphore, #tpu.memory_space<semaphore_mem>>)
      %dma_wait3A = arith.constant 0 : i32
      %dma_wait3A_64 = tpu.memref_slice %arg8[%add3A_13, %dma_wait3A] : memref<10240x128xf32, #tpu.memory_space<vmem_shared>> -> memref<128x128xf32, #tpu.memory_space<vmem_shared>>
      %dma_wait3A_65 = arith.constant 0 : i32
      %dma_wait3A_66 = tpu.memref_slice %arg8[%add3A_13, %dma_wait3A_65] : memref<10240x128xf32, #tpu.memory_space<vmem_shared>> -> memref<128x128xf32, #tpu.memory_space<vmem_shared>>
      tpu.wait_dma2 semaphore(%run_scoped3A : memref<!tpu.dma_semaphore, #tpu.memory_space<semaphore_mem>>) src(%arg9 : memref<128x128xf32, #tpu.memory_space<vmem>>) dst(%dma_wait3A_66 : memref<128x128xf32, #tpu.memory_space<vmem_shared>>)
      tpu.yield
    }) : () -> ()
    %mul3A_14 = arith.constant 640 : i32
    %mul3A_15 = arith.muli %arg1, %mul3A_14 : i32
    %add3A_16 = arith.constant 512 : i32
    %add3A_17 = arith.addi %mul3A_15, %add3A_16 : i32
    "tpu.region"() ({
      %run_scoped3A = tpu.sem_alloc : memref<!tpu.dma_semaphore, #tpu.memory_space<semaphore_mem>>
      %dma_start3A = arith.constant 0 : i32
      %dma_start3A_61 = tpu.memref_slice %arg8[%add3A_17, %dma_start3A] : memref<10240x128xf32, #tpu.memory_space<vmem_shared>> -> memref<128x128xf32, #tpu.memory_space<vmem_shared>>
      %dma_start3A_62 = arith.constant 0 : i32
      %dma_start3A_63 = tpu.memref_slice %arg8[%add3A_17, %dma_start3A_62] : memref<10240x128xf32, #tpu.memory_space<vmem_shared>> -> memref<128x128xf32, #tpu.memory_space<vmem_shared>>
      tpu.enqueue_dma source(%arg9 : memref<128x128xf32, #tpu.memory_space<vmem>>) target(%dma_start3A_63 : memref<128x128xf32, #tpu.memory_space<vmem_shared>>) target_semaphore(%run_scoped3A : memref<!tpu.dma_semaphore, #tpu.memory_space<semaphore_mem>>)
      %dma_wait3A = arith.constant 0 : i32
      %dma_wait3A_64 = tpu.memref_slice %arg8[%add3A_17, %dma_wait3A] : memref<10240x128xf32, #tpu.memory_space<vmem_shared>> -> memref<128x128xf32, #tpu.memory_space<vmem_shared>>
      %dma_wait3A_65 = arith.constant 0 : i32
      %dma_wait3A_66 = tpu.memref_slice %arg8[%add3A_17, %dma_wait3A_65] : memref<10240x128xf32, #tpu.memory_space<vmem_shared>> -> memref<128x128xf32, #tpu.memory_space<vmem_shared>>
      tpu.wait_dma2 semaphore(%run_scoped3A : memref<!tpu.dma_semaphore, #tpu.memory_space<semaphore_mem>>) src(%arg9 : memref<128x128xf32, #tpu.memory_space<vmem>>) dst(%dma_wait3A_66 : memref<128x128xf32, #tpu.memory_space<vmem_shared>>)
      tpu.yield
    }) : () -> ()
    %barrier3A = arith.constant 0 : index
    tpu.barrier barrier_id(%barrier3A)
    %eq3A = arith.constant 0 : i32
    %eq3A_18 = arith.cmpi eq, %arg0, %eq3A : i32
    %convert_element_type3A = arith.extui %eq3A_18 : i1 to i32
    %cond3A = arith.constant 0 : i32
    %cond3A_19 = arith.cmpi ne, %convert_element_type3A, %cond3A : i32
    scf.if %cond3A_19 {
      %mul3A_61 = arith.constant 80 : i32
      %mul3A_62 = arith.muli %arg1, %mul3A_61 : i32
      %add3A_63 = arith.constant 0 : i32
      %add3A_64 = arith.addi %mul3A_62, %add3A_63 : i32
      %dma_start3A = arith.constant 0 : i32
      %dma_start3A_65 = arith.constant 0 : i32
      %dma_start3A_66 = tpu.memref_slice %arg11[%dma_start3A, %dma_start3A_65] : memref<16x128xi32, #tpu.memory_space<vmem>> -> memref<8x128xi32, #tpu.memory_space<vmem>>
      %dma_start3A_67 = arith.constant 0 : i32
      %dma_start3A_68 = tpu.memref_slice %arg2[%add3A_64, %dma_start3A_67] : memref<1280x128xi32, #tpu.memory_space<hbm>> -> memref<8x128xi32, #tpu.memory_space<hbm>>
      %dma_start3A_69 = arith.constant 0 : i32
      %dma_start3A_70 = arith.constant 0 : i32
      %dma_start3A_71 = tpu.memref_slice %arg11[%dma_start3A_69, %dma_start3A_70] : memref<16x128xi32, #tpu.memory_space<vmem>> -> memref<8x128xi32, #tpu.memory_space<vmem>>
      %dma_start3A_72 = arith.constant 0 : i32
      %dma_start3A_73 = tpu.memref_slice %arg2[%add3A_64, %dma_start3A_72] : memref<1280x128xi32, #tpu.memory_space<hbm>> -> memref<8x128xi32, #tpu.memory_space<hbm>>
      tpu.enqueue_dma source(%dma_start3A_73 : memref<8x128xi32, #tpu.memory_space<hbm>>) target(%dma_start3A_71 : memref<8x128xi32, #tpu.memory_space<vmem>>) target_semaphore(%arg16 : memref<!tpu.dma_semaphore, #tpu.memory_space<semaphore_mem>>)
      %dma_start3A_74 = arith.constant 0 : i32
      %dma_start3A_75 = arith.constant 0 : i32
      %dma_start3A_76 = arith.constant 0 : i32
      %dma_start3A_77 = tpu.memref_slice %arg12[%dma_start3A_74, %dma_start3A_75, %dma_start3A_76] : memref<16x1x128xi32, #tpu.memory_space<vmem>> -> memref<8x1x128xi32, #tpu.memory_space<vmem>>
      %dma_start3A_78 = arith.constant 0 : i32
      %dma_start3A_79 = arith.constant 0 : i32
      %dma_start3A_80 = tpu.memref_slice %arg3[%add3A_64, %dma_start3A_78, %dma_start3A_79] : memref<1280x1x128xi32, #tpu.memory_space<hbm>> -> memref<8x1x128xi32, #tpu.memory_space<hbm>>
      %dma_start3A_81 = arith.constant 0 : i32
      %dma_start3A_82 = arith.constant 0 : i32
      %dma_start3A_83 = arith.constant 0 : i32
      %dma_start3A_84 = tpu.memref_slice %arg12[%dma_start3A_81, %dma_start3A_82, %dma_start3A_83] : memref<16x1x128xi32, #tpu.memory_space<vmem>> -> memref<8x1x128xi32, #tpu.memory_space<vmem>>
      %dma_start3A_85 = arith.constant 0 : i32
      %dma_start3A_86 = arith.constant 0 : i32
      %dma_start3A_87 = tpu.memref_slice %arg3[%add3A_64, %dma_start3A_85, %dma_start3A_86] : memref<1280x1x128xi32, #tpu.memory_space<hbm>> -> memref<8x1x128xi32, #tpu.memory_space<hbm>>
      tpu.enqueue_dma source(%dma_start3A_87 : memref<8x1x128xi32, #tpu.memory_space<hbm>>) target(%dma_start3A_84 : memref<8x1x128xi32, #tpu.memory_space<vmem>>) target_semaphore(%arg17 : memref<!tpu.dma_semaphore, #tpu.memory_space<semaphore_mem>>)
      %scan3A = arith.constant 0 : i32
      %scan3A_88 = arith.constant 0 : i32
      %scan3A_89 = arith.constant 10 : i32
      %scan3A_90 = arith.addi %scan3A_88, %scan3A_89 : i32
      %scan3A_91 = arith.constant 1 : i32
      %scan3A_92 = scf.for %scan3A_94 = %scan3A_88 to %scan3A_90 step %scan3A_91 iter_args(%scan3A_95 = %scan3A) -> (i32)  : i32 {
        %jit3A = arith.constant 2 : i32
        %eq3A_96 = arith.constant 0 : i32
        %eq3A_97 = arith.cmpi eq, %jit3A, %eq3A_96 : i32
        %jit3A_98 = arith.constant 1 : i32
        %select_n3A = arith.select %eq3A_97, %jit3A_98, %jit3A : i32
        %rem3A = arith.remsi %scan3A_94, %select_n3A : i32
        %ne3A = arith.constant 0 : i32
        %ne3A_99 = arith.cmpi ne, %rem3A, %ne3A : i32
        %lt3A = arith.constant 0 : i32
        %lt3A_100 = arith.cmpi slt, %rem3A, %lt3A : i32
        %lt3A_101 = arith.constant 0 : i32
        %lt3A_102 = arith.cmpi slt, %select_n3A, %lt3A_101 : i32
        %ne3A_103 = arith.xori %lt3A_100, %lt3A_102 : i1
        %and3A = arith.andi %ne3A_103, %ne3A_99 : i1
        %add3A_104 = arith.addi %rem3A, %select_n3A : i32
        %select_n3A_105 = arith.select %and3A, %add3A_104, %rem3A : i32
        %mul3A_106 = arith.constant 8 : i32
        %mul3A_107 = arith.muli %select_n3A_105, %mul3A_106 : i32
        %jit3A_108 = arith.constant 2 : i32
        %eq3A_109 = arith.constant 0 : i32
        %eq3A_110 = arith.cmpi eq, %jit3A_108, %eq3A_109 : i32
        %jit3A_111 = arith.constant 1 : i32
        %select_n3A_112 = arith.select %eq3A_110, %jit3A_111, %jit3A_108 : i32
        %rem3A_113 = arith.remsi %scan3A_94, %select_n3A_112 : i32
        %ne3A_114 = arith.constant 0 : i32
        %ne3A_115 = arith.cmpi ne, %rem3A_113, %ne3A_114 : i32
        %lt3A_116 = arith.constant 0 : i32
        %lt3A_117 = arith.cmpi slt, %rem3A_113, %lt3A_116 : i32
        %lt3A_118 = arith.constant 0 : i32
        %lt3A_119 = arith.cmpi slt, %select_n3A_112, %lt3A_118 : i32
        %ne3A_120 = arith.xori %lt3A_117, %lt3A_119 : i1
        %and3A_121 = arith.andi %ne3A_120, %ne3A_115 : i1
        %add3A_122 = arith.addi %rem3A_113, %select_n3A_112 : i32
        %select_n3A_123 = arith.select %and3A_121, %add3A_122, %rem3A_113 : i32
        %mul3A_124 = arith.constant 80 : i32
        %mul3A_125 = arith.muli %arg1, %mul3A_124 : i32
        %mul3A_126 = arith.constant 8 : i32
        %mul3A_127 = arith.muli %scan3A_94, %mul3A_126 : i32
        %add3A_128 = arith.addi %mul3A_125, %mul3A_127 : i32
        %mul3A_129 = arith.constant 8 : i32
        %mul3A_130 = arith.muli %select_n3A_123, %mul3A_129 : i32
        %mul3A_131 = arith.constant 8 : i32
        %mul3A_132 = arith.muli %select_n3A_123, %mul3A_131 : i32
        %dma_wait3A = arith.constant 0 : i32
        %dma_wait3A_133 = tpu.memref_slice %arg11[%mul3A_130, %dma_wait3A] : memref<16x128xi32, #tpu.memory_space<vmem>> -> memref<8x128xi32, #tpu.memory_space<vmem>>
        %dma_wait3A_134 = arith.constant 0 : i32
        %dma_wait3A_135 = tpu.memref_slice %arg2[%add3A_128, %dma_wait3A_134] : memref<1280x128xi32, #tpu.memory_space<hbm>> -> memref<8x128xi32, #tpu.memory_space<hbm>>
        %dma_wait3A_136 = arith.constant 0 : i32
        %dma_wait3A_137 = tpu.memref_slice %arg11[%mul3A_130, %dma_wait3A_136] : memref<16x128xi32, #tpu.memory_space<vmem>> -> memref<8x128xi32, #tpu.memory_space<vmem>>
        %dma_wait3A_138 = arith.constant 0 : i32
        %dma_wait3A_139 = tpu.memref_slice %arg2[%add3A_128, %dma_wait3A_138] : memref<1280x128xi32, #tpu.memory_space<hbm>> -> memref<8x128xi32, #tpu.memory_space<hbm>>
        tpu.wait_dma2 semaphore(%arg16 : memref<!tpu.dma_semaphore, #tpu.memory_space<semaphore_mem>>) src(%dma_wait3A_139 : memref<8x128xi32, #tpu.memory_space<hbm>>) dst(%dma_wait3A_137 : memref<8x128xi32, #tpu.memory_space<vmem>>)
        %dma_wait3A_140 = arith.constant 0 : i32
        %dma_wait3A_141 = arith.constant 0 : i32
        %dma_wait3A_142 = tpu.memref_slice %arg12[%mul3A_132, %dma_wait3A_140, %dma_wait3A_141] : memref<16x1x128xi32, #tpu.memory_space<vmem>> -> memref<8x1x128xi32, #tpu.memory_space<vmem>>
        %dma_wait3A_143 = arith.constant 0 : i32
        %dma_wait3A_144 = arith.constant 0 : i32
        %dma_wait3A_145 = tpu.memref_slice %arg3[%add3A_128, %dma_wait3A_143, %dma_wait3A_144] : memref<1280x1x128xi32, #tpu.memory_space<hbm>> -> memref<8x1x128xi32, #tpu.memory_space<hbm>>
        %dma_wait3A_146 = arith.constant 0 : i32
        %dma_wait3A_147 = arith.constant 0 : i32
        %dma_wait3A_148 = tpu.memref_slice %arg12[%mul3A_132, %dma_wait3A_146, %dma_wait3A_147] : memref<16x1x128xi32, #tpu.memory_space<vmem>> -> memref<8x1x128xi32, #tpu.memory_space<vmem>>
        %dma_wait3A_149 = arith.constant 0 : i32
        %dma_wait3A_150 = arith.constant 0 : i32
        %dma_wait3A_151 = tpu.memref_slice %arg3[%add3A_128, %dma_wait3A_149, %dma_wait3A_150] : memref<1280x1x128xi32, #tpu.memory_space<hbm>> -> memref<8x1x128xi32, #tpu.memory_space<hbm>>
        tpu.wait_dma2 semaphore(%arg17 : memref<!tpu.dma_semaphore, #tpu.memory_space<semaphore_mem>>) src(%dma_wait3A_151 : memref<8x1x128xi32, #tpu.memory_space<hbm>>) dst(%dma_wait3A_148 : memref<8x1x128xi32, #tpu.memory_space<vmem>>)
        %add3A_152 = arith.constant 1 : i32
        %add3A_153 = arith.addi %scan3A_94, %add3A_152 : i32
        %lt3A_154 = arith.constant 10 : i32
        %lt3A_155 = arith.cmpi slt, %add3A_153, %lt3A_154 : i32
        %convert_element_type3A_156 = arith.extui %lt3A_155 : i1 to i32
        %cond3A_157 = arith.constant 0 : i32
        %cond3A_158 = arith.cmpi ne, %convert_element_type3A_156, %cond3A_157 : i32
        scf.if %cond3A_158 {
          %add3A_412 = arith.constant 1 : i32
          %add3A_413 = arith.addi %scan3A_94, %add3A_412 : i32
          %add3A_414 = arith.constant 1 : i32
          %add3A_415 = arith.addi %scan3A_94, %add3A_414 : i32
          %jit3A_416 = arith.constant 2 : i32
          %eq3A_417 = arith.constant 0 : i32
          %eq3A_418 = arith.cmpi eq, %jit3A_416, %eq3A_417 : i32
          %jit3A_419 = arith.constant 1 : i32
          %select_n3A_420 = arith.select %eq3A_418, %jit3A_419, %jit3A_416 : i32
          %rem3A_421 = arith.remsi %add3A_415, %select_n3A_420 : i32
          %ne3A_422 = arith.constant 0 : i32
          %ne3A_423 = arith.cmpi ne, %rem3A_421, %ne3A_422 : i32
          %lt3A_424 = arith.constant 0 : i32
          %lt3A_425 = arith.cmpi slt, %rem3A_421, %lt3A_424 : i32
          %lt3A_426 = arith.constant 0 : i32
          %lt3A_427 = arith.cmpi slt, %select_n3A_420, %lt3A_426 : i32
          %ne3A_428 = arith.xori %lt3A_425, %lt3A_427 : i1
          %and3A_429 = arith.andi %ne3A_428, %ne3A_423 : i1
          %add3A_430 = arith.addi %rem3A_421, %select_n3A_420 : i32
          %select_n3A_431 = arith.select %and3A_429, %add3A_430, %rem3A_421 : i32
          %mul3A_432 = arith.constant 80 : i32
          %mul3A_433 = arith.muli %arg1, %mul3A_432 : i32
          %mul3A_434 = arith.constant 8 : i32
          %mul3A_435 = arith.muli %add3A_413, %mul3A_434 : i32
          %add3A_436 = arith.addi %mul3A_433, %mul3A_435 : i32
          %mul3A_437 = arith.constant 8 : i32
          %mul3A_438 = arith.muli %select_n3A_431, %mul3A_437 : i32
          %mul3A_439 = arith.constant 8 : i32
          %mul3A_440 = arith.muli %select_n3A_431, %mul3A_439 : i32
          %dma_start3A_441 = arith.constant 0 : i32
          %dma_start3A_442 = tpu.memref_slice %arg11[%mul3A_438, %dma_start3A_441] : memref<16x128xi32, #tpu.memory_space<vmem>> -> memref<8x128xi32, #tpu.memory_space<vmem>>
          %dma_start3A_443 = arith.constant 0 : i32
          %dma_start3A_444 = tpu.memref_slice %arg2[%add3A_436, %dma_start3A_443] : memref<1280x128xi32, #tpu.memory_space<hbm>> -> memref<8x128xi32, #tpu.memory_space<hbm>>
          %dma_start3A_445 = arith.constant 0 : i32
          %dma_start3A_446 = tpu.memref_slice %arg11[%mul3A_438, %dma_start3A_445] : memref<16x128xi32, #tpu.memory_space<vmem>> -> memref<8x128xi32, #tpu.memory_space<vmem>>
          %dma_start3A_447 = arith.constant 0 : i32
          %dma_start3A_448 = tpu.memref_slice %arg2[%add3A_436, %dma_start3A_447] : memref<1280x128xi32, #tpu.memory_space<hbm>> -> memref<8x128xi32, #tpu.memory_space<hbm>>
          tpu.enqueue_dma source(%dma_start3A_448 : memref<8x128xi32, #tpu.memory_space<hbm>>) target(%dma_start3A_446 : memref<8x128xi32, #tpu.memory_space<vmem>>) target_semaphore(%arg16 : memref<!tpu.dma_semaphore, #tpu.memory_space<semaphore_mem>>)
          %dma_start3A_449 = arith.constant 0 : i32
          %dma_start3A_450 = arith.constant 0 : i32
          %dma_start3A_451 = tpu.memref_slice %arg12[%mul3A_440, %dma_start3A_449, %dma_start3A_450] : memref<16x1x128xi32, #tpu.memory_space<vmem>> -> memref<8x1x128xi32, #tpu.memory_space<vmem>>
          %dma_start3A_452 = arith.constant 0 : i32
          %dma_start3A_453 = arith.constant 0 : i32
          %dma_start3A_454 = tpu.memref_slice %arg3[%add3A_436, %dma_start3A_452, %dma_start3A_453] : memref<1280x1x128xi32, #tpu.memory_space<hbm>> -> memref<8x1x128xi32, #tpu.memory_space<hbm>>
          %dma_start3A_455 = arith.constant 0 : i32
          %dma_start3A_456 = arith.constant 0 : i32
          %dma_start3A_457 = tpu.memref_slice %arg12[%mul3A_440, %dma_start3A_455, %dma_start3A_456] : memref<16x1x128xi32, #tpu.memory_space<vmem>> -> memref<8x1x128xi32, #tpu.memory_space<vmem>>
          %dma_start3A_458 = arith.constant 0 : i32
          %dma_start3A_459 = arith.constant 0 : i32
          %dma_start3A_460 = tpu.memref_slice %arg3[%add3A_436, %dma_start3A_458, %dma_start3A_459] : memref<1280x1x128xi32, #tpu.memory_space<hbm>> -> memref<8x1x128xi32, #tpu.memory_space<hbm>>
          tpu.enqueue_dma source(%dma_start3A_460 : memref<8x1x128xi32, #tpu.memory_space<hbm>>) target(%dma_start3A_457 : memref<8x1x128xi32, #tpu.memory_space<vmem>>) target_semaphore(%arg17 : memref<!tpu.dma_semaphore, #tpu.memory_space<semaphore_mem>>)
        } else {
        }
        %dma_start3A_159 = arith.constant 0 : i32
        %dma_start3A_160 = tpu.memref_slice %arg11[%mul3A_107, %dma_start3A_159] : memref<16x128xi32, #tpu.memory_space<vmem>> -> memref<1x128xi32, #tpu.memory_space<vmem>>
        %dma_start3A_161 = tpu.memref_squeeze %dma_start3A_160 : memref<1x128xi32, #tpu.memory_space<vmem>> -> memref<128xi32, #tpu.memory_space<vmem>>
        %dma_start3A_162 = arith.constant 0 : i32
        %dma_start3A_163 = arith.constant 0 : i32
        %dma_start3A_164 = tpu.memref_slice %arg4[%dma_start3A_162, %dma_start3A_163] : memref<10000x128xf32, #tpu.memory_space<hbm>> -> memref<10000x128xf32, #tpu.memory_space<hbm>>
        tpu.enqueue_indirect_dma source(%dma_start3A_164 : memref<10000x128xf32, #tpu.memory_space<hbm>>) target(%arg9 : memref<128x128xf32, #tpu.memory_space<vmem>>) offsets(%dma_start3A_161 : memref<128xi32, #tpu.memory_space<vmem>>) semaphore(%arg13 : memref<!tpu.dma_semaphore, #tpu.memory_space<semaphore_mem>>)
        %dma_wait3A_165 = arith.constant 0 : i32
        %dma_wait3A_166 = tpu.memref_slice %arg11[%mul3A_107, %dma_wait3A_165] : memref<16x128xi32, #tpu.memory_space<vmem>> -> memref<1x128xi32, #tpu.memory_space<vmem>>
        %dma_wait3A_167 = tpu.memref_squeeze %dma_wait3A_166 : memref<1x128xi32, #tpu.memory_space<vmem>> -> memref<128xi32, #tpu.memory_space<vmem>>
        %dma_wait3A_168 = arith.constant 0 : i32
        %dma_wait3A_169 = arith.constant 0 : i32
        %dma_wait3A_170 = tpu.memref_slice %arg4[%dma_wait3A_168, %dma_wait3A_169] : memref<10000x128xf32, #tpu.memory_space<hbm>> -> memref<10000x128xf32, #tpu.memory_space<hbm>>
        tpu.wait_indirect_dma semaphore(%arg13 : memref<!tpu.dma_semaphore, #tpu.memory_space<semaphore_mem>>) src(%dma_wait3A_170 : memref<10000x128xf32, #tpu.memory_space<hbm>>) dst(%arg9 : memref<128x128xf32, #tpu.memory_space<vmem>>)
        %add3A_171 = arith.constant 0 : i32
        %add3A_172 = arith.addi %mul3A_107, %add3A_171 : i32
        %dma_start3A_173 = arith.constant 0 : i32
        %dma_start3A_174 = arith.constant 0 : i32
        %dma_start3A_175 = tpu.memref_slice %arg12[%add3A_172, %dma_start3A_173, %dma_start3A_174] : memref<16x1x128xi32, #tpu.memory_space<vmem>> -> memref<1x1x128xi32, #tpu.memory_space<vmem>>
        %dma_start3A_176 = tpu.memref_squeeze %dma_start3A_175 : memref<1x1x128xi32, #tpu.memory_space<vmem>> -> memref<128xi32, #tpu.memory_space<vmem>>
        %dma_start3A_177 = arith.constant 0 : i32
        %dma_start3A_178 = arith.constant 0 : i32
        %dma_start3A_179 = tpu.memref_slice %arg8[%dma_start3A_177, %dma_start3A_178] : memref<10240x128xf32, #tpu.memory_space<vmem_shared>> -> memref<10240x128xf32, #tpu.memory_space<vmem_shared>>
        tpu.enqueue_indirect_dma source(%arg9 : memref<128x128xf32, #tpu.memory_space<vmem>>) target(%dma_start3A_179 : memref<10240x128xf32, #tpu.memory_space<vmem_shared>>) offsets(%dma_start3A_176 : memref<128xi32, #tpu.memory_space<vmem>>) semaphore(%arg14 : memref<!tpu.dma_semaphore, #tpu.memory_space<semaphore_mem>>) {add = true}
        %add3A_180 = arith.constant 0 : i32
        %add3A_181 = arith.addi %mul3A_107, %add3A_180 : i32
        %add3A_182 = arith.constant 1 : i32
        %add3A_183 = arith.addi %add3A_181, %add3A_182 : i32
        %dma_start3A_184 = arith.constant 0 : i32
        %dma_start3A_185 = tpu.memref_slice %arg11[%add3A_183, %dma_start3A_184] : memref<16x128xi32, #tpu.memory_space<vmem>> -> memref<1x128xi32, #tpu.memory_space<vmem>>
        %dma_start3A_186 = tpu.memref_squeeze %dma_start3A_185 : memref<1x128xi32, #tpu.memory_space<vmem>> -> memref<128xi32, #tpu.memory_space<vmem>>
        %dma_start3A_187 = arith.constant 0 : i32
        %dma_start3A_188 = arith.constant 0 : i32
        %dma_start3A_189 = tpu.memref_slice %arg4[%dma_start3A_187, %dma_start3A_188] : memref<10000x128xf32, #tpu.memory_space<hbm>> -> memref<10000x128xf32, #tpu.memory_space<hbm>>
        tpu.enqueue_indirect_dma source(%dma_start3A_189 : memref<10000x128xf32, #tpu.memory_space<hbm>>) target(%arg10 : memref<128x128xf32, #tpu.memory_space<vmem>>) offsets(%dma_start3A_186 : memref<128xi32, #tpu.memory_space<vmem>>) semaphore(%arg13 : memref<!tpu.dma_semaphore, #tpu.memory_space<semaphore_mem>>)
        %dma_wait3A_190 = arith.constant 0 : i32
        %dma_wait3A_191 = tpu.memref_slice %arg11[%add3A_183, %dma_wait3A_190] : memref<16x128xi32, #tpu.memory_space<vmem>> -> memref<1x128xi32, #tpu.memory_space<vmem>>
        %dma_wait3A_192 = tpu.memref_squeeze %dma_wait3A_191 : memref<1x128xi32, #tpu.memory_space<vmem>> -> memref<128xi32, #tpu.memory_space<vmem>>
        %dma_wait3A_193 = arith.constant 0 : i32
        %dma_wait3A_194 = arith.constant 0 : i32
        %dma_wait3A_195 = tpu.memref_slice %arg4[%dma_wait3A_193, %dma_wait3A_194] : memref<10000x128xf32, #tpu.memory_space<hbm>> -> memref<10000x128xf32, #tpu.memory_space<hbm>>
        tpu.wait_indirect_dma semaphore(%arg13 : memref<!tpu.dma_semaphore, #tpu.memory_space<semaphore_mem>>) src(%dma_wait3A_195 : memref<10000x128xf32, #tpu.memory_space<hbm>>) dst(%arg10 : memref<128x128xf32, #tpu.memory_space<vmem>>)
        %add3A_196 = arith.constant 1 : i32
        %add3A_197 = arith.addi %mul3A_107, %add3A_196 : i32
        %dma_start3A_198 = arith.constant 0 : i32
        %dma_start3A_199 = arith.constant 0 : i32
        %dma_start3A_200 = tpu.memref_slice %arg12[%add3A_197, %dma_start3A_198, %dma_start3A_199] : memref<16x1x128xi32, #tpu.memory_space<vmem>> -> memref<1x1x128xi32, #tpu.memory_space<vmem>>
        %dma_start3A_201 = tpu.memref_squeeze %dma_start3A_200 : memref<1x1x128xi32, #tpu.memory_space<vmem>> -> memref<128xi32, #tpu.memory_space<vmem>>
        %dma_start3A_202 = arith.constant 0 : i32
        %dma_start3A_203 = arith.constant 0 : i32
        %dma_start3A_204 = tpu.memref_slice %arg8[%dma_start3A_202, %dma_start3A_203] : memref<10240x128xf32, #tpu.memory_space<vmem_shared>> -> memref<10240x128xf32, #tpu.memory_space<vmem_shared>>
        tpu.enqueue_indirect_dma source(%arg10 : memref<128x128xf32, #tpu.memory_space<vmem>>) target(%dma_start3A_204 : memref<10240x128xf32, #tpu.memory_space<vmem_shared>>) offsets(%dma_start3A_201 : memref<128xi32, #tpu.memory_space<vmem>>) semaphore(%arg15 : memref<!tpu.dma_semaphore, #tpu.memory_space<semaphore_mem>>) {add = true}
        %dma_wait3A_205 = arith.constant 0 : i32
        %dma_wait3A_206 = arith.constant 0 : i32
        %dma_wait3A_207 = tpu.memref_slice %arg12[%add3A_172, %dma_wait3A_205, %dma_wait3A_206] : memref<16x1x128xi32, #tpu.memory_space<vmem>> -> memref<1x1x128xi32, #tpu.memory_space<vmem>>
        %dma_wait3A_208 = tpu.memref_squeeze %dma_wait3A_207 : memref<1x1x128xi32, #tpu.memory_space<vmem>> -> memref<128xi32, #tpu.memory_space<vmem>>
        %dma_wait3A_209 = arith.constant 0 : i32
        %dma_wait3A_210 = arith.constant 0 : i32
        %dma_wait3A_211 = tpu.memref_slice %arg8[%dma_wait3A_209, %dma_wait3A_210] : memref<10240x128xf32, #tpu.memory_space<vmem_shared>> -> memref<10240x128xf32, #tpu.memory_space<vmem_shared>>
        tpu.wait_indirect_dma semaphore(%arg14 : memref<!tpu.dma_semaphore, #tpu.memory_space<semaphore_mem>>) src(%arg9 : memref<128x128xf32, #tpu.memory_space<vmem>>) dst(%dma_wait3A_211 : memref<10240x128xf32, #tpu.memory_space<vmem_shared>>)
        %add3A_212 = arith.constant 1 : i32
        %add3A_213 = arith.addi %mul3A_107, %add3A_212 : i32
        %add3A_214 = arith.constant 1 : i32
        %add3A_215 = arith.addi %add3A_213, %add3A_214 : i32
        %dma_start3A_216 = arith.constant 0 : i32
        %dma_start3A_217 = tpu.memref_slice %arg11[%add3A_215, %dma_start3A_216] : memref<16x128xi32, #tpu.memory_space<vmem>> -> memref<1x128xi32, #tpu.memory_space<vmem>>
        %dma_start3A_218 = tpu.memref_squeeze %dma_start3A_217 : memref<1x128xi32, #tpu.memory_space<vmem>> -> memref<128xi32, #tpu.memory_space<vmem>>
        %dma_start3A_219 = arith.constant 0 : i32
        %dma_start3A_220 = arith.constant 0 : i32
        %dma_start3A_221 = tpu.memref_slice %arg4[%dma_start3A_219, %dma_start3A_220] : memref<10000x128xf32, #tpu.memory_space<hbm>> -> memref<10000x128xf32, #tpu.memory_space<hbm>>
        tpu.enqueue_indirect_dma source(%dma_start3A_221 : memref<10000x128xf32, #tpu.memory_space<hbm>>) target(%arg9 : memref<128x128xf32, #tpu.memory_space<vmem>>) offsets(%dma_start3A_218 : memref<128xi32, #tpu.memory_space<vmem>>) semaphore(%arg13 : memref<!tpu.dma_semaphore, #tpu.memory_space<semaphore_mem>>)
        %dma_wait3A_222 = arith.constant 0 : i32
        %dma_wait3A_223 = tpu.memref_slice %arg11[%add3A_215, %dma_wait3A_222] : memref<16x128xi32, #tpu.memory_space<vmem>> -> memref<1x128xi32, #tpu.memory_space<vmem>>
        %dma_wait3A_224 = tpu.memref_squeeze %dma_wait3A_223 : memref<1x128xi32, #tpu.memory_space<vmem>> -> memref<128xi32, #tpu.memory_space<vmem>>
        %dma_wait3A_225 = arith.constant 0 : i32
        %dma_wait3A_226 = arith.constant 0 : i32
        %dma_wait3A_227 = tpu.memref_slice %arg4[%dma_wait3A_225, %dma_wait3A_226] : memref<10000x128xf32, #tpu.memory_space<hbm>> -> memref<10000x128xf32, #tpu.memory_space<hbm>>
        tpu.wait_indirect_dma semaphore(%arg13 : memref<!tpu.dma_semaphore, #tpu.memory_space<semaphore_mem>>) src(%dma_wait3A_227 : memref<10000x128xf32, #tpu.memory_space<hbm>>) dst(%arg9 : memref<128x128xf32, #tpu.memory_space<vmem>>)
        %add3A_228 = arith.constant 2 : i32
        %add3A_229 = arith.addi %mul3A_107, %add3A_228 : i32
        %dma_start3A_230 = arith.constant 0 : i32
        %dma_start3A_231 = arith.constant 0 : i32
        %dma_start3A_232 = tpu.memref_slice %arg12[%add3A_229, %dma_start3A_230, %dma_start3A_231] : memref<16x1x128xi32, #tpu.memory_space<vmem>> -> memref<1x1x128xi32, #tpu.memory_space<vmem>>
        %dma_start3A_233 = tpu.memref_squeeze %dma_start3A_232 : memref<1x1x128xi32, #tpu.memory_space<vmem>> -> memref<128xi32, #tpu.memory_space<vmem>>
        %dma_start3A_234 = arith.constant 0 : i32
        %dma_start3A_235 = arith.constant 0 : i32
        %dma_start3A_236 = tpu.memref_slice %arg8[%dma_start3A_234, %dma_start3A_235] : memref<10240x128xf32, #tpu.memory_space<vmem_shared>> -> memref<10240x128xf32, #tpu.memory_space<vmem_shared>>
        tpu.enqueue_indirect_dma source(%arg9 : memref<128x128xf32, #tpu.memory_space<vmem>>) target(%dma_start3A_236 : memref<10240x128xf32, #tpu.memory_space<vmem_shared>>) offsets(%dma_start3A_233 : memref<128xi32, #tpu.memory_space<vmem>>) semaphore(%arg14 : memref<!tpu.dma_semaphore, #tpu.memory_space<semaphore_mem>>) {add = true}
        %dma_wait3A_237 = arith.constant 0 : i32
        %dma_wait3A_238 = arith.constant 0 : i32
        %dma_wait3A_239 = tpu.memref_slice %arg12[%add3A_197, %dma_wait3A_237, %dma_wait3A_238] : memref<16x1x128xi32, #tpu.memory_space<vmem>> -> memref<1x1x128xi32, #tpu.memory_space<vmem>>
        %dma_wait3A_240 = tpu.memref_squeeze %dma_wait3A_239 : memref<1x1x128xi32, #tpu.memory_space<vmem>> -> memref<128xi32, #tpu.memory_space<vmem>>
        %dma_wait3A_241 = arith.constant 0 : i32
        %dma_wait3A_242 = arith.constant 0 : i32
        %dma_wait3A_243 = tpu.memref_slice %arg8[%dma_wait3A_241, %dma_wait3A_242] : memref<10240x128xf32, #tpu.memory_space<vmem_shared>> -> memref<10240x128xf32, #tpu.memory_space<vmem_shared>>
        tpu.wait_indirect_dma semaphore(%arg15 : memref<!tpu.dma_semaphore, #tpu.memory_space<semaphore_mem>>) src(%arg10 : memref<128x128xf32, #tpu.memory_space<vmem>>) dst(%dma_wait3A_243 : memref<10240x128xf32, #tpu.memory_space<vmem_shared>>)
        %add3A_244 = arith.constant 2 : i32
        %add3A_245 = arith.addi %mul3A_107, %add3A_244 : i32
        %add3A_246 = arith.constant 1 : i32
        %add3A_247 = arith.addi %add3A_245, %add3A_246 : i32
        %dma_start3A_248 = arith.constant 0 : i32
        %dma_start3A_249 = tpu.memref_slice %arg11[%add3A_247, %dma_start3A_248] : memref<16x128xi32, #tpu.memory_space<vmem>> -> memref<1x128xi32, #tpu.memory_space<vmem>>
        %dma_start3A_250 = tpu.memref_squeeze %dma_start3A_249 : memref<1x128xi32, #tpu.memory_space<vmem>> -> memref<128xi32, #tpu.memory_space<vmem>>
        %dma_start3A_251 = arith.constant 0 : i32
        %dma_start3A_252 = arith.constant 0 : i32
        %dma_start3A_253 = tpu.memref_slice %arg4[%dma_start3A_251, %dma_start3A_252] : memref<10000x128xf32, #tpu.memory_space<hbm>> -> memref<10000x128xf32, #tpu.memory_space<hbm>>
        tpu.enqueue_indirect_dma source(%dma_start3A_253 : memref<10000x128xf32, #tpu.memory_space<hbm>>) target(%arg10 : memref<128x128xf32, #tpu.memory_space<vmem>>) offsets(%dma_start3A_250 : memref<128xi32, #tpu.memory_space<vmem>>) semaphore(%arg13 : memref<!tpu.dma_semaphore, #tpu.memory_space<semaphore_mem>>)
        %dma_wait3A_254 = arith.constant 0 : i32
        %dma_wait3A_255 = tpu.memref_slice %arg11[%add3A_247, %dma_wait3A_254] : memref<16x128xi32, #tpu.memory_space<vmem>> -> memref<1x128xi32, #tpu.memory_space<vmem>>
        %dma_wait3A_256 = tpu.memref_squeeze %dma_wait3A_255 : memref<1x128xi32, #tpu.memory_space<vmem>> -> memref<128xi32, #tpu.memory_space<vmem>>
        %dma_wait3A_257 = arith.constant 0 : i32
        %dma_wait3A_258 = arith.constant 0 : i32
        %dma_wait3A_259 = tpu.memref_slice %arg4[%dma_wait3A_257, %dma_wait3A_258] : memref<10000x128xf32, #tpu.memory_space<hbm>> -> memref<10000x128xf32, #tpu.memory_space<hbm>>
        tpu.wait_indirect_dma semaphore(%arg13 : memref<!tpu.dma_semaphore, #tpu.memory_space<semaphore_mem>>) src(%dma_wait3A_259 : memref<10000x128xf32, #tpu.memory_space<hbm>>) dst(%arg10 : memref<128x128xf32, #tpu.memory_space<vmem>>)
        %add3A_260 = arith.constant 3 : i32
        %add3A_261 = arith.addi %mul3A_107, %add3A_260 : i32
        %dma_start3A_262 = arith.constant 0 : i32
        %dma_start3A_263 = arith.constant 0 : i32
        %dma_start3A_264 = tpu.memref_slice %arg12[%add3A_261, %dma_start3A_262, %dma_start3A_263] : memref<16x1x128xi32, #tpu.memory_space<vmem>> -> memref<1x1x128xi32, #tpu.memory_space<vmem>>
        %dma_start3A_265 = tpu.memref_squeeze %dma_start3A_264 : memref<1x1x128xi32, #tpu.memory_space<vmem>> -> memref<128xi32, #tpu.memory_space<vmem>>
        %dma_start3A_266 = arith.constant 0 : i32
        %dma_start3A_267 = arith.constant 0 : i32
        %dma_start3A_268 = tpu.memref_slice %arg8[%dma_start3A_266, %dma_start3A_267] : memref<10240x128xf32, #tpu.memory_space<vmem_shared>> -> memref<10240x128xf32, #tpu.memory_space<vmem_shared>>
        tpu.enqueue_indirect_dma source(%arg10 : memref<128x128xf32, #tpu.memory_space<vmem>>) target(%dma_start3A_268 : memref<10240x128xf32, #tpu.memory_space<vmem_shared>>) offsets(%dma_start3A_265 : memref<128xi32, #tpu.memory_space<vmem>>) semaphore(%arg15 : memref<!tpu.dma_semaphore, #tpu.memory_space<semaphore_mem>>) {add = true}
        %dma_wait3A_269 = arith.constant 0 : i32
        %dma_wait3A_270 = arith.constant 0 : i32
        %dma_wait3A_271 = tpu.memref_slice %arg12[%add3A_229, %dma_wait3A_269, %dma_wait3A_270] : memref<16x1x128xi32, #tpu.memory_space<vmem>> -> memref<1x1x128xi32, #tpu.memory_space<vmem>>
        %dma_wait3A_272 = tpu.memref_squeeze %dma_wait3A_271 : memref<1x1x128xi32, #tpu.memory_space<vmem>> -> memref<128xi32, #tpu.memory_space<vmem>>
        %dma_wait3A_273 = arith.constant 0 : i32
        %dma_wait3A_274 = arith.constant 0 : i32
        %dma_wait3A_275 = tpu.memref_slice %arg8[%dma_wait3A_273, %dma_wait3A_274] : memref<10240x128xf32, #tpu.memory_space<vmem_shared>> -> memref<10240x128xf32, #tpu.memory_space<vmem_shared>>
        tpu.wait_indirect_dma semaphore(%arg14 : memref<!tpu.dma_semaphore, #tpu.memory_space<semaphore_mem>>) src(%arg9 : memref<128x128xf32, #tpu.memory_space<vmem>>) dst(%dma_wait3A_275 : memref<10240x128xf32, #tpu.memory_space<vmem_shared>>)
        %add3A_276 = arith.constant 3 : i32
        %add3A_277 = arith.addi %mul3A_107, %add3A_276 : i32
        %add3A_278 = arith.constant 1 : i32
        %add3A_279 = arith.addi %add3A_277, %add3A_278 : i32
        %dma_start3A_280 = arith.constant 0 : i32
        %dma_start3A_281 = tpu.memref_slice %arg11[%add3A_279, %dma_start3A_280] : memref<16x128xi32, #tpu.memory_space<vmem>> -> memref<1x128xi32, #tpu.memory_space<vmem>>
        %dma_start3A_282 = tpu.memref_squeeze %dma_start3A_281 : memref<1x128xi32, #tpu.memory_space<vmem>> -> memref<128xi32, #tpu.memory_space<vmem>>
        %dma_start3A_283 = arith.constant 0 : i32
        %dma_start3A_284 = arith.constant 0 : i32
        %dma_start3A_285 = tpu.memref_slice %arg4[%dma_start3A_283, %dma_start3A_284] : memref<10000x128xf32, #tpu.memory_space<hbm>> -> memref<10000x128xf32, #tpu.memory_space<hbm>>
        tpu.enqueue_indirect_dma source(%dma_start3A_285 : memref<10000x128xf32, #tpu.memory_space<hbm>>) target(%arg9 : memref<128x128xf32, #tpu.memory_space<vmem>>) offsets(%dma_start3A_282 : memref<128xi32, #tpu.memory_space<vmem>>) semaphore(%arg13 : memref<!tpu.dma_semaphore, #tpu.memory_space<semaphore_mem>>)
        %dma_wait3A_286 = arith.constant 0 : i32
        %dma_wait3A_287 = tpu.memref_slice %arg11[%add3A_279, %dma_wait3A_286] : memref<16x128xi32, #tpu.memory_space<vmem>> -> memref<1x128xi32, #tpu.memory_space<vmem>>
        %dma_wait3A_288 = tpu.memref_squeeze %dma_wait3A_287 : memref<1x128xi32, #tpu.memory_space<vmem>> -> memref<128xi32, #tpu.memory_space<vmem>>
        %dma_wait3A_289 = arith.constant 0 : i32
        %dma_wait3A_290 = arith.constant 0 : i32
        %dma_wait3A_291 = tpu.memref_slice %arg4[%dma_wait3A_289, %dma_wait3A_290] : memref<10000x128xf32, #tpu.memory_space<hbm>> -> memref<10000x128xf32, #tpu.memory_space<hbm>>
        tpu.wait_indirect_dma semaphore(%arg13 : memref<!tpu.dma_semaphore, #tpu.memory_space<semaphore_mem>>) src(%dma_wait3A_291 : memref<10000x128xf32, #tpu.memory_space<hbm>>) dst(%arg9 : memref<128x128xf32, #tpu.memory_space<vmem>>)
        %add3A_292 = arith.constant 4 : i32
        %add3A_293 = arith.addi %mul3A_107, %add3A_292 : i32
        %dma_start3A_294 = arith.constant 0 : i32
        %dma_start3A_295 = arith.constant 0 : i32
        %dma_start3A_296 = tpu.memref_slice %arg12[%add3A_293, %dma_start3A_294, %dma_start3A_295] : memref<16x1x128xi32, #tpu.memory_space<vmem>> -> memref<1x1x128xi32, #tpu.memory_space<vmem>>
        %dma_start3A_297 = tpu.memref_squeeze %dma_start3A_296 : memref<1x1x128xi32, #tpu.memory_space<vmem>> -> memref<128xi32, #tpu.memory_space<vmem>>
        %dma_start3A_298 = arith.constant 0 : i32
        %dma_start3A_299 = arith.constant 0 : i32
        %dma_start3A_300 = tpu.memref_slice %arg8[%dma_start3A_298, %dma_start3A_299] : memref<10240x128xf32, #tpu.memory_space<vmem_shared>> -> memref<10240x128xf32, #tpu.memory_space<vmem_shared>>
        tpu.enqueue_indirect_dma source(%arg9 : memref<128x128xf32, #tpu.memory_space<vmem>>) target(%dma_start3A_300 : memref<10240x128xf32, #tpu.memory_space<vmem_shared>>) offsets(%dma_start3A_297 : memref<128xi32, #tpu.memory_space<vmem>>) semaphore(%arg14 : memref<!tpu.dma_semaphore, #tpu.memory_space<semaphore_mem>>) {add = true}
        %dma_wait3A_301 = arith.constant 0 : i32
        %dma_wait3A_302 = arith.constant 0 : i32
        %dma_wait3A_303 = tpu.memref_slice %arg12[%add3A_261, %dma_wait3A_301, %dma_wait3A_302] : memref<16x1x128xi32, #tpu.memory_space<vmem>> -> memref<1x1x128xi32, #tpu.memory_space<vmem>>
        %dma_wait3A_304 = tpu.memref_squeeze %dma_wait3A_303 : memref<1x1x128xi32, #tpu.memory_space<vmem>> -> memref<128xi32, #tpu.memory_space<vmem>>
        %dma_wait3A_305 = arith.constant 0 : i32
        %dma_wait3A_306 = arith.constant 0 : i32
        %dma_wait3A_307 = tpu.memref_slice %arg8[%dma_wait3A_305, %dma_wait3A_306] : memref<10240x128xf32, #tpu.memory_space<vmem_shared>> -> memref<10240x128xf32, #tpu.memory_space<vmem_shared>>
        tpu.wait_indirect_dma semaphore(%arg15 : memref<!tpu.dma_semaphore, #tpu.memory_space<semaphore_mem>>) src(%arg10 : memref<128x128xf32, #tpu.memory_space<vmem>>) dst(%dma_wait3A_307 : memref<10240x128xf32, #tpu.memory_space<vmem_shared>>)
        %add3A_308 = arith.constant 4 : i32
        %add3A_309 = arith.addi %mul3A_107, %add3A_308 : i32
        %add3A_310 = arith.constant 1 : i32
        %add3A_311 = arith.addi %add3A_309, %add3A_310 : i32
        %dma_start3A_312 = arith.constant 0 : i32
        %dma_start3A_313 = tpu.memref_slice %arg11[%add3A_311, %dma_start3A_312] : memref<16x128xi32, #tpu.memory_space<vmem>> -> memref<1x128xi32, #tpu.memory_space<vmem>>
        %dma_start3A_314 = tpu.memref_squeeze %dma_start3A_313 : memref<1x128xi32, #tpu.memory_space<vmem>> -> memref<128xi32, #tpu.memory_space<vmem>>
        %dma_start3A_315 = arith.constant 0 : i32
        %dma_start3A_316 = arith.constant 0 : i32
        %dma_start3A_317 = tpu.memref_slice %arg4[%dma_start3A_315, %dma_start3A_316] : memref<10000x128xf32, #tpu.memory_space<hbm>> -> memref<10000x128xf32, #tpu.memory_space<hbm>>
        tpu.enqueue_indirect_dma source(%dma_start3A_317 : memref<10000x128xf32, #tpu.memory_space<hbm>>) target(%arg10 : memref<128x128xf32, #tpu.memory_space<vmem>>) offsets(%dma_start3A_314 : memref<128xi32, #tpu.memory_space<vmem>>) semaphore(%arg13 : memref<!tpu.dma_semaphore, #tpu.memory_space<semaphore_mem>>)
        %dma_wait3A_318 = arith.constant 0 : i32
        %dma_wait3A_319 = tpu.memref_slice %arg11[%add3A_311, %dma_wait3A_318] : memref<16x128xi32, #tpu.memory_space<vmem>> -> memref<1x128xi32, #tpu.memory_space<vmem>>
        %dma_wait3A_320 = tpu.memref_squeeze %dma_wait3A_319 : memref<1x128xi32, #tpu.memory_space<vmem>> -> memref<128xi32, #tpu.memory_space<vmem>>
        %dma_wait3A_321 = arith.constant 0 : i32
        %dma_wait3A_322 = arith.constant 0 : i32
        %dma_wait3A_323 = tpu.memref_slice %arg4[%dma_wait3A_321, %dma_wait3A_322] : memref<10000x128xf32, #tpu.memory_space<hbm>> -> memref<10000x128xf32, #tpu.memory_space<hbm>>
        tpu.wait_indirect_dma semaphore(%arg13 : memref<!tpu.dma_semaphore, #tpu.memory_space<semaphore_mem>>) src(%dma_wait3A_323 : memref<10000x128xf32, #tpu.memory_space<hbm>>) dst(%arg10 : memref<128x128xf32, #tpu.memory_space<vmem>>)
        %add3A_324 = arith.constant 5 : i32
        %add3A_325 = arith.addi %mul3A_107, %add3A_324 : i32
        %dma_start3A_326 = arith.constant 0 : i32
        %dma_start3A_327 = arith.constant 0 : i32
        %dma_start3A_328 = tpu.memref_slice %arg12[%add3A_325, %dma_start3A_326, %dma_start3A_327] : memref<16x1x128xi32, #tpu.memory_space<vmem>> -> memref<1x1x128xi32, #tpu.memory_space<vmem>>
        %dma_start3A_329 = tpu.memref_squeeze %dma_start3A_328 : memref<1x1x128xi32, #tpu.memory_space<vmem>> -> memref<128xi32, #tpu.memory_space<vmem>>
        %dma_start3A_330 = arith.constant 0 : i32
        %dma_start3A_331 = arith.constant 0 : i32
        %dma_start3A_332 = tpu.memref_slice %arg8[%dma_start3A_330, %dma_start3A_331] : memref<10240x128xf32, #tpu.memory_space<vmem_shared>> -> memref<10240x128xf32, #tpu.memory_space<vmem_shared>>
        tpu.enqueue_indirect_dma source(%arg10 : memref<128x128xf32, #tpu.memory_space<vmem>>) target(%dma_start3A_332 : memref<10240x128xf32, #tpu.memory_space<vmem_shared>>) offsets(%dma_start3A_329 : memref<128xi32, #tpu.memory_space<vmem>>) semaphore(%arg15 : memref<!tpu.dma_semaphore, #tpu.memory_space<semaphore_mem>>) {add = true}
        %dma_wait3A_333 = arith.constant 0 : i32
        %dma_wait3A_334 = arith.constant 0 : i32
        %dma_wait3A_335 = tpu.memref_slice %arg12[%add3A_293, %dma_wait3A_333, %dma_wait3A_334] : memref<16x1x128xi32, #tpu.memory_space<vmem>> -> memref<1x1x128xi32, #tpu.memory_space<vmem>>
        %dma_wait3A_336 = tpu.memref_squeeze %dma_wait3A_335 : memref<1x1x128xi32, #tpu.memory_space<vmem>> -> memref<128xi32, #tpu.memory_space<vmem>>
        %dma_wait3A_337 = arith.constant 0 : i32
        %dma_wait3A_338 = arith.constant 0 : i32
        %dma_wait3A_339 = tpu.memref_slice %arg8[%dma_wait3A_337, %dma_wait3A_338] : memref<10240x128xf32, #tpu.memory_space<vmem_shared>> -> memref<10240x128xf32, #tpu.memory_space<vmem_shared>>
        tpu.wait_indirect_dma semaphore(%arg14 : memref<!tpu.dma_semaphore, #tpu.memory_space<semaphore_mem>>) src(%arg9 : memref<128x128xf32, #tpu.memory_space<vmem>>) dst(%dma_wait3A_339 : memref<10240x128xf32, #tpu.memory_space<vmem_shared>>)
        %add3A_340 = arith.constant 5 : i32
        %add3A_341 = arith.addi %mul3A_107, %add3A_340 : i32
        %add3A_342 = arith.constant 1 : i32
        %add3A_343 = arith.addi %add3A_341, %add3A_342 : i32
        %dma_start3A_344 = arith.constant 0 : i32
        %dma_start3A_345 = tpu.memref_slice %arg11[%add3A_343, %dma_start3A_344] : memref<16x128xi32, #tpu.memory_space<vmem>> -> memref<1x128xi32, #tpu.memory_space<vmem>>
        %dma_start3A_346 = tpu.memref_squeeze %dma_start3A_345 : memref<1x128xi32, #tpu.memory_space<vmem>> -> memref<128xi32, #tpu.memory_space<vmem>>
        %dma_start3A_347 = arith.constant 0 : i32
        %dma_start3A_348 = arith.constant 0 : i32
        %dma_start3A_349 = tpu.memref_slice %arg4[%dma_start3A_347, %dma_start3A_348] : memref<10000x128xf32, #tpu.memory_space<hbm>> -> memref<10000x128xf32, #tpu.memory_space<hbm>>
        tpu.enqueue_indirect_dma source(%dma_start3A_349 : memref<10000x128xf32, #tpu.memory_space<hbm>>) target(%arg9 : memref<128x128xf32, #tpu.memory_space<vmem>>) offsets(%dma_start3A_346 : memref<128xi32, #tpu.memory_space<vmem>>) semaphore(%arg13 : memref<!tpu.dma_semaphore, #tpu.memory_space<semaphore_mem>>)
        %dma_wait3A_350 = arith.constant 0 : i32
        %dma_wait3A_351 = tpu.memref_slice %arg11[%add3A_343, %dma_wait3A_350] : memref<16x128xi32, #tpu.memory_space<vmem>> -> memref<1x128xi32, #tpu.memory_space<vmem>>
        %dma_wait3A_352 = tpu.memref_squeeze %dma_wait3A_351 : memref<1x128xi32, #tpu.memory_space<vmem>> -> memref<128xi32, #tpu.memory_space<vmem>>
        %dma_wait3A_353 = arith.constant 0 : i32
        %dma_wait3A_354 = arith.constant 0 : i32
        %dma_wait3A_355 = tpu.memref_slice %arg4[%dma_wait3A_353, %dma_wait3A_354] : memref<10000x128xf32, #tpu.memory_space<hbm>> -> memref<10000x128xf32, #tpu.memory_space<hbm>>
        tpu.wait_indirect_dma semaphore(%arg13 : memref<!tpu.dma_semaphore, #tpu.memory_space<semaphore_mem>>) src(%dma_wait3A_355 : memref<10000x128xf32, #tpu.memory_space<hbm>>) dst(%arg9 : memref<128x128xf32, #tpu.memory_space<vmem>>)
        %add3A_356 = arith.constant 6 : i32
        %add3A_357 = arith.addi %mul3A_107, %add3A_356 : i32
        %dma_start3A_358 = arith.constant 0 : i32
        %dma_start3A_359 = arith.constant 0 : i32
        %dma_start3A_360 = tpu.memref_slice %arg12[%add3A_357, %dma_start3A_358, %dma_start3A_359] : memref<16x1x128xi32, #tpu.memory_space<vmem>> -> memref<1x1x128xi32, #tpu.memory_space<vmem>>
        %dma_start3A_361 = tpu.memref_squeeze %dma_start3A_360 : memref<1x1x128xi32, #tpu.memory_space<vmem>> -> memref<128xi32, #tpu.memory_space<vmem>>
        %dma_start3A_362 = arith.constant 0 : i32
        %dma_start3A_363 = arith.constant 0 : i32
        %dma_start3A_364 = tpu.memref_slice %arg8[%dma_start3A_362, %dma_start3A_363] : memref<10240x128xf32, #tpu.memory_space<vmem_shared>> -> memref<10240x128xf32, #tpu.memory_space<vmem_shared>>
        tpu.enqueue_indirect_dma source(%arg9 : memref<128x128xf32, #tpu.memory_space<vmem>>) target(%dma_start3A_364 : memref<10240x128xf32, #tpu.memory_space<vmem_shared>>) offsets(%dma_start3A_361 : memref<128xi32, #tpu.memory_space<vmem>>) semaphore(%arg14 : memref<!tpu.dma_semaphore, #tpu.memory_space<semaphore_mem>>) {add = true}
        %dma_wait3A_365 = arith.constant 0 : i32
        %dma_wait3A_366 = arith.constant 0 : i32
        %dma_wait3A_367 = tpu.memref_slice %arg12[%add3A_325, %dma_wait3A_365, %dma_wait3A_366] : memref<16x1x128xi32, #tpu.memory_space<vmem>> -> memref<1x1x128xi32, #tpu.memory_space<vmem>>
        %dma_wait3A_368 = tpu.memref_squeeze %dma_wait3A_367 : memref<1x1x128xi32, #tpu.memory_space<vmem>> -> memref<128xi32, #tpu.memory_space<vmem>>
        %dma_wait3A_369 = arith.constant 0 : i32
        %dma_wait3A_370 = arith.constant 0 : i32
        %dma_wait3A_371 = tpu.memref_slice %arg8[%dma_wait3A_369, %dma_wait3A_370] : memref<10240x128xf32, #tpu.memory_space<vmem_shared>> -> memref<10240x128xf32, #tpu.memory_space<vmem_shared>>
        tpu.wait_indirect_dma semaphore(%arg15 : memref<!tpu.dma_semaphore, #tpu.memory_space<semaphore_mem>>) src(%arg10 : memref<128x128xf32, #tpu.memory_space<vmem>>) dst(%dma_wait3A_371 : memref<10240x128xf32, #tpu.memory_space<vmem_shared>>)
        %add3A_372 = arith.constant 6 : i32
        %add3A_373 = arith.addi %mul3A_107, %add3A_372 : i32
        %add3A_374 = arith.constant 1 : i32
        %add3A_375 = arith.addi %add3A_373, %add3A_374 : i32
        %dma_start3A_376 = arith.constant 0 : i32
        %dma_start3A_377 = tpu.memref_slice %arg11[%add3A_375, %dma_start3A_376] : memref<16x128xi32, #tpu.memory_space<vmem>> -> memref<1x128xi32, #tpu.memory_space<vmem>>
        %dma_start3A_378 = tpu.memref_squeeze %dma_start3A_377 : memref<1x128xi32, #tpu.memory_space<vmem>> -> memref<128xi32, #tpu.memory_space<vmem>>
        %dma_start3A_379 = arith.constant 0 : i32
        %dma_start3A_380 = arith.constant 0 : i32
        %dma_start3A_381 = tpu.memref_slice %arg4[%dma_start3A_379, %dma_start3A_380] : memref<10000x128xf32, #tpu.memory_space<hbm>> -> memref<10000x128xf32, #tpu.memory_space<hbm>>
        tpu.enqueue_indirect_dma source(%dma_start3A_381 : memref<10000x128xf32, #tpu.memory_space<hbm>>) target(%arg10 : memref<128x128xf32, #tpu.memory_space<vmem>>) offsets(%dma_start3A_378 : memref<128xi32, #tpu.memory_space<vmem>>) semaphore(%arg13 : memref<!tpu.dma_semaphore, #tpu.memory_space<semaphore_mem>>)
        %dma_wait3A_382 = arith.constant 0 : i32
        %dma_wait3A_383 = tpu.memref_slice %arg11[%add3A_375, %dma_wait3A_382] : memref<16x128xi32, #tpu.memory_space<vmem>> -> memref<1x128xi32, #tpu.memory_space<vmem>>
        %dma_wait3A_384 = tpu.memref_squeeze %dma_wait3A_383 : memref<1x128xi32, #tpu.memory_space<vmem>> -> memref<128xi32, #tpu.memory_space<vmem>>
        %dma_wait3A_385 = arith.constant 0 : i32
        %dma_wait3A_386 = arith.constant 0 : i32
        %dma_wait3A_387 = tpu.memref_slice %arg4[%dma_wait3A_385, %dma_wait3A_386] : memref<10000x128xf32, #tpu.memory_space<hbm>> -> memref<10000x128xf32, #tpu.memory_space<hbm>>
        tpu.wait_indirect_dma semaphore(%arg13 : memref<!tpu.dma_semaphore, #tpu.memory_space<semaphore_mem>>) src(%dma_wait3A_387 : memref<10000x128xf32, #tpu.memory_space<hbm>>) dst(%arg10 : memref<128x128xf32, #tpu.memory_space<vmem>>)
        %add3A_388 = arith.constant 7 : i32
        %add3A_389 = arith.addi %mul3A_107, %add3A_388 : i32
        %dma_start3A_390 = arith.constant 0 : i32
        %dma_start3A_391 = arith.constant 0 : i32
        %dma_start3A_392 = tpu.memref_slice %arg12[%add3A_389, %dma_start3A_390, %dma_start3A_391] : memref<16x1x128xi32, #tpu.memory_space<vmem>> -> memref<1x1x128xi32, #tpu.memory_space<vmem>>
        %dma_start3A_393 = tpu.memref_squeeze %dma_start3A_392 : memref<1x1x128xi32, #tpu.memory_space<vmem>> -> memref<128xi32, #tpu.memory_space<vmem>>
        %dma_start3A_394 = arith.constant 0 : i32
        %dma_start3A_395 = arith.constant 0 : i32
        %dma_start3A_396 = tpu.memref_slice %arg8[%dma_start3A_394, %dma_start3A_395] : memref<10240x128xf32, #tpu.memory_space<vmem_shared>> -> memref<10240x128xf32, #tpu.memory_space<vmem_shared>>
        tpu.enqueue_indirect_dma source(%arg10 : memref<128x128xf32, #tpu.memory_space<vmem>>) target(%dma_start3A_396 : memref<10240x128xf32, #tpu.memory_space<vmem_shared>>) offsets(%dma_start3A_393 : memref<128xi32, #tpu.memory_space<vmem>>) semaphore(%arg15 : memref<!tpu.dma_semaphore, #tpu.memory_space<semaphore_mem>>) {add = true}
        %dma_wait3A_397 = arith.constant 0 : i32
        %dma_wait3A_398 = arith.constant 0 : i32
        %dma_wait3A_399 = tpu.memref_slice %arg12[%add3A_357, %dma_wait3A_397, %dma_wait3A_398] : memref<16x1x128xi32, #tpu.memory_space<vmem>> -> memref<1x1x128xi32, #tpu.memory_space<vmem>>
        %dma_wait3A_400 = tpu.memref_squeeze %dma_wait3A_399 : memref<1x1x128xi32, #tpu.memory_space<vmem>> -> memref<128xi32, #tpu.memory_space<vmem>>
        %dma_wait3A_401 = arith.constant 0 : i32
        %dma_wait3A_402 = arith.constant 0 : i32
        %dma_wait3A_403 = tpu.memref_slice %arg8[%dma_wait3A_401, %dma_wait3A_402] : memref<10240x128xf32, #tpu.memory_space<vmem_shared>> -> memref<10240x128xf32, #tpu.memory_space<vmem_shared>>
        tpu.wait_indirect_dma semaphore(%arg14 : memref<!tpu.dma_semaphore, #tpu.memory_space<semaphore_mem>>) src(%arg9 : memref<128x128xf32, #tpu.memory_space<vmem>>) dst(%dma_wait3A_403 : memref<10240x128xf32, #tpu.memory_space<vmem_shared>>)
        %dma_wait3A_404 = arith.constant 0 : i32
        %dma_wait3A_405 = arith.constant 0 : i32
        %dma_wait3A_406 = tpu.memref_slice %arg12[%add3A_389, %dma_wait3A_404, %dma_wait3A_405] : memref<16x1x128xi32, #tpu.memory_space<vmem>> -> memref<1x1x128xi32, #tpu.memory_space<vmem>>
        %dma_wait3A_407 = tpu.memref_squeeze %dma_wait3A_406 : memref<1x1x128xi32, #tpu.memory_space<vmem>> -> memref<128xi32, #tpu.memory_space<vmem>>
        %dma_wait3A_408 = arith.constant 0 : i32
        %dma_wait3A_409 = arith.constant 0 : i32
        %dma_wait3A_410 = tpu.memref_slice %arg8[%dma_wait3A_408, %dma_wait3A_409] : memref<10240x128xf32, #tpu.memory_space<vmem_shared>> -> memref<10240x128xf32, #tpu.memory_space<vmem_shared>>
        tpu.wait_indirect_dma semaphore(%arg15 : memref<!tpu.dma_semaphore, #tpu.memory_space<semaphore_mem>>) src(%arg10 : memref<128x128xf32, #tpu.memory_space<vmem>>) dst(%dma_wait3A_410 : memref<10240x128xf32, #tpu.memory_space<vmem_shared>>)
        %scan3A_411 = arith.constant 0 : i32
        scf.yield %scan3A_411 : i32
      }
      %scan3A_93 = arith.constant 10 : i32
    } else {
    }
    %eq3A_20 = arith.constant 1 : i32
    %eq3A_21 = arith.cmpi eq, %arg0, %eq3A_20 : i32
    %convert_element_type3A_22 = arith.extui %eq3A_21 : i1 to i32
    %cond3A_23 = arith.constant 0 : i32
    %cond3A_24 = arith.cmpi ne, %convert_element_type3A_22, %cond3A_23 : i32
    scf.if %cond3A_24 {
      %mul3A_61 = arith.constant 80 : i32
      %mul3A_62 = arith.muli %arg1, %mul3A_61 : i32
      %add3A_63 = arith.constant 0 : i32
      %add3A_64 = arith.addi %mul3A_62, %add3A_63 : i32
      %dma_start3A = arith.constant 0 : i32
      %dma_start3A_65 = arith.constant 0 : i32
      %dma_start3A_66 = tpu.memref_slice %arg11[%dma_start3A, %dma_start3A_65] : memref<16x128xi32, #tpu.memory_space<vmem>> -> memref<8x128xi32, #tpu.memory_space<vmem>>
      %dma_start3A_67 = arith.constant 0 : i32
      %dma_start3A_68 = tpu.memref_slice %arg2[%add3A_64, %dma_start3A_67] : memref<1280x128xi32, #tpu.memory_space<hbm>> -> memref<8x128xi32, #tpu.memory_space<hbm>>
      %dma_start3A_69 = arith.constant 0 : i32
      %dma_start3A_70 = arith.constant 0 : i32
      %dma_start3A_71 = tpu.memref_slice %arg11[%dma_start3A_69, %dma_start3A_70] : memref<16x128xi32, #tpu.memory_space<vmem>> -> memref<8x128xi32, #tpu.memory_space<vmem>>
      %dma_start3A_72 = arith.constant 0 : i32
      %dma_start3A_73 = tpu.memref_slice %arg2[%add3A_64, %dma_start3A_72] : memref<1280x128xi32, #tpu.memory_space<hbm>> -> memref<8x128xi32, #tpu.memory_space<hbm>>
      tpu.enqueue_dma source(%dma_start3A_73 : memref<8x128xi32, #tpu.memory_space<hbm>>) target(%dma_start3A_71 : memref<8x128xi32, #tpu.memory_space<vmem>>) target_semaphore(%arg16 : memref<!tpu.dma_semaphore, #tpu.memory_space<semaphore_mem>>)
      %dma_start3A_74 = arith.constant 0 : i32
      %dma_start3A_75 = arith.constant 0 : i32
      %dma_start3A_76 = arith.constant 0 : i32
      %dma_start3A_77 = tpu.memref_slice %arg12[%dma_start3A_74, %dma_start3A_75, %dma_start3A_76] : memref<16x1x128xi32, #tpu.memory_space<vmem>> -> memref<8x1x128xi32, #tpu.memory_space<vmem>>
      %dma_start3A_78 = arith.constant 0 : i32
      %dma_start3A_79 = arith.constant 0 : i32
      %dma_start3A_80 = tpu.memref_slice %arg3[%add3A_64, %dma_start3A_78, %dma_start3A_79] : memref<1280x1x128xi32, #tpu.memory_space<hbm>> -> memref<8x1x128xi32, #tpu.memory_space<hbm>>
      %dma_start3A_81 = arith.constant 0 : i32
      %dma_start3A_82 = arith.constant 0 : i32
      %dma_start3A_83 = arith.constant 0 : i32
      %dma_start3A_84 = tpu.memref_slice %arg12[%dma_start3A_81, %dma_start3A_82, %dma_start3A_83] : memref<16x1x128xi32, #tpu.memory_space<vmem>> -> memref<8x1x128xi32, #tpu.memory_space<vmem>>
      %dma_start3A_85 = arith.constant 0 : i32
      %dma_start3A_86 = arith.constant 0 : i32
      %dma_start3A_87 = tpu.memref_slice %arg3[%add3A_64, %dma_start3A_85, %dma_start3A_86] : memref<1280x1x128xi32, #tpu.memory_space<hbm>> -> memref<8x1x128xi32, #tpu.memory_space<hbm>>
      tpu.enqueue_dma source(%dma_start3A_87 : memref<8x1x128xi32, #tpu.memory_space<hbm>>) target(%dma_start3A_84 : memref<8x1x128xi32, #tpu.memory_space<vmem>>) target_semaphore(%arg17 : memref<!tpu.dma_semaphore, #tpu.memory_space<semaphore_mem>>)
      %scan3A = arith.constant 0 : i32
      %scan3A_88 = arith.constant 0 : i32
      %scan3A_89 = arith.constant 10 : i32
      %scan3A_90 = arith.addi %scan3A_88, %scan3A_89 : i32
      %scan3A_91 = arith.constant 1 : i32
      %scan3A_92 = scf.for %scan3A_94 = %scan3A_88 to %scan3A_90 step %scan3A_91 iter_args(%scan3A_95 = %scan3A) -> (i32)  : i32 {
        %jit3A = arith.constant 2 : i32
        %eq3A_96 = arith.constant 0 : i32
        %eq3A_97 = arith.cmpi eq, %jit3A, %eq3A_96 : i32
        %jit3A_98 = arith.constant 1 : i32
        %select_n3A = arith.select %eq3A_97, %jit3A_98, %jit3A : i32
        %rem3A = arith.remsi %scan3A_94, %select_n3A : i32
        %ne3A = arith.constant 0 : i32
        %ne3A_99 = arith.cmpi ne, %rem3A, %ne3A : i32
        %lt3A = arith.constant 0 : i32
        %lt3A_100 = arith.cmpi slt, %rem3A, %lt3A : i32
        %lt3A_101 = arith.constant 0 : i32
        %lt3A_102 = arith.cmpi slt, %select_n3A, %lt3A_101 : i32
        %ne3A_103 = arith.xori %lt3A_100, %lt3A_102 : i1
        %and3A = arith.andi %ne3A_103, %ne3A_99 : i1
        %add3A_104 = arith.addi %rem3A, %select_n3A : i32
        %select_n3A_105 = arith.select %and3A, %add3A_104, %rem3A : i32
        %mul3A_106 = arith.constant 8 : i32
        %mul3A_107 = arith.muli %select_n3A_105, %mul3A_106 : i32
        %jit3A_108 = arith.constant 2 : i32
        %eq3A_109 = arith.constant 0 : i32
        %eq3A_110 = arith.cmpi eq, %jit3A_108, %eq3A_109 : i32
        %jit3A_111 = arith.constant 1 : i32
        %select_n3A_112 = arith.select %eq3A_110, %jit3A_111, %jit3A_108 : i32
        %rem3A_113 = arith.remsi %scan3A_94, %select_n3A_112 : i32
        %ne3A_114 = arith.constant 0 : i32
        %ne3A_115 = arith.cmpi ne, %rem3A_113, %ne3A_114 : i32
        %lt3A_116 = arith.constant 0 : i32
        %lt3A_117 = arith.cmpi slt, %rem3A_113, %lt3A_116 : i32
        %lt3A_118 = arith.constant 0 : i32
        %lt3A_119 = arith.cmpi slt, %select_n3A_112, %lt3A_118 : i32
        %ne3A_120 = arith.xori %lt3A_117, %lt3A_119 : i1
        %and3A_121 = arith.andi %ne3A_120, %ne3A_115 : i1
        %add3A_122 = arith.addi %rem3A_113, %select_n3A_112 : i32
        %select_n3A_123 = arith.select %and3A_121, %add3A_122, %rem3A_113 : i32
        %mul3A_124 = arith.constant 80 : i32
        %mul3A_125 = arith.muli %arg1, %mul3A_124 : i32
        %mul3A_126 = arith.constant 8 : i32
        %mul3A_127 = arith.muli %scan3A_94, %mul3A_126 : i32
        %add3A_128 = arith.addi %mul3A_125, %mul3A_127 : i32
        %mul3A_129 = arith.constant 8 : i32
        %mul3A_130 = arith.muli %select_n3A_123, %mul3A_129 : i32
        %mul3A_131 = arith.constant 8 : i32
        %mul3A_132 = arith.muli %select_n3A_123, %mul3A_131 : i32
        %dma_wait3A = arith.constant 0 : i32
        %dma_wait3A_133 = tpu.memref_slice %arg11[%mul3A_130, %dma_wait3A] : memref<16x128xi32, #tpu.memory_space<vmem>> -> memref<8x128xi32, #tpu.memory_space<vmem>>
        %dma_wait3A_134 = arith.constant 0 : i32
        %dma_wait3A_135 = tpu.memref_slice %arg2[%add3A_128, %dma_wait3A_134] : memref<1280x128xi32, #tpu.memory_space<hbm>> -> memref<8x128xi32, #tpu.memory_space<hbm>>
        %dma_wait3A_136 = arith.constant 0 : i32
        %dma_wait3A_137 = tpu.memref_slice %arg11[%mul3A_130, %dma_wait3A_136] : memref<16x128xi32, #tpu.memory_space<vmem>> -> memref<8x128xi32, #tpu.memory_space<vmem>>
        %dma_wait3A_138 = arith.constant 0 : i32
        %dma_wait3A_139 = tpu.memref_slice %arg2[%add3A_128, %dma_wait3A_138] : memref<1280x128xi32, #tpu.memory_space<hbm>> -> memref<8x128xi32, #tpu.memory_space<hbm>>
        tpu.wait_dma2 semaphore(%arg16 : memref<!tpu.dma_semaphore, #tpu.memory_space<semaphore_mem>>) src(%dma_wait3A_139 : memref<8x128xi32, #tpu.memory_space<hbm>>) dst(%dma_wait3A_137 : memref<8x128xi32, #tpu.memory_space<vmem>>)
        %dma_wait3A_140 = arith.constant 0 : i32
        %dma_wait3A_141 = arith.constant 0 : i32
        %dma_wait3A_142 = tpu.memref_slice %arg12[%mul3A_132, %dma_wait3A_140, %dma_wait3A_141] : memref<16x1x128xi32, #tpu.memory_space<vmem>> -> memref<8x1x128xi32, #tpu.memory_space<vmem>>
        %dma_wait3A_143 = arith.constant 0 : i32
        %dma_wait3A_144 = arith.constant 0 : i32
        %dma_wait3A_145 = tpu.memref_slice %arg3[%add3A_128, %dma_wait3A_143, %dma_wait3A_144] : memref<1280x1x128xi32, #tpu.memory_space<hbm>> -> memref<8x1x128xi32, #tpu.memory_space<hbm>>
        %dma_wait3A_146 = arith.constant 0 : i32
        %dma_wait3A_147 = arith.constant 0 : i32
        %dma_wait3A_148 = tpu.memref_slice %arg12[%mul3A_132, %dma_wait3A_146, %dma_wait3A_147] : memref<16x1x128xi32, #tpu.memory_space<vmem>> -> memref<8x1x128xi32, #tpu.memory_space<vmem>>
        %dma_wait3A_149 = arith.constant 0 : i32
        %dma_wait3A_150 = arith.constant 0 : i32
        %dma_wait3A_151 = tpu.memref_slice %arg3[%add3A_128, %dma_wait3A_149, %dma_wait3A_150] : memref<1280x1x128xi32, #tpu.memory_space<hbm>> -> memref<8x1x128xi32, #tpu.memory_space<hbm>>
        tpu.wait_dma2 semaphore(%arg17 : memref<!tpu.dma_semaphore, #tpu.memory_space<semaphore_mem>>) src(%dma_wait3A_151 : memref<8x1x128xi32, #tpu.memory_space<hbm>>) dst(%dma_wait3A_148 : memref<8x1x128xi32, #tpu.memory_space<vmem>>)
        %add3A_152 = arith.constant 1 : i32
        %add3A_153 = arith.addi %scan3A_94, %add3A_152 : i32
        %lt3A_154 = arith.constant 10 : i32
        %lt3A_155 = arith.cmpi slt, %add3A_153, %lt3A_154 : i32
        %convert_element_type3A_156 = arith.extui %lt3A_155 : i1 to i32
        %cond3A_157 = arith.constant 0 : i32
        %cond3A_158 = arith.cmpi ne, %convert_element_type3A_156, %cond3A_157 : i32
        scf.if %cond3A_158 {
          %add3A_412 = arith.constant 1 : i32
          %add3A_413 = arith.addi %scan3A_94, %add3A_412 : i32
          %add3A_414 = arith.constant 1 : i32
          %add3A_415 = arith.addi %scan3A_94, %add3A_414 : i32
          %jit3A_416 = arith.constant 2 : i32
          %eq3A_417 = arith.constant 0 : i32
          %eq3A_418 = arith.cmpi eq, %jit3A_416, %eq3A_417 : i32
          %jit3A_419 = arith.constant 1 : i32
          %select_n3A_420 = arith.select %eq3A_418, %jit3A_419, %jit3A_416 : i32
          %rem3A_421 = arith.remsi %add3A_415, %select_n3A_420 : i32
          %ne3A_422 = arith.constant 0 : i32
          %ne3A_423 = arith.cmpi ne, %rem3A_421, %ne3A_422 : i32
          %lt3A_424 = arith.constant 0 : i32
          %lt3A_425 = arith.cmpi slt, %rem3A_421, %lt3A_424 : i32
          %lt3A_426 = arith.constant 0 : i32
          %lt3A_427 = arith.cmpi slt, %select_n3A_420, %lt3A_426 : i32
          %ne3A_428 = arith.xori %lt3A_425, %lt3A_427 : i1
          %and3A_429 = arith.andi %ne3A_428, %ne3A_423 : i1
          %add3A_430 = arith.addi %rem3A_421, %select_n3A_420 : i32
          %select_n3A_431 = arith.select %and3A_429, %add3A_430, %rem3A_421 : i32
          %mul3A_432 = arith.constant 80 : i32
          %mul3A_433 = arith.muli %arg1, %mul3A_432 : i32
          %mul3A_434 = arith.constant 8 : i32
          %mul3A_435 = arith.muli %add3A_413, %mul3A_434 : i32
          %add3A_436 = arith.addi %mul3A_433, %mul3A_435 : i32
          %mul3A_437 = arith.constant 8 : i32
          %mul3A_438 = arith.muli %select_n3A_431, %mul3A_437 : i32
          %mul3A_439 = arith.constant 8 : i32
          %mul3A_440 = arith.muli %select_n3A_431, %mul3A_439 : i32
          %dma_start3A_441 = arith.constant 0 : i32
          %dma_start3A_442 = tpu.memref_slice %arg11[%mul3A_438, %dma_start3A_441] : memref<16x128xi32, #tpu.memory_space<vmem>> -> memref<8x128xi32, #tpu.memory_space<vmem>>
          %dma_start3A_443 = arith.constant 0 : i32
          %dma_start3A_444 = tpu.memref_slice %arg2[%add3A_436, %dma_start3A_443] : memref<1280x128xi32, #tpu.memory_space<hbm>> -> memref<8x128xi32, #tpu.memory_space<hbm>>
          %dma_start3A_445 = arith.constant 0 : i32
          %dma_start3A_446 = tpu.memref_slice %arg11[%mul3A_438, %dma_start3A_445] : memref<16x128xi32, #tpu.memory_space<vmem>> -> memref<8x128xi32, #tpu.memory_space<vmem>>
          %dma_start3A_447 = arith.constant 0 : i32
          %dma_start3A_448 = tpu.memref_slice %arg2[%add3A_436, %dma_start3A_447] : memref<1280x128xi32, #tpu.memory_space<hbm>> -> memref<8x128xi32, #tpu.memory_space<hbm>>
          tpu.enqueue_dma source(%dma_start3A_448 : memref<8x128xi32, #tpu.memory_space<hbm>>) target(%dma_start3A_446 : memref<8x128xi32, #tpu.memory_space<vmem>>) target_semaphore(%arg16 : memref<!tpu.dma_semaphore, #tpu.memory_space<semaphore_mem>>)
          %dma_start3A_449 = arith.constant 0 : i32
          %dma_start3A_450 = arith.constant 0 : i32
          %dma_start3A_451 = tpu.memref_slice %arg12[%mul3A_440, %dma_start3A_449, %dma_start3A_450] : memref<16x1x128xi32, #tpu.memory_space<vmem>> -> memref<8x1x128xi32, #tpu.memory_space<vmem>>
          %dma_start3A_452 = arith.constant 0 : i32
          %dma_start3A_453 = arith.constant 0 : i32
          %dma_start3A_454 = tpu.memref_slice %arg3[%add3A_436, %dma_start3A_452, %dma_start3A_453] : memref<1280x1x128xi32, #tpu.memory_space<hbm>> -> memref<8x1x128xi32, #tpu.memory_space<hbm>>
          %dma_start3A_455 = arith.constant 0 : i32
          %dma_start3A_456 = arith.constant 0 : i32
          %dma_start3A_457 = tpu.memref_slice %arg12[%mul3A_440, %dma_start3A_455, %dma_start3A_456] : memref<16x1x128xi32, #tpu.memory_space<vmem>> -> memref<8x1x128xi32, #tpu.memory_space<vmem>>
          %dma_start3A_458 = arith.constant 0 : i32
          %dma_start3A_459 = arith.constant 0 : i32
          %dma_start3A_460 = tpu.memref_slice %arg3[%add3A_436, %dma_start3A_458, %dma_start3A_459] : memref<1280x1x128xi32, #tpu.memory_space<hbm>> -> memref<8x1x128xi32, #tpu.memory_space<hbm>>
          tpu.enqueue_dma source(%dma_start3A_460 : memref<8x1x128xi32, #tpu.memory_space<hbm>>) target(%dma_start3A_457 : memref<8x1x128xi32, #tpu.memory_space<vmem>>) target_semaphore(%arg17 : memref<!tpu.dma_semaphore, #tpu.memory_space<semaphore_mem>>)
        } else {
        }
        %dma_start3A_159 = arith.constant 0 : i32
        %dma_start3A_160 = tpu.memref_slice %arg11[%mul3A_107, %dma_start3A_159] : memref<16x128xi32, #tpu.memory_space<vmem>> -> memref<1x128xi32, #tpu.memory_space<vmem>>
        %dma_start3A_161 = tpu.memref_squeeze %dma_start3A_160 : memref<1x128xi32, #tpu.memory_space<vmem>> -> memref<128xi32, #tpu.memory_space<vmem>>
        %dma_start3A_162 = arith.constant 0 : i32
        %dma_start3A_163 = arith.constant 0 : i32
        %dma_start3A_164 = tpu.memref_slice %arg5[%dma_start3A_162, %dma_start3A_163] : memref<10000x128xf32, #tpu.memory_space<hbm>> -> memref<10000x128xf32, #tpu.memory_space<hbm>>
        tpu.enqueue_indirect_dma source(%dma_start3A_164 : memref<10000x128xf32, #tpu.memory_space<hbm>>) target(%arg9 : memref<128x128xf32, #tpu.memory_space<vmem>>) offsets(%dma_start3A_161 : memref<128xi32, #tpu.memory_space<vmem>>) semaphore(%arg13 : memref<!tpu.dma_semaphore, #tpu.memory_space<semaphore_mem>>)
        %dma_wait3A_165 = arith.constant 0 : i32
        %dma_wait3A_166 = tpu.memref_slice %arg11[%mul3A_107, %dma_wait3A_165] : memref<16x128xi32, #tpu.memory_space<vmem>> -> memref<1x128xi32, #tpu.memory_space<vmem>>
        %dma_wait3A_167 = tpu.memref_squeeze %dma_wait3A_166 : memref<1x128xi32, #tpu.memory_space<vmem>> -> memref<128xi32, #tpu.memory_space<vmem>>
        %dma_wait3A_168 = arith.constant 0 : i32
        %dma_wait3A_169 = arith.constant 0 : i32
        %dma_wait3A_170 = tpu.memref_slice %arg5[%dma_wait3A_168, %dma_wait3A_169] : memref<10000x128xf32, #tpu.memory_space<hbm>> -> memref<10000x128xf32, #tpu.memory_space<hbm>>
        tpu.wait_indirect_dma semaphore(%arg13 : memref<!tpu.dma_semaphore, #tpu.memory_space<semaphore_mem>>) src(%dma_wait3A_170 : memref<10000x128xf32, #tpu.memory_space<hbm>>) dst(%arg9 : memref<128x128xf32, #tpu.memory_space<vmem>>)
        %add3A_171 = arith.constant 0 : i32
        %add3A_172 = arith.addi %mul3A_107, %add3A_171 : i32
        %dma_start3A_173 = arith.constant 0 : i32
        %dma_start3A_174 = arith.constant 0 : i32
        %dma_start3A_175 = tpu.memref_slice %arg12[%add3A_172, %dma_start3A_173, %dma_start3A_174] : memref<16x1x128xi32, #tpu.memory_space<vmem>> -> memref<1x1x128xi32, #tpu.memory_space<vmem>>
        %dma_start3A_176 = tpu.memref_squeeze %dma_start3A_175 : memref<1x1x128xi32, #tpu.memory_space<vmem>> -> memref<128xi32, #tpu.memory_space<vmem>>
        %dma_start3A_177 = arith.constant 0 : i32
        %dma_start3A_178 = arith.constant 0 : i32
        %dma_start3A_179 = tpu.memref_slice %arg8[%dma_start3A_177, %dma_start3A_178] : memref<10240x128xf32, #tpu.memory_space<vmem_shared>> -> memref<10240x128xf32, #tpu.memory_space<vmem_shared>>
        tpu.enqueue_indirect_dma source(%arg9 : memref<128x128xf32, #tpu.memory_space<vmem>>) target(%dma_start3A_179 : memref<10240x128xf32, #tpu.memory_space<vmem_shared>>) offsets(%dma_start3A_176 : memref<128xi32, #tpu.memory_space<vmem>>) semaphore(%arg14 : memref<!tpu.dma_semaphore, #tpu.memory_space<semaphore_mem>>) {add = true}
        %add3A_180 = arith.constant 0 : i32
        %add3A_181 = arith.addi %mul3A_107, %add3A_180 : i32
        %add3A_182 = arith.constant 1 : i32
        %add3A_183 = arith.addi %add3A_181, %add3A_182 : i32
        %dma_start3A_184 = arith.constant 0 : i32
        %dma_start3A_185 = tpu.memref_slice %arg11[%add3A_183, %dma_start3A_184] : memref<16x128xi32, #tpu.memory_space<vmem>> -> memref<1x128xi32, #tpu.memory_space<vmem>>
        %dma_start3A_186 = tpu.memref_squeeze %dma_start3A_185 : memref<1x128xi32, #tpu.memory_space<vmem>> -> memref<128xi32, #tpu.memory_space<vmem>>
        %dma_start3A_187 = arith.constant 0 : i32
        %dma_start3A_188 = arith.constant 0 : i32
        %dma_start3A_189 = tpu.memref_slice %arg5[%dma_start3A_187, %dma_start3A_188] : memref<10000x128xf32, #tpu.memory_space<hbm>> -> memref<10000x128xf32, #tpu.memory_space<hbm>>
        tpu.enqueue_indirect_dma source(%dma_start3A_189 : memref<10000x128xf32, #tpu.memory_space<hbm>>) target(%arg10 : memref<128x128xf32, #tpu.memory_space<vmem>>) offsets(%dma_start3A_186 : memref<128xi32, #tpu.memory_space<vmem>>) semaphore(%arg13 : memref<!tpu.dma_semaphore, #tpu.memory_space<semaphore_mem>>)
        %dma_wait3A_190 = arith.constant 0 : i32
        %dma_wait3A_191 = tpu.memref_slice %arg11[%add3A_183, %dma_wait3A_190] : memref<16x128xi32, #tpu.memory_space<vmem>> -> memref<1x128xi32, #tpu.memory_space<vmem>>
        %dma_wait3A_192 = tpu.memref_squeeze %dma_wait3A_191 : memref<1x128xi32, #tpu.memory_space<vmem>> -> memref<128xi32, #tpu.memory_space<vmem>>
        %dma_wait3A_193 = arith.constant 0 : i32
        %dma_wait3A_194 = arith.constant 0 : i32
        %dma_wait3A_195 = tpu.memref_slice %arg5[%dma_wait3A_193, %dma_wait3A_194] : memref<10000x128xf32, #tpu.memory_space<hbm>> -> memref<10000x128xf32, #tpu.memory_space<hbm>>
        tpu.wait_indirect_dma semaphore(%arg13 : memref<!tpu.dma_semaphore, #tpu.memory_space<semaphore_mem>>) src(%dma_wait3A_195 : memref<10000x128xf32, #tpu.memory_space<hbm>>) dst(%arg10 : memref<128x128xf32, #tpu.memory_space<vmem>>)
        %add3A_196 = arith.constant 1 : i32
        %add3A_197 = arith.addi %mul3A_107, %add3A_196 : i32
        %dma_start3A_198 = arith.constant 0 : i32
        %dma_start3A_199 = arith.constant 0 : i32
        %dma_start3A_200 = tpu.memref_slice %arg12[%add3A_197, %dma_start3A_198, %dma_start3A_199] : memref<16x1x128xi32, #tpu.memory_space<vmem>> -> memref<1x1x128xi32, #tpu.memory_space<vmem>>
        %dma_start3A_201 = tpu.memref_squeeze %dma_start3A_200 : memref<1x1x128xi32, #tpu.memory_space<vmem>> -> memref<128xi32, #tpu.memory_space<vmem>>
        %dma_start3A_202 = arith.constant 0 : i32
        %dma_start3A_203 = arith.constant 0 : i32
        %dma_start3A_204 = tpu.memref_slice %arg8[%dma_start3A_202, %dma_start3A_203] : memref<10240x128xf32, #tpu.memory_space<vmem_shared>> -> memref<10240x128xf32, #tpu.memory_space<vmem_shared>>
        tpu.enqueue_indirect_dma source(%arg10 : memref<128x128xf32, #tpu.memory_space<vmem>>) target(%dma_start3A_204 : memref<10240x128xf32, #tpu.memory_space<vmem_shared>>) offsets(%dma_start3A_201 : memref<128xi32, #tpu.memory_space<vmem>>) semaphore(%arg15 : memref<!tpu.dma_semaphore, #tpu.memory_space<semaphore_mem>>) {add = true}
        %dma_wait3A_205 = arith.constant 0 : i32
        %dma_wait3A_206 = arith.constant 0 : i32
        %dma_wait3A_207 = tpu.memref_slice %arg12[%add3A_172, %dma_wait3A_205, %dma_wait3A_206] : memref<16x1x128xi32, #tpu.memory_space<vmem>> -> memref<1x1x128xi32, #tpu.memory_space<vmem>>
        %dma_wait3A_208 = tpu.memref_squeeze %dma_wait3A_207 : memref<1x1x128xi32, #tpu.memory_space<vmem>> -> memref<128xi32, #tpu.memory_space<vmem>>
        %dma_wait3A_209 = arith.constant 0 : i32
        %dma_wait3A_210 = arith.constant 0 : i32
        %dma_wait3A_211 = tpu.memref_slice %arg8[%dma_wait3A_209, %dma_wait3A_210] : memref<10240x128xf32, #tpu.memory_space<vmem_shared>> -> memref<10240x128xf32, #tpu.memory_space<vmem_shared>>
        tpu.wait_indirect_dma semaphore(%arg14 : memref<!tpu.dma_semaphore, #tpu.memory_space<semaphore_mem>>) src(%arg9 : memref<128x128xf32, #tpu.memory_space<vmem>>) dst(%dma_wait3A_211 : memref<10240x128xf32, #tpu.memory_space<vmem_shared>>)
        %add3A_212 = arith.constant 1 : i32
        %add3A_213 = arith.addi %mul3A_107, %add3A_212 : i32
        %add3A_214 = arith.constant 1 : i32
        %add3A_215 = arith.addi %add3A_213, %add3A_214 : i32
        %dma_start3A_216 = arith.constant 0 : i32
        %dma_start3A_217 = tpu.memref_slice %arg11[%add3A_215, %dma_start3A_216] : memref<16x128xi32, #tpu.memory_space<vmem>> -> memref<1x128xi32, #tpu.memory_space<vmem>>
        %dma_start3A_218 = tpu.memref_squeeze %dma_start3A_217 : memref<1x128xi32, #tpu.memory_space<vmem>> -> memref<128xi32, #tpu.memory_space<vmem>>
        %dma_start3A_219 = arith.constant 0 : i32
        %dma_start3A_220 = arith.constant 0 : i32
        %dma_start3A_221 = tpu.memref_slice %arg5[%dma_start3A_219, %dma_start3A_220] : memref<10000x128xf32, #tpu.memory_space<hbm>> -> memref<10000x128xf32, #tpu.memory_space<hbm>>
        tpu.enqueue_indirect_dma source(%dma_start3A_221 : memref<10000x128xf32, #tpu.memory_space<hbm>>) target(%arg9 : memref<128x128xf32, #tpu.memory_space<vmem>>) offsets(%dma_start3A_218 : memref<128xi32, #tpu.memory_space<vmem>>) semaphore(%arg13 : memref<!tpu.dma_semaphore, #tpu.memory_space<semaphore_mem>>)
        %dma_wait3A_222 = arith.constant 0 : i32
        %dma_wait3A_223 = tpu.memref_slice %arg11[%add3A_215, %dma_wait3A_222] : memref<16x128xi32, #tpu.memory_space<vmem>> -> memref<1x128xi32, #tpu.memory_space<vmem>>
        %dma_wait3A_224 = tpu.memref_squeeze %dma_wait3A_223 : memref<1x128xi32, #tpu.memory_space<vmem>> -> memref<128xi32, #tpu.memory_space<vmem>>
        %dma_wait3A_225 = arith.constant 0 : i32
        %dma_wait3A_226 = arith.constant 0 : i32
        %dma_wait3A_227 = tpu.memref_slice %arg5[%dma_wait3A_225, %dma_wait3A_226] : memref<10000x128xf32, #tpu.memory_space<hbm>> -> memref<10000x128xf32, #tpu.memory_space<hbm>>
        tpu.wait_indirect_dma semaphore(%arg13 : memref<!tpu.dma_semaphore, #tpu.memory_space<semaphore_mem>>) src(%dma_wait3A_227 : memref<10000x128xf32, #tpu.memory_space<hbm>>) dst(%arg9 : memref<128x128xf32, #tpu.memory_space<vmem>>)
        %add3A_228 = arith.constant 2 : i32
        %add3A_229 = arith.addi %mul3A_107, %add3A_228 : i32
        %dma_start3A_230 = arith.constant 0 : i32
        %dma_start3A_231 = arith.constant 0 : i32
        %dma_start3A_232 = tpu.memref_slice %arg12[%add3A_229, %dma_start3A_230, %dma_start3A_231] : memref<16x1x128xi32, #tpu.memory_space<vmem>> -> memref<1x1x128xi32, #tpu.memory_space<vmem>>
        %dma_start3A_233 = tpu.memref_squeeze %dma_start3A_232 : memref<1x1x128xi32, #tpu.memory_space<vmem>> -> memref<128xi32, #tpu.memory_space<vmem>>
        %dma_start3A_234 = arith.constant 0 : i32
        %dma_start3A_235 = arith.constant 0 : i32
        %dma_start3A_236 = tpu.memref_slice %arg8[%dma_start3A_234, %dma_start3A_235] : memref<10240x128xf32, #tpu.memory_space<vmem_shared>> -> memref<10240x128xf32, #tpu.memory_space<vmem_shared>>
        tpu.enqueue_indirect_dma source(%arg9 : memref<128x128xf32, #tpu.memory_space<vmem>>) target(%dma_start3A_236 : memref<10240x128xf32, #tpu.memory_space<vmem_shared>>) offsets(%dma_start3A_233 : memref<128xi32, #tpu.memory_space<vmem>>) semaphore(%arg14 : memref<!tpu.dma_semaphore, #tpu.memory_space<semaphore_mem>>) {add = true}
        %dma_wait3A_237 = arith.constant 0 : i32
        %dma_wait3A_238 = arith.constant 0 : i32
        %dma_wait3A_239 = tpu.memref_slice %arg12[%add3A_197, %dma_wait3A_237, %dma_wait3A_238] : memref<16x1x128xi32, #tpu.memory_space<vmem>> -> memref<1x1x128xi32, #tpu.memory_space<vmem>>
        %dma_wait3A_240 = tpu.memref_squeeze %dma_wait3A_239 : memref<1x1x128xi32, #tpu.memory_space<vmem>> -> memref<128xi32, #tpu.memory_space<vmem>>
        %dma_wait3A_241 = arith.constant 0 : i32
        %dma_wait3A_242 = arith.constant 0 : i32
        %dma_wait3A_243 = tpu.memref_slice %arg8[%dma_wait3A_241, %dma_wait3A_242] : memref<10240x128xf32, #tpu.memory_space<vmem_shared>> -> memref<10240x128xf32, #tpu.memory_space<vmem_shared>>
        tpu.wait_indirect_dma semaphore(%arg15 : memref<!tpu.dma_semaphore, #tpu.memory_space<semaphore_mem>>) src(%arg10 : memref<128x128xf32, #tpu.memory_space<vmem>>) dst(%dma_wait3A_243 : memref<10240x128xf32, #tpu.memory_space<vmem_shared>>)
        %add3A_244 = arith.constant 2 : i32
        %add3A_245 = arith.addi %mul3A_107, %add3A_244 : i32
        %add3A_246 = arith.constant 1 : i32
        %add3A_247 = arith.addi %add3A_245, %add3A_246 : i32
        %dma_start3A_248 = arith.constant 0 : i32
        %dma_start3A_249 = tpu.memref_slice %arg11[%add3A_247, %dma_start3A_248] : memref<16x128xi32, #tpu.memory_space<vmem>> -> memref<1x128xi32, #tpu.memory_space<vmem>>
        %dma_start3A_250 = tpu.memref_squeeze %dma_start3A_249 : memref<1x128xi32, #tpu.memory_space<vmem>> -> memref<128xi32, #tpu.memory_space<vmem>>
        %dma_start3A_251 = arith.constant 0 : i32
        %dma_start3A_252 = arith.constant 0 : i32
        %dma_start3A_253 = tpu.memref_slice %arg5[%dma_start3A_251, %dma_start3A_252] : memref<10000x128xf32, #tpu.memory_space<hbm>> -> memref<10000x128xf32, #tpu.memory_space<hbm>>
        tpu.enqueue_indirect_dma source(%dma_start3A_253 : memref<10000x128xf32, #tpu.memory_space<hbm>>) target(%arg10 : memref<128x128xf32, #tpu.memory_space<vmem>>) offsets(%dma_start3A_250 : memref<128xi32, #tpu.memory_space<vmem>>) semaphore(%arg13 : memref<!tpu.dma_semaphore, #tpu.memory_space<semaphore_mem>>)
        %dma_wait3A_254 = arith.constant 0 : i32
        %dma_wait3A_255 = tpu.memref_slice %arg11[%add3A_247, %dma_wait3A_254] : memref<16x128xi32, #tpu.memory_space<vmem>> -> memref<1x128xi32, #tpu.memory_space<vmem>>
        %dma_wait3A_256 = tpu.memref_squeeze %dma_wait3A_255 : memref<1x128xi32, #tpu.memory_space<vmem>> -> memref<128xi32, #tpu.memory_space<vmem>>
        %dma_wait3A_257 = arith.constant 0 : i32
        %dma_wait3A_258 = arith.constant 0 : i32
        %dma_wait3A_259 = tpu.memref_slice %arg5[%dma_wait3A_257, %dma_wait3A_258] : memref<10000x128xf32, #tpu.memory_space<hbm>> -> memref<10000x128xf32, #tpu.memory_space<hbm>>
        tpu.wait_indirect_dma semaphore(%arg13 : memref<!tpu.dma_semaphore, #tpu.memory_space<semaphore_mem>>) src(%dma_wait3A_259 : memref<10000x128xf32, #tpu.memory_space<hbm>>) dst(%arg10 : memref<128x128xf32, #tpu.memory_space<vmem>>)
        %add3A_260 = arith.constant 3 : i32
        %add3A_261 = arith.addi %mul3A_107, %add3A_260 : i32
        %dma_start3A_262 = arith.constant 0 : i32
        %dma_start3A_263 = arith.constant 0 : i32
        %dma_start3A_264 = tpu.memref_slice %arg12[%add3A_261, %dma_start3A_262, %dma_start3A_263] : memref<16x1x128xi32, #tpu.memory_space<vmem>> -> memref<1x1x128xi32, #tpu.memory_space<vmem>>
        %dma_start3A_265 = tpu.memref_squeeze %dma_start3A_264 : memref<1x1x128xi32, #tpu.memory_space<vmem>> -> memref<128xi32, #tpu.memory_space<vmem>>
        %dma_start3A_266 = arith.constant 0 : i32
        %dma_start3A_267 = arith.constant 0 : i32
        %dma_start3A_268 = tpu.memref_slice %arg8[%dma_start3A_266, %dma_start3A_267] : memref<10240x128xf32, #tpu.memory_space<vmem_shared>> -> memref<10240x128xf32, #tpu.memory_space<vmem_shared>>
        tpu.enqueue_indirect_dma source(%arg10 : memref<128x128xf32, #tpu.memory_space<vmem>>) target(%dma_start3A_268 : memref<10240x128xf32, #tpu.memory_space<vmem_shared>>) offsets(%dma_start3A_265 : memref<128xi32, #tpu.memory_space<vmem>>) semaphore(%arg15 : memref<!tpu.dma_semaphore, #tpu.memory_space<semaphore_mem>>) {add = true}
        %dma_wait3A_269 = arith.constant 0 : i32
        %dma_wait3A_270 = arith.constant 0 : i32
        %dma_wait3A_271 = tpu.memref_slice %arg12[%add3A_229, %dma_wait3A_269, %dma_wait3A_270] : memref<16x1x128xi32, #tpu.memory_space<vmem>> -> memref<1x1x128xi32, #tpu.memory_space<vmem>>
        %dma_wait3A_272 = tpu.memref_squeeze %dma_wait3A_271 : memref<1x1x128xi32, #tpu.memory_space<vmem>> -> memref<128xi32, #tpu.memory_space<vmem>>
        %dma_wait3A_273 = arith.constant 0 : i32
        %dma_wait3A_274 = arith.constant 0 : i32
        %dma_wait3A_275 = tpu.memref_slice %arg8[%dma_wait3A_273, %dma_wait3A_274] : memref<10240x128xf32, #tpu.memory_space<vmem_shared>> -> memref<10240x128xf32, #tpu.memory_space<vmem_shared>>
        tpu.wait_indirect_dma semaphore(%arg14 : memref<!tpu.dma_semaphore, #tpu.memory_space<semaphore_mem>>) src(%arg9 : memref<128x128xf32, #tpu.memory_space<vmem>>) dst(%dma_wait3A_275 : memref<10240x128xf32, #tpu.memory_space<vmem_shared>>)
        %add3A_276 = arith.constant 3 : i32
        %add3A_277 = arith.addi %mul3A_107, %add3A_276 : i32
        %add3A_278 = arith.constant 1 : i32
        %add3A_279 = arith.addi %add3A_277, %add3A_278 : i32
        %dma_start3A_280 = arith.constant 0 : i32
        %dma_start3A_281 = tpu.memref_slice %arg11[%add3A_279, %dma_start3A_280] : memref<16x128xi32, #tpu.memory_space<vmem>> -> memref<1x128xi32, #tpu.memory_space<vmem>>
        %dma_start3A_282 = tpu.memref_squeeze %dma_start3A_281 : memref<1x128xi32, #tpu.memory_space<vmem>> -> memref<128xi32, #tpu.memory_space<vmem>>
        %dma_start3A_283 = arith.constant 0 : i32
        %dma_start3A_284 = arith.constant 0 : i32
        %dma_start3A_285 = tpu.memref_slice %arg5[%dma_start3A_283, %dma_start3A_284] : memref<10000x128xf32, #tpu.memory_space<hbm>> -> memref<10000x128xf32, #tpu.memory_space<hbm>>
        tpu.enqueue_indirect_dma source(%dma_start3A_285 : memref<10000x128xf32, #tpu.memory_space<hbm>>) target(%arg9 : memref<128x128xf32, #tpu.memory_space<vmem>>) offsets(%dma_start3A_282 : memref<128xi32, #tpu.memory_space<vmem>>) semaphore(%arg13 : memref<!tpu.dma_semaphore, #tpu.memory_space<semaphore_mem>>)
        %dma_wait3A_286 = arith.constant 0 : i32
        %dma_wait3A_287 = tpu.memref_slice %arg11[%add3A_279, %dma_wait3A_286] : memref<16x128xi32, #tpu.memory_space<vmem>> -> memref<1x128xi32, #tpu.memory_space<vmem>>
        %dma_wait3A_288 = tpu.memref_squeeze %dma_wait3A_287 : memref<1x128xi32, #tpu.memory_space<vmem>> -> memref<128xi32, #tpu.memory_space<vmem>>
        %dma_wait3A_289 = arith.constant 0 : i32
        %dma_wait3A_290 = arith.constant 0 : i32
        %dma_wait3A_291 = tpu.memref_slice %arg5[%dma_wait3A_289, %dma_wait3A_290] : memref<10000x128xf32, #tpu.memory_space<hbm>> -> memref<10000x128xf32, #tpu.memory_space<hbm>>
        tpu.wait_indirect_dma semaphore(%arg13 : memref<!tpu.dma_semaphore, #tpu.memory_space<semaphore_mem>>) src(%dma_wait3A_291 : memref<10000x128xf32, #tpu.memory_space<hbm>>) dst(%arg9 : memref<128x128xf32, #tpu.memory_space<vmem>>)
        %add3A_292 = arith.constant 4 : i32
        %add3A_293 = arith.addi %mul3A_107, %add3A_292 : i32
        %dma_start3A_294 = arith.constant 0 : i32
        %dma_start3A_295 = arith.constant 0 : i32
        %dma_start3A_296 = tpu.memref_slice %arg12[%add3A_293, %dma_start3A_294, %dma_start3A_295] : memref<16x1x128xi32, #tpu.memory_space<vmem>> -> memref<1x1x128xi32, #tpu.memory_space<vmem>>
        %dma_start3A_297 = tpu.memref_squeeze %dma_start3A_296 : memref<1x1x128xi32, #tpu.memory_space<vmem>> -> memref<128xi32, #tpu.memory_space<vmem>>
        %dma_start3A_298 = arith.constant 0 : i32
        %dma_start3A_299 = arith.constant 0 : i32
        %dma_start3A_300 = tpu.memref_slice %arg8[%dma_start3A_298, %dma_start3A_299] : memref<10240x128xf32, #tpu.memory_space<vmem_shared>> -> memref<10240x128xf32, #tpu.memory_space<vmem_shared>>
        tpu.enqueue_indirect_dma source(%arg9 : memref<128x128xf32, #tpu.memory_space<vmem>>) target(%dma_start3A_300 : memref<10240x128xf32, #tpu.memory_space<vmem_shared>>) offsets(%dma_start3A_297 : memref<128xi32, #tpu.memory_space<vmem>>) semaphore(%arg14 : memref<!tpu.dma_semaphore, #tpu.memory_space<semaphore_mem>>) {add = true}
        %dma_wait3A_301 = arith.constant 0 : i32
        %dma_wait3A_302 = arith.constant 0 : i32
        %dma_wait3A_303 = tpu.memref_slice %arg12[%add3A_261, %dma_wait3A_301, %dma_wait3A_302] : memref<16x1x128xi32, #tpu.memory_space<vmem>> -> memref<1x1x128xi32, #tpu.memory_space<vmem>>
        %dma_wait3A_304 = tpu.memref_squeeze %dma_wait3A_303 : memref<1x1x128xi32, #tpu.memory_space<vmem>> -> memref<128xi32, #tpu.memory_space<vmem>>
        %dma_wait3A_305 = arith.constant 0 : i32
        %dma_wait3A_306 = arith.constant 0 : i32
        %dma_wait3A_307 = tpu.memref_slice %arg8[%dma_wait3A_305, %dma_wait3A_306] : memref<10240x128xf32, #tpu.memory_space<vmem_shared>> -> memref<10240x128xf32, #tpu.memory_space<vmem_shared>>
        tpu.wait_indirect_dma semaphore(%arg15 : memref<!tpu.dma_semaphore, #tpu.memory_space<semaphore_mem>>) src(%arg10 : memref<128x128xf32, #tpu.memory_space<vmem>>) dst(%dma_wait3A_307 : memref<10240x128xf32, #tpu.memory_space<vmem_shared>>)
        %add3A_308 = arith.constant 4 : i32
        %add3A_309 = arith.addi %mul3A_107, %add3A_308 : i32
        %add3A_310 = arith.constant 1 : i32
        %add3A_311 = arith.addi %add3A_309, %add3A_310 : i32
        %dma_start3A_312 = arith.constant 0 : i32
        %dma_start3A_313 = tpu.memref_slice %arg11[%add3A_311, %dma_start3A_312] : memref<16x128xi32, #tpu.memory_space<vmem>> -> memref<1x128xi32, #tpu.memory_space<vmem>>
        %dma_start3A_314 = tpu.memref_squeeze %dma_start3A_313 : memref<1x128xi32, #tpu.memory_space<vmem>> -> memref<128xi32, #tpu.memory_space<vmem>>
        %dma_start3A_315 = arith.constant 0 : i32
        %dma_start3A_316 = arith.constant 0 : i32
        %dma_start3A_317 = tpu.memref_slice %arg5[%dma_start3A_315, %dma_start3A_316] : memref<10000x128xf32, #tpu.memory_space<hbm>> -> memref<10000x128xf32, #tpu.memory_space<hbm>>
        tpu.enqueue_indirect_dma source(%dma_start3A_317 : memref<10000x128xf32, #tpu.memory_space<hbm>>) target(%arg10 : memref<128x128xf32, #tpu.memory_space<vmem>>) offsets(%dma_start3A_314 : memref<128xi32, #tpu.memory_space<vmem>>) semaphore(%arg13 : memref<!tpu.dma_semaphore, #tpu.memory_space<semaphore_mem>>)
        %dma_wait3A_318 = arith.constant 0 : i32
        %dma_wait3A_319 = tpu.memref_slice %arg11[%add3A_311, %dma_wait3A_318] : memref<16x128xi32, #tpu.memory_space<vmem>> -> memref<1x128xi32, #tpu.memory_space<vmem>>
        %dma_wait3A_320 = tpu.memref_squeeze %dma_wait3A_319 : memref<1x128xi32, #tpu.memory_space<vmem>> -> memref<128xi32, #tpu.memory_space<vmem>>
        %dma_wait3A_321 = arith.constant 0 : i32
        %dma_wait3A_322 = arith.constant 0 : i32
        %dma_wait3A_323 = tpu.memref_slice %arg5[%dma_wait3A_321, %dma_wait3A_322] : memref<10000x128xf32, #tpu.memory_space<hbm>> -> memref<10000x128xf32, #tpu.memory_space<hbm>>
        tpu.wait_indirect_dma semaphore(%arg13 : memref<!tpu.dma_semaphore, #tpu.memory_space<semaphore_mem>>) src(%dma_wait3A_323 : memref<10000x128xf32, #tpu.memory_space<hbm>>) dst(%arg10 : memref<128x128xf32, #tpu.memory_space<vmem>>)
        %add3A_324 = arith.constant 5 : i32
        %add3A_325 = arith.addi %mul3A_107, %add3A_324 : i32
        %dma_start3A_326 = arith.constant 0 : i32
        %dma_start3A_327 = arith.constant 0 : i32
        %dma_start3A_328 = tpu.memref_slice %arg12[%add3A_325, %dma_start3A_326, %dma_start3A_327] : memref<16x1x128xi32, #tpu.memory_space<vmem>> -> memref<1x1x128xi32, #tpu.memory_space<vmem>>
        %dma_start3A_329 = tpu.memref_squeeze %dma_start3A_328 : memref<1x1x128xi32, #tpu.memory_space<vmem>> -> memref<128xi32, #tpu.memory_space<vmem>>
        %dma_start3A_330 = arith.constant 0 : i32
        %dma_start3A_331 = arith.constant 0 : i32
        %dma_start3A_332 = tpu.memref_slice %arg8[%dma_start3A_330, %dma_start3A_331] : memref<10240x128xf32, #tpu.memory_space<vmem_shared>> -> memref<10240x128xf32, #tpu.memory_space<vmem_shared>>
        tpu.enqueue_indirect_dma source(%arg10 : memref<128x128xf32, #tpu.memory_space<vmem>>) target(%dma_start3A_332 : memref<10240x128xf32, #tpu.memory_space<vmem_shared>>) offsets(%dma_start3A_329 : memref<128xi32, #tpu.memory_space<vmem>>) semaphore(%arg15 : memref<!tpu.dma_semaphore, #tpu.memory_space<semaphore_mem>>) {add = true}
        %dma_wait3A_333 = arith.constant 0 : i32
        %dma_wait3A_334 = arith.constant 0 : i32
        %dma_wait3A_335 = tpu.memref_slice %arg12[%add3A_293, %dma_wait3A_333, %dma_wait3A_334] : memref<16x1x128xi32, #tpu.memory_space<vmem>> -> memref<1x1x128xi32, #tpu.memory_space<vmem>>
        %dma_wait3A_336 = tpu.memref_squeeze %dma_wait3A_335 : memref<1x1x128xi32, #tpu.memory_space<vmem>> -> memref<128xi32, #tpu.memory_space<vmem>>
        %dma_wait3A_337 = arith.constant 0 : i32
        %dma_wait3A_338 = arith.constant 0 : i32
        %dma_wait3A_339 = tpu.memref_slice %arg8[%dma_wait3A_337, %dma_wait3A_338] : memref<10240x128xf32, #tpu.memory_space<vmem_shared>> -> memref<10240x128xf32, #tpu.memory_space<vmem_shared>>
        tpu.wait_indirect_dma semaphore(%arg14 : memref<!tpu.dma_semaphore, #tpu.memory_space<semaphore_mem>>) src(%arg9 : memref<128x128xf32, #tpu.memory_space<vmem>>) dst(%dma_wait3A_339 : memref<10240x128xf32, #tpu.memory_space<vmem_shared>>)
        %add3A_340 = arith.constant 5 : i32
        %add3A_341 = arith.addi %mul3A_107, %add3A_340 : i32
        %add3A_342 = arith.constant 1 : i32
        %add3A_343 = arith.addi %add3A_341, %add3A_342 : i32
        %dma_start3A_344 = arith.constant 0 : i32
        %dma_start3A_345 = tpu.memref_slice %arg11[%add3A_343, %dma_start3A_344] : memref<16x128xi32, #tpu.memory_space<vmem>> -> memref<1x128xi32, #tpu.memory_space<vmem>>
        %dma_start3A_346 = tpu.memref_squeeze %dma_start3A_345 : memref<1x128xi32, #tpu.memory_space<vmem>> -> memref<128xi32, #tpu.memory_space<vmem>>
        %dma_start3A_347 = arith.constant 0 : i32
        %dma_start3A_348 = arith.constant 0 : i32
        %dma_start3A_349 = tpu.memref_slice %arg5[%dma_start3A_347, %dma_start3A_348] : memref<10000x128xf32, #tpu.memory_space<hbm>> -> memref<10000x128xf32, #tpu.memory_space<hbm>>
        tpu.enqueue_indirect_dma source(%dma_start3A_349 : memref<10000x128xf32, #tpu.memory_space<hbm>>) target(%arg9 : memref<128x128xf32, #tpu.memory_space<vmem>>) offsets(%dma_start3A_346 : memref<128xi32, #tpu.memory_space<vmem>>) semaphore(%arg13 : memref<!tpu.dma_semaphore, #tpu.memory_space<semaphore_mem>>)
        %dma_wait3A_350 = arith.constant 0 : i32
        %dma_wait3A_351 = tpu.memref_slice %arg11[%add3A_343, %dma_wait3A_350] : memref<16x128xi32, #tpu.memory_space<vmem>> -> memref<1x128xi32, #tpu.memory_space<vmem>>
        %dma_wait3A_352 = tpu.memref_squeeze %dma_wait3A_351 : memref<1x128xi32, #tpu.memory_space<vmem>> -> memref<128xi32, #tpu.memory_space<vmem>>
        %dma_wait3A_353 = arith.constant 0 : i32
        %dma_wait3A_354 = arith.constant 0 : i32
        %dma_wait3A_355 = tpu.memref_slice %arg5[%dma_wait3A_353, %dma_wait3A_354] : memref<10000x128xf32, #tpu.memory_space<hbm>> -> memref<10000x128xf32, #tpu.memory_space<hbm>>
        tpu.wait_indirect_dma semaphore(%arg13 : memref<!tpu.dma_semaphore, #tpu.memory_space<semaphore_mem>>) src(%dma_wait3A_355 : memref<10000x128xf32, #tpu.memory_space<hbm>>) dst(%arg9 : memref<128x128xf32, #tpu.memory_space<vmem>>)
        %add3A_356 = arith.constant 6 : i32
        %add3A_357 = arith.addi %mul3A_107, %add3A_356 : i32
        %dma_start3A_358 = arith.constant 0 : i32
        %dma_start3A_359 = arith.constant 0 : i32
        %dma_start3A_360 = tpu.memref_slice %arg12[%add3A_357, %dma_start3A_358, %dma_start3A_359] : memref<16x1x128xi32, #tpu.memory_space<vmem>> -> memref<1x1x128xi32, #tpu.memory_space<vmem>>
        %dma_start3A_361 = tpu.memref_squeeze %dma_start3A_360 : memref<1x1x128xi32, #tpu.memory_space<vmem>> -> memref<128xi32, #tpu.memory_space<vmem>>
        %dma_start3A_362 = arith.constant 0 : i32
        %dma_start3A_363 = arith.constant 0 : i32
        %dma_start3A_364 = tpu.memref_slice %arg8[%dma_start3A_362, %dma_start3A_363] : memref<10240x128xf32, #tpu.memory_space<vmem_shared>> -> memref<10240x128xf32, #tpu.memory_space<vmem_shared>>
        tpu.enqueue_indirect_dma source(%arg9 : memref<128x128xf32, #tpu.memory_space<vmem>>) target(%dma_start3A_364 : memref<10240x128xf32, #tpu.memory_space<vmem_shared>>) offsets(%dma_start3A_361 : memref<128xi32, #tpu.memory_space<vmem>>) semaphore(%arg14 : memref<!tpu.dma_semaphore, #tpu.memory_space<semaphore_mem>>) {add = true}
        %dma_wait3A_365 = arith.constant 0 : i32
        %dma_wait3A_366 = arith.constant 0 : i32
        %dma_wait3A_367 = tpu.memref_slice %arg12[%add3A_325, %dma_wait3A_365, %dma_wait3A_366] : memref<16x1x128xi32, #tpu.memory_space<vmem>> -> memref<1x1x128xi32, #tpu.memory_space<vmem>>
        %dma_wait3A_368 = tpu.memref_squeeze %dma_wait3A_367 : memref<1x1x128xi32, #tpu.memory_space<vmem>> -> memref<128xi32, #tpu.memory_space<vmem>>
        %dma_wait3A_369 = arith.constant 0 : i32
        %dma_wait3A_370 = arith.constant 0 : i32
        %dma_wait3A_371 = tpu.memref_slice %arg8[%dma_wait3A_369, %dma_wait3A_370] : memref<10240x128xf32, #tpu.memory_space<vmem_shared>> -> memref<10240x128xf32, #tpu.memory_space<vmem_shared>>
        tpu.wait_indirect_dma semaphore(%arg15 : memref<!tpu.dma_semaphore, #tpu.memory_space<semaphore_mem>>) src(%arg10 : memref<128x128xf32, #tpu.memory_space<vmem>>) dst(%dma_wait3A_371 : memref<10240x128xf32, #tpu.memory_space<vmem_shared>>)
        %add3A_372 = arith.constant 6 : i32
        %add3A_373 = arith.addi %mul3A_107, %add3A_372 : i32
        %add3A_374 = arith.constant 1 : i32
        %add3A_375 = arith.addi %add3A_373, %add3A_374 : i32
        %dma_start3A_376 = arith.constant 0 : i32
        %dma_start3A_377 = tpu.memref_slice %arg11[%add3A_375, %dma_start3A_376] : memref<16x128xi32, #tpu.memory_space<vmem>> -> memref<1x128xi32, #tpu.memory_space<vmem>>
        %dma_start3A_378 = tpu.memref_squeeze %dma_start3A_377 : memref<1x128xi32, #tpu.memory_space<vmem>> -> memref<128xi32, #tpu.memory_space<vmem>>
        %dma_start3A_379 = arith.constant 0 : i32
        %dma_start3A_380 = arith.constant 0 : i32
        %dma_start3A_381 = tpu.memref_slice %arg5[%dma_start3A_379, %dma_start3A_380] : memref<10000x128xf32, #tpu.memory_space<hbm>> -> memref<10000x128xf32, #tpu.memory_space<hbm>>
        tpu.enqueue_indirect_dma source(%dma_start3A_381 : memref<10000x128xf32, #tpu.memory_space<hbm>>) target(%arg10 : memref<128x128xf32, #tpu.memory_space<vmem>>) offsets(%dma_start3A_378 : memref<128xi32, #tpu.memory_space<vmem>>) semaphore(%arg13 : memref<!tpu.dma_semaphore, #tpu.memory_space<semaphore_mem>>)
        %dma_wait3A_382 = arith.constant 0 : i32
        %dma_wait3A_383 = tpu.memref_slice %arg11[%add3A_375, %dma_wait3A_382] : memref<16x128xi32, #tpu.memory_space<vmem>> -> memref<1x128xi32, #tpu.memory_space<vmem>>
        %dma_wait3A_384 = tpu.memref_squeeze %dma_wait3A_383 : memref<1x128xi32, #tpu.memory_space<vmem>> -> memref<128xi32, #tpu.memory_space<vmem>>
        %dma_wait3A_385 = arith.constant 0 : i32
        %dma_wait3A_386 = arith.constant 0 : i32
        %dma_wait3A_387 = tpu.memref_slice %arg5[%dma_wait3A_385, %dma_wait3A_386] : memref<10000x128xf32, #tpu.memory_space<hbm>> -> memref<10000x128xf32, #tpu.memory_space<hbm>>
        tpu.wait_indirect_dma semaphore(%arg13 : memref<!tpu.dma_semaphore, #tpu.memory_space<semaphore_mem>>) src(%dma_wait3A_387 : memref<10000x128xf32, #tpu.memory_space<hbm>>) dst(%arg10 : memref<128x128xf32, #tpu.memory_space<vmem>>)
        %add3A_388 = arith.constant 7 : i32
        %add3A_389 = arith.addi %mul3A_107, %add3A_388 : i32
        %dma_start3A_390 = arith.constant 0 : i32
        %dma_start3A_391 = arith.constant 0 : i32
        %dma_start3A_392 = tpu.memref_slice %arg12[%add3A_389, %dma_start3A_390, %dma_start3A_391] : memref<16x1x128xi32, #tpu.memory_space<vmem>> -> memref<1x1x128xi32, #tpu.memory_space<vmem>>
        %dma_start3A_393 = tpu.memref_squeeze %dma_start3A_392 : memref<1x1x128xi32, #tpu.memory_space<vmem>> -> memref<128xi32, #tpu.memory_space<vmem>>
        %dma_start3A_394 = arith.constant 0 : i32
        %dma_start3A_395 = arith.constant 0 : i32
        %dma_start3A_396 = tpu.memref_slice %arg8[%dma_start3A_394, %dma_start3A_395] : memref<10240x128xf32, #tpu.memory_space<vmem_shared>> -> memref<10240x128xf32, #tpu.memory_space<vmem_shared>>
        tpu.enqueue_indirect_dma source(%arg10 : memref<128x128xf32, #tpu.memory_space<vmem>>) target(%dma_start3A_396 : memref<10240x128xf32, #tpu.memory_space<vmem_shared>>) offsets(%dma_start3A_393 : memref<128xi32, #tpu.memory_space<vmem>>) semaphore(%arg15 : memref<!tpu.dma_semaphore, #tpu.memory_space<semaphore_mem>>) {add = true}
        %dma_wait3A_397 = arith.constant 0 : i32
        %dma_wait3A_398 = arith.constant 0 : i32
        %dma_wait3A_399 = tpu.memref_slice %arg12[%add3A_357, %dma_wait3A_397, %dma_wait3A_398] : memref<16x1x128xi32, #tpu.memory_space<vmem>> -> memref<1x1x128xi32, #tpu.memory_space<vmem>>
        %dma_wait3A_400 = tpu.memref_squeeze %dma_wait3A_399 : memref<1x1x128xi32, #tpu.memory_space<vmem>> -> memref<128xi32, #tpu.memory_space<vmem>>
        %dma_wait3A_401 = arith.constant 0 : i32
        %dma_wait3A_402 = arith.constant 0 : i32
        %dma_wait3A_403 = tpu.memref_slice %arg8[%dma_wait3A_401, %dma_wait3A_402] : memref<10240x128xf32, #tpu.memory_space<vmem_shared>> -> memref<10240x128xf32, #tpu.memory_space<vmem_shared>>
        tpu.wait_indirect_dma semaphore(%arg14 : memref<!tpu.dma_semaphore, #tpu.memory_space<semaphore_mem>>) src(%arg9 : memref<128x128xf32, #tpu.memory_space<vmem>>) dst(%dma_wait3A_403 : memref<10240x128xf32, #tpu.memory_space<vmem_shared>>)
        %dma_wait3A_404 = arith.constant 0 : i32
        %dma_wait3A_405 = arith.constant 0 : i32
        %dma_wait3A_406 = tpu.memref_slice %arg12[%add3A_389, %dma_wait3A_404, %dma_wait3A_405] : memref<16x1x128xi32, #tpu.memory_space<vmem>> -> memref<1x1x128xi32, #tpu.memory_space<vmem>>
        %dma_wait3A_407 = tpu.memref_squeeze %dma_wait3A_406 : memref<1x1x128xi32, #tpu.memory_space<vmem>> -> memref<128xi32, #tpu.memory_space<vmem>>
        %dma_wait3A_408 = arith.constant 0 : i32
        %dma_wait3A_409 = arith.constant 0 : i32
        %dma_wait3A_410 = tpu.memref_slice %arg8[%dma_wait3A_408, %dma_wait3A_409] : memref<10240x128xf32, #tpu.memory_space<vmem_shared>> -> memref<10240x128xf32, #tpu.memory_space<vmem_shared>>
        tpu.wait_indirect_dma semaphore(%arg15 : memref<!tpu.dma_semaphore, #tpu.memory_space<semaphore_mem>>) src(%arg10 : memref<128x128xf32, #tpu.memory_space<vmem>>) dst(%dma_wait3A_410 : memref<10240x128xf32, #tpu.memory_space<vmem_shared>>)
        %scan3A_411 = arith.constant 0 : i32
        scf.yield %scan3A_411 : i32
      }
      %scan3A_93 = arith.constant 10 : i32
    } else {
    }
    %barrier3A_25 = arith.constant 0 : index
    tpu.barrier barrier_id(%barrier3A_25)
    %mul3A_26 = arith.constant 640 : i32
    %mul3A_27 = arith.muli %arg1, %mul3A_26 : i32
    %add3A_28 = arith.constant 0 : i32
    %add3A_29 = arith.addi %mul3A_27, %add3A_28 : i32
    %mul3A_30 = arith.constant 10240 : i32
    %mul3A_31 = arith.muli %arg0, %mul3A_30 : i32
    %add3A_32 = arith.addi %mul3A_31, %add3A_29 : i32
    "tpu.region"() ({
      %run_scoped3A = tpu.sem_alloc : memref<!tpu.dma_semaphore, #tpu.memory_space<semaphore_mem>>
      %dma_start3A = arith.constant 0 : i32
      %dma_start3A_61 = tpu.memref_slice %arg7[%add3A_32, %dma_start3A] : memref<20480x128xf32, #tpu.memory_space<hbm>> -> memref<128x128xf32, #tpu.memory_space<hbm>>
      %dma_start3A_62 = arith.constant 0 : i32
      %dma_start3A_63 = tpu.memref_slice %arg8[%add3A_29, %dma_start3A_62] : memref<10240x128xf32, #tpu.memory_space<vmem_shared>> -> memref<128x128xf32, #tpu.memory_space<vmem_shared>>
      tpu.enqueue_dma source(%dma_start3A_63 : memref<128x128xf32, #tpu.memory_space<vmem_shared>>) target(%dma_start3A_61 : memref<128x128xf32, #tpu.memory_space<hbm>>) target_semaphore(%run_scoped3A : memref<!tpu.dma_semaphore, #tpu.memory_space<semaphore_mem>>)
      %dma_wait3A = arith.constant 0 : i32
      %dma_wait3A_64 = tpu.memref_slice %arg7[%add3A_32, %dma_wait3A] : memref<20480x128xf32, #tpu.memory_space<hbm>> -> memref<128x128xf32, #tpu.memory_space<hbm>>
      %dma_wait3A_65 = arith.constant 0 : i32
      %dma_wait3A_66 = tpu.memref_slice %arg8[%add3A_29, %dma_wait3A_65] : memref<10240x128xf32, #tpu.memory_space<vmem_shared>> -> memref<128x128xf32, #tpu.memory_space<vmem_shared>>
      tpu.wait_dma2 semaphore(%run_scoped3A : memref<!tpu.dma_semaphore, #tpu.memory_space<semaphore_mem>>) src(%dma_wait3A_66 : memref<128x128xf32, #tpu.memory_space<vmem_shared>>) dst(%dma_wait3A_64 : memref<128x128xf32, #tpu.memory_space<hbm>>)
      tpu.yield
    }) : () -> ()
    %mul3A_33 = arith.constant 640 : i32
    %mul3A_34 = arith.muli %arg1, %mul3A_33 : i32
    %add3A_35 = arith.constant 128 : i32
    %add3A_36 = arith.addi %mul3A_34, %add3A_35 : i32
    %mul3A_37 = arith.constant 10240 : i32
    %mul3A_38 = arith.muli %arg0, %mul3A_37 : i32
    %add3A_39 = arith.addi %mul3A_38, %add3A_36 : i32
    "tpu.region"() ({
      %run_scoped3A = tpu.sem_alloc : memref<!tpu.dma_semaphore, #tpu.memory_space<semaphore_mem>>
      %dma_start3A = arith.constant 0 : i32
      %dma_start3A_61 = tpu.memref_slice %arg7[%add3A_39, %dma_start3A] : memref<20480x128xf32, #tpu.memory_space<hbm>> -> memref<128x128xf32, #tpu.memory_space<hbm>>
      %dma_start3A_62 = arith.constant 0 : i32
      %dma_start3A_63 = tpu.memref_slice %arg8[%add3A_36, %dma_start3A_62] : memref<10240x128xf32, #tpu.memory_space<vmem_shared>> -> memref<128x128xf32, #tpu.memory_space<vmem_shared>>
      tpu.enqueue_dma source(%dma_start3A_63 : memref<128x128xf32, #tpu.memory_space<vmem_shared>>) target(%dma_start3A_61 : memref<128x128xf32, #tpu.memory_space<hbm>>) target_semaphore(%run_scoped3A : memref<!tpu.dma_semaphore, #tpu.memory_space<semaphore_mem>>)
      %dma_wait3A = arith.constant 0 : i32
      %dma_wait3A_64 = tpu.memref_slice %arg7[%add3A_39, %dma_wait3A] : memref<20480x128xf32, #tpu.memory_space<hbm>> -> memref<128x128xf32, #tpu.memory_space<hbm>>
      %dma_wait3A_65 = arith.constant 0 : i32
      %dma_wait3A_66 = tpu.memref_slice %arg8[%add3A_36, %dma_wait3A_65] : memref<10240x128xf32, #tpu.memory_space<vmem_shared>> -> memref<128x128xf32, #tpu.memory_space<vmem_shared>>
      tpu.wait_dma2 semaphore(%run_scoped3A : memref<!tpu.dma_semaphore, #tpu.memory_space<semaphore_mem>>) src(%dma_wait3A_66 : memref<128x128xf32, #tpu.memory_space<vmem_shared>>) dst(%dma_wait3A_64 : memref<128x128xf32, #tpu.memory_space<hbm>>)
      tpu.yield
    }) : () -> ()
    %mul3A_40 = arith.constant 640 : i32
    %mul3A_41 = arith.muli %arg1, %mul3A_40 : i32
    %add3A_42 = arith.constant 256 : i32
    %add3A_43 = arith.addi %mul3A_41, %add3A_42 : i32
    %mul3A_44 = arith.constant 10240 : i32
    %mul3A_45 = arith.muli %arg0, %mul3A_44 : i32
    %add3A_46 = arith.addi %mul3A_45, %add3A_43 : i32
    "tpu.region"() ({
      %run_scoped3A = tpu.sem_alloc : memref<!tpu.dma_semaphore, #tpu.memory_space<semaphore_mem>>
      %dma_start3A = arith.constant 0 : i32
      %dma_start3A_61 = tpu.memref_slice %arg7[%add3A_46, %dma_start3A] : memref<20480x128xf32, #tpu.memory_space<hbm>> -> memref<128x128xf32, #tpu.memory_space<hbm>>
      %dma_start3A_62 = arith.constant 0 : i32
      %dma_start3A_63 = tpu.memref_slice %arg8[%add3A_43, %dma_start3A_62] : memref<10240x128xf32, #tpu.memory_space<vmem_shared>> -> memref<128x128xf32, #tpu.memory_space<vmem_shared>>
      tpu.enqueue_dma source(%dma_start3A_63 : memref<128x128xf32, #tpu.memory_space<vmem_shared>>) target(%dma_start3A_61 : memref<128x128xf32, #tpu.memory_space<hbm>>) target_semaphore(%run_scoped3A : memref<!tpu.dma_semaphore, #tpu.memory_space<semaphore_mem>>)
      %dma_wait3A = arith.constant 0 : i32
      %dma_wait3A_64 = tpu.memref_slice %arg7[%add3A_46, %dma_wait3A] : memref<20480x128xf32, #tpu.memory_space<hbm>> -> memref<128x128xf32, #tpu.memory_space<hbm>>
      %dma_wait3A_65 = arith.constant 0 : i32
      %dma_wait3A_66 = tpu.memref_slice %arg8[%add3A_43, %dma_wait3A_65] : memref<10240x128xf32, #tpu.memory_space<vmem_shared>> -> memref<128x128xf32, #tpu.memory_space<vmem_shared>>
      tpu.wait_dma2 semaphore(%run_scoped3A : memref<!tpu.dma_semaphore, #tpu.memory_space<semaphore_mem>>) src(%dma_wait3A_66 : memref<128x128xf32, #tpu.memory_space<vmem_shared>>) dst(%dma_wait3A_64 : memref<128x128xf32, #tpu.memory_space<hbm>>)
      tpu.yield
    }) : () -> ()
    %mul3A_47 = arith.constant 640 : i32
    %mul3A_48 = arith.muli %arg1, %mul3A_47 : i32
    %add3A_49 = arith.constant 384 : i32
    %add3A_50 = arith.addi %mul3A_48, %add3A_49 : i32
    %mul3A_51 = arith.constant 10240 : i32
    %mul3A_52 = arith.muli %arg0, %mul3A_51 : i32
    %add3A_53 = arith.addi %mul3A_52, %add3A_50 : i32
    "tpu.region"() ({
      %run_scoped3A = tpu.sem_alloc : memref<!tpu.dma_semaphore, #tpu.memory_space<semaphore_mem>>
      %dma_start3A = arith.constant 0 : i32
      %dma_start3A_61 = tpu.memref_slice %arg7[%add3A_53, %dma_start3A] : memref<20480x128xf32, #tpu.memory_space<hbm>> -> memref<128x128xf32, #tpu.memory_space<hbm>>
      %dma_start3A_62 = arith.constant 0 : i32
      %dma_start3A_63 = tpu.memref_slice %arg8[%add3A_50, %dma_start3A_62] : memref<10240x128xf32, #tpu.memory_space<vmem_shared>> -> memref<128x128xf32, #tpu.memory_space<vmem_shared>>
      tpu.enqueue_dma source(%dma_start3A_63 : memref<128x128xf32, #tpu.memory_space<vmem_shared>>) target(%dma_start3A_61 : memref<128x128xf32, #tpu.memory_space<hbm>>) target_semaphore(%run_scoped3A : memref<!tpu.dma_semaphore, #tpu.memory_space<semaphore_mem>>)
      %dma_wait3A = arith.constant 0 : i32
      %dma_wait3A_64 = tpu.memref_slice %arg7[%add3A_53, %dma_wait3A] : memref<20480x128xf32, #tpu.memory_space<hbm>> -> memref<128x128xf32, #tpu.memory_space<hbm>>
      %dma_wait3A_65 = arith.constant 0 : i32
      %dma_wait3A_66 = tpu.memref_slice %arg8[%add3A_50, %dma_wait3A_65] : memref<10240x128xf32, #tpu.memory_space<vmem_shared>> -> memref<128x128xf32, #tpu.memory_space<vmem_shared>>
      tpu.wait_dma2 semaphore(%run_scoped3A : memref<!tpu.dma_semaphore, #tpu.memory_space<semaphore_mem>>) src(%dma_wait3A_66 : memref<128x128xf32, #tpu.memory_space<vmem_shared>>) dst(%dma_wait3A_64 : memref<128x128xf32, #tpu.memory_space<hbm>>)
      tpu.yield
    }) : () -> ()
    %mul3A_54 = arith.constant 640 : i32
    %mul3A_55 = arith.muli %arg1, %mul3A_54 : i32
    %add3A_56 = arith.constant 512 : i32
    %add3A_57 = arith.addi %mul3A_55, %add3A_56 : i32
    %mul3A_58 = arith.constant 10240 : i32
    %mul3A_59 = arith.muli %arg0, %mul3A_58 : i32
    %add3A_60 = arith.addi %mul3A_59, %add3A_57 : i32
    "tpu.region"() ({
      %run_scoped3A = tpu.sem_alloc : memref<!tpu.dma_semaphore, #tpu.memory_space<semaphore_mem>>
      %dma_start3A = arith.constant 0 : i32
      %dma_start3A_61 = tpu.memref_slice %arg7[%add3A_60, %dma_start3A] : memref<20480x128xf32, #tpu.memory_space<hbm>> -> memref<128x128xf32, #tpu.memory_space<hbm>>
      %dma_start3A_62 = arith.constant 0 : i32
      %dma_start3A_63 = tpu.memref_slice %arg8[%add3A_57, %dma_start3A_62] : memref<10240x128xf32, #tpu.memory_space<vmem_shared>> -> memref<128x128xf32, #tpu.memory_space<vmem_shared>>
      tpu.enqueue_dma source(%dma_start3A_63 : memref<128x128xf32, #tpu.memory_space<vmem_shared>>) target(%dma_start3A_61 : memref<128x128xf32, #tpu.memory_space<hbm>>) target_semaphore(%run_scoped3A : memref<!tpu.dma_semaphore, #tpu.memory_space<semaphore_mem>>)
      %dma_wait3A = arith.constant 0 : i32
      %dma_wait3A_64 = tpu.memref_slice %arg7[%add3A_60, %dma_wait3A] : memref<20480x128xf32, #tpu.memory_space<hbm>> -> memref<128x128xf32, #tpu.memory_space<hbm>>
      %dma_wait3A_65 = arith.constant 0 : i32
      %dma_wait3A_66 = tpu.memref_slice %arg8[%add3A_57, %dma_wait3A_65] : memref<10240x128xf32, #tpu.memory_space<vmem_shared>> -> memref<128x128xf32, #tpu.memory_space<vmem_shared>>
      tpu.wait_dma2 semaphore(%run_scoped3A : memref<!tpu.dma_semaphore, #tpu.memory_space<semaphore_mem>>) src(%dma_wait3A_66 : memref<128x128xf32, #tpu.memory_space<vmem_shared>>) dst(%dma_wait3A_64 : memref<128x128xf32, #tpu.memory_space<hbm>>)
      tpu.yield
    }) : () -> ()
    return
  }
}

#map = affine_map<(d0, d1) -> (0, 0)>
#map1 = affine_map<(d0, d1) -> (0, 0, 0)>
module attributes {stable_mosaic.version = 14 : i64} {
  func.func @conv(%arg0: i32, %arg1: i32, %arg2: memref<1280x128xi32, #tpu.memory_space<hbm>>, %arg3: memref<1280x1x128xi32, #tpu.memory_space<hbm>>, %arg4: memref<10000x128xf32, #tpu.memory_space<hbm>>, %arg5: memref<10000x128xf32, #tpu.memory_space<hbm>>, %arg6: memref<128x128xf32, #tpu.memory_space<hbm>>, %arg7: memref<20480x128xf32, #tpu.memory_space<hbm>>, %arg8: memref<10240x128xf32, #tpu.memory_space<vmem_shared>>, %arg9: memref<128x128xf32, #tpu.memory_space<vmem>>, %arg10: memref<128x128xf32, #tpu.memory_space<vmem>>, %arg11: memref<16x128xi32, #tpu.memory_space<vmem>>, %arg12: memref<16x1x128xi32, #tpu.memory_space<vmem>>, %arg13: memref<!tpu.dma_semaphore, #tpu.memory_space<semaphore_mem>>, %arg14: memref<!tpu.dma_semaphore, #tpu.memory_space<semaphore_mem>>, %arg15: memref<!tpu.dma_semaphore, #tpu.memory_space<semaphore_mem>>, %arg16: memref<!tpu.dma_semaphore, #tpu.memory_space<semaphore_mem>>, %arg17: memref<!tpu.dma_semaphore, #tpu.memory_space<semaphore_mem>>) attributes {dimension_semantics = [#tpu.dimension_semantics<core_parallel>, #tpu.dimension_semantics<subcore_parallel>], iteration_bounds = array<i64: 2, 16>, scalar_prefetch = 0 : i64, scratch_operands = 10 : i64, tpu.core_type = #tpu.core_type<sc_vector_subcore>, window_params = [{transform_indices = #map}, {transform_indices = #map1}, {transform_indices = #map}, {transform_indices = #map}, {transform_indices = #map}, {transform_indices = #map}]} {
    "tpu.region"() ({
      %run_scoped3A = tpu.sem_alloc : memref<!tpu.dma_semaphore, #tpu.memory_space<semaphore_mem>>
      tpu.enqueue_dma source(%arg6 : memref<128x128xf32, #tpu.memory_space<hbm>>) target(%arg9 : memref<128x128xf32, #tpu.memory_space<vmem>>) target_semaphore(%run_scoped3A : memref<!tpu.dma_semaphore, #tpu.memory_space<semaphore_mem>>)
      tpu.wait_dma2 semaphore(%run_scoped3A : memref<!tpu.dma_semaphore, #tpu.memory_space<semaphore_mem>>) src(%arg6 : memref<128x128xf32, #tpu.memory_space<hbm>>) dst(%arg9 : memref<128x128xf32, #tpu.memory_space<vmem>>)
      tpu.yield
    }) : () -> ()
    %mul3A = arith.constant 640 : i32
    %mul3A_0 = arith.muli %arg1, %mul3A : i32
    %add3A = arith.constant 0 : i32
    %add3A_1 = arith.addi %mul3A_0, %add3A : i32
    "tpu.region"() ({
      %run_scoped3A = tpu.sem_alloc : memref<!tpu.dma_semaphore, #tpu.memory_space<semaphore_mem>>
      %dma_start3A = arith.constant 0 : i32
      %dma_start3A_61 = tpu.memref_slice %arg8[%add3A_1, %dma_start3A] : memref<10240x128xf32, #tpu.memory_space<vmem_shared>> -> memref<128x128xf32, #tpu.memory_space<vmem_shared>>
      %dma_start3A_62 = arith.constant 0 : i32
      %dma_start3A_63 = tpu.memref_slice %arg8[%add3A_1, %dma_start3A_62] : memref<10240x128xf32, #tpu.memory_space<vmem_shared>> -> memref<128x128xf32, #tpu.memory_space<vmem_shared>>
      tpu.enqueue_dma source(%arg9 : memref<128x128xf32, #tpu.memory_space<vmem>>) target(%dma_start3A_63 : memref<128x128xf32, #tpu.memory_space<vmem_shared>>) target_semaphore(%run_scoped3A : memref<!tpu.dma_semaphore, #tpu.memory_space<semaphore_mem>>)
      %dma_wait3A = arith.constant 0 : i32
      %dma_wait3A_64 = tpu.memref_slice %arg8[%add3A_1, %dma_wait3A] : memref<10240x128xf32, #tpu.memory_space<vmem_shared>> -> memref<128x128xf32, #tpu.memory_space<vmem_shared>>
      %dma_wait3A_65 = arith.constant 0 : i32
      %dma_wait3A_66 = tpu.memref_slice %arg8[%add3A_1, %dma_wait3A_65] : memref<10240x128xf32, #tpu.memory_space<vmem_shared>> -> memref<128x128xf32, #tpu.memory_space<vmem_shared>>
      tpu.wait_dma2 semaphore(%run_scoped3A : memref<!tpu.dma_semaphore, #tpu.memory_space<semaphore_mem>>) src(%arg9 : memref<128x128xf32, #tpu.memory_space<vmem>>) dst(%dma_wait3A_66 : memref<128x128xf32, #tpu.memory_space<vmem_shared>>)
      tpu.yield
    }) : () -> ()
    %mul3A_2 = arith.constant 640 : i32
    %mul3A_3 = arith.muli %arg1, %mul3A_2 : i32
    %add3A_4 = arith.constant 128 : i32
    %add3A_5 = arith.addi %mul3A_3, %add3A_4 : i32
    "tpu.region"() ({
      %run_scoped3A = tpu.sem_alloc : memref<!tpu.dma_semaphore, #tpu.memory_space<semaphore_mem>>
      %dma_start3A = arith.constant 0 : i32
      %dma_start3A_61 = tpu.memref_slice %arg8[%add3A_5, %dma_start3A] : memref<10240x128xf32, #tpu.memory_space<vmem_shared>> -> memref<128x128xf32, #tpu.memory_space<vmem_shared>>
      %dma_start3A_62 = arith.constant 0 : i32
      %dma_start3A_63 = tpu.memref_slice %arg8[%add3A_5, %dma_start3A_62] : memref<10240x128xf32, #tpu.memory_space<vmem_shared>> -> memref<128x128xf32, #tpu.memory_space<vmem_shared>>
      tpu.enqueue_dma source(%arg9 : memref<128x128xf32, #tpu.memory_space<vmem>>) target(%dma_start3A_63 : memref<128x128xf32, #tpu.memory_space<vmem_shared>>) target_semaphore(%run_scoped3A : memref<!tpu.dma_semaphore, #tpu.memory_space<semaphore_mem>>)
      %dma_wait3A = arith.constant 0 : i32
      %dma_wait3A_64 = tpu.memref_slice %arg8[%add3A_5, %dma_wait3A] : memref<10240x128xf32, #tpu.memory_space<vmem_shared>> -> memref<128x128xf32, #tpu.memory_space<vmem_shared>>
      %dma_wait3A_65 = arith.constant 0 : i32
      %dma_wait3A_66 = tpu.memref_slice %arg8[%add3A_5, %dma_wait3A_65] : memref<10240x128xf32, #tpu.memory_space<vmem_shared>> -> memref<128x128xf32, #tpu.memory_space<vmem_shared>>
      tpu.wait_dma2 semaphore(%run_scoped3A : memref<!tpu.dma_semaphore, #tpu.memory_space<semaphore_mem>>) src(%arg9 : memref<128x128xf32, #tpu.memory_space<vmem>>) dst(%dma_wait3A_66 : memref<128x128xf32, #tpu.memory_space<vmem_shared>>)
      tpu.yield
    }) : () -> ()
    %mul3A_6 = arith.constant 640 : i32
    %mul3A_7 = arith.muli %arg1, %mul3A_6 : i32
    %add3A_8 = arith.constant 256 : i32
    %add3A_9 = arith.addi %mul3A_7, %add3A_8 : i32
    "tpu.region"() ({
      %run_scoped3A = tpu.sem_alloc : memref<!tpu.dma_semaphore, #tpu.memory_space<semaphore_mem>>
      %dma_start3A = arith.constant 0 : i32
      %dma_start3A_61 = tpu.memref_slice %arg8[%add3A_9, %dma_start3A] : memref<10240x128xf32, #tpu.memory_space<vmem_shared>> -> memref<128x128xf32, #tpu.memory_space<vmem_shared>>
      %dma_start3A_62 = arith.constant 0 : i32
      %dma_start3A_63 = tpu.memref_slice %arg8[%add3A_9, %dma_start3A_62] : memref<10240x128xf32, #tpu.memory_space<vmem_shared>> -> memref<128x128xf32, #tpu.memory_space<vmem_shared>>
      tpu.enqueue_dma source(%arg9 : memref<128x128xf32, #tpu.memory_space<vmem>>) target(%dma_start3A_63 : memref<128x128xf32, #tpu.memory_space<vmem_shared>>) target_semaphore(%run_scoped3A : memref<!tpu.dma_semaphore, #tpu.memory_space<semaphore_mem>>)
      %dma_wait3A = arith.constant 0 : i32
      %dma_wait3A_64 = tpu.memref_slice %arg8[%add3A_9, %dma_wait3A] : memref<10240x128xf32, #tpu.memory_space<vmem_shared>> -> memref<128x128xf32, #tpu.memory_space<vmem_shared>>
      %dma_wait3A_65 = arith.constant 0 : i32
      %dma_wait3A_66 = tpu.memref_slice %arg8[%add3A_9, %dma_wait3A_65] : memref<10240x128xf32, #tpu.memory_space<vmem_shared>> -> memref<128x128xf32, #tpu.memory_space<vmem_shared>>
      tpu.wait_dma2 semaphore(%run_scoped3A : memref<!tpu.dma_semaphore, #tpu.memory_space<semaphore_mem>>) src(%arg9 : memref<128x128xf32, #tpu.memory_space<vmem>>) dst(%dma_wait3A_66 : memref<128x128xf32, #tpu.memory_space<vmem_shared>>)
      tpu.yield
    }) : () -> ()
    %mul3A_10 = arith.constant 640 : i32
    %mul3A_11 = arith.muli %arg1, %mul3A_10 : i32
    %add3A_12 = arith.constant 384 : i32
    %add3A_13 = arith.addi %mul3A_11, %add3A_12 : i32
    "tpu.region"() ({
      %run_scoped3A = tpu.sem_alloc : memref<!tpu.dma_semaphore, #tpu.memory_space<semaphore_mem>>
      %dma_start3A = arith.constant 0 : i32
      %dma_start3A_61 = tpu.memref_slice %arg8[%add3A_13, %dma_start3A] : memref<10240x128xf32, #tpu.memory_space<vmem_shared>> -> memref<128x128xf32, #tpu.memory_space<vmem_shared>>
      %dma_start3A_62 = arith.constant 0 : i32
      %dma_start3A_63 = tpu.memref_slice %arg8[%add3A_13, %dma_start3A_62] : memref<10240x128xf32, #tpu.memory_space<vmem_shared>> -> memref<128x128xf32, #tpu.memory_space<vmem_shared>>
      tpu.enqueue_dma source(%arg9 : memref<128x128xf32, #tpu.memory_space<vmem>>) target(%dma_start3A_63 : memref<128x128xf32, #tpu.memory_space<vmem_shared>>) target_semaphore(%run_scoped3A : memref<!tpu.dma_semaphore, #tpu.memory_space<semaphore_mem>>)
      %dma_wait3A = arith.constant 0 : i32
      %dma_wait3A_64 = tpu.memref_slice %arg8[%add3A_13, %dma_wait3A] : memref<10240x128xf32, #tpu.memory_space<vmem_shared>> -> memref<128x128xf32, #tpu.memory_space<vmem_shared>>
      %dma_wait3A_65 = arith.constant 0 : i32
      %dma_wait3A_66 = tpu.memref_slice %arg8[%add3A_13, %dma_wait3A_65] : memref<10240x128xf32, #tpu.memory_space<vmem_shared>> -> memref<128x128xf32, #tpu.memory_space<vmem_shared>>
      tpu.wait_dma2 semaphore(%run_scoped3A : memref<!tpu.dma_semaphore, #tpu.memory_space<semaphore_mem>>) src(%arg9 : memref<128x128xf32, #tpu.memory_space<vmem>>) dst(%dma_wait3A_66 : memref<128x128xf32, #tpu.memory_space<vmem_shared>>)
      tpu.yield
    }) : () -> ()
    %mul3A_14 = arith.constant 640 : i32
    %mul3A_15 = arith.muli %arg1, %mul3A_14 : i32
    %add3A_16 = arith.constant 512 : i32
    %add3A_17 = arith.addi %mul3A_15, %add3A_16 : i32
    "tpu.region"() ({
      %run_scoped3A = tpu.sem_alloc : memref<!tpu.dma_semaphore, #tpu.memory_space<semaphore_mem>>
      %dma_start3A = arith.constant 0 : i32
      %dma_start3A_61 = tpu.memref_slice %arg8[%add3A_17, %dma_start3A] : memref<10240x128xf32, #tpu.memory_space<vmem_shared>> -> memref<128x128xf32, #tpu.memory_space<vmem_shared>>
      %dma_start3A_62 = arith.constant 0 : i32
      %dma_start3A_63 = tpu.memref_slice %arg8[%add3A_17, %dma_start3A_62] : memref<10240x128xf32, #tpu.memory_space<vmem_shared>> -> memref<128x128xf32, #tpu.memory_space<vmem_shared>>
      tpu.enqueue_dma source(%arg9 : memref<128x128xf32, #tpu.memory_space<vmem>>) target(%dma_start3A_63 : memref<128x128xf32, #tpu.memory_space<vmem_shared>>) target_semaphore(%run_scoped3A : memref<!tpu.dma_semaphore, #tpu.memory_space<semaphore_mem>>)
      %dma_wait3A = arith.constant 0 : i32
      %dma_wait3A_64 = tpu.memref_slice %arg8[%add3A_17, %dma_wait3A] : memref<10240x128xf32, #tpu.memory_space<vmem_shared>> -> memref<128x128xf32, #tpu.memory_space<vmem_shared>>
      %dma_wait3A_65 = arith.constant 0 : i32
      %dma_wait3A_66 = tpu.memref_slice %arg8[%add3A_17, %dma_wait3A_65] : memref<10240x128xf32, #tpu.memory_space<vmem_shared>> -> memref<128x128xf32, #tpu.memory_space<vmem_shared>>
      tpu.wait_dma2 semaphore(%run_scoped3A : memref<!tpu.dma_semaphore, #tpu.memory_space<semaphore_mem>>) src(%arg9 : memref<128x128xf32, #tpu.memory_space<vmem>>) dst(%dma_wait3A_66 : memref<128x128xf32, #tpu.memory_space<vmem_shared>>)
      tpu.yield
    }) : () -> ()
    %barrier3A = arith.constant 0 : index
    tpu.barrier barrier_id(%barrier3A)
    %eq3A = arith.constant 0 : i32
    %eq3A_18 = arith.cmpi eq, %arg0, %eq3A : i32
    %convert_element_type3A = arith.extui %eq3A_18 : i1 to i32
    %cond3A = arith.constant 0 : i32
    %cond3A_19 = arith.cmpi ne, %convert_element_type3A, %cond3A : i32
    scf.if %cond3A_19 {
      %mul3A_61 = arith.constant 80 : i32
      %mul3A_62 = arith.muli %arg1, %mul3A_61 : i32
      %add3A_63 = arith.constant 0 : i32
      %add3A_64 = arith.addi %mul3A_62, %add3A_63 : i32
      %dma_start3A = arith.constant 0 : i32
      %dma_start3A_65 = arith.constant 0 : i32
      %dma_start3A_66 = tpu.memref_slice %arg11[%dma_start3A, %dma_start3A_65] : memref<16x128xi32, #tpu.memory_space<vmem>> -> memref<8x128xi32, #tpu.memory_space<vmem>>
      %dma_start3A_67 = arith.constant 0 : i32
      %dma_start3A_68 = tpu.memref_slice %arg2[%add3A_64, %dma_start3A_67] : memref<1280x128xi32, #tpu.memory_space<hbm>> -> memref<8x128xi32, #tpu.memory_space<hbm>>
      %dma_start3A_69 = arith.constant 0 : i32
      %dma_start3A_70 = arith.constant 0 : i32
      %dma_start3A_71 = tpu.memref_slice %arg11[%dma_start3A_69, %dma_start3A_70] : memref<16x128xi32, #tpu.memory_space<vmem>> -> memref<8x128xi32, #tpu.memory_space<vmem>>
      %dma_start3A_72 = arith.constant 0 : i32
      %dma_start3A_73 = tpu.memref_slice %arg2[%add3A_64, %dma_start3A_72] : memref<1280x128xi32, #tpu.memory_space<hbm>> -> memref<8x128xi32, #tpu.memory_space<hbm>>
      tpu.enqueue_dma source(%dma_start3A_73 : memref<8x128xi32, #tpu.memory_space<hbm>>) target(%dma_start3A_71 : memref<8x128xi32, #tpu.memory_space<vmem>>) target_semaphore(%arg16 : memref<!tpu.dma_semaphore, #tpu.memory_space<semaphore_mem>>)
      %dma_start3A_74 = arith.constant 0 : i32
      %dma_start3A_75 = arith.constant 0 : i32
      %dma_start3A_76 = arith.constant 0 : i32
      %dma_start3A_77 = tpu.memref_slice %arg12[%dma_start3A_74, %dma_start3A_75, %dma_start3A_76] : memref<16x1x128xi32, #tpu.memory_space<vmem>> -> memref<8x1x128xi32, #tpu.memory_space<vmem>>
      %dma_start3A_78 = arith.constant 0 : i32
      %dma_start3A_79 = arith.constant 0 : i32
      %dma_start3A_80 = tpu.memref_slice %arg3[%add3A_64, %dma_start3A_78, %dma_start3A_79] : memref<1280x1x128xi32, #tpu.memory_space<hbm>> -> memref<8x1x128xi32, #tpu.memory_space<hbm>>
      %dma_start3A_81 = arith.constant 0 : i32
      %dma_start3A_82 = arith.constant 0 : i32
      %dma_start3A_83 = arith.constant 0 : i32
      %dma_start3A_84 = tpu.memref_slice %arg12[%dma_start3A_81, %dma_start3A_82, %dma_start3A_83] : memref<16x1x128xi32, #tpu.memory_space<vmem>> -> memref<8x1x128xi32, #tpu.memory_space<vmem>>
      %dma_start3A_85 = arith.constant 0 : i32
      %dma_start3A_86 = arith.constant 0 : i32
      %dma_start3A_87 = tpu.memref_slice %arg3[%add3A_64, %dma_start3A_85, %dma_start3A_86] : memref<1280x1x128xi32, #tpu.memory_space<hbm>> -> memref<8x1x128xi32, #tpu.memory_space<hbm>>
      tpu.enqueue_dma source(%dma_start3A_87 : memref<8x1x128xi32, #tpu.memory_space<hbm>>) target(%dma_start3A_84 : memref<8x1x128xi32, #tpu.memory_space<vmem>>) target_semaphore(%arg17 : memref<!tpu.dma_semaphore, #tpu.memory_space<semaphore_mem>>)
      %scan3A = arith.constant 0 : i32
      %scan3A_88 = arith.constant 0 : i32
      %scan3A_89 = arith.constant 10 : i32
      %scan3A_90 = arith.addi %scan3A_88, %scan3A_89 : i32
      %scan3A_91 = arith.constant 1 : i32
      %scan3A_92 = scf.for %scan3A_94 = %scan3A_88 to %scan3A_90 step %scan3A_91 iter_args(%scan3A_95 = %scan3A) -> (i32)  : i32 {
        %jit3A = arith.constant 2 : i32
        %eq3A_96 = arith.constant 0 : i32
        %eq3A_97 = arith.cmpi eq, %jit3A, %eq3A_96 : i32
        %jit3A_98 = arith.constant 1 : i32
        %select_n3A = arith.select %eq3A_97, %jit3A_98, %jit3A : i32
        %rem3A = arith.remsi %scan3A_94, %select_n3A : i32
        %ne3A = arith.constant 0 : i32
        %ne3A_99 = arith.cmpi ne, %rem3A, %ne3A : i32
        %lt3A = arith.constant 0 : i32
        %lt3A_100 = arith.cmpi slt, %rem3A, %lt3A : i32
        %lt3A_101 = arith.constant 0 : i32
        %lt3A_102 = arith.cmpi slt, %select_n3A, %lt3A_101 : i32
        %ne3A_103 = arith.xori %lt3A_100, %lt3A_102 : i1
        %and3A = arith.andi %ne3A_103, %ne3A_99 : i1
        %add3A_104 = arith.addi %rem3A, %select_n3A : i32
        %select_n3A_105 = arith.select %and3A, %add3A_104, %rem3A : i32
        %mul3A_106 = arith.constant 8 : i32
        %mul3A_107 = arith.muli %select_n3A_105, %mul3A_106 : i32
        %jit3A_108 = arith.constant 2 : i32
        %eq3A_109 = arith.constant 0 : i32
        %eq3A_110 = arith.cmpi eq, %jit3A_108, %eq3A_109 : i32
        %jit3A_111 = arith.constant 1 : i32
        %select_n3A_112 = arith.select %eq3A_110, %jit3A_111, %jit3A_108 : i32
        %rem3A_113 = arith.remsi %scan3A_94, %select_n3A_112 : i32
        %ne3A_114 = arith.constant 0 : i32
        %ne3A_115 = arith.cmpi ne, %rem3A_113, %ne3A_114 : i32
        %lt3A_116 = arith.constant 0 : i32
        %lt3A_117 = arith.cmpi slt, %rem3A_113, %lt3A_116 : i32
        %lt3A_118 = arith.constant 0 : i32
        %lt3A_119 = arith.cmpi slt, %select_n3A_112, %lt3A_118 : i32
        %ne3A_120 = arith.xori %lt3A_117, %lt3A_119 : i1
        %and3A_121 = arith.andi %ne3A_120, %ne3A_115 : i1
        %add3A_122 = arith.addi %rem3A_113, %select_n3A_112 : i32
        %select_n3A_123 = arith.select %and3A_121, %add3A_122, %rem3A_113 : i32
        %mul3A_124 = arith.constant 80 : i32
        %mul3A_125 = arith.muli %arg1, %mul3A_124 : i32
        %mul3A_126 = arith.constant 8 : i32
        %mul3A_127 = arith.muli %scan3A_94, %mul3A_126 : i32
        %add3A_128 = arith.addi %mul3A_125, %mul3A_127 : i32
        %mul3A_129 = arith.constant 8 : i32
        %mul3A_130 = arith.muli %select_n3A_123, %mul3A_129 : i32
        %mul3A_131 = arith.constant 8 : i32
        %mul3A_132 = arith.muli %select_n3A_123, %mul3A_131 : i32
        %dma_wait3A = arith.constant 0 : i32
        %dma_wait3A_133 = tpu.memref_slice %arg11[%mul3A_130, %dma_wait3A] : memref<16x128xi32, #tpu.memory_space<vmem>> -> memref<8x128xi32, #tpu.memory_space<vmem>>
        %dma_wait3A_134 = arith.constant 0 : i32
        %dma_wait3A_135 = tpu.memref_slice %arg2[%add3A_128, %dma_wait3A_134] : memref<1280x128xi32, #tpu.memory_space<hbm>> -> memref<8x128xi32, #tpu.memory_space<hbm>>
        %dma_wait3A_136 = arith.constant 0 : i32
        %dma_wait3A_137 = tpu.memref_slice %arg11[%mul3A_130, %dma_wait3A_136] : memref<16x128xi32, #tpu.memory_space<vmem>> -> memref<8x128xi32, #tpu.memory_space<vmem>>
        %dma_wait3A_138 = arith.constant 0 : i32
        %dma_wait3A_139 = tpu.memref_slice %arg2[%add3A_128, %dma_wait3A_138] : memref<1280x128xi32, #tpu.memory_space<hbm>> -> memref<8x128xi32, #tpu.memory_space<hbm>>
        tpu.wait_dma2 semaphore(%arg16 : memref<!tpu.dma_semaphore, #tpu.memory_space<semaphore_mem>>) src(%dma_wait3A_139 : memref<8x128xi32, #tpu.memory_space<hbm>>) dst(%dma_wait3A_137 : memref<8x128xi32, #tpu.memory_space<vmem>>)
        %dma_wait3A_140 = arith.constant 0 : i32
        %dma_wait3A_141 = arith.constant 0 : i32
        %dma_wait3A_142 = tpu.memref_slice %arg12[%mul3A_132, %dma_wait3A_140, %dma_wait3A_141] : memref<16x1x128xi32, #tpu.memory_space<vmem>> -> memref<8x1x128xi32, #tpu.memory_space<vmem>>
        %dma_wait3A_143 = arith.constant 0 : i32
        %dma_wait3A_144 = arith.constant 0 : i32
        %dma_wait3A_145 = tpu.memref_slice %arg3[%add3A_128, %dma_wait3A_143, %dma_wait3A_144] : memref<1280x1x128xi32, #tpu.memory_space<hbm>> -> memref<8x1x128xi32, #tpu.memory_space<hbm>>
        %dma_wait3A_146 = arith.constant 0 : i32
        %dma_wait3A_147 = arith.constant 0 : i32
        %dma_wait3A_148 = tpu.memref_slice %arg12[%mul3A_132, %dma_wait3A_146, %dma_wait3A_147] : memref<16x1x128xi32, #tpu.memory_space<vmem>> -> memref<8x1x128xi32, #tpu.memory_space<vmem>>
        %dma_wait3A_149 = arith.constant 0 : i32
        %dma_wait3A_150 = arith.constant 0 : i32
        %dma_wait3A_151 = tpu.memref_slice %arg3[%add3A_128, %dma_wait3A_149, %dma_wait3A_150] : memref<1280x1x128xi32, #tpu.memory_space<hbm>> -> memref<8x1x128xi32, #tpu.memory_space<hbm>>
        tpu.wait_dma2 semaphore(%arg17 : memref<!tpu.dma_semaphore, #tpu.memory_space<semaphore_mem>>) src(%dma_wait3A_151 : memref<8x1x128xi32, #tpu.memory_space<hbm>>) dst(%dma_wait3A_148 : memref<8x1x128xi32, #tpu.memory_space<vmem>>)
        %add3A_152 = arith.constant 1 : i32
        %add3A_153 = arith.addi %scan3A_94, %add3A_152 : i32
        %lt3A_154 = arith.constant 10 : i32
        %lt3A_155 = arith.cmpi slt, %add3A_153, %lt3A_154 : i32
        %convert_element_type3A_156 = arith.extui %lt3A_155 : i1 to i32
        %cond3A_157 = arith.constant 0 : i32
        %cond3A_158 = arith.cmpi ne, %convert_element_type3A_156, %cond3A_157 : i32
        scf.if %cond3A_158 {
          %add3A_412 = arith.constant 1 : i32
          %add3A_413 = arith.addi %scan3A_94, %add3A_412 : i32
          %add3A_414 = arith.constant 1 : i32
          %add3A_415 = arith.addi %scan3A_94, %add3A_414 : i32
          %jit3A_416 = arith.constant 2 : i32
          %eq3A_417 = arith.constant 0 : i32
          %eq3A_418 = arith.cmpi eq, %jit3A_416, %eq3A_417 : i32
          %jit3A_419 = arith.constant 1 : i32
          %select_n3A_420 = arith.select %eq3A_418, %jit3A_419, %jit3A_416 : i32
          %rem3A_421 = arith.remsi %add3A_415, %select_n3A_420 : i32
          %ne3A_422 = arith.constant 0 : i32
          %ne3A_423 = arith.cmpi ne, %rem3A_421, %ne3A_422 : i32
          %lt3A_424 = arith.constant 0 : i32
          %lt3A_425 = arith.cmpi slt, %rem3A_421, %lt3A_424 : i32
          %lt3A_426 = arith.constant 0 : i32
          %lt3A_427 = arith.cmpi slt, %select_n3A_420, %lt3A_426 : i32
          %ne3A_428 = arith.xori %lt3A_425, %lt3A_427 : i1
          %and3A_429 = arith.andi %ne3A_428, %ne3A_423 : i1
          %add3A_430 = arith.addi %rem3A_421, %select_n3A_420 : i32
          %select_n3A_431 = arith.select %and3A_429, %add3A_430, %rem3A_421 : i32
          %mul3A_432 = arith.constant 80 : i32
          %mul3A_433 = arith.muli %arg1, %mul3A_432 : i32
          %mul3A_434 = arith.constant 8 : i32
          %mul3A_435 = arith.muli %add3A_413, %mul3A_434 : i32
          %add3A_436 = arith.addi %mul3A_433, %mul3A_435 : i32
          %mul3A_437 = arith.constant 8 : i32
          %mul3A_438 = arith.muli %select_n3A_431, %mul3A_437 : i32
          %mul3A_439 = arith.constant 8 : i32
          %mul3A_440 = arith.muli %select_n3A_431, %mul3A_439 : i32
          %dma_start3A_441 = arith.constant 0 : i32
          %dma_start3A_442 = tpu.memref_slice %arg11[%mul3A_438, %dma_start3A_441] : memref<16x128xi32, #tpu.memory_space<vmem>> -> memref<8x128xi32, #tpu.memory_space<vmem>>
          %dma_start3A_443 = arith.constant 0 : i32
          %dma_start3A_444 = tpu.memref_slice %arg2[%add3A_436, %dma_start3A_443] : memref<1280x128xi32, #tpu.memory_space<hbm>> -> memref<8x128xi32, #tpu.memory_space<hbm>>
          %dma_start3A_445 = arith.constant 0 : i32
          %dma_start3A_446 = tpu.memref_slice %arg11[%mul3A_438, %dma_start3A_445] : memref<16x128xi32, #tpu.memory_space<vmem>> -> memref<8x128xi32, #tpu.memory_space<vmem>>
          %dma_start3A_447 = arith.constant 0 : i32
          %dma_start3A_448 = tpu.memref_slice %arg2[%add3A_436, %dma_start3A_447] : memref<1280x128xi32, #tpu.memory_space<hbm>> -> memref<8x128xi32, #tpu.memory_space<hbm>>
          tpu.enqueue_dma source(%dma_start3A_448 : memref<8x128xi32, #tpu.memory_space<hbm>>) target(%dma_start3A_446 : memref<8x128xi32, #tpu.memory_space<vmem>>) target_semaphore(%arg16 : memref<!tpu.dma_semaphore, #tpu.memory_space<semaphore_mem>>)
          %dma_start3A_449 = arith.constant 0 : i32
          %dma_start3A_450 = arith.constant 0 : i32
          %dma_start3A_451 = tpu.memref_slice %arg12[%mul3A_440, %dma_start3A_449, %dma_start3A_450] : memref<16x1x128xi32, #tpu.memory_space<vmem>> -> memref<8x1x128xi32, #tpu.memory_space<vmem>>
          %dma_start3A_452 = arith.constant 0 : i32
          %dma_start3A_453 = arith.constant 0 : i32
          %dma_start3A_454 = tpu.memref_slice %arg3[%add3A_436, %dma_start3A_452, %dma_start3A_453] : memref<1280x1x128xi32, #tpu.memory_space<hbm>> -> memref<8x1x128xi32, #tpu.memory_space<hbm>>
          %dma_start3A_455 = arith.constant 0 : i32
          %dma_start3A_456 = arith.constant 0 : i32
          %dma_start3A_457 = tpu.memref_slice %arg12[%mul3A_440, %dma_start3A_455, %dma_start3A_456] : memref<16x1x128xi32, #tpu.memory_space<vmem>> -> memref<8x1x128xi32, #tpu.memory_space<vmem>>
          %dma_start3A_458 = arith.constant 0 : i32
          %dma_start3A_459 = arith.constant 0 : i32
          %dma_start3A_460 = tpu.memref_slice %arg3[%add3A_436, %dma_start3A_458, %dma_start3A_459] : memref<1280x1x128xi32, #tpu.memory_space<hbm>> -> memref<8x1x128xi32, #tpu.memory_space<hbm>>
          tpu.enqueue_dma source(%dma_start3A_460 : memref<8x1x128xi32, #tpu.memory_space<hbm>>) target(%dma_start3A_457 : memref<8x1x128xi32, #tpu.memory_space<vmem>>) target_semaphore(%arg17 : memref<!tpu.dma_semaphore, #tpu.memory_space<semaphore_mem>>)
        } else {
        }
        %dma_start3A_159 = arith.constant 0 : i32
        %dma_start3A_160 = tpu.memref_slice %arg11[%mul3A_107, %dma_start3A_159] : memref<16x128xi32, #tpu.memory_space<vmem>> -> memref<1x128xi32, #tpu.memory_space<vmem>>
        %dma_start3A_161 = tpu.memref_squeeze %dma_start3A_160 : memref<1x128xi32, #tpu.memory_space<vmem>> -> memref<128xi32, #tpu.memory_space<vmem>>
        %dma_start3A_162 = arith.constant 0 : i32
        %dma_start3A_163 = arith.constant 0 : i32
        %dma_start3A_164 = tpu.memref_slice %arg4[%dma_start3A_162, %dma_start3A_163] : memref<10000x128xf32, #tpu.memory_space<hbm>> -> memref<10000x128xf32, #tpu.memory_space<hbm>>
        tpu.enqueue_indirect_dma source(%dma_start3A_164 : memref<10000x128xf32, #tpu.memory_space<hbm>>) target(%arg9 : memref<128x128xf32, #tpu.memory_space<vmem>>) offsets(%dma_start3A_161 : memref<128xi32, #tpu.memory_space<vmem>>) semaphore(%arg13 : memref<!tpu.dma_semaphore, #tpu.memory_space<semaphore_mem>>)
        %dma_wait3A_165 = arith.constant 0 : i32
        %dma_wait3A_166 = tpu.memref_slice %arg11[%mul3A_107, %dma_wait3A_165] : memref<16x128xi32, #tpu.memory_space<vmem>> -> memref<1x128xi32, #tpu.memory_space<vmem>>
        %dma_wait3A_167 = tpu.memref_squeeze %dma_wait3A_166 : memref<1x128xi32, #tpu.memory_space<vmem>> -> memref<128xi32, #tpu.memory_space<vmem>>
        %dma_wait3A_168 = arith.constant 0 : i32
        %dma_wait3A_169 = arith.constant 0 : i32
        %dma_wait3A_170 = tpu.memref_slice %arg4[%dma_wait3A_168, %dma_wait3A_169] : memref<10000x128xf32, #tpu.memory_space<hbm>> -> memref<10000x128xf32, #tpu.memory_space<hbm>>
        tpu.wait_indirect_dma semaphore(%arg13 : memref<!tpu.dma_semaphore, #tpu.memory_space<semaphore_mem>>) src(%dma_wait3A_170 : memref<10000x128xf32, #tpu.memory_space<hbm>>) dst(%arg9 : memref<128x128xf32, #tpu.memory_space<vmem>>)
        %add3A_171 = arith.constant 0 : i32
        %add3A_172 = arith.addi %mul3A_107, %add3A_171 : i32
        %dma_start3A_173 = arith.constant 0 : i32
        %dma_start3A_174 = arith.constant 0 : i32
        %dma_start3A_175 = tpu.memref_slice %arg12[%add3A_172, %dma_start3A_173, %dma_start3A_174] : memref<16x1x128xi32, #tpu.memory_space<vmem>> -> memref<1x1x128xi32, #tpu.memory_space<vmem>>
        %dma_start3A_176 = tpu.memref_squeeze %dma_start3A_175 : memref<1x1x128xi32, #tpu.memory_space<vmem>> -> memref<128xi32, #tpu.memory_space<vmem>>
        %dma_start3A_177 = arith.constant 0 : i32
        %dma_start3A_178 = arith.constant 0 : i32
        %dma_start3A_179 = tpu.memref_slice %arg8[%dma_start3A_177, %dma_start3A_178] : memref<10240x128xf32, #tpu.memory_space<vmem_shared>> -> memref<10240x128xf32, #tpu.memory_space<vmem_shared>>
        tpu.enqueue_indirect_dma source(%arg9 : memref<128x128xf32, #tpu.memory_space<vmem>>) target(%dma_start3A_179 : memref<10240x128xf32, #tpu.memory_space<vmem_shared>>) offsets(%dma_start3A_176 : memref<128xi32, #tpu.memory_space<vmem>>) semaphore(%arg14 : memref<!tpu.dma_semaphore, #tpu.memory_space<semaphore_mem>>) {add = true}
        %add3A_180 = arith.constant 0 : i32
        %add3A_181 = arith.addi %mul3A_107, %add3A_180 : i32
        %add3A_182 = arith.constant 1 : i32
        %add3A_183 = arith.addi %add3A_181, %add3A_182 : i32
        %dma_start3A_184 = arith.constant 0 : i32
        %dma_start3A_185 = tpu.memref_slice %arg11[%add3A_183, %dma_start3A_184] : memref<16x128xi32, #tpu.memory_space<vmem>> -> memref<1x128xi32, #tpu.memory_space<vmem>>
        %dma_start3A_186 = tpu.memref_squeeze %dma_start3A_185 : memref<1x128xi32, #tpu.memory_space<vmem>> -> memref<128xi32, #tpu.memory_space<vmem>>
        %dma_start3A_187 = arith.constant 0 : i32
        %dma_start3A_188 = arith.constant 0 : i32
        %dma_start3A_189 = tpu.memref_slice %arg4[%dma_start3A_187, %dma_start3A_188] : memref<10000x128xf32, #tpu.memory_space<hbm>> -> memref<10000x128xf32, #tpu.memory_space<hbm>>
        tpu.enqueue_indirect_dma source(%dma_start3A_189 : memref<10000x128xf32, #tpu.memory_space<hbm>>) target(%arg10 : memref<128x128xf32, #tpu.memory_space<vmem>>) offsets(%dma_start3A_186 : memref<128xi32, #tpu.memory_space<vmem>>) semaphore(%arg13 : memref<!tpu.dma_semaphore, #tpu.memory_space<semaphore_mem>>)
        %dma_wait3A_190 = arith.constant 0 : i32
        %dma_wait3A_191 = tpu.memref_slice %arg11[%add3A_183, %dma_wait3A_190] : memref<16x128xi32, #tpu.memory_space<vmem>> -> memref<1x128xi32, #tpu.memory_space<vmem>>
        %dma_wait3A_192 = tpu.memref_squeeze %dma_wait3A_191 : memref<1x128xi32, #tpu.memory_space<vmem>> -> memref<128xi32, #tpu.memory_space<vmem>>
        %dma_wait3A_193 = arith.constant 0 : i32
        %dma_wait3A_194 = arith.constant 0 : i32
        %dma_wait3A_195 = tpu.memref_slice %arg4[%dma_wait3A_193, %dma_wait3A_194] : memref<10000x128xf32, #tpu.memory_space<hbm>> -> memref<10000x128xf32, #tpu.memory_space<hbm>>
        tpu.wait_indirect_dma semaphore(%arg13 : memref<!tpu.dma_semaphore, #tpu.memory_space<semaphore_mem>>) src(%dma_wait3A_195 : memref<10000x128xf32, #tpu.memory_space<hbm>>) dst(%arg10 : memref<128x128xf32, #tpu.memory_space<vmem>>)
        %add3A_196 = arith.constant 1 : i32
        %add3A_197 = arith.addi %mul3A_107, %add3A_196 : i32
        %dma_start3A_198 = arith.constant 0 : i32
        %dma_start3A_199 = arith.constant 0 : i32
        %dma_start3A_200 = tpu.memref_slice %arg12[%add3A_197, %dma_start3A_198, %dma_start3A_199] : memref<16x1x128xi32, #tpu.memory_space<vmem>> -> memref<1x1x128xi32, #tpu.memory_space<vmem>>
        %dma_start3A_201 = tpu.memref_squeeze %dma_start3A_200 : memref<1x1x128xi32, #tpu.memory_space<vmem>> -> memref<128xi32, #tpu.memory_space<vmem>>
        %dma_start3A_202 = arith.constant 0 : i32
        %dma_start3A_203 = arith.constant 0 : i32
        %dma_start3A_204 = tpu.memref_slice %arg8[%dma_start3A_202, %dma_start3A_203] : memref<10240x128xf32, #tpu.memory_space<vmem_shared>> -> memref<10240x128xf32, #tpu.memory_space<vmem_shared>>
        tpu.enqueue_indirect_dma source(%arg10 : memref<128x128xf32, #tpu.memory_space<vmem>>) target(%dma_start3A_204 : memref<10240x128xf32, #tpu.memory_space<vmem_shared>>) offsets(%dma_start3A_201 : memref<128xi32, #tpu.memory_space<vmem>>) semaphore(%arg15 : memref<!tpu.dma_semaphore, #tpu.memory_space<semaphore_mem>>) {add = true}
        %dma_wait3A_205 = arith.constant 0 : i32
        %dma_wait3A_206 = arith.constant 0 : i32
        %dma_wait3A_207 = tpu.memref_slice %arg12[%add3A_172, %dma_wait3A_205, %dma_wait3A_206] : memref<16x1x128xi32, #tpu.memory_space<vmem>> -> memref<1x1x128xi32, #tpu.memory_space<vmem>>
        %dma_wait3A_208 = tpu.memref_squeeze %dma_wait3A_207 : memref<1x1x128xi32, #tpu.memory_space<vmem>> -> memref<128xi32, #tpu.memory_space<vmem>>
        %dma_wait3A_209 = arith.constant 0 : i32
        %dma_wait3A_210 = arith.constant 0 : i32
        %dma_wait3A_211 = tpu.memref_slice %arg8[%dma_wait3A_209, %dma_wait3A_210] : memref<10240x128xf32, #tpu.memory_space<vmem_shared>> -> memref<10240x128xf32, #tpu.memory_space<vmem_shared>>
        tpu.wait_indirect_dma semaphore(%arg14 : memref<!tpu.dma_semaphore, #tpu.memory_space<semaphore_mem>>) src(%arg9 : memref<128x128xf32, #tpu.memory_space<vmem>>) dst(%dma_wait3A_211 : memref<10240x128xf32, #tpu.memory_space<vmem_shared>>)
        %add3A_212 = arith.constant 1 : i32
        %add3A_213 = arith.addi %mul3A_107, %add3A_212 : i32
        %add3A_214 = arith.constant 1 : i32
        %add3A_215 = arith.addi %add3A_213, %add3A_214 : i32
        %dma_start3A_216 = arith.constant 0 : i32
        %dma_start3A_217 = tpu.memref_slice %arg11[%add3A_215, %dma_start3A_216] : memref<16x128xi32, #tpu.memory_space<vmem>> -> memref<1x128xi32, #tpu.memory_space<vmem>>
        %dma_start3A_218 = tpu.memref_squeeze %dma_start3A_217 : memref<1x128xi32, #tpu.memory_space<vmem>> -> memref<128xi32, #tpu.memory_space<vmem>>
        %dma_start3A_219 = arith.constant 0 : i32
        %dma_start3A_220 = arith.constant 0 : i32
        %dma_start3A_221 = tpu.memref_slice %arg4[%dma_start3A_219, %dma_start3A_220] : memref<10000x128xf32, #tpu.memory_space<hbm>> -> memref<10000x128xf32, #tpu.memory_space<hbm>>
        tpu.enqueue_indirect_dma source(%dma_start3A_221 : memref<10000x128xf32, #tpu.memory_space<hbm>>) target(%arg9 : memref<128x128xf32, #tpu.memory_space<vmem>>) offsets(%dma_start3A_218 : memref<128xi32, #tpu.memory_space<vmem>>) semaphore(%arg13 : memref<!tpu.dma_semaphore, #tpu.memory_space<semaphore_mem>>)
        %dma_wait3A_222 = arith.constant 0 : i32
        %dma_wait3A_223 = tpu.memref_slice %arg11[%add3A_215, %dma_wait3A_222] : memref<16x128xi32, #tpu.memory_space<vmem>> -> memref<1x128xi32, #tpu.memory_space<vmem>>
        %dma_wait3A_224 = tpu.memref_squeeze %dma_wait3A_223 : memref<1x128xi32, #tpu.memory_space<vmem>> -> memref<128xi32, #tpu.memory_space<vmem>>
        %dma_wait3A_225 = arith.constant 0 : i32
        %dma_wait3A_226 = arith.constant 0 : i32
        %dma_wait3A_227 = tpu.memref_slice %arg4[%dma_wait3A_225, %dma_wait3A_226] : memref<10000x128xf32, #tpu.memory_space<hbm>> -> memref<10000x128xf32, #tpu.memory_space<hbm>>
        tpu.wait_indirect_dma semaphore(%arg13 : memref<!tpu.dma_semaphore, #tpu.memory_space<semaphore_mem>>) src(%dma_wait3A_227 : memref<10000x128xf32, #tpu.memory_space<hbm>>) dst(%arg9 : memref<128x128xf32, #tpu.memory_space<vmem>>)
        %add3A_228 = arith.constant 2 : i32
        %add3A_229 = arith.addi %mul3A_107, %add3A_228 : i32
        %dma_start3A_230 = arith.constant 0 : i32
        %dma_start3A_231 = arith.constant 0 : i32
        %dma_start3A_232 = tpu.memref_slice %arg12[%add3A_229, %dma_start3A_230, %dma_start3A_231] : memref<16x1x128xi32, #tpu.memory_space<vmem>> -> memref<1x1x128xi32, #tpu.memory_space<vmem>>
        %dma_start3A_233 = tpu.memref_squeeze %dma_start3A_232 : memref<1x1x128xi32, #tpu.memory_space<vmem>> -> memref<128xi32, #tpu.memory_space<vmem>>
        %dma_start3A_234 = arith.constant 0 : i32
        %dma_start3A_235 = arith.constant 0 : i32
        %dma_start3A_236 = tpu.memref_slice %arg8[%dma_start3A_234, %dma_start3A_235] : memref<10240x128xf32, #tpu.memory_space<vmem_shared>> -> memref<10240x128xf32, #tpu.memory_space<vmem_shared>>
        tpu.enqueue_indirect_dma source(%arg9 : memref<128x128xf32, #tpu.memory_space<vmem>>) target(%dma_start3A_236 : memref<10240x128xf32, #tpu.memory_space<vmem_shared>>) offsets(%dma_start3A_233 : memref<128xi32, #tpu.memory_space<vmem>>) semaphore(%arg14 : memref<!tpu.dma_semaphore, #tpu.memory_space<semaphore_mem>>) {add = true}
        %dma_wait3A_237 = arith.constant 0 : i32
        %dma_wait3A_238 = arith.constant 0 : i32
        %dma_wait3A_239 = tpu.memref_slice %arg12[%add3A_197, %dma_wait3A_237, %dma_wait3A_238] : memref<16x1x128xi32, #tpu.memory_space<vmem>> -> memref<1x1x128xi32, #tpu.memory_space<vmem>>
        %dma_wait3A_240 = tpu.memref_squeeze %dma_wait3A_239 : memref<1x1x128xi32, #tpu.memory_space<vmem>> -> memref<128xi32, #tpu.memory_space<vmem>>
        %dma_wait3A_241 = arith.constant 0 : i32
        %dma_wait3A_242 = arith.constant 0 : i32
        %dma_wait3A_243 = tpu.memref_slice %arg8[%dma_wait3A_241, %dma_wait3A_242] : memref<10240x128xf32, #tpu.memory_space<vmem_shared>> -> memref<10240x128xf32, #tpu.memory_space<vmem_shared>>
        tpu.wait_indirect_dma semaphore(%arg15 : memref<!tpu.dma_semaphore, #tpu.memory_space<semaphore_mem>>) src(%arg10 : memref<128x128xf32, #tpu.memory_space<vmem>>) dst(%dma_wait3A_243 : memref<10240x128xf32, #tpu.memory_space<vmem_shared>>)
        %add3A_244 = arith.constant 2 : i32
        %add3A_245 = arith.addi %mul3A_107, %add3A_244 : i32
        %add3A_246 = arith.constant 1 : i32
        %add3A_247 = arith.addi %add3A_245, %add3A_246 : i32
        %dma_start3A_248 = arith.constant 0 : i32
        %dma_start3A_249 = tpu.memref_slice %arg11[%add3A_247, %dma_start3A_248] : memref<16x128xi32, #tpu.memory_space<vmem>> -> memref<1x128xi32, #tpu.memory_space<vmem>>
        %dma_start3A_250 = tpu.memref_squeeze %dma_start3A_249 : memref<1x128xi32, #tpu.memory_space<vmem>> -> memref<128xi32, #tpu.memory_space<vmem>>
        %dma_start3A_251 = arith.constant 0 : i32
        %dma_start3A_252 = arith.constant 0 : i32
        %dma_start3A_253 = tpu.memref_slice %arg4[%dma_start3A_251, %dma_start3A_252] : memref<10000x128xf32, #tpu.memory_space<hbm>> -> memref<10000x128xf32, #tpu.memory_space<hbm>>
        tpu.enqueue_indirect_dma source(%dma_start3A_253 : memref<10000x128xf32, #tpu.memory_space<hbm>>) target(%arg10 : memref<128x128xf32, #tpu.memory_space<vmem>>) offsets(%dma_start3A_250 : memref<128xi32, #tpu.memory_space<vmem>>) semaphore(%arg13 : memref<!tpu.dma_semaphore, #tpu.memory_space<semaphore_mem>>)
        %dma_wait3A_254 = arith.constant 0 : i32
        %dma_wait3A_255 = tpu.memref_slice %arg11[%add3A_247, %dma_wait3A_254] : memref<16x128xi32, #tpu.memory_space<vmem>> -> memref<1x128xi32, #tpu.memory_space<vmem>>
        %dma_wait3A_256 = tpu.memref_squeeze %dma_wait3A_255 : memref<1x128xi32, #tpu.memory_space<vmem>> -> memref<128xi32, #tpu.memory_space<vmem>>
        %dma_wait3A_257 = arith.constant 0 : i32
        %dma_wait3A_258 = arith.constant 0 : i32
        %dma_wait3A_259 = tpu.memref_slice %arg4[%dma_wait3A_257, %dma_wait3A_258] : memref<10000x128xf32, #tpu.memory_space<hbm>> -> memref<10000x128xf32, #tpu.memory_space<hbm>>
        tpu.wait_indirect_dma semaphore(%arg13 : memref<!tpu.dma_semaphore, #tpu.memory_space<semaphore_mem>>) src(%dma_wait3A_259 : memref<10000x128xf32, #tpu.memory_space<hbm>>) dst(%arg10 : memref<128x128xf32, #tpu.memory_space<vmem>>)
        %add3A_260 = arith.constant 3 : i32
        %add3A_261 = arith.addi %mul3A_107, %add3A_260 : i32
        %dma_start3A_262 = arith.constant 0 : i32
        %dma_start3A_263 = arith.constant 0 : i32
        %dma_start3A_264 = tpu.memref_slice %arg12[%add3A_261, %dma_start3A_262, %dma_start3A_263] : memref<16x1x128xi32, #tpu.memory_space<vmem>> -> memref<1x1x128xi32, #tpu.memory_space<vmem>>
        %dma_start3A_265 = tpu.memref_squeeze %dma_start3A_264 : memref<1x1x128xi32, #tpu.memory_space<vmem>> -> memref<128xi32, #tpu.memory_space<vmem>>
        %dma_start3A_266 = arith.constant 0 : i32
        %dma_start3A_267 = arith.constant 0 : i32
        %dma_start3A_268 = tpu.memref_slice %arg8[%dma_start3A_266, %dma_start3A_267] : memref<10240x128xf32, #tpu.memory_space<vmem_shared>> -> memref<10240x128xf32, #tpu.memory_space<vmem_shared>>
        tpu.enqueue_indirect_dma source(%arg10 : memref<128x128xf32, #tpu.memory_space<vmem>>) target(%dma_start3A_268 : memref<10240x128xf32, #tpu.memory_space<vmem_shared>>) offsets(%dma_start3A_265 : memref<128xi32, #tpu.memory_space<vmem>>) semaphore(%arg15 : memref<!tpu.dma_semaphore, #tpu.memory_space<semaphore_mem>>) {add = true}
        %dma_wait3A_269 = arith.constant 0 : i32
        %dma_wait3A_270 = arith.constant 0 : i32
        %dma_wait3A_271 = tpu.memref_slice %arg12[%add3A_229, %dma_wait3A_269, %dma_wait3A_270] : memref<16x1x128xi32, #tpu.memory_space<vmem>> -> memref<1x1x128xi32, #tpu.memory_space<vmem>>
        %dma_wait3A_272 = tpu.memref_squeeze %dma_wait3A_271 : memref<1x1x128xi32, #tpu.memory_space<vmem>> -> memref<128xi32, #tpu.memory_space<vmem>>
        %dma_wait3A_273 = arith.constant 0 : i32
        %dma_wait3A_274 = arith.constant 0 : i32
        %dma_wait3A_275 = tpu.memref_slice %arg8[%dma_wait3A_273, %dma_wait3A_274] : memref<10240x128xf32, #tpu.memory_space<vmem_shared>> -> memref<10240x128xf32, #tpu.memory_space<vmem_shared>>
        tpu.wait_indirect_dma semaphore(%arg14 : memref<!tpu.dma_semaphore, #tpu.memory_space<semaphore_mem>>) src(%arg9 : memref<128x128xf32, #tpu.memory_space<vmem>>) dst(%dma_wait3A_275 : memref<10240x128xf32, #tpu.memory_space<vmem_shared>>)
        %add3A_276 = arith.constant 3 : i32
        %add3A_277 = arith.addi %mul3A_107, %add3A_276 : i32
        %add3A_278 = arith.constant 1 : i32
        %add3A_279 = arith.addi %add3A_277, %add3A_278 : i32
        %dma_start3A_280 = arith.constant 0 : i32
        %dma_start3A_281 = tpu.memref_slice %arg11[%add3A_279, %dma_start3A_280] : memref<16x128xi32, #tpu.memory_space<vmem>> -> memref<1x128xi32, #tpu.memory_space<vmem>>
        %dma_start3A_282 = tpu.memref_squeeze %dma_start3A_281 : memref<1x128xi32, #tpu.memory_space<vmem>> -> memref<128xi32, #tpu.memory_space<vmem>>
        %dma_start3A_283 = arith.constant 0 : i32
        %dma_start3A_284 = arith.constant 0 : i32
        %dma_start3A_285 = tpu.memref_slice %arg4[%dma_start3A_283, %dma_start3A_284] : memref<10000x128xf32, #tpu.memory_space<hbm>> -> memref<10000x128xf32, #tpu.memory_space<hbm>>
        tpu.enqueue_indirect_dma source(%dma_start3A_285 : memref<10000x128xf32, #tpu.memory_space<hbm>>) target(%arg9 : memref<128x128xf32, #tpu.memory_space<vmem>>) offsets(%dma_start3A_282 : memref<128xi32, #tpu.memory_space<vmem>>) semaphore(%arg13 : memref<!tpu.dma_semaphore, #tpu.memory_space<semaphore_mem>>)
        %dma_wait3A_286 = arith.constant 0 : i32
        %dma_wait3A_287 = tpu.memref_slice %arg11[%add3A_279, %dma_wait3A_286] : memref<16x128xi32, #tpu.memory_space<vmem>> -> memref<1x128xi32, #tpu.memory_space<vmem>>
        %dma_wait3A_288 = tpu.memref_squeeze %dma_wait3A_287 : memref<1x128xi32, #tpu.memory_space<vmem>> -> memref<128xi32, #tpu.memory_space<vmem>>
        %dma_wait3A_289 = arith.constant 0 : i32
        %dma_wait3A_290 = arith.constant 0 : i32
        %dma_wait3A_291 = tpu.memref_slice %arg4[%dma_wait3A_289, %dma_wait3A_290] : memref<10000x128xf32, #tpu.memory_space<hbm>> -> memref<10000x128xf32, #tpu.memory_space<hbm>>
        tpu.wait_indirect_dma semaphore(%arg13 : memref<!tpu.dma_semaphore, #tpu.memory_space<semaphore_mem>>) src(%dma_wait3A_291 : memref<10000x128xf32, #tpu.memory_space<hbm>>) dst(%arg9 : memref<128x128xf32, #tpu.memory_space<vmem>>)
        %add3A_292 = arith.constant 4 : i32
        %add3A_293 = arith.addi %mul3A_107, %add3A_292 : i32
        %dma_start3A_294 = arith.constant 0 : i32
        %dma_start3A_295 = arith.constant 0 : i32
        %dma_start3A_296 = tpu.memref_slice %arg12[%add3A_293, %dma_start3A_294, %dma_start3A_295] : memref<16x1x128xi32, #tpu.memory_space<vmem>> -> memref<1x1x128xi32, #tpu.memory_space<vmem>>
        %dma_start3A_297 = tpu.memref_squeeze %dma_start3A_296 : memref<1x1x128xi32, #tpu.memory_space<vmem>> -> memref<128xi32, #tpu.memory_space<vmem>>
        %dma_start3A_298 = arith.constant 0 : i32
        %dma_start3A_299 = arith.constant 0 : i32
        %dma_start3A_300 = tpu.memref_slice %arg8[%dma_start3A_298, %dma_start3A_299] : memref<10240x128xf32, #tpu.memory_space<vmem_shared>> -> memref<10240x128xf32, #tpu.memory_space<vmem_shared>>
        tpu.enqueue_indirect_dma source(%arg9 : memref<128x128xf32, #tpu.memory_space<vmem>>) target(%dma_start3A_300 : memref<10240x128xf32, #tpu.memory_space<vmem_shared>>) offsets(%dma_start3A_297 : memref<128xi32, #tpu.memory_space<vmem>>) semaphore(%arg14 : memref<!tpu.dma_semaphore, #tpu.memory_space<semaphore_mem>>) {add = true}
        %dma_wait3A_301 = arith.constant 0 : i32
        %dma_wait3A_302 = arith.constant 0 : i32
        %dma_wait3A_303 = tpu.memref_slice %arg12[%add3A_261, %dma_wait3A_301, %dma_wait3A_302] : memref<16x1x128xi32, #tpu.memory_space<vmem>> -> memref<1x1x128xi32, #tpu.memory_space<vmem>>
        %dma_wait3A_304 = tpu.memref_squeeze %dma_wait3A_303 : memref<1x1x128xi32, #tpu.memory_space<vmem>> -> memref<128xi32, #tpu.memory_space<vmem>>
        %dma_wait3A_305 = arith.constant 0 : i32
        %dma_wait3A_306 = arith.constant 0 : i32
        %dma_wait3A_307 = tpu.memref_slice %arg8[%dma_wait3A_305, %dma_wait3A_306] : memref<10240x128xf32, #tpu.memory_space<vmem_shared>> -> memref<10240x128xf32, #tpu.memory_space<vmem_shared>>
        tpu.wait_indirect_dma semaphore(%arg15 : memref<!tpu.dma_semaphore, #tpu.memory_space<semaphore_mem>>) src(%arg10 : memref<128x128xf32, #tpu.memory_space<vmem>>) dst(%dma_wait3A_307 : memref<10240x128xf32, #tpu.memory_space<vmem_shared>>)
        %add3A_308 = arith.constant 4 : i32
        %add3A_309 = arith.addi %mul3A_107, %add3A_308 : i32
        %add3A_310 = arith.constant 1 : i32
        %add3A_311 = arith.addi %add3A_309, %add3A_310 : i32
        %dma_start3A_312 = arith.constant 0 : i32
        %dma_start3A_313 = tpu.memref_slice %arg11[%add3A_311, %dma_start3A_312] : memref<16x128xi32, #tpu.memory_space<vmem>> -> memref<1x128xi32, #tpu.memory_space<vmem>>
        %dma_start3A_314 = tpu.memref_squeeze %dma_start3A_313 : memref<1x128xi32, #tpu.memory_space<vmem>> -> memref<128xi32, #tpu.memory_space<vmem>>
        %dma_start3A_315 = arith.constant 0 : i32
        %dma_start3A_316 = arith.constant 0 : i32
        %dma_start3A_317 = tpu.memref_slice %arg4[%dma_start3A_315, %dma_start3A_316] : memref<10000x128xf32, #tpu.memory_space<hbm>> -> memref<10000x128xf32, #tpu.memory_space<hbm>>
        tpu.enqueue_indirect_dma source(%dma_start3A_317 : memref<10000x128xf32, #tpu.memory_space<hbm>>) target(%arg10 : memref<128x128xf32, #tpu.memory_space<vmem>>) offsets(%dma_start3A_314 : memref<128xi32, #tpu.memory_space<vmem>>) semaphore(%arg13 : memref<!tpu.dma_semaphore, #tpu.memory_space<semaphore_mem>>)
        %dma_wait3A_318 = arith.constant 0 : i32
        %dma_wait3A_319 = tpu.memref_slice %arg11[%add3A_311, %dma_wait3A_318] : memref<16x128xi32, #tpu.memory_space<vmem>> -> memref<1x128xi32, #tpu.memory_space<vmem>>
        %dma_wait3A_320 = tpu.memref_squeeze %dma_wait3A_319 : memref<1x128xi32, #tpu.memory_space<vmem>> -> memref<128xi32, #tpu.memory_space<vmem>>
        %dma_wait3A_321 = arith.constant 0 : i32
        %dma_wait3A_322 = arith.constant 0 : i32
        %dma_wait3A_323 = tpu.memref_slice %arg4[%dma_wait3A_321, %dma_wait3A_322] : memref<10000x128xf32, #tpu.memory_space<hbm>> -> memref<10000x128xf32, #tpu.memory_space<hbm>>
        tpu.wait_indirect_dma semaphore(%arg13 : memref<!tpu.dma_semaphore, #tpu.memory_space<semaphore_mem>>) src(%dma_wait3A_323 : memref<10000x128xf32, #tpu.memory_space<hbm>>) dst(%arg10 : memref<128x128xf32, #tpu.memory_space<vmem>>)
        %add3A_324 = arith.constant 5 : i32
        %add3A_325 = arith.addi %mul3A_107, %add3A_324 : i32
        %dma_start3A_326 = arith.constant 0 : i32
        %dma_start3A_327 = arith.constant 0 : i32
        %dma_start3A_328 = tpu.memref_slice %arg12[%add3A_325, %dma_start3A_326, %dma_start3A_327] : memref<16x1x128xi32, #tpu.memory_space<vmem>> -> memref<1x1x128xi32, #tpu.memory_space<vmem>>
        %dma_start3A_329 = tpu.memref_squeeze %dma_start3A_328 : memref<1x1x128xi32, #tpu.memory_space<vmem>> -> memref<128xi32, #tpu.memory_space<vmem>>
        %dma_start3A_330 = arith.constant 0 : i32
        %dma_start3A_331 = arith.constant 0 : i32
        %dma_start3A_332 = tpu.memref_slice %arg8[%dma_start3A_330, %dma_start3A_331] : memref<10240x128xf32, #tpu.memory_space<vmem_shared>> -> memref<10240x128xf32, #tpu.memory_space<vmem_shared>>
        tpu.enqueue_indirect_dma source(%arg10 : memref<128x128xf32, #tpu.memory_space<vmem>>) target(%dma_start3A_332 : memref<10240x128xf32, #tpu.memory_space<vmem_shared>>) offsets(%dma_start3A_329 : memref<128xi32, #tpu.memory_space<vmem>>) semaphore(%arg15 : memref<!tpu.dma_semaphore, #tpu.memory_space<semaphore_mem>>) {add = true}
        %dma_wait3A_333 = arith.constant 0 : i32
        %dma_wait3A_334 = arith.constant 0 : i32
        %dma_wait3A_335 = tpu.memref_slice %arg12[%add3A_293, %dma_wait3A_333, %dma_wait3A_334] : memref<16x1x128xi32, #tpu.memory_space<vmem>> -> memref<1x1x128xi32, #tpu.memory_space<vmem>>
        %dma_wait3A_336 = tpu.memref_squeeze %dma_wait3A_335 : memref<1x1x128xi32, #tpu.memory_space<vmem>> -> memref<128xi32, #tpu.memory_space<vmem>>
        %dma_wait3A_337 = arith.constant 0 : i32
        %dma_wait3A_338 = arith.constant 0 : i32
        %dma_wait3A_339 = tpu.memref_slice %arg8[%dma_wait3A_337, %dma_wait3A_338] : memref<10240x128xf32, #tpu.memory_space<vmem_shared>> -> memref<10240x128xf32, #tpu.memory_space<vmem_shared>>
        tpu.wait_indirect_dma semaphore(%arg14 : memref<!tpu.dma_semaphore, #tpu.memory_space<semaphore_mem>>) src(%arg9 : memref<128x128xf32, #tpu.memory_space<vmem>>) dst(%dma_wait3A_339 : memref<10240x128xf32, #tpu.memory_space<vmem_shared>>)
        %add3A_340 = arith.constant 5 : i32
        %add3A_341 = arith.addi %mul3A_107, %add3A_340 : i32
        %add3A_342 = arith.constant 1 : i32
        %add3A_343 = arith.addi %add3A_341, %add3A_342 : i32
        %dma_start3A_344 = arith.constant 0 : i32
        %dma_start3A_345 = tpu.memref_slice %arg11[%add3A_343, %dma_start3A_344] : memref<16x128xi32, #tpu.memory_space<vmem>> -> memref<1x128xi32, #tpu.memory_space<vmem>>
        %dma_start3A_346 = tpu.memref_squeeze %dma_start3A_345 : memref<1x128xi32, #tpu.memory_space<vmem>> -> memref<128xi32, #tpu.memory_space<vmem>>
        %dma_start3A_347 = arith.constant 0 : i32
        %dma_start3A_348 = arith.constant 0 : i32
        %dma_start3A_349 = tpu.memref_slice %arg4[%dma_start3A_347, %dma_start3A_348] : memref<10000x128xf32, #tpu.memory_space<hbm>> -> memref<10000x128xf32, #tpu.memory_space<hbm>>
        tpu.enqueue_indirect_dma source(%dma_start3A_349 : memref<10000x128xf32, #tpu.memory_space<hbm>>) target(%arg9 : memref<128x128xf32, #tpu.memory_space<vmem>>) offsets(%dma_start3A_346 : memref<128xi32, #tpu.memory_space<vmem>>) semaphore(%arg13 : memref<!tpu.dma_semaphore, #tpu.memory_space<semaphore_mem>>)
        %dma_wait3A_350 = arith.constant 0 : i32
        %dma_wait3A_351 = tpu.memref_slice %arg11[%add3A_343, %dma_wait3A_350] : memref<16x128xi32, #tpu.memory_space<vmem>> -> memref<1x128xi32, #tpu.memory_space<vmem>>
        %dma_wait3A_352 = tpu.memref_squeeze %dma_wait3A_351 : memref<1x128xi32, #tpu.memory_space<vmem>> -> memref<128xi32, #tpu.memory_space<vmem>>
        %dma_wait3A_353 = arith.constant 0 : i32
        %dma_wait3A_354 = arith.constant 0 : i32
        %dma_wait3A_355 = tpu.memref_slice %arg4[%dma_wait3A_353, %dma_wait3A_354] : memref<10000x128xf32, #tpu.memory_space<hbm>> -> memref<10000x128xf32, #tpu.memory_space<hbm>>
        tpu.wait_indirect_dma semaphore(%arg13 : memref<!tpu.dma_semaphore, #tpu.memory_space<semaphore_mem>>) src(%dma_wait3A_355 : memref<10000x128xf32, #tpu.memory_space<hbm>>) dst(%arg9 : memref<128x128xf32, #tpu.memory_space<vmem>>)
        %add3A_356 = arith.constant 6 : i32
        %add3A_357 = arith.addi %mul3A_107, %add3A_356 : i32
        %dma_start3A_358 = arith.constant 0 : i32
        %dma_start3A_359 = arith.constant 0 : i32
        %dma_start3A_360 = tpu.memref_slice %arg12[%add3A_357, %dma_start3A_358, %dma_start3A_359] : memref<16x1x128xi32, #tpu.memory_space<vmem>> -> memref<1x1x128xi32, #tpu.memory_space<vmem>>
        %dma_start3A_361 = tpu.memref_squeeze %dma_start3A_360 : memref<1x1x128xi32, #tpu.memory_space<vmem>> -> memref<128xi32, #tpu.memory_space<vmem>>
        %dma_start3A_362 = arith.constant 0 : i32
        %dma_start3A_363 = arith.constant 0 : i32
        %dma_start3A_364 = tpu.memref_slice %arg8[%dma_start3A_362, %dma_start3A_363] : memref<10240x128xf32, #tpu.memory_space<vmem_shared>> -> memref<10240x128xf32, #tpu.memory_space<vmem_shared>>
        tpu.enqueue_indirect_dma source(%arg9 : memref<128x128xf32, #tpu.memory_space<vmem>>) target(%dma_start3A_364 : memref<10240x128xf32, #tpu.memory_space<vmem_shared>>) offsets(%dma_start3A_361 : memref<128xi32, #tpu.memory_space<vmem>>) semaphore(%arg14 : memref<!tpu.dma_semaphore, #tpu.memory_space<semaphore_mem>>) {add = true}
        %dma_wait3A_365 = arith.constant 0 : i32
        %dma_wait3A_366 = arith.constant 0 : i32
        %dma_wait3A_367 = tpu.memref_slice %arg12[%add3A_325, %dma_wait3A_365, %dma_wait3A_366] : memref<16x1x128xi32, #tpu.memory_space<vmem>> -> memref<1x1x128xi32, #tpu.memory_space<vmem>>
        %dma_wait3A_368 = tpu.memref_squeeze %dma_wait3A_367 : memref<1x1x128xi32, #tpu.memory_space<vmem>> -> memref<128xi32, #tpu.memory_space<vmem>>
        %dma_wait3A_369 = arith.constant 0 : i32
        %dma_wait3A_370 = arith.constant 0 : i32
        %dma_wait3A_371 = tpu.memref_slice %arg8[%dma_wait3A_369, %dma_wait3A_370] : memref<10240x128xf32, #tpu.memory_space<vmem_shared>> -> memref<10240x128xf32, #tpu.memory_space<vmem_shared>>
        tpu.wait_indirect_dma semaphore(%arg15 : memref<!tpu.dma_semaphore, #tpu.memory_space<semaphore_mem>>) src(%arg10 : memref<128x128xf32, #tpu.memory_space<vmem>>) dst(%dma_wait3A_371 : memref<10240x128xf32, #tpu.memory_space<vmem_shared>>)
        %add3A_372 = arith.constant 6 : i32
        %add3A_373 = arith.addi %mul3A_107, %add3A_372 : i32
        %add3A_374 = arith.constant 1 : i32
        %add3A_375 = arith.addi %add3A_373, %add3A_374 : i32
        %dma_start3A_376 = arith.constant 0 : i32
        %dma_start3A_377 = tpu.memref_slice %arg11[%add3A_375, %dma_start3A_376] : memref<16x128xi32, #tpu.memory_space<vmem>> -> memref<1x128xi32, #tpu.memory_space<vmem>>
        %dma_start3A_378 = tpu.memref_squeeze %dma_start3A_377 : memref<1x128xi32, #tpu.memory_space<vmem>> -> memref<128xi32, #tpu.memory_space<vmem>>
        %dma_start3A_379 = arith.constant 0 : i32
        %dma_start3A_380 = arith.constant 0 : i32
        %dma_start3A_381 = tpu.memref_slice %arg4[%dma_start3A_379, %dma_start3A_380] : memref<10000x128xf32, #tpu.memory_space<hbm>> -> memref<10000x128xf32, #tpu.memory_space<hbm>>
        tpu.enqueue_indirect_dma source(%dma_start3A_381 : memref<10000x128xf32, #tpu.memory_space<hbm>>) target(%arg10 : memref<128x128xf32, #tpu.memory_space<vmem>>) offsets(%dma_start3A_378 : memref<128xi32, #tpu.memory_space<vmem>>) semaphore(%arg13 : memref<!tpu.dma_semaphore, #tpu.memory_space<semaphore_mem>>)
        %dma_wait3A_382 = arith.constant 0 : i32
        %dma_wait3A_383 = tpu.memref_slice %arg11[%add3A_375, %dma_wait3A_382] : memref<16x128xi32, #tpu.memory_space<vmem>> -> memref<1x128xi32, #tpu.memory_space<vmem>>
        %dma_wait3A_384 = tpu.memref_squeeze %dma_wait3A_383 : memref<1x128xi32, #tpu.memory_space<vmem>> -> memref<128xi32, #tpu.memory_space<vmem>>
        %dma_wait3A_385 = arith.constant 0 : i32
        %dma_wait3A_386 = arith.constant 0 : i32
        %dma_wait3A_387 = tpu.memref_slice %arg4[%dma_wait3A_385, %dma_wait3A_386] : memref<10000x128xf32, #tpu.memory_space<hbm>> -> memref<10000x128xf32, #tpu.memory_space<hbm>>
        tpu.wait_indirect_dma semaphore(%arg13 : memref<!tpu.dma_semaphore, #tpu.memory_space<semaphore_mem>>) src(%dma_wait3A_387 : memref<10000x128xf32, #tpu.memory_space<hbm>>) dst(%arg10 : memref<128x128xf32, #tpu.memory_space<vmem>>)
        %add3A_388 = arith.constant 7 : i32
        %add3A_389 = arith.addi %mul3A_107, %add3A_388 : i32
        %dma_start3A_390 = arith.constant 0 : i32
        %dma_start3A_391 = arith.constant 0 : i32
        %dma_start3A_392 = tpu.memref_slice %arg12[%add3A_389, %dma_start3A_390, %dma_start3A_391] : memref<16x1x128xi32, #tpu.memory_space<vmem>> -> memref<1x1x128xi32, #tpu.memory_space<vmem>>
        %dma_start3A_393 = tpu.memref_squeeze %dma_start3A_392 : memref<1x1x128xi32, #tpu.memory_space<vmem>> -> memref<128xi32, #tpu.memory_space<vmem>>
        %dma_start3A_394 = arith.constant 0 : i32
        %dma_start3A_395 = arith.constant 0 : i32
        %dma_start3A_396 = tpu.memref_slice %arg8[%dma_start3A_394, %dma_start3A_395] : memref<10240x128xf32, #tpu.memory_space<vmem_shared>> -> memref<10240x128xf32, #tpu.memory_space<vmem_shared>>
        tpu.enqueue_indirect_dma source(%arg10 : memref<128x128xf32, #tpu.memory_space<vmem>>) target(%dma_start3A_396 : memref<10240x128xf32, #tpu.memory_space<vmem_shared>>) offsets(%dma_start3A_393 : memref<128xi32, #tpu.memory_space<vmem>>) semaphore(%arg15 : memref<!tpu.dma_semaphore, #tpu.memory_space<semaphore_mem>>) {add = true}
        %dma_wait3A_397 = arith.constant 0 : i32
        %dma_wait3A_398 = arith.constant 0 : i32
        %dma_wait3A_399 = tpu.memref_slice %arg12[%add3A_357, %dma_wait3A_397, %dma_wait3A_398] : memref<16x1x128xi32, #tpu.memory_space<vmem>> -> memref<1x1x128xi32, #tpu.memory_space<vmem>>
        %dma_wait3A_400 = tpu.memref_squeeze %dma_wait3A_399 : memref<1x1x128xi32, #tpu.memory_space<vmem>> -> memref<128xi32, #tpu.memory_space<vmem>>
        %dma_wait3A_401 = arith.constant 0 : i32
        %dma_wait3A_402 = arith.constant 0 : i32
        %dma_wait3A_403 = tpu.memref_slice %arg8[%dma_wait3A_401, %dma_wait3A_402] : memref<10240x128xf32, #tpu.memory_space<vmem_shared>> -> memref<10240x128xf32, #tpu.memory_space<vmem_shared>>
        tpu.wait_indirect_dma semaphore(%arg14 : memref<!tpu.dma_semaphore, #tpu.memory_space<semaphore_mem>>) src(%arg9 : memref<128x128xf32, #tpu.memory_space<vmem>>) dst(%dma_wait3A_403 : memref<10240x128xf32, #tpu.memory_space<vmem_shared>>)
        %dma_wait3A_404 = arith.constant 0 : i32
        %dma_wait3A_405 = arith.constant 0 : i32
        %dma_wait3A_406 = tpu.memref_slice %arg12[%add3A_389, %dma_wait3A_404, %dma_wait3A_405] : memref<16x1x128xi32, #tpu.memory_space<vmem>> -> memref<1x1x128xi32, #tpu.memory_space<vmem>>
        %dma_wait3A_407 = tpu.memref_squeeze %dma_wait3A_406 : memref<1x1x128xi32, #tpu.memory_space<vmem>> -> memref<128xi32, #tpu.memory_space<vmem>>
        %dma_wait3A_408 = arith.constant 0 : i32
        %dma_wait3A_409 = arith.constant 0 : i32
        %dma_wait3A_410 = tpu.memref_slice %arg8[%dma_wait3A_408, %dma_wait3A_409] : memref<10240x128xf32, #tpu.memory_space<vmem_shared>> -> memref<10240x128xf32, #tpu.memory_space<vmem_shared>>
        tpu.wait_indirect_dma semaphore(%arg15 : memref<!tpu.dma_semaphore, #tpu.memory_space<semaphore_mem>>) src(%arg10 : memref<128x128xf32, #tpu.memory_space<vmem>>) dst(%dma_wait3A_410 : memref<10240x128xf32, #tpu.memory_space<vmem_shared>>)
        %scan3A_411 = arith.constant 0 : i32
        scf.yield %scan3A_411 : i32
      }
      %scan3A_93 = arith.constant 10 : i32
    } else {
    }
    %eq3A_20 = arith.constant 1 : i32
    %eq3A_21 = arith.cmpi eq, %arg0, %eq3A_20 : i32
    %convert_element_type3A_22 = arith.extui %eq3A_21 : i1 to i32
    %cond3A_23 = arith.constant 0 : i32
    %cond3A_24 = arith.cmpi ne, %convert_element_type3A_22, %cond3A_23 : i32
    scf.if %cond3A_24 {
      %mul3A_61 = arith.constant 80 : i32
      %mul3A_62 = arith.muli %arg1, %mul3A_61 : i32
      %add3A_63 = arith.constant 0 : i32
      %add3A_64 = arith.addi %mul3A_62, %add3A_63 : i32
      %dma_start3A = arith.constant 0 : i32
      %dma_start3A_65 = arith.constant 0 : i32
      %dma_start3A_66 = tpu.memref_slice %arg11[%dma_start3A, %dma_start3A_65] : memref<16x128xi32, #tpu.memory_space<vmem>> -> memref<8x128xi32, #tpu.memory_space<vmem>>
      %dma_start3A_67 = arith.constant 0 : i32
      %dma_start3A_68 = tpu.memref_slice %arg2[%add3A_64, %dma_start3A_67] : memref<1280x128xi32, #tpu.memory_space<hbm>> -> memref<8x128xi32, #tpu.memory_space<hbm>>
      %dma_start3A_69 = arith.constant 0 : i32
      %dma_start3A_70 = arith.constant 0 : i32
      %dma_start3A_71 = tpu.memref_slice %arg11[%dma_start3A_69, %dma_start3A_70] : memref<16x128xi32, #tpu.memory_space<vmem>> -> memref<8x128xi32, #tpu.memory_space<vmem>>
      %dma_start3A_72 = arith.constant 0 : i32
      %dma_start3A_73 = tpu.memref_slice %arg2[%add3A_64, %dma_start3A_72] : memref<1280x128xi32, #tpu.memory_space<hbm>> -> memref<8x128xi32, #tpu.memory_space<hbm>>
      tpu.enqueue_dma source(%dma_start3A_73 : memref<8x128xi32, #tpu.memory_space<hbm>>) target(%dma_start3A_71 : memref<8x128xi32, #tpu.memory_space<vmem>>) target_semaphore(%arg16 : memref<!tpu.dma_semaphore, #tpu.memory_space<semaphore_mem>>)
      %dma_start3A_74 = arith.constant 0 : i32
      %dma_start3A_75 = arith.constant 0 : i32
      %dma_start3A_76 = arith.constant 0 : i32
      %dma_start3A_77 = tpu.memref_slice %arg12[%dma_start3A_74, %dma_start3A_75, %dma_start3A_76] : memref<16x1x128xi32, #tpu.memory_space<vmem>> -> memref<8x1x128xi32, #tpu.memory_space<vmem>>
      %dma_start3A_78 = arith.constant 0 : i32
      %dma_start3A_79 = arith.constant 0 : i32
      %dma_start3A_80 = tpu.memref_slice %arg3[%add3A_64, %dma_start3A_78, %dma_start3A_79] : memref<1280x1x128xi32, #tpu.memory_space<hbm>> -> memref<8x1x128xi32, #tpu.memory_space<hbm>>
      %dma_start3A_81 = arith.constant 0 : i32
      %dma_start3A_82 = arith.constant 0 : i32
      %dma_start3A_83 = arith.constant 0 : i32
      %dma_start3A_84 = tpu.memref_slice %arg12[%dma_start3A_81, %dma_start3A_82, %dma_start3A_83] : memref<16x1x128xi32, #tpu.memory_space<vmem>> -> memref<8x1x128xi32, #tpu.memory_space<vmem>>
      %dma_start3A_85 = arith.constant 0 : i32
      %dma_start3A_86 = arith.constant 0 : i32
      %dma_start3A_87 = tpu.memref_slice %arg3[%add3A_64, %dma_start3A_85, %dma_start3A_86] : memref<1280x1x128xi32, #tpu.memory_space<hbm>> -> memref<8x1x128xi32, #tpu.memory_space<hbm>>
      tpu.enqueue_dma source(%dma_start3A_87 : memref<8x1x128xi32, #tpu.memory_space<hbm>>) target(%dma_start3A_84 : memref<8x1x128xi32, #tpu.memory_space<vmem>>) target_semaphore(%arg17 : memref<!tpu.dma_semaphore, #tpu.memory_space<semaphore_mem>>)
      %scan3A = arith.constant 0 : i32
      %scan3A_88 = arith.constant 0 : i32
      %scan3A_89 = arith.constant 10 : i32
      %scan3A_90 = arith.addi %scan3A_88, %scan3A_89 : i32
      %scan3A_91 = arith.constant 1 : i32
      %scan3A_92 = scf.for %scan3A_94 = %scan3A_88 to %scan3A_90 step %scan3A_91 iter_args(%scan3A_95 = %scan3A) -> (i32)  : i32 {
        %jit3A = arith.constant 2 : i32
        %eq3A_96 = arith.constant 0 : i32
        %eq3A_97 = arith.cmpi eq, %jit3A, %eq3A_96 : i32
        %jit3A_98 = arith.constant 1 : i32
        %select_n3A = arith.select %eq3A_97, %jit3A_98, %jit3A : i32
        %rem3A = arith.remsi %scan3A_94, %select_n3A : i32
        %ne3A = arith.constant 0 : i32
        %ne3A_99 = arith.cmpi ne, %rem3A, %ne3A : i32
        %lt3A = arith.constant 0 : i32
        %lt3A_100 = arith.cmpi slt, %rem3A, %lt3A : i32
        %lt3A_101 = arith.constant 0 : i32
        %lt3A_102 = arith.cmpi slt, %select_n3A, %lt3A_101 : i32
        %ne3A_103 = arith.xori %lt3A_100, %lt3A_102 : i1
        %and3A = arith.andi %ne3A_103, %ne3A_99 : i1
        %add3A_104 = arith.addi %rem3A, %select_n3A : i32
        %select_n3A_105 = arith.select %and3A, %add3A_104, %rem3A : i32
        %mul3A_106 = arith.constant 8 : i32
        %mul3A_107 = arith.muli %select_n3A_105, %mul3A_106 : i32
        %jit3A_108 = arith.constant 2 : i32
        %eq3A_109 = arith.constant 0 : i32
        %eq3A_110 = arith.cmpi eq, %jit3A_108, %eq3A_109 : i32
        %jit3A_111 = arith.constant 1 : i32
        %select_n3A_112 = arith.select %eq3A_110, %jit3A_111, %jit3A_108 : i32
        %rem3A_113 = arith.remsi %scan3A_94, %select_n3A_112 : i32
        %ne3A_114 = arith.constant 0 : i32
        %ne3A_115 = arith.cmpi ne, %rem3A_113, %ne3A_114 : i32
        %lt3A_116 = arith.constant 0 : i32
        %lt3A_117 = arith.cmpi slt, %rem3A_113, %lt3A_116 : i32
        %lt3A_118 = arith.constant 0 : i32
        %lt3A_119 = arith.cmpi slt, %select_n3A_112, %lt3A_118 : i32
        %ne3A_120 = arith.xori %lt3A_117, %lt3A_119 : i1
        %and3A_121 = arith.andi %ne3A_120, %ne3A_115 : i1
        %add3A_122 = arith.addi %rem3A_113, %select_n3A_112 : i32
        %select_n3A_123 = arith.select %and3A_121, %add3A_122, %rem3A_113 : i32
        %mul3A_124 = arith.constant 80 : i32
        %mul3A_125 = arith.muli %arg1, %mul3A_124 : i32
        %mul3A_126 = arith.constant 8 : i32
        %mul3A_127 = arith.muli %scan3A_94, %mul3A_126 : i32
        %add3A_128 = arith.addi %mul3A_125, %mul3A_127 : i32
        %mul3A_129 = arith.constant 8 : i32
        %mul3A_130 = arith.muli %select_n3A_123, %mul3A_129 : i32
        %mul3A_131 = arith.constant 8 : i32
        %mul3A_132 = arith.muli %select_n3A_123, %mul3A_131 : i32
        %dma_wait3A = arith.constant 0 : i32
        %dma_wait3A_133 = tpu.memref_slice %arg11[%mul3A_130, %dma_wait3A] : memref<16x128xi32, #tpu.memory_space<vmem>> -> memref<8x128xi32, #tpu.memory_space<vmem>>
        %dma_wait3A_134 = arith.constant 0 : i32
        %dma_wait3A_135 = tpu.memref_slice %arg2[%add3A_128, %dma_wait3A_134] : memref<1280x128xi32, #tpu.memory_space<hbm>> -> memref<8x128xi32, #tpu.memory_space<hbm>>
        %dma_wait3A_136 = arith.constant 0 : i32
        %dma_wait3A_137 = tpu.memref_slice %arg11[%mul3A_130, %dma_wait3A_136] : memref<16x128xi32, #tpu.memory_space<vmem>> -> memref<8x128xi32, #tpu.memory_space<vmem>>
        %dma_wait3A_138 = arith.constant 0 : i32
        %dma_wait3A_139 = tpu.memref_slice %arg2[%add3A_128, %dma_wait3A_138] : memref<1280x128xi32, #tpu.memory_space<hbm>> -> memref<8x128xi32, #tpu.memory_space<hbm>>
        tpu.wait_dma2 semaphore(%arg16 : memref<!tpu.dma_semaphore, #tpu.memory_space<semaphore_mem>>) src(%dma_wait3A_139 : memref<8x128xi32, #tpu.memory_space<hbm>>) dst(%dma_wait3A_137 : memref<8x128xi32, #tpu.memory_space<vmem>>)
        %dma_wait3A_140 = arith.constant 0 : i32
        %dma_wait3A_141 = arith.constant 0 : i32
        %dma_wait3A_142 = tpu.memref_slice %arg12[%mul3A_132, %dma_wait3A_140, %dma_wait3A_141] : memref<16x1x128xi32, #tpu.memory_space<vmem>> -> memref<8x1x128xi32, #tpu.memory_space<vmem>>
        %dma_wait3A_143 = arith.constant 0 : i32
        %dma_wait3A_144 = arith.constant 0 : i32
        %dma_wait3A_145 = tpu.memref_slice %arg3[%add3A_128, %dma_wait3A_143, %dma_wait3A_144] : memref<1280x1x128xi32, #tpu.memory_space<hbm>> -> memref<8x1x128xi32, #tpu.memory_space<hbm>>
        %dma_wait3A_146 = arith.constant 0 : i32
        %dma_wait3A_147 = arith.constant 0 : i32
        %dma_wait3A_148 = tpu.memref_slice %arg12[%mul3A_132, %dma_wait3A_146, %dma_wait3A_147] : memref<16x1x128xi32, #tpu.memory_space<vmem>> -> memref<8x1x128xi32, #tpu.memory_space<vmem>>
        %dma_wait3A_149 = arith.constant 0 : i32
        %dma_wait3A_150 = arith.constant 0 : i32
        %dma_wait3A_151 = tpu.memref_slice %arg3[%add3A_128, %dma_wait3A_149, %dma_wait3A_150] : memref<1280x1x128xi32, #tpu.memory_space<hbm>> -> memref<8x1x128xi32, #tpu.memory_space<hbm>>
        tpu.wait_dma2 semaphore(%arg17 : memref<!tpu.dma_semaphore, #tpu.memory_space<semaphore_mem>>) src(%dma_wait3A_151 : memref<8x1x128xi32, #tpu.memory_space<hbm>>) dst(%dma_wait3A_148 : memref<8x1x128xi32, #tpu.memory_space<vmem>>)
        %add3A_152 = arith.constant 1 : i32
        %add3A_153 = arith.addi %scan3A_94, %add3A_152 : i32
        %lt3A_154 = arith.constant 10 : i32
        %lt3A_155 = arith.cmpi slt, %add3A_153, %lt3A_154 : i32
        %convert_element_type3A_156 = arith.extui %lt3A_155 : i1 to i32
        %cond3A_157 = arith.constant 0 : i32
        %cond3A_158 = arith.cmpi ne, %convert_element_type3A_156, %cond3A_157 : i32
        scf.if %cond3A_158 {
          %add3A_412 = arith.constant 1 : i32
          %add3A_413 = arith.addi %scan3A_94, %add3A_412 : i32
          %add3A_414 = arith.constant 1 : i32
          %add3A_415 = arith.addi %scan3A_94, %add3A_414 : i32
          %jit3A_416 = arith.constant 2 : i32
          %eq3A_417 = arith.constant 0 : i32
          %eq3A_418 = arith.cmpi eq, %jit3A_416, %eq3A_417 : i32
          %jit3A_419 = arith.constant 1 : i32
          %select_n3A_420 = arith.select %eq3A_418, %jit3A_419, %jit3A_416 : i32
          %rem3A_421 = arith.remsi %add3A_415, %select_n3A_420 : i32
          %ne3A_422 = arith.constant 0 : i32
          %ne3A_423 = arith.cmpi ne, %rem3A_421, %ne3A_422 : i32
          %lt3A_424 = arith.constant 0 : i32
          %lt3A_425 = arith.cmpi slt, %rem3A_421, %lt3A_424 : i32
          %lt3A_426 = arith.constant 0 : i32
          %lt3A_427 = arith.cmpi slt, %select_n3A_420, %lt3A_426 : i32
          %ne3A_428 = arith.xori %lt3A_425, %lt3A_427 : i1
          %and3A_429 = arith.andi %ne3A_428, %ne3A_423 : i1
          %add3A_430 = arith.addi %rem3A_421, %select_n3A_420 : i32
          %select_n3A_431 = arith.select %and3A_429, %add3A_430, %rem3A_421 : i32
          %mul3A_432 = arith.constant 80 : i32
          %mul3A_433 = arith.muli %arg1, %mul3A_432 : i32
          %mul3A_434 = arith.constant 8 : i32
          %mul3A_435 = arith.muli %add3A_413, %mul3A_434 : i32
          %add3A_436 = arith.addi %mul3A_433, %mul3A_435 : i32
          %mul3A_437 = arith.constant 8 : i32
          %mul3A_438 = arith.muli %select_n3A_431, %mul3A_437 : i32
          %mul3A_439 = arith.constant 8 : i32
          %mul3A_440 = arith.muli %select_n3A_431, %mul3A_439 : i32
          %dma_start3A_441 = arith.constant 0 : i32
          %dma_start3A_442 = tpu.memref_slice %arg11[%mul3A_438, %dma_start3A_441] : memref<16x128xi32, #tpu.memory_space<vmem>> -> memref<8x128xi32, #tpu.memory_space<vmem>>
          %dma_start3A_443 = arith.constant 0 : i32
          %dma_start3A_444 = tpu.memref_slice %arg2[%add3A_436, %dma_start3A_443] : memref<1280x128xi32, #tpu.memory_space<hbm>> -> memref<8x128xi32, #tpu.memory_space<hbm>>
          %dma_start3A_445 = arith.constant 0 : i32
          %dma_start3A_446 = tpu.memref_slice %arg11[%mul3A_438, %dma_start3A_445] : memref<16x128xi32, #tpu.memory_space<vmem>> -> memref<8x128xi32, #tpu.memory_space<vmem>>
          %dma_start3A_447 = arith.constant 0 : i32
          %dma_start3A_448 = tpu.memref_slice %arg2[%add3A_436, %dma_start3A_447] : memref<1280x128xi32, #tpu.memory_space<hbm>> -> memref<8x128xi32, #tpu.memory_space<hbm>>
          tpu.enqueue_dma source(%dma_start3A_448 : memref<8x128xi32, #tpu.memory_space<hbm>>) target(%dma_start3A_446 : memref<8x128xi32, #tpu.memory_space<vmem>>) target_semaphore(%arg16 : memref<!tpu.dma_semaphore, #tpu.memory_space<semaphore_mem>>)
          %dma_start3A_449 = arith.constant 0 : i32
          %dma_start3A_450 = arith.constant 0 : i32
          %dma_start3A_451 = tpu.memref_slice %arg12[%mul3A_440, %dma_start3A_449, %dma_start3A_450] : memref<16x1x128xi32, #tpu.memory_space<vmem>> -> memref<8x1x128xi32, #tpu.memory_space<vmem>>
          %dma_start3A_452 = arith.constant 0 : i32
          %dma_start3A_453 = arith.constant 0 : i32
          %dma_start3A_454 = tpu.memref_slice %arg3[%add3A_436, %dma_start3A_452, %dma_start3A_453] : memref<1280x1x128xi32, #tpu.memory_space<hbm>> -> memref<8x1x128xi32, #tpu.memory_space<hbm>>
          %dma_start3A_455 = arith.constant 0 : i32
          %dma_start3A_456 = arith.constant 0 : i32
          %dma_start3A_457 = tpu.memref_slice %arg12[%mul3A_440, %dma_start3A_455, %dma_start3A_456] : memref<16x1x128xi32, #tpu.memory_space<vmem>> -> memref<8x1x128xi32, #tpu.memory_space<vmem>>
          %dma_start3A_458 = arith.constant 0 : i32
          %dma_start3A_459 = arith.constant 0 : i32
          %dma_start3A_460 = tpu.memref_slice %arg3[%add3A_436, %dma_start3A_458, %dma_start3A_459] : memref<1280x1x128xi32, #tpu.memory_space<hbm>> -> memref<8x1x128xi32, #tpu.memory_space<hbm>>
          tpu.enqueue_dma source(%dma_start3A_460 : memref<8x1x128xi32, #tpu.memory_space<hbm>>) target(%dma_start3A_457 : memref<8x1x128xi32, #tpu.memory_space<vmem>>) target_semaphore(%arg17 : memref<!tpu.dma_semaphore, #tpu.memory_space<semaphore_mem>>)
        } else {
        }
        %dma_start3A_159 = arith.constant 0 : i32
        %dma_start3A_160 = tpu.memref_slice %arg11[%mul3A_107, %dma_start3A_159] : memref<16x128xi32, #tpu.memory_space<vmem>> -> memref<1x128xi32, #tpu.memory_space<vmem>>
        %dma_start3A_161 = tpu.memref_squeeze %dma_start3A_160 : memref<1x128xi32, #tpu.memory_space<vmem>> -> memref<128xi32, #tpu.memory_space<vmem>>
        %dma_start3A_162 = arith.constant 0 : i32
        %dma_start3A_163 = arith.constant 0 : i32
        %dma_start3A_164 = tpu.memref_slice %arg5[%dma_start3A_162, %dma_start3A_163] : memref<10000x128xf32, #tpu.memory_space<hbm>> -> memref<10000x128xf32, #tpu.memory_space<hbm>>
        tpu.enqueue_indirect_dma source(%dma_start3A_164 : memref<10000x128xf32, #tpu.memory_space<hbm>>) target(%arg9 : memref<128x128xf32, #tpu.memory_space<vmem>>) offsets(%dma_start3A_161 : memref<128xi32, #tpu.memory_space<vmem>>) semaphore(%arg13 : memref<!tpu.dma_semaphore, #tpu.memory_space<semaphore_mem>>)
        %dma_wait3A_165 = arith.constant 0 : i32
        %dma_wait3A_166 = tpu.memref_slice %arg11[%mul3A_107, %dma_wait3A_165] : memref<16x128xi32, #tpu.memory_space<vmem>> -> memref<1x128xi32, #tpu.memory_space<vmem>>
        %dma_wait3A_167 = tpu.memref_squeeze %dma_wait3A_166 : memref<1x128xi32, #tpu.memory_space<vmem>> -> memref<128xi32, #tpu.memory_space<vmem>>
        %dma_wait3A_168 = arith.constant 0 : i32
        %dma_wait3A_169 = arith.constant 0 : i32
        %dma_wait3A_170 = tpu.memref_slice %arg5[%dma_wait3A_168, %dma_wait3A_169] : memref<10000x128xf32, #tpu.memory_space<hbm>> -> memref<10000x128xf32, #tpu.memory_space<hbm>>
        tpu.wait_indirect_dma semaphore(%arg13 : memref<!tpu.dma_semaphore, #tpu.memory_space<semaphore_mem>>) src(%dma_wait3A_170 : memref<10000x128xf32, #tpu.memory_space<hbm>>) dst(%arg9 : memref<128x128xf32, #tpu.memory_space<vmem>>)
        %add3A_171 = arith.constant 0 : i32
        %add3A_172 = arith.addi %mul3A_107, %add3A_171 : i32
        %dma_start3A_173 = arith.constant 0 : i32
        %dma_start3A_174 = arith.constant 0 : i32
        %dma_start3A_175 = tpu.memref_slice %arg12[%add3A_172, %dma_start3A_173, %dma_start3A_174] : memref<16x1x128xi32, #tpu.memory_space<vmem>> -> memref<1x1x128xi32, #tpu.memory_space<vmem>>
        %dma_start3A_176 = tpu.memref_squeeze %dma_start3A_175 : memref<1x1x128xi32, #tpu.memory_space<vmem>> -> memref<128xi32, #tpu.memory_space<vmem>>
        %dma_start3A_177 = arith.constant 0 : i32
        %dma_start3A_178 = arith.constant 0 : i32
        %dma_start3A_179 = tpu.memref_slice %arg8[%dma_start3A_177, %dma_start3A_178] : memref<10240x128xf32, #tpu.memory_space<vmem_shared>> -> memref<10240x128xf32, #tpu.memory_space<vmem_shared>>
        tpu.enqueue_indirect_dma source(%arg9 : memref<128x128xf32, #tpu.memory_space<vmem>>) target(%dma_start3A_179 : memref<10240x128xf32, #tpu.memory_space<vmem_shared>>) offsets(%dma_start3A_176 : memref<128xi32, #tpu.memory_space<vmem>>) semaphore(%arg14 : memref<!tpu.dma_semaphore, #tpu.memory_space<semaphore_mem>>) {add = true}
        %add3A_180 = arith.constant 0 : i32
        %add3A_181 = arith.addi %mul3A_107, %add3A_180 : i32
        %add3A_182 = arith.constant 1 : i32
        %add3A_183 = arith.addi %add3A_181, %add3A_182 : i32
        %dma_start3A_184 = arith.constant 0 : i32
        %dma_start3A_185 = tpu.memref_slice %arg11[%add3A_183, %dma_start3A_184] : memref<16x128xi32, #tpu.memory_space<vmem>> -> memref<1x128xi32, #tpu.memory_space<vmem>>
        %dma_start3A_186 = tpu.memref_squeeze %dma_start3A_185 : memref<1x128xi32, #tpu.memory_space<vmem>> -> memref<128xi32, #tpu.memory_space<vmem>>
        %dma_start3A_187 = arith.constant 0 : i32
        %dma_start3A_188 = arith.constant 0 : i32
        %dma_start3A_189 = tpu.memref_slice %arg5[%dma_start3A_187, %dma_start3A_188] : memref<10000x128xf32, #tpu.memory_space<hbm>> -> memref<10000x128xf32, #tpu.memory_space<hbm>>
        tpu.enqueue_indirect_dma source(%dma_start3A_189 : memref<10000x128xf32, #tpu.memory_space<hbm>>) target(%arg10 : memref<128x128xf32, #tpu.memory_space<vmem>>) offsets(%dma_start3A_186 : memref<128xi32, #tpu.memory_space<vmem>>) semaphore(%arg13 : memref<!tpu.dma_semaphore, #tpu.memory_space<semaphore_mem>>)
        %dma_wait3A_190 = arith.constant 0 : i32
        %dma_wait3A_191 = tpu.memref_slice %arg11[%add3A_183, %dma_wait3A_190] : memref<16x128xi32, #tpu.memory_space<vmem>> -> memref<1x128xi32, #tpu.memory_space<vmem>>
        %dma_wait3A_192 = tpu.memref_squeeze %dma_wait3A_191 : memref<1x128xi32, #tpu.memory_space<vmem>> -> memref<128xi32, #tpu.memory_space<vmem>>
        %dma_wait3A_193 = arith.constant 0 : i32
        %dma_wait3A_194 = arith.constant 0 : i32
        %dma_wait3A_195 = tpu.memref_slice %arg5[%dma_wait3A_193, %dma_wait3A_194] : memref<10000x128xf32, #tpu.memory_space<hbm>> -> memref<10000x128xf32, #tpu.memory_space<hbm>>
        tpu.wait_indirect_dma semaphore(%arg13 : memref<!tpu.dma_semaphore, #tpu.memory_space<semaphore_mem>>) src(%dma_wait3A_195 : memref<10000x128xf32, #tpu.memory_space<hbm>>) dst(%arg10 : memref<128x128xf32, #tpu.memory_space<vmem>>)
        %add3A_196 = arith.constant 1 : i32
        %add3A_197 = arith.addi %mul3A_107, %add3A_196 : i32
        %dma_start3A_198 = arith.constant 0 : i32
        %dma_start3A_199 = arith.constant 0 : i32
        %dma_start3A_200 = tpu.memref_slice %arg12[%add3A_197, %dma_start3A_198, %dma_start3A_199] : memref<16x1x128xi32, #tpu.memory_space<vmem>> -> memref<1x1x128xi32, #tpu.memory_space<vmem>>
        %dma_start3A_201 = tpu.memref_squeeze %dma_start3A_200 : memref<1x1x128xi32, #tpu.memory_space<vmem>> -> memref<128xi32, #tpu.memory_space<vmem>>
        %dma_start3A_202 = arith.constant 0 : i32
        %dma_start3A_203 = arith.constant 0 : i32
        %dma_start3A_204 = tpu.memref_slice %arg8[%dma_start3A_202, %dma_start3A_203] : memref<10240x128xf32, #tpu.memory_space<vmem_shared>> -> memref<10240x128xf32, #tpu.memory_space<vmem_shared>>
        tpu.enqueue_indirect_dma source(%arg10 : memref<128x128xf32, #tpu.memory_space<vmem>>) target(%dma_start3A_204 : memref<10240x128xf32, #tpu.memory_space<vmem_shared>>) offsets(%dma_start3A_201 : memref<128xi32, #tpu.memory_space<vmem>>) semaphore(%arg15 : memref<!tpu.dma_semaphore, #tpu.memory_space<semaphore_mem>>) {add = true}
        %dma_wait3A_205 = arith.constant 0 : i32
        %dma_wait3A_206 = arith.constant 0 : i32
        %dma_wait3A_207 = tpu.memref_slice %arg12[%add3A_172, %dma_wait3A_205, %dma_wait3A_206] : memref<16x1x128xi32, #tpu.memory_space<vmem>> -> memref<1x1x128xi32, #tpu.memory_space<vmem>>
        %dma_wait3A_208 = tpu.memref_squeeze %dma_wait3A_207 : memref<1x1x128xi32, #tpu.memory_space<vmem>> -> memref<128xi32, #tpu.memory_space<vmem>>
        %dma_wait3A_209 = arith.constant 0 : i32
        %dma_wait3A_210 = arith.constant 0 : i32
        %dma_wait3A_211 = tpu.memref_slice %arg8[%dma_wait3A_209, %dma_wait3A_210] : memref<10240x128xf32, #tpu.memory_space<vmem_shared>> -> memref<10240x128xf32, #tpu.memory_space<vmem_shared>>
        tpu.wait_indirect_dma semaphore(%arg14 : memref<!tpu.dma_semaphore, #tpu.memory_space<semaphore_mem>>) src(%arg9 : memref<128x128xf32, #tpu.memory_space<vmem>>) dst(%dma_wait3A_211 : memref<10240x128xf32, #tpu.memory_space<vmem_shared>>)
        %add3A_212 = arith.constant 1 : i32
        %add3A_213 = arith.addi %mul3A_107, %add3A_212 : i32
        %add3A_214 = arith.constant 1 : i32
        %add3A_215 = arith.addi %add3A_213, %add3A_214 : i32
        %dma_start3A_216 = arith.constant 0 : i32
        %dma_start3A_217 = tpu.memref_slice %arg11[%add3A_215, %dma_start3A_216] : memref<16x128xi32, #tpu.memory_space<vmem>> -> memref<1x128xi32, #tpu.memory_space<vmem>>
        %dma_start3A_218 = tpu.memref_squeeze %dma_start3A_217 : memref<1x128xi32, #tpu.memory_space<vmem>> -> memref<128xi32, #tpu.memory_space<vmem>>
        %dma_start3A_219 = arith.constant 0 : i32
        %dma_start3A_220 = arith.constant 0 : i32
        %dma_start3A_221 = tpu.memref_slice %arg5[%dma_start3A_219, %dma_start3A_220] : memref<10000x128xf32, #tpu.memory_space<hbm>> -> memref<10000x128xf32, #tpu.memory_space<hbm>>
        tpu.enqueue_indirect_dma source(%dma_start3A_221 : memref<10000x128xf32, #tpu.memory_space<hbm>>) target(%arg9 : memref<128x128xf32, #tpu.memory_space<vmem>>) offsets(%dma_start3A_218 : memref<128xi32, #tpu.memory_space<vmem>>) semaphore(%arg13 : memref<!tpu.dma_semaphore, #tpu.memory_space<semaphore_mem>>)
        %dma_wait3A_222 = arith.constant 0 : i32
        %dma_wait3A_223 = tpu.memref_slice %arg11[%add3A_215, %dma_wait3A_222] : memref<16x128xi32, #tpu.memory_space<vmem>> -> memref<1x128xi32, #tpu.memory_space<vmem>>
        %dma_wait3A_224 = tpu.memref_squeeze %dma_wait3A_223 : memref<1x128xi32, #tpu.memory_space<vmem>> -> memref<128xi32, #tpu.memory_space<vmem>>
        %dma_wait3A_225 = arith.constant 0 : i32
        %dma_wait3A_226 = arith.constant 0 : i32
        %dma_wait3A_227 = tpu.memref_slice %arg5[%dma_wait3A_225, %dma_wait3A_226] : memref<10000x128xf32, #tpu.memory_space<hbm>> -> memref<10000x128xf32, #tpu.memory_space<hbm>>
        tpu.wait_indirect_dma semaphore(%arg13 : memref<!tpu.dma_semaphore, #tpu.memory_space<semaphore_mem>>) src(%dma_wait3A_227 : memref<10000x128xf32, #tpu.memory_space<hbm>>) dst(%arg9 : memref<128x128xf32, #tpu.memory_space<vmem>>)
        %add3A_228 = arith.constant 2 : i32
        %add3A_229 = arith.addi %mul3A_107, %add3A_228 : i32
        %dma_start3A_230 = arith.constant 0 : i32
        %dma_start3A_231 = arith.constant 0 : i32
        %dma_start3A_232 = tpu.memref_slice %arg12[%add3A_229, %dma_start3A_230, %dma_start3A_231] : memref<16x1x128xi32, #tpu.memory_space<vmem>> -> memref<1x1x128xi32, #tpu.memory_space<vmem>>
        %dma_start3A_233 = tpu.memref_squeeze %dma_start3A_232 : memref<1x1x128xi32, #tpu.memory_space<vmem>> -> memref<128xi32, #tpu.memory_space<vmem>>
        %dma_start3A_234 = arith.constant 0 : i32
        %dma_start3A_235 = arith.constant 0 : i32
        %dma_start3A_236 = tpu.memref_slice %arg8[%dma_start3A_234, %dma_start3A_235] : memref<10240x128xf32, #tpu.memory_space<vmem_shared>> -> memref<10240x128xf32, #tpu.memory_space<vmem_shared>>
        tpu.enqueue_indirect_dma source(%arg9 : memref<128x128xf32, #tpu.memory_space<vmem>>) target(%dma_start3A_236 : memref<10240x128xf32, #tpu.memory_space<vmem_shared>>) offsets(%dma_start3A_233 : memref<128xi32, #tpu.memory_space<vmem>>) semaphore(%arg14 : memref<!tpu.dma_semaphore, #tpu.memory_space<semaphore_mem>>) {add = true}
        %dma_wait3A_237 = arith.constant 0 : i32
        %dma_wait3A_238 = arith.constant 0 : i32
        %dma_wait3A_239 = tpu.memref_slice %arg12[%add3A_197, %dma_wait3A_237, %dma_wait3A_238] : memref<16x1x128xi32, #tpu.memory_space<vmem>> -> memref<1x1x128xi32, #tpu.memory_space<vmem>>
        %dma_wait3A_240 = tpu.memref_squeeze %dma_wait3A_239 : memref<1x1x128xi32, #tpu.memory_space<vmem>> -> memref<128xi32, #tpu.memory_space<vmem>>
        %dma_wait3A_241 = arith.constant 0 : i32
        %dma_wait3A_242 = arith.constant 0 : i32
        %dma_wait3A_243 = tpu.memref_slice %arg8[%dma_wait3A_241, %dma_wait3A_242] : memref<10240x128xf32, #tpu.memory_space<vmem_shared>> -> memref<10240x128xf32, #tpu.memory_space<vmem_shared>>
        tpu.wait_indirect_dma semaphore(%arg15 : memref<!tpu.dma_semaphore, #tpu.memory_space<semaphore_mem>>) src(%arg10 : memref<128x128xf32, #tpu.memory_space<vmem>>) dst(%dma_wait3A_243 : memref<10240x128xf32, #tpu.memory_space<vmem_shared>>)
        %add3A_244 = arith.constant 2 : i32
        %add3A_245 = arith.addi %mul3A_107, %add3A_244 : i32
        %add3A_246 = arith.constant 1 : i32
        %add3A_247 = arith.addi %add3A_245, %add3A_246 : i32
        %dma_start3A_248 = arith.constant 0 : i32
        %dma_start3A_249 = tpu.memref_slice %arg11[%add3A_247, %dma_start3A_248] : memref<16x128xi32, #tpu.memory_space<vmem>> -> memref<1x128xi32, #tpu.memory_space<vmem>>
        %dma_start3A_250 = tpu.memref_squeeze %dma_start3A_249 : memref<1x128xi32, #tpu.memory_space<vmem>> -> memref<128xi32, #tpu.memory_space<vmem>>
        %dma_start3A_251 = arith.constant 0 : i32
        %dma_start3A_252 = arith.constant 0 : i32
        %dma_start3A_253 = tpu.memref_slice %arg5[%dma_start3A_251, %dma_start3A_252] : memref<10000x128xf32, #tpu.memory_space<hbm>> -> memref<10000x128xf32, #tpu.memory_space<hbm>>
        tpu.enqueue_indirect_dma source(%dma_start3A_253 : memref<10000x128xf32, #tpu.memory_space<hbm>>) target(%arg10 : memref<128x128xf32, #tpu.memory_space<vmem>>) offsets(%dma_start3A_250 : memref<128xi32, #tpu.memory_space<vmem>>) semaphore(%arg13 : memref<!tpu.dma_semaphore, #tpu.memory_space<semaphore_mem>>)
        %dma_wait3A_254 = arith.constant 0 : i32
        %dma_wait3A_255 = tpu.memref_slice %arg11[%add3A_247, %dma_wait3A_254] : memref<16x128xi32, #tpu.memory_space<vmem>> -> memref<1x128xi32, #tpu.memory_space<vmem>>
        %dma_wait3A_256 = tpu.memref_squeeze %dma_wait3A_255 : memref<1x128xi32, #tpu.memory_space<vmem>> -> memref<128xi32, #tpu.memory_space<vmem>>
        %dma_wait3A_257 = arith.constant 0 : i32
        %dma_wait3A_258 = arith.constant 0 : i32
        %dma_wait3A_259 = tpu.memref_slice %arg5[%dma_wait3A_257, %dma_wait3A_258] : memref<10000x128xf32, #tpu.memory_space<hbm>> -> memref<10000x128xf32, #tpu.memory_space<hbm>>
        tpu.wait_indirect_dma semaphore(%arg13 : memref<!tpu.dma_semaphore, #tpu.memory_space<semaphore_mem>>) src(%dma_wait3A_259 : memref<10000x128xf32, #tpu.memory_space<hbm>>) dst(%arg10 : memref<128x128xf32, #tpu.memory_space<vmem>>)
        %add3A_260 = arith.constant 3 : i32
        %add3A_261 = arith.addi %mul3A_107, %add3A_260 : i32
        %dma_start3A_262 = arith.constant 0 : i32
        %dma_start3A_263 = arith.constant 0 : i32
        %dma_start3A_264 = tpu.memref_slice %arg12[%add3A_261, %dma_start3A_262, %dma_start3A_263] : memref<16x1x128xi32, #tpu.memory_space<vmem>> -> memref<1x1x128xi32, #tpu.memory_space<vmem>>
        %dma_start3A_265 = tpu.memref_squeeze %dma_start3A_264 : memref<1x1x128xi32, #tpu.memory_space<vmem>> -> memref<128xi32, #tpu.memory_space<vmem>>
        %dma_start3A_266 = arith.constant 0 : i32
        %dma_start3A_267 = arith.constant 0 : i32
        %dma_start3A_268 = tpu.memref_slice %arg8[%dma_start3A_266, %dma_start3A_267] : memref<10240x128xf32, #tpu.memory_space<vmem_shared>> -> memref<10240x128xf32, #tpu.memory_space<vmem_shared>>
        tpu.enqueue_indirect_dma source(%arg10 : memref<128x128xf32, #tpu.memory_space<vmem>>) target(%dma_start3A_268 : memref<10240x128xf32, #tpu.memory_space<vmem_shared>>) offsets(%dma_start3A_265 : memref<128xi32, #tpu.memory_space<vmem>>) semaphore(%arg15 : memref<!tpu.dma_semaphore, #tpu.memory_space<semaphore_mem>>) {add = true}
        %dma_wait3A_269 = arith.constant 0 : i32
        %dma_wait3A_270 = arith.constant 0 : i32
        %dma_wait3A_271 = tpu.memref_slice %arg12[%add3A_229, %dma_wait3A_269, %dma_wait3A_270] : memref<16x1x128xi32, #tpu.memory_space<vmem>> -> memref<1x1x128xi32, #tpu.memory_space<vmem>>
        %dma_wait3A_272 = tpu.memref_squeeze %dma_wait3A_271 : memref<1x1x128xi32, #tpu.memory_space<vmem>> -> memref<128xi32, #tpu.memory_space<vmem>>
        %dma_wait3A_273 = arith.constant 0 : i32
        %dma_wait3A_274 = arith.constant 0 : i32
        %dma_wait3A_275 = tpu.memref_slice %arg8[%dma_wait3A_273, %dma_wait3A_274] : memref<10240x128xf32, #tpu.memory_space<vmem_shared>> -> memref<10240x128xf32, #tpu.memory_space<vmem_shared>>
        tpu.wait_indirect_dma semaphore(%arg14 : memref<!tpu.dma_semaphore, #tpu.memory_space<semaphore_mem>>) src(%arg9 : memref<128x128xf32, #tpu.memory_space<vmem>>) dst(%dma_wait3A_275 : memref<10240x128xf32, #tpu.memory_space<vmem_shared>>)
        %add3A_276 = arith.constant 3 : i32
        %add3A_277 = arith.addi %mul3A_107, %add3A_276 : i32
        %add3A_278 = arith.constant 1 : i32
        %add3A_279 = arith.addi %add3A_277, %add3A_278 : i32
        %dma_start3A_280 = arith.constant 0 : i32
        %dma_start3A_281 = tpu.memref_slice %arg11[%add3A_279, %dma_start3A_280] : memref<16x128xi32, #tpu.memory_space<vmem>> -> memref<1x128xi32, #tpu.memory_space<vmem>>
        %dma_start3A_282 = tpu.memref_squeeze %dma_start3A_281 : memref<1x128xi32, #tpu.memory_space<vmem>> -> memref<128xi32, #tpu.memory_space<vmem>>
        %dma_start3A_283 = arith.constant 0 : i32
        %dma_start3A_284 = arith.constant 0 : i32
        %dma_start3A_285 = tpu.memref_slice %arg5[%dma_start3A_283, %dma_start3A_284] : memref<10000x128xf32, #tpu.memory_space<hbm>> -> memref<10000x128xf32, #tpu.memory_space<hbm>>
        tpu.enqueue_indirect_dma source(%dma_start3A_285 : memref<10000x128xf32, #tpu.memory_space<hbm>>) target(%arg9 : memref<128x128xf32, #tpu.memory_space<vmem>>) offsets(%dma_start3A_282 : memref<128xi32, #tpu.memory_space<vmem>>) semaphore(%arg13 : memref<!tpu.dma_semaphore, #tpu.memory_space<semaphore_mem>>)
        %dma_wait3A_286 = arith.constant 0 : i32
        %dma_wait3A_287 = tpu.memref_slice %arg11[%add3A_279, %dma_wait3A_286] : memref<16x128xi32, #tpu.memory_space<vmem>> -> memref<1x128xi32, #tpu.memory_space<vmem>>
        %dma_wait3A_288 = tpu.memref_squeeze %dma_wait3A_287 : memref<1x128xi32, #tpu.memory_space<vmem>> -> memref<128xi32, #tpu.memory_space<vmem>>
        %dma_wait3A_289 = arith.constant 0 : i32
        %dma_wait3A_290 = arith.constant 0 : i32
        %dma_wait3A_291 = tpu.memref_slice %arg5[%dma_wait3A_289, %dma_wait3A_290] : memref<10000x128xf32, #tpu.memory_space<hbm>> -> memref<10000x128xf32, #tpu.memory_space<hbm>>
        tpu.wait_indirect_dma semaphore(%arg13 : memref<!tpu.dma_semaphore, #tpu.memory_space<semaphore_mem>>) src(%dma_wait3A_291 : memref<10000x128xf32, #tpu.memory_space<hbm>>) dst(%arg9 : memref<128x128xf32, #tpu.memory_space<vmem>>)
        %add3A_292 = arith.constant 4 : i32
        %add3A_293 = arith.addi %mul3A_107, %add3A_292 : i32
        %dma_start3A_294 = arith.constant 0 : i32
        %dma_start3A_295 = arith.constant 0 : i32
        %dma_start3A_296 = tpu.memref_slice %arg12[%add3A_293, %dma_start3A_294, %dma_start3A_295] : memref<16x1x128xi32, #tpu.memory_space<vmem>> -> memref<1x1x128xi32, #tpu.memory_space<vmem>>
        %dma_start3A_297 = tpu.memref_squeeze %dma_start3A_296 : memref<1x1x128xi32, #tpu.memory_space<vmem>> -> memref<128xi32, #tpu.memory_space<vmem>>
        %dma_start3A_298 = arith.constant 0 : i32
        %dma_start3A_299 = arith.constant 0 : i32
        %dma_start3A_300 = tpu.memref_slice %arg8[%dma_start3A_298, %dma_start3A_299] : memref<10240x128xf32, #tpu.memory_space<vmem_shared>> -> memref<10240x128xf32, #tpu.memory_space<vmem_shared>>
        tpu.enqueue_indirect_dma source(%arg9 : memref<128x128xf32, #tpu.memory_space<vmem>>) target(%dma_start3A_300 : memref<10240x128xf32, #tpu.memory_space<vmem_shared>>) offsets(%dma_start3A_297 : memref<128xi32, #tpu.memory_space<vmem>>) semaphore(%arg14 : memref<!tpu.dma_semaphore, #tpu.memory_space<semaphore_mem>>) {add = true}
        %dma_wait3A_301 = arith.constant 0 : i32
        %dma_wait3A_302 = arith.constant 0 : i32
        %dma_wait3A_303 = tpu.memref_slice %arg12[%add3A_261, %dma_wait3A_301, %dma_wait3A_302] : memref<16x1x128xi32, #tpu.memory_space<vmem>> -> memref<1x1x128xi32, #tpu.memory_space<vmem>>
        %dma_wait3A_304 = tpu.memref_squeeze %dma_wait3A_303 : memref<1x1x128xi32, #tpu.memory_space<vmem>> -> memref<128xi32, #tpu.memory_space<vmem>>
        %dma_wait3A_305 = arith.constant 0 : i32
        %dma_wait3A_306 = arith.constant 0 : i32
        %dma_wait3A_307 = tpu.memref_slice %arg8[%dma_wait3A_305, %dma_wait3A_306] : memref<10240x128xf32, #tpu.memory_space<vmem_shared>> -> memref<10240x128xf32, #tpu.memory_space<vmem_shared>>
        tpu.wait_indirect_dma semaphore(%arg15 : memref<!tpu.dma_semaphore, #tpu.memory_space<semaphore_mem>>) src(%arg10 : memref<128x128xf32, #tpu.memory_space<vmem>>) dst(%dma_wait3A_307 : memref<10240x128xf32, #tpu.memory_space<vmem_shared>>)
        %add3A_308 = arith.constant 4 : i32
        %add3A_309 = arith.addi %mul3A_107, %add3A_308 : i32
        %add3A_310 = arith.constant 1 : i32
        %add3A_311 = arith.addi %add3A_309, %add3A_310 : i32
        %dma_start3A_312 = arith.constant 0 : i32
        %dma_start3A_313 = tpu.memref_slice %arg11[%add3A_311, %dma_start3A_312] : memref<16x128xi32, #tpu.memory_space<vmem>> -> memref<1x128xi32, #tpu.memory_space<vmem>>
        %dma_start3A_314 = tpu.memref_squeeze %dma_start3A_313 : memref<1x128xi32, #tpu.memory_space<vmem>> -> memref<128xi32, #tpu.memory_space<vmem>>
        %dma_start3A_315 = arith.constant 0 : i32
        %dma_start3A_316 = arith.constant 0 : i32
        %dma_start3A_317 = tpu.memref_slice %arg5[%dma_start3A_315, %dma_start3A_316] : memref<10000x128xf32, #tpu.memory_space<hbm>> -> memref<10000x128xf32, #tpu.memory_space<hbm>>
        tpu.enqueue_indirect_dma source(%dma_start3A_317 : memref<10000x128xf32, #tpu.memory_space<hbm>>) target(%arg10 : memref<128x128xf32, #tpu.memory_space<vmem>>) offsets(%dma_start3A_314 : memref<128xi32, #tpu.memory_space<vmem>>) semaphore(%arg13 : memref<!tpu.dma_semaphore, #tpu.memory_space<semaphore_mem>>)
        %dma_wait3A_318 = arith.constant 0 : i32
        %dma_wait3A_319 = tpu.memref_slice %arg11[%add3A_311, %dma_wait3A_318] : memref<16x128xi32, #tpu.memory_space<vmem>> -> memref<1x128xi32, #tpu.memory_space<vmem>>
        %dma_wait3A_320 = tpu.memref_squeeze %dma_wait3A_319 : memref<1x128xi32, #tpu.memory_space<vmem>> -> memref<128xi32, #tpu.memory_space<vmem>>
        %dma_wait3A_321 = arith.constant 0 : i32
        %dma_wait3A_322 = arith.constant 0 : i32
        %dma_wait3A_323 = tpu.memref_slice %arg5[%dma_wait3A_321, %dma_wait3A_322] : memref<10000x128xf32, #tpu.memory_space<hbm>> -> memref<10000x128xf32, #tpu.memory_space<hbm>>
        tpu.wait_indirect_dma semaphore(%arg13 : memref<!tpu.dma_semaphore, #tpu.memory_space<semaphore_mem>>) src(%dma_wait3A_323 : memref<10000x128xf32, #tpu.memory_space<hbm>>) dst(%arg10 : memref<128x128xf32, #tpu.memory_space<vmem>>)
        %add3A_324 = arith.constant 5 : i32
        %add3A_325 = arith.addi %mul3A_107, %add3A_324 : i32
        %dma_start3A_326 = arith.constant 0 : i32
        %dma_start3A_327 = arith.constant 0 : i32
        %dma_start3A_328 = tpu.memref_slice %arg12[%add3A_325, %dma_start3A_326, %dma_start3A_327] : memref<16x1x128xi32, #tpu.memory_space<vmem>> -> memref<1x1x128xi32, #tpu.memory_space<vmem>>
        %dma_start3A_329 = tpu.memref_squeeze %dma_start3A_328 : memref<1x1x128xi32, #tpu.memory_space<vmem>> -> memref<128xi32, #tpu.memory_space<vmem>>
        %dma_start3A_330 = arith.constant 0 : i32
        %dma_start3A_331 = arith.constant 0 : i32
        %dma_start3A_332 = tpu.memref_slice %arg8[%dma_start3A_330, %dma_start3A_331] : memref<10240x128xf32, #tpu.memory_space<vmem_shared>> -> memref<10240x128xf32, #tpu.memory_space<vmem_shared>>
        tpu.enqueue_indirect_dma source(%arg10 : memref<128x128xf32, #tpu.memory_space<vmem>>) target(%dma_start3A_332 : memref<10240x128xf32, #tpu.memory_space<vmem_shared>>) offsets(%dma_start3A_329 : memref<128xi32, #tpu.memory_space<vmem>>) semaphore(%arg15 : memref<!tpu.dma_semaphore, #tpu.memory_space<semaphore_mem>>) {add = true}
        %dma_wait3A_333 = arith.constant 0 : i32
        %dma_wait3A_334 = arith.constant 0 : i32
        %dma_wait3A_335 = tpu.memref_slice %arg12[%add3A_293, %dma_wait3A_333, %dma_wait3A_334] : memref<16x1x128xi32, #tpu.memory_space<vmem>> -> memref<1x1x128xi32, #tpu.memory_space<vmem>>
        %dma_wait3A_336 = tpu.memref_squeeze %dma_wait3A_335 : memref<1x1x128xi32, #tpu.memory_space<vmem>> -> memref<128xi32, #tpu.memory_space<vmem>>
        %dma_wait3A_337 = arith.constant 0 : i32
        %dma_wait3A_338 = arith.constant 0 : i32
        %dma_wait3A_339 = tpu.memref_slice %arg8[%dma_wait3A_337, %dma_wait3A_338] : memref<10240x128xf32, #tpu.memory_space<vmem_shared>> -> memref<10240x128xf32, #tpu.memory_space<vmem_shared>>
        tpu.wait_indirect_dma semaphore(%arg14 : memref<!tpu.dma_semaphore, #tpu.memory_space<semaphore_mem>>) src(%arg9 : memref<128x128xf32, #tpu.memory_space<vmem>>) dst(%dma_wait3A_339 : memref<10240x128xf32, #tpu.memory_space<vmem_shared>>)
        %add3A_340 = arith.constant 5 : i32
        %add3A_341 = arith.addi %mul3A_107, %add3A_340 : i32
        %add3A_342 = arith.constant 1 : i32
        %add3A_343 = arith.addi %add3A_341, %add3A_342 : i32
        %dma_start3A_344 = arith.constant 0 : i32
        %dma_start3A_345 = tpu.memref_slice %arg11[%add3A_343, %dma_start3A_344] : memref<16x128xi32, #tpu.memory_space<vmem>> -> memref<1x128xi32, #tpu.memory_space<vmem>>
        %dma_start3A_346 = tpu.memref_squeeze %dma_start3A_345 : memref<1x128xi32, #tpu.memory_space<vmem>> -> memref<128xi32, #tpu.memory_space<vmem>>
        %dma_start3A_347 = arith.constant 0 : i32
        %dma_start3A_348 = arith.constant 0 : i32
        %dma_start3A_349 = tpu.memref_slice %arg5[%dma_start3A_347, %dma_start3A_348] : memref<10000x128xf32, #tpu.memory_space<hbm>> -> memref<10000x128xf32, #tpu.memory_space<hbm>>
        tpu.enqueue_indirect_dma source(%dma_start3A_349 : memref<10000x128xf32, #tpu.memory_space<hbm>>) target(%arg9 : memref<128x128xf32, #tpu.memory_space<vmem>>) offsets(%dma_start3A_346 : memref<128xi32, #tpu.memory_space<vmem>>) semaphore(%arg13 : memref<!tpu.dma_semaphore, #tpu.memory_space<semaphore_mem>>)
        %dma_wait3A_350 = arith.constant 0 : i32
        %dma_wait3A_351 = tpu.memref_slice %arg11[%add3A_343, %dma_wait3A_350] : memref<16x128xi32, #tpu.memory_space<vmem>> -> memref<1x128xi32, #tpu.memory_space<vmem>>
        %dma_wait3A_352 = tpu.memref_squeeze %dma_wait3A_351 : memref<1x128xi32, #tpu.memory_space<vmem>> -> memref<128xi32, #tpu.memory_space<vmem>>
        %dma_wait3A_353 = arith.constant 0 : i32
        %dma_wait3A_354 = arith.constant 0 : i32
        %dma_wait3A_355 = tpu.memref_slice %arg5[%dma_wait3A_353, %dma_wait3A_354] : memref<10000x128xf32, #tpu.memory_space<hbm>> -> memref<10000x128xf32, #tpu.memory_space<hbm>>
        tpu.wait_indirect_dma semaphore(%arg13 : memref<!tpu.dma_semaphore, #tpu.memory_space<semaphore_mem>>) src(%dma_wait3A_355 : memref<10000x128xf32, #tpu.memory_space<hbm>>) dst(%arg9 : memref<128x128xf32, #tpu.memory_space<vmem>>)
        %add3A_356 = arith.constant 6 : i32
        %add3A_357 = arith.addi %mul3A_107, %add3A_356 : i32
        %dma_start3A_358 = arith.constant 0 : i32
        %dma_start3A_359 = arith.constant 0 : i32
        %dma_start3A_360 = tpu.memref_slice %arg12[%add3A_357, %dma_start3A_358, %dma_start3A_359] : memref<16x1x128xi32, #tpu.memory_space<vmem>> -> memref<1x1x128xi32, #tpu.memory_space<vmem>>
        %dma_start3A_361 = tpu.memref_squeeze %dma_start3A_360 : memref<1x1x128xi32, #tpu.memory_space<vmem>> -> memref<128xi32, #tpu.memory_space<vmem>>
        %dma_start3A_362 = arith.constant 0 : i32
        %dma_start3A_363 = arith.constant 0 : i32
        %dma_start3A_364 = tpu.memref_slice %arg8[%dma_start3A_362, %dma_start3A_363] : memref<10240x128xf32, #tpu.memory_space<vmem_shared>> -> memref<10240x128xf32, #tpu.memory_space<vmem_shared>>
        tpu.enqueue_indirect_dma source(%arg9 : memref<128x128xf32, #tpu.memory_space<vmem>>) target(%dma_start3A_364 : memref<10240x128xf32, #tpu.memory_space<vmem_shared>>) offsets(%dma_start3A_361 : memref<128xi32, #tpu.memory_space<vmem>>) semaphore(%arg14 : memref<!tpu.dma_semaphore, #tpu.memory_space<semaphore_mem>>) {add = true}
        %dma_wait3A_365 = arith.constant 0 : i32
        %dma_wait3A_366 = arith.constant 0 : i32
        %dma_wait3A_367 = tpu.memref_slice %arg12[%add3A_325, %dma_wait3A_365, %dma_wait3A_366] : memref<16x1x128xi32, #tpu.memory_space<vmem>> -> memref<1x1x128xi32, #tpu.memory_space<vmem>>
        %dma_wait3A_368 = tpu.memref_squeeze %dma_wait3A_367 : memref<1x1x128xi32, #tpu.memory_space<vmem>> -> memref<128xi32, #tpu.memory_space<vmem>>
        %dma_wait3A_369 = arith.constant 0 : i32
        %dma_wait3A_370 = arith.constant 0 : i32
        %dma_wait3A_371 = tpu.memref_slice %arg8[%dma_wait3A_369, %dma_wait3A_370] : memref<10240x128xf32, #tpu.memory_space<vmem_shared>> -> memref<10240x128xf32, #tpu.memory_space<vmem_shared>>
        tpu.wait_indirect_dma semaphore(%arg15 : memref<!tpu.dma_semaphore, #tpu.memory_space<semaphore_mem>>) src(%arg10 : memref<128x128xf32, #tpu.memory_space<vmem>>) dst(%dma_wait3A_371 : memref<10240x128xf32, #tpu.memory_space<vmem_shared>>)
        %add3A_372 = arith.constant 6 : i32
        %add3A_373 = arith.addi %mul3A_107, %add3A_372 : i32
        %add3A_374 = arith.constant 1 : i32
        %add3A_375 = arith.addi %add3A_373, %add3A_374 : i32
        %dma_start3A_376 = arith.constant 0 : i32
        %dma_start3A_377 = tpu.memref_slice %arg11[%add3A_375, %dma_start3A_376] : memref<16x128xi32, #tpu.memory_space<vmem>> -> memref<1x128xi32, #tpu.memory_space<vmem>>
        %dma_start3A_378 = tpu.memref_squeeze %dma_start3A_377 : memref<1x128xi32, #tpu.memory_space<vmem>> -> memref<128xi32, #tpu.memory_space<vmem>>
        %dma_start3A_379 = arith.constant 0 : i32
        %dma_start3A_380 = arith.constant 0 : i32
        %dma_start3A_381 = tpu.memref_slice %arg5[%dma_start3A_379, %dma_start3A_380] : memref<10000x128xf32, #tpu.memory_space<hbm>> -> memref<10000x128xf32, #tpu.memory_space<hbm>>
        tpu.enqueue_indirect_dma source(%dma_start3A_381 : memref<10000x128xf32, #tpu.memory_space<hbm>>) target(%arg10 : memref<128x128xf32, #tpu.memory_space<vmem>>) offsets(%dma_start3A_378 : memref<128xi32, #tpu.memory_space<vmem>>) semaphore(%arg13 : memref<!tpu.dma_semaphore, #tpu.memory_space<semaphore_mem>>)
        %dma_wait3A_382 = arith.constant 0 : i32
        %dma_wait3A_383 = tpu.memref_slice %arg11[%add3A_375, %dma_wait3A_382] : memref<16x128xi32, #tpu.memory_space<vmem>> -> memref<1x128xi32, #tpu.memory_space<vmem>>
        %dma_wait3A_384 = tpu.memref_squeeze %dma_wait3A_383 : memref<1x128xi32, #tpu.memory_space<vmem>> -> memref<128xi32, #tpu.memory_space<vmem>>
        %dma_wait3A_385 = arith.constant 0 : i32
        %dma_wait3A_386 = arith.constant 0 : i32
        %dma_wait3A_387 = tpu.memref_slice %arg5[%dma_wait3A_385, %dma_wait3A_386] : memref<10000x128xf32, #tpu.memory_space<hbm>> -> memref<10000x128xf32, #tpu.memory_space<hbm>>
        tpu.wait_indirect_dma semaphore(%arg13 : memref<!tpu.dma_semaphore, #tpu.memory_space<semaphore_mem>>) src(%dma_wait3A_387 : memref<10000x128xf32, #tpu.memory_space<hbm>>) dst(%arg10 : memref<128x128xf32, #tpu.memory_space<vmem>>)
        %add3A_388 = arith.constant 7 : i32
        %add3A_389 = arith.addi %mul3A_107, %add3A_388 : i32
        %dma_start3A_390 = arith.constant 0 : i32
        %dma_start3A_391 = arith.constant 0 : i32
        %dma_start3A_392 = tpu.memref_slice %arg12[%add3A_389, %dma_start3A_390, %dma_start3A_391] : memref<16x1x128xi32, #tpu.memory_space<vmem>> -> memref<1x1x128xi32, #tpu.memory_space<vmem>>
        %dma_start3A_393 = tpu.memref_squeeze %dma_start3A_392 : memref<1x1x128xi32, #tpu.memory_space<vmem>> -> memref<128xi32, #tpu.memory_space<vmem>>
        %dma_start3A_394 = arith.constant 0 : i32
        %dma_start3A_395 = arith.constant 0 : i32
        %dma_start3A_396 = tpu.memref_slice %arg8[%dma_start3A_394, %dma_start3A_395] : memref<10240x128xf32, #tpu.memory_space<vmem_shared>> -> memref<10240x128xf32, #tpu.memory_space<vmem_shared>>
        tpu.enqueue_indirect_dma source(%arg10 : memref<128x128xf32, #tpu.memory_space<vmem>>) target(%dma_start3A_396 : memref<10240x128xf32, #tpu.memory_space<vmem_shared>>) offsets(%dma_start3A_393 : memref<128xi32, #tpu.memory_space<vmem>>) semaphore(%arg15 : memref<!tpu.dma_semaphore, #tpu.memory_space<semaphore_mem>>) {add = true}
        %dma_wait3A_397 = arith.constant 0 : i32
        %dma_wait3A_398 = arith.constant 0 : i32
        %dma_wait3A_399 = tpu.memref_slice %arg12[%add3A_357, %dma_wait3A_397, %dma_wait3A_398] : memref<16x1x128xi32, #tpu.memory_space<vmem>> -> memref<1x1x128xi32, #tpu.memory_space<vmem>>
        %dma_wait3A_400 = tpu.memref_squeeze %dma_wait3A_399 : memref<1x1x128xi32, #tpu.memory_space<vmem>> -> memref<128xi32, #tpu.memory_space<vmem>>
        %dma_wait3A_401 = arith.constant 0 : i32
        %dma_wait3A_402 = arith.constant 0 : i32
        %dma_wait3A_403 = tpu.memref_slice %arg8[%dma_wait3A_401, %dma_wait3A_402] : memref<10240x128xf32, #tpu.memory_space<vmem_shared>> -> memref<10240x128xf32, #tpu.memory_space<vmem_shared>>
        tpu.wait_indirect_dma semaphore(%arg14 : memref<!tpu.dma_semaphore, #tpu.memory_space<semaphore_mem>>) src(%arg9 : memref<128x128xf32, #tpu.memory_space<vmem>>) dst(%dma_wait3A_403 : memref<10240x128xf32, #tpu.memory_space<vmem_shared>>)
        %dma_wait3A_404 = arith.constant 0 : i32
        %dma_wait3A_405 = arith.constant 0 : i32
        %dma_wait3A_406 = tpu.memref_slice %arg12[%add3A_389, %dma_wait3A_404, %dma_wait3A_405] : memref<16x1x128xi32, #tpu.memory_space<vmem>> -> memref<1x1x128xi32, #tpu.memory_space<vmem>>
        %dma_wait3A_407 = tpu.memref_squeeze %dma_wait3A_406 : memref<1x1x128xi32, #tpu.memory_space<vmem>> -> memref<128xi32, #tpu.memory_space<vmem>>
        %dma_wait3A_408 = arith.constant 0 : i32
        %dma_wait3A_409 = arith.constant 0 : i32
        %dma_wait3A_410 = tpu.memref_slice %arg8[%dma_wait3A_408, %dma_wait3A_409] : memref<10240x128xf32, #tpu.memory_space<vmem_shared>> -> memref<10240x128xf32, #tpu.memory_space<vmem_shared>>
        tpu.wait_indirect_dma semaphore(%arg15 : memref<!tpu.dma_semaphore, #tpu.memory_space<semaphore_mem>>) src(%arg10 : memref<128x128xf32, #tpu.memory_space<vmem>>) dst(%dma_wait3A_410 : memref<10240x128xf32, #tpu.memory_space<vmem_shared>>)
        %scan3A_411 = arith.constant 0 : i32
        scf.yield %scan3A_411 : i32
      }
      %scan3A_93 = arith.constant 10 : i32
    } else {
    }
    %barrier3A_25 = arith.constant 0 : index
    tpu.barrier barrier_id(%barrier3A_25)
    %mul3A_26 = arith.constant 640 : i32
    %mul3A_27 = arith.muli %arg1, %mul3A_26 : i32
    %add3A_28 = arith.constant 0 : i32
    %add3A_29 = arith.addi %mul3A_27, %add3A_28 : i32
    %mul3A_30 = arith.constant 10240 : i32
    %mul3A_31 = arith.muli %arg0, %mul3A_30 : i32
    %add3A_32 = arith.addi %mul3A_31, %add3A_29 : i32
    "tpu.region"() ({
      %run_scoped3A = tpu.sem_alloc : memref<!tpu.dma_semaphore, #tpu.memory_space<semaphore_mem>>
      %dma_start3A = arith.constant 0 : i32
      %dma_start3A_61 = tpu.memref_slice %arg7[%add3A_32, %dma_start3A] : memref<20480x128xf32, #tpu.memory_space<hbm>> -> memref<128x128xf32, #tpu.memory_space<hbm>>
      %dma_start3A_62 = arith.constant 0 : i32
      %dma_start3A_63 = tpu.memref_slice %arg8[%add3A_29, %dma_start3A_62] : memref<10240x128xf32, #tpu.memory_space<vmem_shared>> -> memref<128x128xf32, #tpu.memory_space<vmem_shared>>
      tpu.enqueue_dma source(%dma_start3A_63 : memref<128x128xf32, #tpu.memory_space<vmem_shared>>) target(%dma_start3A_61 : memref<128x128xf32, #tpu.memory_space<hbm>>) target_semaphore(%run_scoped3A : memref<!tpu.dma_semaphore, #tpu.memory_space<semaphore_mem>>)
      %dma_wait3A = arith.constant 0 : i32
      %dma_wait3A_64 = tpu.memref_slice %arg7[%add3A_32, %dma_wait3A] : memref<20480x128xf32, #tpu.memory_space<hbm>> -> memref<128x128xf32, #tpu.memory_space<hbm>>
      %dma_wait3A_65 = arith.constant 0 : i32
      %dma_wait3A_66 = tpu.memref_slice %arg8[%add3A_29, %dma_wait3A_65] : memref<10240x128xf32, #tpu.memory_space<vmem_shared>> -> memref<128x128xf32, #tpu.memory_space<vmem_shared>>
      tpu.wait_dma2 semaphore(%run_scoped3A : memref<!tpu.dma_semaphore, #tpu.memory_space<semaphore_mem>>) src(%dma_wait3A_66 : memref<128x128xf32, #tpu.memory_space<vmem_shared>>) dst(%dma_wait3A_64 : memref<128x128xf32, #tpu.memory_space<hbm>>)
      tpu.yield
    }) : () -> ()
    %mul3A_33 = arith.constant 640 : i32
    %mul3A_34 = arith.muli %arg1, %mul3A_33 : i32
    %add3A_35 = arith.constant 128 : i32
    %add3A_36 = arith.addi %mul3A_34, %add3A_35 : i32
    %mul3A_37 = arith.constant 10240 : i32
    %mul3A_38 = arith.muli %arg0, %mul3A_37 : i32
    %add3A_39 = arith.addi %mul3A_38, %add3A_36 : i32
    "tpu.region"() ({
      %run_scoped3A = tpu.sem_alloc : memref<!tpu.dma_semaphore, #tpu.memory_space<semaphore_mem>>
      %dma_start3A = arith.constant 0 : i32
      %dma_start3A_61 = tpu.memref_slice %arg7[%add3A_39, %dma_start3A] : memref<20480x128xf32, #tpu.memory_space<hbm>> -> memref<128x128xf32, #tpu.memory_space<hbm>>
      %dma_start3A_62 = arith.constant 0 : i32
      %dma_start3A_63 = tpu.memref_slice %arg8[%add3A_36, %dma_start3A_62] : memref<10240x128xf32, #tpu.memory_space<vmem_shared>> -> memref<128x128xf32, #tpu.memory_space<vmem_shared>>
      tpu.enqueue_dma source(%dma_start3A_63 : memref<128x128xf32, #tpu.memory_space<vmem_shared>>) target(%dma_start3A_61 : memref<128x128xf32, #tpu.memory_space<hbm>>) target_semaphore(%run_scoped3A : memref<!tpu.dma_semaphore, #tpu.memory_space<semaphore_mem>>)
      %dma_wait3A = arith.constant 0 : i32
      %dma_wait3A_64 = tpu.memref_slice %arg7[%add3A_39, %dma_wait3A] : memref<20480x128xf32, #tpu.memory_space<hbm>> -> memref<128x128xf32, #tpu.memory_space<hbm>>
      %dma_wait3A_65 = arith.constant 0 : i32
      %dma_wait3A_66 = tpu.memref_slice %arg8[%add3A_36, %dma_wait3A_65] : memref<10240x128xf32, #tpu.memory_space<vmem_shared>> -> memref<128x128xf32, #tpu.memory_space<vmem_shared>>
      tpu.wait_dma2 semaphore(%run_scoped3A : memref<!tpu.dma_semaphore, #tpu.memory_space<semaphore_mem>>) src(%dma_wait3A_66 : memref<128x128xf32, #tpu.memory_space<vmem_shared>>) dst(%dma_wait3A_64 : memref<128x128xf32, #tpu.memory_space<hbm>>)
      tpu.yield
    }) : () -> ()
    %mul3A_40 = arith.constant 640 : i32
    %mul3A_41 = arith.muli %arg1, %mul3A_40 : i32
    %add3A_42 = arith.constant 256 : i32
    %add3A_43 = arith.addi %mul3A_41, %add3A_42 : i32
    %mul3A_44 = arith.constant 10240 : i32
    %mul3A_45 = arith.muli %arg0, %mul3A_44 : i32
    %add3A_46 = arith.addi %mul3A_45, %add3A_43 : i32
    "tpu.region"() ({
      %run_scoped3A = tpu.sem_alloc : memref<!tpu.dma_semaphore, #tpu.memory_space<semaphore_mem>>
      %dma_start3A = arith.constant 0 : i32
      %dma_start3A_61 = tpu.memref_slice %arg7[%add3A_46, %dma_start3A] : memref<20480x128xf32, #tpu.memory_space<hbm>> -> memref<128x128xf32, #tpu.memory_space<hbm>>
      %dma_start3A_62 = arith.constant 0 : i32
      %dma_start3A_63 = tpu.memref_slice %arg8[%add3A_43, %dma_start3A_62] : memref<10240x128xf32, #tpu.memory_space<vmem_shared>> -> memref<128x128xf32, #tpu.memory_space<vmem_shared>>
      tpu.enqueue_dma source(%dma_start3A_63 : memref<128x128xf32, #tpu.memory_space<vmem_shared>>) target(%dma_start3A_61 : memref<128x128xf32, #tpu.memory_space<hbm>>) target_semaphore(%run_scoped3A : memref<!tpu.dma_semaphore, #tpu.memory_space<semaphore_mem>>)
      %dma_wait3A = arith.constant 0 : i32
      %dma_wait3A_64 = tpu.memref_slice %arg7[%add3A_46, %dma_wait3A] : memref<20480x128xf32, #tpu.memory_space<hbm>> -> memref<128x128xf32, #tpu.memory_space<hbm>>
      %dma_wait3A_65 = arith.constant 0 : i32
      %dma_wait3A_66 = tpu.memref_slice %arg8[%add3A_43, %dma_wait3A_65] : memref<10240x128xf32, #tpu.memory_space<vmem_shared>> -> memref<128x128xf32, #tpu.memory_space<vmem_shared>>
      tpu.wait_dma2 semaphore(%run_scoped3A : memref<!tpu.dma_semaphore, #tpu.memory_space<semaphore_mem>>) src(%dma_wait3A_66 : memref<128x128xf32, #tpu.memory_space<vmem_shared>>) dst(%dma_wait3A_64 : memref<128x128xf32, #tpu.memory_space<hbm>>)
      tpu.yield
    }) : () -> ()
    %mul3A_47 = arith.constant 640 : i32
    %mul3A_48 = arith.muli %arg1, %mul3A_47 : i32
    %add3A_49 = arith.constant 384 : i32
    %add3A_50 = arith.addi %mul3A_48, %add3A_49 : i32
    %mul3A_51 = arith.constant 10240 : i32
    %mul3A_52 = arith.muli %arg0, %mul3A_51 : i32
    %add3A_53 = arith.addi %mul3A_52, %add3A_50 : i32
    "tpu.region"() ({
      %run_scoped3A = tpu.sem_alloc : memref<!tpu.dma_semaphore, #tpu.memory_space<semaphore_mem>>
      %dma_start3A = arith.constant 0 : i32
      %dma_start3A_61 = tpu.memref_slice %arg7[%add3A_53, %dma_start3A] : memref<20480x128xf32, #tpu.memory_space<hbm>> -> memref<128x128xf32, #tpu.memory_space<hbm>>
      %dma_start3A_62 = arith.constant 0 : i32
      %dma_start3A_63 = tpu.memref_slice %arg8[%add3A_50, %dma_start3A_62] : memref<10240x128xf32, #tpu.memory_space<vmem_shared>> -> memref<128x128xf32, #tpu.memory_space<vmem_shared>>
      tpu.enqueue_dma source(%dma_start3A_63 : memref<128x128xf32, #tpu.memory_space<vmem_shared>>) target(%dma_start3A_61 : memref<128x128xf32, #tpu.memory_space<hbm>>) target_semaphore(%run_scoped3A : memref<!tpu.dma_semaphore, #tpu.memory_space<semaphore_mem>>)
      %dma_wait3A = arith.constant 0 : i32
      %dma_wait3A_64 = tpu.memref_slice %arg7[%add3A_53, %dma_wait3A] : memref<20480x128xf32, #tpu.memory_space<hbm>> -> memref<128x128xf32, #tpu.memory_space<hbm>>
      %dma_wait3A_65 = arith.constant 0 : i32
      %dma_wait3A_66 = tpu.memref_slice %arg8[%add3A_50, %dma_wait3A_65] : memref<10240x128xf32, #tpu.memory_space<vmem_shared>> -> memref<128x128xf32, #tpu.memory_space<vmem_shared>>
      tpu.wait_dma2 semaphore(%run_scoped3A : memref<!tpu.dma_semaphore, #tpu.memory_space<semaphore_mem>>) src(%dma_wait3A_66 : memref<128x128xf32, #tpu.memory_space<vmem_shared>>) dst(%dma_wait3A_64 : memref<128x128xf32, #tpu.memory_space<hbm>>)
      tpu.yield
    }) : () -> ()
    %mul3A_54 = arith.constant 640 : i32
    %mul3A_55 = arith.muli %arg1, %mul3A_54 : i32
    %add3A_56 = arith.constant 512 : i32
    %add3A_57 = arith.addi %mul3A_55, %add3A_56 : i32
    %mul3A_58 = arith.constant 10240 : i32
    %mul3A_59 = arith.muli %arg0, %mul3A_58 : i32
    %add3A_60 = arith.addi %mul3A_59, %add3A_57 : i32
    "tpu.region"() ({
      %run_scoped3A = tpu.sem_alloc : memref<!tpu.dma_semaphore, #tpu.memory_space<semaphore_mem>>
      %dma_start3A = arith.constant 0 : i32
      %dma_start3A_61 = tpu.memref_slice %arg7[%add3A_60, %dma_start3A] : memref<20480x128xf32, #tpu.memory_space<hbm>> -> memref<128x128xf32, #tpu.memory_space<hbm>>
      %dma_start3A_62 = arith.constant 0 : i32
      %dma_start3A_63 = tpu.memref_slice %arg8[%add3A_57, %dma_start3A_62] : memref<10240x128xf32, #tpu.memory_space<vmem_shared>> -> memref<128x128xf32, #tpu.memory_space<vmem_shared>>
      tpu.enqueue_dma source(%dma_start3A_63 : memref<128x128xf32, #tpu.memory_space<vmem_shared>>) target(%dma_start3A_61 : memref<128x128xf32, #tpu.memory_space<hbm>>) target_semaphore(%run_scoped3A : memref<!tpu.dma_semaphore, #tpu.memory_space<semaphore_mem>>)
      %dma_wait3A = arith.constant 0 : i32
      %dma_wait3A_64 = tpu.memref_slice %arg7[%add3A_60, %dma_wait3A] : memref<20480x128xf32, #tpu.memory_space<hbm>> -> memref<128x128xf32, #tpu.memory_space<hbm>>
      %dma_wait3A_65 = arith.constant 0 : i32
      %dma_wait3A_66 = tpu.memref_slice %arg8[%add3A_57, %dma_wait3A_65] : memref<10240x128xf32, #tpu.memory_space<vmem_shared>> -> memref<128x128xf32, #tpu.memory_space<vmem_shared>>
      tpu.wait_dma2 semaphore(%run_scoped3A : memref<!tpu.dma_semaphore, #tpu.memory_space<semaphore_mem>>) src(%dma_wait3A_66 : memref<128x128xf32, #tpu.memory_space<vmem_shared>>) dst(%dma_wait3A_64 : memref<128x128xf32, #tpu.memory_space<hbm>>)
      tpu.yield
    }) : () -> ()
    return
  }
}

#map = affine_map<(d0, d1) -> (0, 0, 0)>
#map1 = affine_map<(d0, d1) -> (0, 0)>
module attributes {stable_mosaic.version = 14 : i64} {
  func.func @deg(%arg0: i32, %arg1: i32, %arg2: memref<1280x1x128xi32, #tpu.memory_space<hbm>>, %arg3: memref<128x128xf32, #tpu.memory_space<hbm>>, %arg4: memref<128x128xf32, #tpu.memory_space<hbm>>, %arg5: memref<20480x128xf32, #tpu.memory_space<hbm>>, %arg6: memref<10240x128xf32, #tpu.memory_space<vmem_shared>>, %arg7: memref<128x128xf32, #tpu.memory_space<vmem>>, %arg8: memref<128x128xf32, #tpu.memory_space<vmem>>, %arg9: memref<8x1x128xi32, #tpu.memory_space<vmem>>, %arg10: memref<!tpu.dma_semaphore, #tpu.memory_space<semaphore_mem>>) attributes {dimension_semantics = [#tpu.dimension_semantics<core_parallel>, #tpu.dimension_semantics<subcore_parallel>], iteration_bounds = array<i64: 2, 16>, scalar_prefetch = 0 : i64, scratch_operands = 5 : i64, tpu.core_type = #tpu.core_type<sc_vector_subcore>, window_params = [{transform_indices = #map}, {transform_indices = #map1}, {transform_indices = #map1}, {transform_indices = #map1}]} {
    "tpu.region"() ({
      %run_scoped3A = tpu.sem_alloc : memref<!tpu.dma_semaphore, #tpu.memory_space<semaphore_mem>>
      tpu.enqueue_dma source(%arg4 : memref<128x128xf32, #tpu.memory_space<hbm>>) target(%arg7 : memref<128x128xf32, #tpu.memory_space<vmem>>) target_semaphore(%run_scoped3A : memref<!tpu.dma_semaphore, #tpu.memory_space<semaphore_mem>>)
      tpu.wait_dma2 semaphore(%run_scoped3A : memref<!tpu.dma_semaphore, #tpu.memory_space<semaphore_mem>>) src(%arg4 : memref<128x128xf32, #tpu.memory_space<hbm>>) dst(%arg7 : memref<128x128xf32, #tpu.memory_space<vmem>>)
      tpu.yield
    }) : () -> ()
    "tpu.region"() ({
      %run_scoped3A = tpu.sem_alloc : memref<!tpu.dma_semaphore, #tpu.memory_space<semaphore_mem>>
      tpu.enqueue_dma source(%arg3 : memref<128x128xf32, #tpu.memory_space<hbm>>) target(%arg8 : memref<128x128xf32, #tpu.memory_space<vmem>>) target_semaphore(%run_scoped3A : memref<!tpu.dma_semaphore, #tpu.memory_space<semaphore_mem>>)
      tpu.wait_dma2 semaphore(%run_scoped3A : memref<!tpu.dma_semaphore, #tpu.memory_space<semaphore_mem>>) src(%arg3 : memref<128x128xf32, #tpu.memory_space<hbm>>) dst(%arg8 : memref<128x128xf32, #tpu.memory_space<vmem>>)
      tpu.yield
    }) : () -> ()
    %mul3A = arith.constant 640 : i32
    %mul3A_0 = arith.muli %arg1, %mul3A : i32
    %add3A = arith.constant 0 : i32
    %add3A_1 = arith.addi %mul3A_0, %add3A : i32
    "tpu.region"() ({
      %run_scoped3A = tpu.sem_alloc : memref<!tpu.dma_semaphore, #tpu.memory_space<semaphore_mem>>
      %dma_start3A = arith.constant 0 : i32
      %dma_start3A_60 = tpu.memref_slice %arg6[%add3A_1, %dma_start3A] : memref<10240x128xf32, #tpu.memory_space<vmem_shared>> -> memref<128x128xf32, #tpu.memory_space<vmem_shared>>
      %dma_start3A_61 = arith.constant 0 : i32
      %dma_start3A_62 = tpu.memref_slice %arg6[%add3A_1, %dma_start3A_61] : memref<10240x128xf32, #tpu.memory_space<vmem_shared>> -> memref<128x128xf32, #tpu.memory_space<vmem_shared>>
      tpu.enqueue_dma source(%arg8 : memref<128x128xf32, #tpu.memory_space<vmem>>) target(%dma_start3A_62 : memref<128x128xf32, #tpu.memory_space<vmem_shared>>) target_semaphore(%run_scoped3A : memref<!tpu.dma_semaphore, #tpu.memory_space<semaphore_mem>>)
      %dma_wait3A = arith.constant 0 : i32
      %dma_wait3A_63 = tpu.memref_slice %arg6[%add3A_1, %dma_wait3A] : memref<10240x128xf32, #tpu.memory_space<vmem_shared>> -> memref<128x128xf32, #tpu.memory_space<vmem_shared>>
      %dma_wait3A_64 = arith.constant 0 : i32
      %dma_wait3A_65 = tpu.memref_slice %arg6[%add3A_1, %dma_wait3A_64] : memref<10240x128xf32, #tpu.memory_space<vmem_shared>> -> memref<128x128xf32, #tpu.memory_space<vmem_shared>>
      tpu.wait_dma2 semaphore(%run_scoped3A : memref<!tpu.dma_semaphore, #tpu.memory_space<semaphore_mem>>) src(%arg8 : memref<128x128xf32, #tpu.memory_space<vmem>>) dst(%dma_wait3A_65 : memref<128x128xf32, #tpu.memory_space<vmem_shared>>)
      tpu.yield
    }) : () -> ()
    %mul3A_2 = arith.constant 640 : i32
    %mul3A_3 = arith.muli %arg1, %mul3A_2 : i32
    %add3A_4 = arith.constant 128 : i32
    %add3A_5 = arith.addi %mul3A_3, %add3A_4 : i32
    "tpu.region"() ({
      %run_scoped3A = tpu.sem_alloc : memref<!tpu.dma_semaphore, #tpu.memory_space<semaphore_mem>>
      %dma_start3A = arith.constant 0 : i32
      %dma_start3A_60 = tpu.memref_slice %arg6[%add3A_5, %dma_start3A] : memref<10240x128xf32, #tpu.memory_space<vmem_shared>> -> memref<128x128xf32, #tpu.memory_space<vmem_shared>>
      %dma_start3A_61 = arith.constant 0 : i32
      %dma_start3A_62 = tpu.memref_slice %arg6[%add3A_5, %dma_start3A_61] : memref<10240x128xf32, #tpu.memory_space<vmem_shared>> -> memref<128x128xf32, #tpu.memory_space<vmem_shared>>
      tpu.enqueue_dma source(%arg8 : memref<128x128xf32, #tpu.memory_space<vmem>>) target(%dma_start3A_62 : memref<128x128xf32, #tpu.memory_space<vmem_shared>>) target_semaphore(%run_scoped3A : memref<!tpu.dma_semaphore, #tpu.memory_space<semaphore_mem>>)
      %dma_wait3A = arith.constant 0 : i32
      %dma_wait3A_63 = tpu.memref_slice %arg6[%add3A_5, %dma_wait3A] : memref<10240x128xf32, #tpu.memory_space<vmem_shared>> -> memref<128x128xf32, #tpu.memory_space<vmem_shared>>
      %dma_wait3A_64 = arith.constant 0 : i32
      %dma_wait3A_65 = tpu.memref_slice %arg6[%add3A_5, %dma_wait3A_64] : memref<10240x128xf32, #tpu.memory_space<vmem_shared>> -> memref<128x128xf32, #tpu.memory_space<vmem_shared>>
      tpu.wait_dma2 semaphore(%run_scoped3A : memref<!tpu.dma_semaphore, #tpu.memory_space<semaphore_mem>>) src(%arg8 : memref<128x128xf32, #tpu.memory_space<vmem>>) dst(%dma_wait3A_65 : memref<128x128xf32, #tpu.memory_space<vmem_shared>>)
      tpu.yield
    }) : () -> ()
    %mul3A_6 = arith.constant 640 : i32
    %mul3A_7 = arith.muli %arg1, %mul3A_6 : i32
    %add3A_8 = arith.constant 256 : i32
    %add3A_9 = arith.addi %mul3A_7, %add3A_8 : i32
    "tpu.region"() ({
      %run_scoped3A = tpu.sem_alloc : memref<!tpu.dma_semaphore, #tpu.memory_space<semaphore_mem>>
      %dma_start3A = arith.constant 0 : i32
      %dma_start3A_60 = tpu.memref_slice %arg6[%add3A_9, %dma_start3A] : memref<10240x128xf32, #tpu.memory_space<vmem_shared>> -> memref<128x128xf32, #tpu.memory_space<vmem_shared>>
      %dma_start3A_61 = arith.constant 0 : i32
      %dma_start3A_62 = tpu.memref_slice %arg6[%add3A_9, %dma_start3A_61] : memref<10240x128xf32, #tpu.memory_space<vmem_shared>> -> memref<128x128xf32, #tpu.memory_space<vmem_shared>>
      tpu.enqueue_dma source(%arg8 : memref<128x128xf32, #tpu.memory_space<vmem>>) target(%dma_start3A_62 : memref<128x128xf32, #tpu.memory_space<vmem_shared>>) target_semaphore(%run_scoped3A : memref<!tpu.dma_semaphore, #tpu.memory_space<semaphore_mem>>)
      %dma_wait3A = arith.constant 0 : i32
      %dma_wait3A_63 = tpu.memref_slice %arg6[%add3A_9, %dma_wait3A] : memref<10240x128xf32, #tpu.memory_space<vmem_shared>> -> memref<128x128xf32, #tpu.memory_space<vmem_shared>>
      %dma_wait3A_64 = arith.constant 0 : i32
      %dma_wait3A_65 = tpu.memref_slice %arg6[%add3A_9, %dma_wait3A_64] : memref<10240x128xf32, #tpu.memory_space<vmem_shared>> -> memref<128x128xf32, #tpu.memory_space<vmem_shared>>
      tpu.wait_dma2 semaphore(%run_scoped3A : memref<!tpu.dma_semaphore, #tpu.memory_space<semaphore_mem>>) src(%arg8 : memref<128x128xf32, #tpu.memory_space<vmem>>) dst(%dma_wait3A_65 : memref<128x128xf32, #tpu.memory_space<vmem_shared>>)
      tpu.yield
    }) : () -> ()
    %mul3A_10 = arith.constant 640 : i32
    %mul3A_11 = arith.muli %arg1, %mul3A_10 : i32
    %add3A_12 = arith.constant 384 : i32
    %add3A_13 = arith.addi %mul3A_11, %add3A_12 : i32
    "tpu.region"() ({
      %run_scoped3A = tpu.sem_alloc : memref<!tpu.dma_semaphore, #tpu.memory_space<semaphore_mem>>
      %dma_start3A = arith.constant 0 : i32
      %dma_start3A_60 = tpu.memref_slice %arg6[%add3A_13, %dma_start3A] : memref<10240x128xf32, #tpu.memory_space<vmem_shared>> -> memref<128x128xf32, #tpu.memory_space<vmem_shared>>
      %dma_start3A_61 = arith.constant 0 : i32
      %dma_start3A_62 = tpu.memref_slice %arg6[%add3A_13, %dma_start3A_61] : memref<10240x128xf32, #tpu.memory_space<vmem_shared>> -> memref<128x128xf32, #tpu.memory_space<vmem_shared>>
      tpu.enqueue_dma source(%arg8 : memref<128x128xf32, #tpu.memory_space<vmem>>) target(%dma_start3A_62 : memref<128x128xf32, #tpu.memory_space<vmem_shared>>) target_semaphore(%run_scoped3A : memref<!tpu.dma_semaphore, #tpu.memory_space<semaphore_mem>>)
      %dma_wait3A = arith.constant 0 : i32
      %dma_wait3A_63 = tpu.memref_slice %arg6[%add3A_13, %dma_wait3A] : memref<10240x128xf32, #tpu.memory_space<vmem_shared>> -> memref<128x128xf32, #tpu.memory_space<vmem_shared>>
      %dma_wait3A_64 = arith.constant 0 : i32
      %dma_wait3A_65 = tpu.memref_slice %arg6[%add3A_13, %dma_wait3A_64] : memref<10240x128xf32, #tpu.memory_space<vmem_shared>> -> memref<128x128xf32, #tpu.memory_space<vmem_shared>>
      tpu.wait_dma2 semaphore(%run_scoped3A : memref<!tpu.dma_semaphore, #tpu.memory_space<semaphore_mem>>) src(%arg8 : memref<128x128xf32, #tpu.memory_space<vmem>>) dst(%dma_wait3A_65 : memref<128x128xf32, #tpu.memory_space<vmem_shared>>)
      tpu.yield
    }) : () -> ()
    %mul3A_14 = arith.constant 640 : i32
    %mul3A_15 = arith.muli %arg1, %mul3A_14 : i32
    %add3A_16 = arith.constant 512 : i32
    %add3A_17 = arith.addi %mul3A_15, %add3A_16 : i32
    "tpu.region"() ({
      %run_scoped3A = tpu.sem_alloc : memref<!tpu.dma_semaphore, #tpu.memory_space<semaphore_mem>>
      %dma_start3A = arith.constant 0 : i32
      %dma_start3A_60 = tpu.memref_slice %arg6[%add3A_17, %dma_start3A] : memref<10240x128xf32, #tpu.memory_space<vmem_shared>> -> memref<128x128xf32, #tpu.memory_space<vmem_shared>>
      %dma_start3A_61 = arith.constant 0 : i32
      %dma_start3A_62 = tpu.memref_slice %arg6[%add3A_17, %dma_start3A_61] : memref<10240x128xf32, #tpu.memory_space<vmem_shared>> -> memref<128x128xf32, #tpu.memory_space<vmem_shared>>
      tpu.enqueue_dma source(%arg8 : memref<128x128xf32, #tpu.memory_space<vmem>>) target(%dma_start3A_62 : memref<128x128xf32, #tpu.memory_space<vmem_shared>>) target_semaphore(%run_scoped3A : memref<!tpu.dma_semaphore, #tpu.memory_space<semaphore_mem>>)
      %dma_wait3A = arith.constant 0 : i32
      %dma_wait3A_63 = tpu.memref_slice %arg6[%add3A_17, %dma_wait3A] : memref<10240x128xf32, #tpu.memory_space<vmem_shared>> -> memref<128x128xf32, #tpu.memory_space<vmem_shared>>
      %dma_wait3A_64 = arith.constant 0 : i32
      %dma_wait3A_65 = tpu.memref_slice %arg6[%add3A_17, %dma_wait3A_64] : memref<10240x128xf32, #tpu.memory_space<vmem_shared>> -> memref<128x128xf32, #tpu.memory_space<vmem_shared>>
      tpu.wait_dma2 semaphore(%run_scoped3A : memref<!tpu.dma_semaphore, #tpu.memory_space<semaphore_mem>>) src(%arg8 : memref<128x128xf32, #tpu.memory_space<vmem>>) dst(%dma_wait3A_65 : memref<128x128xf32, #tpu.memory_space<vmem_shared>>)
      tpu.yield
    }) : () -> ()
    %barrier3A = arith.constant 0 : index
    tpu.barrier barrier_id(%barrier3A)
    %scan3A = arith.constant 0 : i32
    %scan3A_18 = arith.constant 0 : i32
    %scan3A_19 = arith.constant 5 : i32
    %scan3A_20 = arith.addi %scan3A_18, %scan3A_19 : i32
    %scan3A_21 = arith.constant 1 : i32
    %scan3A_22 = scf.for %scan3A_60 = %scan3A_18 to %scan3A_20 step %scan3A_21 iter_args(%scan3A_61 = %scan3A) -> (i32)  : i32 {
      %mul3A_62 = arith.constant 16 : i32
      %mul3A_63 = arith.muli %arg0, %mul3A_62 : i32
      %add3A_64 = arith.addi %mul3A_63, %arg1 : i32
      %mul3A_65 = arith.constant 40 : i32
      %mul3A_66 = arith.muli %add3A_64, %mul3A_65 : i32
      %mul3A_67 = arith.constant 8 : i32
      %mul3A_68 = arith.muli %scan3A_60, %mul3A_67 : i32
      %add3A_69 = arith.addi %mul3A_66, %mul3A_68 : i32
      "tpu.region"() ({
        %run_scoped3A = tpu.sem_alloc : memref<!tpu.dma_semaphore, #tpu.memory_space<semaphore_mem>>
        %dma_start3A_197 = arith.constant 0 : i32
        %dma_start3A_198 = arith.constant 0 : i32
        %dma_start3A_199 = tpu.memref_slice %arg2[%add3A_69, %dma_start3A_197, %dma_start3A_198] : memref<1280x1x128xi32, #tpu.memory_space<hbm>> -> memref<8x1x128xi32, #tpu.memory_space<hbm>>
        %dma_start3A_200 = arith.constant 0 : i32
        %dma_start3A_201 = arith.constant 0 : i32
        %dma_start3A_202 = tpu.memref_slice %arg2[%add3A_69, %dma_start3A_200, %dma_start3A_201] : memref<1280x1x128xi32, #tpu.memory_space<hbm>> -> memref<8x1x128xi32, #tpu.memory_space<hbm>>
        tpu.enqueue_dma source(%dma_start3A_202 : memref<8x1x128xi32, #tpu.memory_space<hbm>>) target(%arg9 : memref<8x1x128xi32, #tpu.memory_space<vmem>>) target_semaphore(%run_scoped3A : memref<!tpu.dma_semaphore, #tpu.memory_space<semaphore_mem>>)
        %dma_wait3A_203 = arith.constant 0 : i32
        %dma_wait3A_204 = arith.constant 0 : i32
        %dma_wait3A_205 = tpu.memref_slice %arg2[%add3A_69, %dma_wait3A_203, %dma_wait3A_204] : memref<1280x1x128xi32, #tpu.memory_space<hbm>> -> memref<8x1x128xi32, #tpu.memory_space<hbm>>
        %dma_wait3A_206 = arith.constant 0 : i32
        %dma_wait3A_207 = arith.constant 0 : i32
        %dma_wait3A_208 = tpu.memref_slice %arg2[%add3A_69, %dma_wait3A_206, %dma_wait3A_207] : memref<1280x1x128xi32, #tpu.memory_space<hbm>> -> memref<8x1x128xi32, #tpu.memory_space<hbm>>
        tpu.wait_dma2 semaphore(%run_scoped3A : memref<!tpu.dma_semaphore, #tpu.memory_space<semaphore_mem>>) src(%dma_wait3A_208 : memref<8x1x128xi32, #tpu.memory_space<hbm>>) dst(%arg9 : memref<8x1x128xi32, #tpu.memory_space<vmem>>)
        tpu.yield
      }) : () -> ()
      %dma_start3A = arith.constant 0 : i32
      %dma_start3A_70 = arith.constant 0 : i32
      %dma_start3A_71 = arith.constant 0 : i32
      %dma_start3A_72 = tpu.memref_slice %arg9[%dma_start3A, %dma_start3A_70, %dma_start3A_71] : memref<8x1x128xi32, #tpu.memory_space<vmem>> -> memref<1x1x128xi32, #tpu.memory_space<vmem>>
      %dma_start3A_73 = tpu.memref_squeeze %dma_start3A_72 : memref<1x1x128xi32, #tpu.memory_space<vmem>> -> memref<128xi32, #tpu.memory_space<vmem>>
      %dma_start3A_74 = arith.constant 0 : i32
      %dma_start3A_75 = arith.constant 0 : i32
      %dma_start3A_76 = tpu.memref_slice %arg6[%dma_start3A_74, %dma_start3A_75] : memref<10240x128xf32, #tpu.memory_space<vmem_shared>> -> memref<10240x128xf32, #tpu.memory_space<vmem_shared>>
      tpu.enqueue_indirect_dma source(%arg7 : memref<128x128xf32, #tpu.memory_space<vmem>>) target(%dma_start3A_76 : memref<10240x128xf32, #tpu.memory_space<vmem_shared>>) offsets(%dma_start3A_73 : memref<128xi32, #tpu.memory_space<vmem>>) semaphore(%arg10 : memref<!tpu.dma_semaphore, #tpu.memory_space<semaphore_mem>>) {add = true}
      %dma_start3A_77 = arith.constant 1 : i32
      %dma_start3A_78 = arith.constant 0 : i32
      %dma_start3A_79 = arith.constant 0 : i32
      %dma_start3A_80 = tpu.memref_slice %arg9[%dma_start3A_77, %dma_start3A_78, %dma_start3A_79] : memref<8x1x128xi32, #tpu.memory_space<vmem>> -> memref<1x1x128xi32, #tpu.memory_space<vmem>>
      %dma_start3A_81 = tpu.memref_squeeze %dma_start3A_80 : memref<1x1x128xi32, #tpu.memory_space<vmem>> -> memref<128xi32, #tpu.memory_space<vmem>>
      %dma_start3A_82 = arith.constant 0 : i32
      %dma_start3A_83 = arith.constant 0 : i32
      %dma_start3A_84 = tpu.memref_slice %arg6[%dma_start3A_82, %dma_start3A_83] : memref<10240x128xf32, #tpu.memory_space<vmem_shared>> -> memref<10240x128xf32, #tpu.memory_space<vmem_shared>>
      tpu.enqueue_indirect_dma source(%arg7 : memref<128x128xf32, #tpu.memory_space<vmem>>) target(%dma_start3A_84 : memref<10240x128xf32, #tpu.memory_space<vmem_shared>>) offsets(%dma_start3A_81 : memref<128xi32, #tpu.memory_space<vmem>>) semaphore(%arg10 : memref<!tpu.dma_semaphore, #tpu.memory_space<semaphore_mem>>) {add = true}
      %dma_start3A_85 = arith.constant 2 : i32
      %dma_start3A_86 = arith.constant 0 : i32
      %dma_start3A_87 = arith.constant 0 : i32
      %dma_start3A_88 = tpu.memref_slice %arg9[%dma_start3A_85, %dma_start3A_86, %dma_start3A_87] : memref<8x1x128xi32, #tpu.memory_space<vmem>> -> memref<1x1x128xi32, #tpu.memory_space<vmem>>
      %dma_start3A_89 = tpu.memref_squeeze %dma_start3A_88 : memref<1x1x128xi32, #tpu.memory_space<vmem>> -> memref<128xi32, #tpu.memory_space<vmem>>
      %dma_start3A_90 = arith.constant 0 : i32
      %dma_start3A_91 = arith.constant 0 : i32
      %dma_start3A_92 = tpu.memref_slice %arg6[%dma_start3A_90, %dma_start3A_91] : memref<10240x128xf32, #tpu.memory_space<vmem_shared>> -> memref<10240x128xf32, #tpu.memory_space<vmem_shared>>
      tpu.enqueue_indirect_dma source(%arg7 : memref<128x128xf32, #tpu.memory_space<vmem>>) target(%dma_start3A_92 : memref<10240x128xf32, #tpu.memory_space<vmem_shared>>) offsets(%dma_start3A_89 : memref<128xi32, #tpu.memory_space<vmem>>) semaphore(%arg10 : memref<!tpu.dma_semaphore, #tpu.memory_space<semaphore_mem>>) {add = true}
      %dma_start3A_93 = arith.constant 3 : i32
      %dma_start3A_94 = arith.constant 0 : i32
      %dma_start3A_95 = arith.constant 0 : i32
      %dma_start3A_96 = tpu.memref_slice %arg9[%dma_start3A_93, %dma_start3A_94, %dma_start3A_95] : memref<8x1x128xi32, #tpu.memory_space<vmem>> -> memref<1x1x128xi32, #tpu.memory_space<vmem>>
      %dma_start3A_97 = tpu.memref_squeeze %dma_start3A_96 : memref<1x1x128xi32, #tpu.memory_space<vmem>> -> memref<128xi32, #tpu.memory_space<vmem>>
      %dma_start3A_98 = arith.constant 0 : i32
      %dma_start3A_99 = arith.constant 0 : i32
      %dma_start3A_100 = tpu.memref_slice %arg6[%dma_start3A_98, %dma_start3A_99] : memref<10240x128xf32, #tpu.memory_space<vmem_shared>> -> memref<10240x128xf32, #tpu.memory_space<vmem_shared>>
      tpu.enqueue_indirect_dma source(%arg7 : memref<128x128xf32, #tpu.memory_space<vmem>>) target(%dma_start3A_100 : memref<10240x128xf32, #tpu.memory_space<vmem_shared>>) offsets(%dma_start3A_97 : memref<128xi32, #tpu.memory_space<vmem>>) semaphore(%arg10 : memref<!tpu.dma_semaphore, #tpu.memory_space<semaphore_mem>>) {add = true}
      %dma_start3A_101 = arith.constant 4 : i32
      %dma_start3A_102 = arith.constant 0 : i32
      %dma_start3A_103 = arith.constant 0 : i32
      %dma_start3A_104 = tpu.memref_slice %arg9[%dma_start3A_101, %dma_start3A_102, %dma_start3A_103] : memref<8x1x128xi32, #tpu.memory_space<vmem>> -> memref<1x1x128xi32, #tpu.memory_space<vmem>>
      %dma_start3A_105 = tpu.memref_squeeze %dma_start3A_104 : memref<1x1x128xi32, #tpu.memory_space<vmem>> -> memref<128xi32, #tpu.memory_space<vmem>>
      %dma_start3A_106 = arith.constant 0 : i32
      %dma_start3A_107 = arith.constant 0 : i32
      %dma_start3A_108 = tpu.memref_slice %arg6[%dma_start3A_106, %dma_start3A_107] : memref<10240x128xf32, #tpu.memory_space<vmem_shared>> -> memref<10240x128xf32, #tpu.memory_space<vmem_shared>>
      tpu.enqueue_indirect_dma source(%arg7 : memref<128x128xf32, #tpu.memory_space<vmem>>) target(%dma_start3A_108 : memref<10240x128xf32, #tpu.memory_space<vmem_shared>>) offsets(%dma_start3A_105 : memref<128xi32, #tpu.memory_space<vmem>>) semaphore(%arg10 : memref<!tpu.dma_semaphore, #tpu.memory_space<semaphore_mem>>) {add = true}
      %dma_start3A_109 = arith.constant 5 : i32
      %dma_start3A_110 = arith.constant 0 : i32
      %dma_start3A_111 = arith.constant 0 : i32
      %dma_start3A_112 = tpu.memref_slice %arg9[%dma_start3A_109, %dma_start3A_110, %dma_start3A_111] : memref<8x1x128xi32, #tpu.memory_space<vmem>> -> memref<1x1x128xi32, #tpu.memory_space<vmem>>
      %dma_start3A_113 = tpu.memref_squeeze %dma_start3A_112 : memref<1x1x128xi32, #tpu.memory_space<vmem>> -> memref<128xi32, #tpu.memory_space<vmem>>
      %dma_start3A_114 = arith.constant 0 : i32
      %dma_start3A_115 = arith.constant 0 : i32
      %dma_start3A_116 = tpu.memref_slice %arg6[%dma_start3A_114, %dma_start3A_115] : memref<10240x128xf32, #tpu.memory_space<vmem_shared>> -> memref<10240x128xf32, #tpu.memory_space<vmem_shared>>
      tpu.enqueue_indirect_dma source(%arg7 : memref<128x128xf32, #tpu.memory_space<vmem>>) target(%dma_start3A_116 : memref<10240x128xf32, #tpu.memory_space<vmem_shared>>) offsets(%dma_start3A_113 : memref<128xi32, #tpu.memory_space<vmem>>) semaphore(%arg10 : memref<!tpu.dma_semaphore, #tpu.memory_space<semaphore_mem>>) {add = true}
      %dma_start3A_117 = arith.constant 6 : i32
      %dma_start3A_118 = arith.constant 0 : i32
      %dma_start3A_119 = arith.constant 0 : i32
      %dma_start3A_120 = tpu.memref_slice %arg9[%dma_start3A_117, %dma_start3A_118, %dma_start3A_119] : memref<8x1x128xi32, #tpu.memory_space<vmem>> -> memref<1x1x128xi32, #tpu.memory_space<vmem>>
      %dma_start3A_121 = tpu.memref_squeeze %dma_start3A_120 : memref<1x1x128xi32, #tpu.memory_space<vmem>> -> memref<128xi32, #tpu.memory_space<vmem>>
      %dma_start3A_122 = arith.constant 0 : i32
      %dma_start3A_123 = arith.constant 0 : i32
      %dma_start3A_124 = tpu.memref_slice %arg6[%dma_start3A_122, %dma_start3A_123] : memref<10240x128xf32, #tpu.memory_space<vmem_shared>> -> memref<10240x128xf32, #tpu.memory_space<vmem_shared>>
      tpu.enqueue_indirect_dma source(%arg7 : memref<128x128xf32, #tpu.memory_space<vmem>>) target(%dma_start3A_124 : memref<10240x128xf32, #tpu.memory_space<vmem_shared>>) offsets(%dma_start3A_121 : memref<128xi32, #tpu.memory_space<vmem>>) semaphore(%arg10 : memref<!tpu.dma_semaphore, #tpu.memory_space<semaphore_mem>>) {add = true}
      %dma_start3A_125 = arith.constant 7 : i32
      %dma_start3A_126 = arith.constant 0 : i32
      %dma_start3A_127 = arith.constant 0 : i32
      %dma_start3A_128 = tpu.memref_slice %arg9[%dma_start3A_125, %dma_start3A_126, %dma_start3A_127] : memref<8x1x128xi32, #tpu.memory_space<vmem>> -> memref<1x1x128xi32, #tpu.memory_space<vmem>>
      %dma_start3A_129 = tpu.memref_squeeze %dma_start3A_128 : memref<1x1x128xi32, #tpu.memory_space<vmem>> -> memref<128xi32, #tpu.memory_space<vmem>>
      %dma_start3A_130 = arith.constant 0 : i32
      %dma_start3A_131 = arith.constant 0 : i32
      %dma_start3A_132 = tpu.memref_slice %arg6[%dma_start3A_130, %dma_start3A_131] : memref<10240x128xf32, #tpu.memory_space<vmem_shared>> -> memref<10240x128xf32, #tpu.memory_space<vmem_shared>>
      tpu.enqueue_indirect_dma source(%arg7 : memref<128x128xf32, #tpu.memory_space<vmem>>) target(%dma_start3A_132 : memref<10240x128xf32, #tpu.memory_space<vmem_shared>>) offsets(%dma_start3A_129 : memref<128xi32, #tpu.memory_space<vmem>>) semaphore(%arg10 : memref<!tpu.dma_semaphore, #tpu.memory_space<semaphore_mem>>) {add = true}
      %dma_wait3A = arith.constant 0 : i32
      %dma_wait3A_133 = arith.constant 0 : i32
      %dma_wait3A_134 = arith.constant 0 : i32
      %dma_wait3A_135 = tpu.memref_slice %arg9[%dma_wait3A, %dma_wait3A_133, %dma_wait3A_134] : memref<8x1x128xi32, #tpu.memory_space<vmem>> -> memref<1x1x128xi32, #tpu.memory_space<vmem>>
      %dma_wait3A_136 = tpu.memref_squeeze %dma_wait3A_135 : memref<1x1x128xi32, #tpu.memory_space<vmem>> -> memref<128xi32, #tpu.memory_space<vmem>>
      %dma_wait3A_137 = arith.constant 0 : i32
      %dma_wait3A_138 = arith.constant 0 : i32
      %dma_wait3A_139 = tpu.memref_slice %arg6[%dma_wait3A_137, %dma_wait3A_138] : memref<10240x128xf32, #tpu.memory_space<vmem_shared>> -> memref<10240x128xf32, #tpu.memory_space<vmem_shared>>
      tpu.wait_indirect_dma semaphore(%arg10 : memref<!tpu.dma_semaphore, #tpu.memory_space<semaphore_mem>>) src(%arg7 : memref<128x128xf32, #tpu.memory_space<vmem>>) dst(%dma_wait3A_139 : memref<10240x128xf32, #tpu.memory_space<vmem_shared>>)
      %dma_wait3A_140 = arith.constant 1 : i32
      %dma_wait3A_141 = arith.constant 0 : i32
      %dma_wait3A_142 = arith.constant 0 : i32
      %dma_wait3A_143 = tpu.memref_slice %arg9[%dma_wait3A_140, %dma_wait3A_141, %dma_wait3A_142] : memref<8x1x128xi32, #tpu.memory_space<vmem>> -> memref<1x1x128xi32, #tpu.memory_space<vmem>>
      %dma_wait3A_144 = tpu.memref_squeeze %dma_wait3A_143 : memref<1x1x128xi32, #tpu.memory_space<vmem>> -> memref<128xi32, #tpu.memory_space<vmem>>
      %dma_wait3A_145 = arith.constant 0 : i32
      %dma_wait3A_146 = arith.constant 0 : i32
      %dma_wait3A_147 = tpu.memref_slice %arg6[%dma_wait3A_145, %dma_wait3A_146] : memref<10240x128xf32, #tpu.memory_space<vmem_shared>> -> memref<10240x128xf32, #tpu.memory_space<vmem_shared>>
      tpu.wait_indirect_dma semaphore(%arg10 : memref<!tpu.dma_semaphore, #tpu.memory_space<semaphore_mem>>) src(%arg7 : memref<128x128xf32, #tpu.memory_space<vmem>>) dst(%dma_wait3A_147 : memref<10240x128xf32, #tpu.memory_space<vmem_shared>>)
      %dma_wait3A_148 = arith.constant 2 : i32
      %dma_wait3A_149 = arith.constant 0 : i32
      %dma_wait3A_150 = arith.constant 0 : i32
      %dma_wait3A_151 = tpu.memref_slice %arg9[%dma_wait3A_148, %dma_wait3A_149, %dma_wait3A_150] : memref<8x1x128xi32, #tpu.memory_space<vmem>> -> memref<1x1x128xi32, #tpu.memory_space<vmem>>
      %dma_wait3A_152 = tpu.memref_squeeze %dma_wait3A_151 : memref<1x1x128xi32, #tpu.memory_space<vmem>> -> memref<128xi32, #tpu.memory_space<vmem>>
      %dma_wait3A_153 = arith.constant 0 : i32
      %dma_wait3A_154 = arith.constant 0 : i32
      %dma_wait3A_155 = tpu.memref_slice %arg6[%dma_wait3A_153, %dma_wait3A_154] : memref<10240x128xf32, #tpu.memory_space<vmem_shared>> -> memref<10240x128xf32, #tpu.memory_space<vmem_shared>>
      tpu.wait_indirect_dma semaphore(%arg10 : memref<!tpu.dma_semaphore, #tpu.memory_space<semaphore_mem>>) src(%arg7 : memref<128x128xf32, #tpu.memory_space<vmem>>) dst(%dma_wait3A_155 : memref<10240x128xf32, #tpu.memory_space<vmem_shared>>)
      %dma_wait3A_156 = arith.constant 3 : i32
      %dma_wait3A_157 = arith.constant 0 : i32
      %dma_wait3A_158 = arith.constant 0 : i32
      %dma_wait3A_159 = tpu.memref_slice %arg9[%dma_wait3A_156, %dma_wait3A_157, %dma_wait3A_158] : memref<8x1x128xi32, #tpu.memory_space<vmem>> -> memref<1x1x128xi32, #tpu.memory_space<vmem>>
      %dma_wait3A_160 = tpu.memref_squeeze %dma_wait3A_159 : memref<1x1x128xi32, #tpu.memory_space<vmem>> -> memref<128xi32, #tpu.memory_space<vmem>>
      %dma_wait3A_161 = arith.constant 0 : i32
      %dma_wait3A_162 = arith.constant 0 : i32
      %dma_wait3A_163 = tpu.memref_slice %arg6[%dma_wait3A_161, %dma_wait3A_162] : memref<10240x128xf32, #tpu.memory_space<vmem_shared>> -> memref<10240x128xf32, #tpu.memory_space<vmem_shared>>
      tpu.wait_indirect_dma semaphore(%arg10 : memref<!tpu.dma_semaphore, #tpu.memory_space<semaphore_mem>>) src(%arg7 : memref<128x128xf32, #tpu.memory_space<vmem>>) dst(%dma_wait3A_163 : memref<10240x128xf32, #tpu.memory_space<vmem_shared>>)
      %dma_wait3A_164 = arith.constant 4 : i32
      %dma_wait3A_165 = arith.constant 0 : i32
      %dma_wait3A_166 = arith.constant 0 : i32
      %dma_wait3A_167 = tpu.memref_slice %arg9[%dma_wait3A_164, %dma_wait3A_165, %dma_wait3A_166] : memref<8x1x128xi32, #tpu.memory_space<vmem>> -> memref<1x1x128xi32, #tpu.memory_space<vmem>>
      %dma_wait3A_168 = tpu.memref_squeeze %dma_wait3A_167 : memref<1x1x128xi32, #tpu.memory_space<vmem>> -> memref<128xi32, #tpu.memory_space<vmem>>
      %dma_wait3A_169 = arith.constant 0 : i32
      %dma_wait3A_170 = arith.constant 0 : i32
      %dma_wait3A_171 = tpu.memref_slice %arg6[%dma_wait3A_169, %dma_wait3A_170] : memref<10240x128xf32, #tpu.memory_space<vmem_shared>> -> memref<10240x128xf32, #tpu.memory_space<vmem_shared>>
      tpu.wait_indirect_dma semaphore(%arg10 : memref<!tpu.dma_semaphore, #tpu.memory_space<semaphore_mem>>) src(%arg7 : memref<128x128xf32, #tpu.memory_space<vmem>>) dst(%dma_wait3A_171 : memref<10240x128xf32, #tpu.memory_space<vmem_shared>>)
      %dma_wait3A_172 = arith.constant 5 : i32
      %dma_wait3A_173 = arith.constant 0 : i32
      %dma_wait3A_174 = arith.constant 0 : i32
      %dma_wait3A_175 = tpu.memref_slice %arg9[%dma_wait3A_172, %dma_wait3A_173, %dma_wait3A_174] : memref<8x1x128xi32, #tpu.memory_space<vmem>> -> memref<1x1x128xi32, #tpu.memory_space<vmem>>
      %dma_wait3A_176 = tpu.memref_squeeze %dma_wait3A_175 : memref<1x1x128xi32, #tpu.memory_space<vmem>> -> memref<128xi32, #tpu.memory_space<vmem>>
      %dma_wait3A_177 = arith.constant 0 : i32
      %dma_wait3A_178 = arith.constant 0 : i32
      %dma_wait3A_179 = tpu.memref_slice %arg6[%dma_wait3A_177, %dma_wait3A_178] : memref<10240x128xf32, #tpu.memory_space<vmem_shared>> -> memref<10240x128xf32, #tpu.memory_space<vmem_shared>>
      tpu.wait_indirect_dma semaphore(%arg10 : memref<!tpu.dma_semaphore, #tpu.memory_space<semaphore_mem>>) src(%arg7 : memref<128x128xf32, #tpu.memory_space<vmem>>) dst(%dma_wait3A_179 : memref<10240x128xf32, #tpu.memory_space<vmem_shared>>)
      %dma_wait3A_180 = arith.constant 6 : i32
      %dma_wait3A_181 = arith.constant 0 : i32
      %dma_wait3A_182 = arith.constant 0 : i32
      %dma_wait3A_183 = tpu.memref_slice %arg9[%dma_wait3A_180, %dma_wait3A_181, %dma_wait3A_182] : memref<8x1x128xi32, #tpu.memory_space<vmem>> -> memref<1x1x128xi32, #tpu.memory_space<vmem>>
      %dma_wait3A_184 = tpu.memref_squeeze %dma_wait3A_183 : memref<1x1x128xi32, #tpu.memory_space<vmem>> -> memref<128xi32, #tpu.memory_space<vmem>>
      %dma_wait3A_185 = arith.constant 0 : i32
      %dma_wait3A_186 = arith.constant 0 : i32
      %dma_wait3A_187 = tpu.memref_slice %arg6[%dma_wait3A_185, %dma_wait3A_186] : memref<10240x128xf32, #tpu.memory_space<vmem_shared>> -> memref<10240x128xf32, #tpu.memory_space<vmem_shared>>
      tpu.wait_indirect_dma semaphore(%arg10 : memref<!tpu.dma_semaphore, #tpu.memory_space<semaphore_mem>>) src(%arg7 : memref<128x128xf32, #tpu.memory_space<vmem>>) dst(%dma_wait3A_187 : memref<10240x128xf32, #tpu.memory_space<vmem_shared>>)
      %dma_wait3A_188 = arith.constant 7 : i32
      %dma_wait3A_189 = arith.constant 0 : i32
      %dma_wait3A_190 = arith.constant 0 : i32
      %dma_wait3A_191 = tpu.memref_slice %arg9[%dma_wait3A_188, %dma_wait3A_189, %dma_wait3A_190] : memref<8x1x128xi32, #tpu.memory_space<vmem>> -> memref<1x1x128xi32, #tpu.memory_space<vmem>>
      %dma_wait3A_192 = tpu.memref_squeeze %dma_wait3A_191 : memref<1x1x128xi32, #tpu.memory_space<vmem>> -> memref<128xi32, #tpu.memory_space<vmem>>
      %dma_wait3A_193 = arith.constant 0 : i32
      %dma_wait3A_194 = arith.constant 0 : i32
      %dma_wait3A_195 = tpu.memref_slice %arg6[%dma_wait3A_193, %dma_wait3A_194] : memref<10240x128xf32, #tpu.memory_space<vmem_shared>> -> memref<10240x128xf32, #tpu.memory_space<vmem_shared>>
      tpu.wait_indirect_dma semaphore(%arg10 : memref<!tpu.dma_semaphore, #tpu.memory_space<semaphore_mem>>) src(%arg7 : memref<128x128xf32, #tpu.memory_space<vmem>>) dst(%dma_wait3A_195 : memref<10240x128xf32, #tpu.memory_space<vmem_shared>>)
      %scan3A_196 = arith.constant 0 : i32
      scf.yield %scan3A_196 : i32
    }
    %scan3A_23 = arith.constant 5 : i32
    %barrier3A_24 = arith.constant 0 : index
    tpu.barrier barrier_id(%barrier3A_24)
    %mul3A_25 = arith.constant 640 : i32
    %mul3A_26 = arith.muli %arg1, %mul3A_25 : i32
    %add3A_27 = arith.constant 0 : i32
    %add3A_28 = arith.addi %mul3A_26, %add3A_27 : i32
    "tpu.region"() ({
      %run_scoped3A = tpu.sem_alloc : memref<!tpu.dma_semaphore, #tpu.memory_space<semaphore_mem>>
      %dma_start3A = arith.constant 0 : i32
      %dma_start3A_60 = tpu.memref_slice %arg6[%add3A_28, %dma_start3A] : memref<10240x128xf32, #tpu.memory_space<vmem_shared>> -> memref<128x128xf32, #tpu.memory_space<vmem_shared>>
      %dma_start3A_61 = arith.constant 0 : i32
      %dma_start3A_62 = tpu.memref_slice %arg6[%add3A_28, %dma_start3A_61] : memref<10240x128xf32, #tpu.memory_space<vmem_shared>> -> memref<128x128xf32, #tpu.memory_space<vmem_shared>>
      tpu.enqueue_dma source(%dma_start3A_62 : memref<128x128xf32, #tpu.memory_space<vmem_shared>>) target(%arg8 : memref<128x128xf32, #tpu.memory_space<vmem>>) target_semaphore(%run_scoped3A : memref<!tpu.dma_semaphore, #tpu.memory_space<semaphore_mem>>)
      %dma_wait3A = arith.constant 0 : i32
      %dma_wait3A_63 = tpu.memref_slice %arg6[%add3A_28, %dma_wait3A] : memref<10240x128xf32, #tpu.memory_space<vmem_shared>> -> memref<128x128xf32, #tpu.memory_space<vmem_shared>>
      %dma_wait3A_64 = arith.constant 0 : i32
      %dma_wait3A_65 = tpu.memref_slice %arg6[%add3A_28, %dma_wait3A_64] : memref<10240x128xf32, #tpu.memory_space<vmem_shared>> -> memref<128x128xf32, #tpu.memory_space<vmem_shared>>
      tpu.wait_dma2 semaphore(%run_scoped3A : memref<!tpu.dma_semaphore, #tpu.memory_space<semaphore_mem>>) src(%dma_wait3A_65 : memref<128x128xf32, #tpu.memory_space<vmem_shared>>) dst(%arg8 : memref<128x128xf32, #tpu.memory_space<vmem>>)
      tpu.yield
    }) : () -> ()
    %mul3A_29 = arith.constant 10240 : i32
    %mul3A_30 = arith.muli %arg0, %mul3A_29 : i32
    %add3A_31 = arith.addi %mul3A_30, %add3A_28 : i32
    "tpu.region"() ({
      %run_scoped3A = tpu.sem_alloc : memref<!tpu.dma_semaphore, #tpu.memory_space<semaphore_mem>>
      %dma_start3A = arith.constant 0 : i32
      %dma_start3A_60 = tpu.memref_slice %arg5[%add3A_31, %dma_start3A] : memref<20480x128xf32, #tpu.memory_space<hbm>> -> memref<128x128xf32, #tpu.memory_space<hbm>>
      %dma_start3A_61 = arith.constant 0 : i32
      %dma_start3A_62 = tpu.memref_slice %arg5[%add3A_31, %dma_start3A_61] : memref<20480x128xf32, #tpu.memory_space<hbm>> -> memref<128x128xf32, #tpu.memory_space<hbm>>
      tpu.enqueue_dma source(%arg8 : memref<128x128xf32, #tpu.memory_space<vmem>>) target(%dma_start3A_62 : memref<128x128xf32, #tpu.memory_space<hbm>>) target_semaphore(%run_scoped3A : memref<!tpu.dma_semaphore, #tpu.memory_space<semaphore_mem>>)
      %dma_wait3A = arith.constant 0 : i32
      %dma_wait3A_63 = tpu.memref_slice %arg5[%add3A_31, %dma_wait3A] : memref<20480x128xf32, #tpu.memory_space<hbm>> -> memref<128x128xf32, #tpu.memory_space<hbm>>
      %dma_wait3A_64 = arith.constant 0 : i32
      %dma_wait3A_65 = tpu.memref_slice %arg5[%add3A_31, %dma_wait3A_64] : memref<20480x128xf32, #tpu.memory_space<hbm>> -> memref<128x128xf32, #tpu.memory_space<hbm>>
      tpu.wait_dma2 semaphore(%run_scoped3A : memref<!tpu.dma_semaphore, #tpu.memory_space<semaphore_mem>>) src(%arg8 : memref<128x128xf32, #tpu.memory_space<vmem>>) dst(%dma_wait3A_65 : memref<128x128xf32, #tpu.memory_space<hbm>>)
      tpu.yield
    }) : () -> ()
    %mul3A_32 = arith.constant 640 : i32
    %mul3A_33 = arith.muli %arg1, %mul3A_32 : i32
    %add3A_34 = arith.constant 128 : i32
    %add3A_35 = arith.addi %mul3A_33, %add3A_34 : i32
    "tpu.region"() ({
      %run_scoped3A = tpu.sem_alloc : memref<!tpu.dma_semaphore, #tpu.memory_space<semaphore_mem>>
      %dma_start3A = arith.constant 0 : i32
      %dma_start3A_60 = tpu.memref_slice %arg6[%add3A_35, %dma_start3A] : memref<10240x128xf32, #tpu.memory_space<vmem_shared>> -> memref<128x128xf32, #tpu.memory_space<vmem_shared>>
      %dma_start3A_61 = arith.constant 0 : i32
      %dma_start3A_62 = tpu.memref_slice %arg6[%add3A_35, %dma_start3A_61] : memref<10240x128xf32, #tpu.memory_space<vmem_shared>> -> memref<128x128xf32, #tpu.memory_space<vmem_shared>>
      tpu.enqueue_dma source(%dma_start3A_62 : memref<128x128xf32, #tpu.memory_space<vmem_shared>>) target(%arg8 : memref<128x128xf32, #tpu.memory_space<vmem>>) target_semaphore(%run_scoped3A : memref<!tpu.dma_semaphore, #tpu.memory_space<semaphore_mem>>)
      %dma_wait3A = arith.constant 0 : i32
      %dma_wait3A_63 = tpu.memref_slice %arg6[%add3A_35, %dma_wait3A] : memref<10240x128xf32, #tpu.memory_space<vmem_shared>> -> memref<128x128xf32, #tpu.memory_space<vmem_shared>>
      %dma_wait3A_64 = arith.constant 0 : i32
      %dma_wait3A_65 = tpu.memref_slice %arg6[%add3A_35, %dma_wait3A_64] : memref<10240x128xf32, #tpu.memory_space<vmem_shared>> -> memref<128x128xf32, #tpu.memory_space<vmem_shared>>
      tpu.wait_dma2 semaphore(%run_scoped3A : memref<!tpu.dma_semaphore, #tpu.memory_space<semaphore_mem>>) src(%dma_wait3A_65 : memref<128x128xf32, #tpu.memory_space<vmem_shared>>) dst(%arg8 : memref<128x128xf32, #tpu.memory_space<vmem>>)
      tpu.yield
    }) : () -> ()
    %mul3A_36 = arith.constant 10240 : i32
    %mul3A_37 = arith.muli %arg0, %mul3A_36 : i32
    %add3A_38 = arith.addi %mul3A_37, %add3A_35 : i32
    "tpu.region"() ({
      %run_scoped3A = tpu.sem_alloc : memref<!tpu.dma_semaphore, #tpu.memory_space<semaphore_mem>>
      %dma_start3A = arith.constant 0 : i32
      %dma_start3A_60 = tpu.memref_slice %arg5[%add3A_38, %dma_start3A] : memref<20480x128xf32, #tpu.memory_space<hbm>> -> memref<128x128xf32, #tpu.memory_space<hbm>>
      %dma_start3A_61 = arith.constant 0 : i32
      %dma_start3A_62 = tpu.memref_slice %arg5[%add3A_38, %dma_start3A_61] : memref<20480x128xf32, #tpu.memory_space<hbm>> -> memref<128x128xf32, #tpu.memory_space<hbm>>
      tpu.enqueue_dma source(%arg8 : memref<128x128xf32, #tpu.memory_space<vmem>>) target(%dma_start3A_62 : memref<128x128xf32, #tpu.memory_space<hbm>>) target_semaphore(%run_scoped3A : memref<!tpu.dma_semaphore, #tpu.memory_space<semaphore_mem>>)
      %dma_wait3A = arith.constant 0 : i32
      %dma_wait3A_63 = tpu.memref_slice %arg5[%add3A_38, %dma_wait3A] : memref<20480x128xf32, #tpu.memory_space<hbm>> -> memref<128x128xf32, #tpu.memory_space<hbm>>
      %dma_wait3A_64 = arith.constant 0 : i32
      %dma_wait3A_65 = tpu.memref_slice %arg5[%add3A_38, %dma_wait3A_64] : memref<20480x128xf32, #tpu.memory_space<hbm>> -> memref<128x128xf32, #tpu.memory_space<hbm>>
      tpu.wait_dma2 semaphore(%run_scoped3A : memref<!tpu.dma_semaphore, #tpu.memory_space<semaphore_mem>>) src(%arg8 : memref<128x128xf32, #tpu.memory_space<vmem>>) dst(%dma_wait3A_65 : memref<128x128xf32, #tpu.memory_space<hbm>>)
      tpu.yield
    }) : () -> ()
    %mul3A_39 = arith.constant 640 : i32
    %mul3A_40 = arith.muli %arg1, %mul3A_39 : i32
    %add3A_41 = arith.constant 256 : i32
    %add3A_42 = arith.addi %mul3A_40, %add3A_41 : i32
    "tpu.region"() ({
      %run_scoped3A = tpu.sem_alloc : memref<!tpu.dma_semaphore, #tpu.memory_space<semaphore_mem>>
      %dma_start3A = arith.constant 0 : i32
      %dma_start3A_60 = tpu.memref_slice %arg6[%add3A_42, %dma_start3A] : memref<10240x128xf32, #tpu.memory_space<vmem_shared>> -> memref<128x128xf32, #tpu.memory_space<vmem_shared>>
      %dma_start3A_61 = arith.constant 0 : i32
      %dma_start3A_62 = tpu.memref_slice %arg6[%add3A_42, %dma_start3A_61] : memref<10240x128xf32, #tpu.memory_space<vmem_shared>> -> memref<128x128xf32, #tpu.memory_space<vmem_shared>>
      tpu.enqueue_dma source(%dma_start3A_62 : memref<128x128xf32, #tpu.memory_space<vmem_shared>>) target(%arg8 : memref<128x128xf32, #tpu.memory_space<vmem>>) target_semaphore(%run_scoped3A : memref<!tpu.dma_semaphore, #tpu.memory_space<semaphore_mem>>)
      %dma_wait3A = arith.constant 0 : i32
      %dma_wait3A_63 = tpu.memref_slice %arg6[%add3A_42, %dma_wait3A] : memref<10240x128xf32, #tpu.memory_space<vmem_shared>> -> memref<128x128xf32, #tpu.memory_space<vmem_shared>>
      %dma_wait3A_64 = arith.constant 0 : i32
      %dma_wait3A_65 = tpu.memref_slice %arg6[%add3A_42, %dma_wait3A_64] : memref<10240x128xf32, #tpu.memory_space<vmem_shared>> -> memref<128x128xf32, #tpu.memory_space<vmem_shared>>
      tpu.wait_dma2 semaphore(%run_scoped3A : memref<!tpu.dma_semaphore, #tpu.memory_space<semaphore_mem>>) src(%dma_wait3A_65 : memref<128x128xf32, #tpu.memory_space<vmem_shared>>) dst(%arg8 : memref<128x128xf32, #tpu.memory_space<vmem>>)
      tpu.yield
    }) : () -> ()
    %mul3A_43 = arith.constant 10240 : i32
    %mul3A_44 = arith.muli %arg0, %mul3A_43 : i32
    %add3A_45 = arith.addi %mul3A_44, %add3A_42 : i32
    "tpu.region"() ({
      %run_scoped3A = tpu.sem_alloc : memref<!tpu.dma_semaphore, #tpu.memory_space<semaphore_mem>>
      %dma_start3A = arith.constant 0 : i32
      %dma_start3A_60 = tpu.memref_slice %arg5[%add3A_45, %dma_start3A] : memref<20480x128xf32, #tpu.memory_space<hbm>> -> memref<128x128xf32, #tpu.memory_space<hbm>>
      %dma_start3A_61 = arith.constant 0 : i32
      %dma_start3A_62 = tpu.memref_slice %arg5[%add3A_45, %dma_start3A_61] : memref<20480x128xf32, #tpu.memory_space<hbm>> -> memref<128x128xf32, #tpu.memory_space<hbm>>
      tpu.enqueue_dma source(%arg8 : memref<128x128xf32, #tpu.memory_space<vmem>>) target(%dma_start3A_62 : memref<128x128xf32, #tpu.memory_space<hbm>>) target_semaphore(%run_scoped3A : memref<!tpu.dma_semaphore, #tpu.memory_space<semaphore_mem>>)
      %dma_wait3A = arith.constant 0 : i32
      %dma_wait3A_63 = tpu.memref_slice %arg5[%add3A_45, %dma_wait3A] : memref<20480x128xf32, #tpu.memory_space<hbm>> -> memref<128x128xf32, #tpu.memory_space<hbm>>
      %dma_wait3A_64 = arith.constant 0 : i32
      %dma_wait3A_65 = tpu.memref_slice %arg5[%add3A_45, %dma_wait3A_64] : memref<20480x128xf32, #tpu.memory_space<hbm>> -> memref<128x128xf32, #tpu.memory_space<hbm>>
      tpu.wait_dma2 semaphore(%run_scoped3A : memref<!tpu.dma_semaphore, #tpu.memory_space<semaphore_mem>>) src(%arg8 : memref<128x128xf32, #tpu.memory_space<vmem>>) dst(%dma_wait3A_65 : memref<128x128xf32, #tpu.memory_space<hbm>>)
      tpu.yield
    }) : () -> ()
    %mul3A_46 = arith.constant 640 : i32
    %mul3A_47 = arith.muli %arg1, %mul3A_46 : i32
    %add3A_48 = arith.constant 384 : i32
    %add3A_49 = arith.addi %mul3A_47, %add3A_48 : i32
    "tpu.region"() ({
      %run_scoped3A = tpu.sem_alloc : memref<!tpu.dma_semaphore, #tpu.memory_space<semaphore_mem>>
      %dma_start3A = arith.constant 0 : i32
      %dma_start3A_60 = tpu.memref_slice %arg6[%add3A_49, %dma_start3A] : memref<10240x128xf32, #tpu.memory_space<vmem_shared>> -> memref<128x128xf32, #tpu.memory_space<vmem_shared>>
      %dma_start3A_61 = arith.constant 0 : i32
      %dma_start3A_62 = tpu.memref_slice %arg6[%add3A_49, %dma_start3A_61] : memref<10240x128xf32, #tpu.memory_space<vmem_shared>> -> memref<128x128xf32, #tpu.memory_space<vmem_shared>>
      tpu.enqueue_dma source(%dma_start3A_62 : memref<128x128xf32, #tpu.memory_space<vmem_shared>>) target(%arg8 : memref<128x128xf32, #tpu.memory_space<vmem>>) target_semaphore(%run_scoped3A : memref<!tpu.dma_semaphore, #tpu.memory_space<semaphore_mem>>)
      %dma_wait3A = arith.constant 0 : i32
      %dma_wait3A_63 = tpu.memref_slice %arg6[%add3A_49, %dma_wait3A] : memref<10240x128xf32, #tpu.memory_space<vmem_shared>> -> memref<128x128xf32, #tpu.memory_space<vmem_shared>>
      %dma_wait3A_64 = arith.constant 0 : i32
      %dma_wait3A_65 = tpu.memref_slice %arg6[%add3A_49, %dma_wait3A_64] : memref<10240x128xf32, #tpu.memory_space<vmem_shared>> -> memref<128x128xf32, #tpu.memory_space<vmem_shared>>
      tpu.wait_dma2 semaphore(%run_scoped3A : memref<!tpu.dma_semaphore, #tpu.memory_space<semaphore_mem>>) src(%dma_wait3A_65 : memref<128x128xf32, #tpu.memory_space<vmem_shared>>) dst(%arg8 : memref<128x128xf32, #tpu.memory_space<vmem>>)
      tpu.yield
    }) : () -> ()
    %mul3A_50 = arith.constant 10240 : i32
    %mul3A_51 = arith.muli %arg0, %mul3A_50 : i32
    %add3A_52 = arith.addi %mul3A_51, %add3A_49 : i32
    "tpu.region"() ({
      %run_scoped3A = tpu.sem_alloc : memref<!tpu.dma_semaphore, #tpu.memory_space<semaphore_mem>>
      %dma_start3A = arith.constant 0 : i32
      %dma_start3A_60 = tpu.memref_slice %arg5[%add3A_52, %dma_start3A] : memref<20480x128xf32, #tpu.memory_space<hbm>> -> memref<128x128xf32, #tpu.memory_space<hbm>>
      %dma_start3A_61 = arith.constant 0 : i32
      %dma_start3A_62 = tpu.memref_slice %arg5[%add3A_52, %dma_start3A_61] : memref<20480x128xf32, #tpu.memory_space<hbm>> -> memref<128x128xf32, #tpu.memory_space<hbm>>
      tpu.enqueue_dma source(%arg8 : memref<128x128xf32, #tpu.memory_space<vmem>>) target(%dma_start3A_62 : memref<128x128xf32, #tpu.memory_space<hbm>>) target_semaphore(%run_scoped3A : memref<!tpu.dma_semaphore, #tpu.memory_space<semaphore_mem>>)
      %dma_wait3A = arith.constant 0 : i32
      %dma_wait3A_63 = tpu.memref_slice %arg5[%add3A_52, %dma_wait3A] : memref<20480x128xf32, #tpu.memory_space<hbm>> -> memref<128x128xf32, #tpu.memory_space<hbm>>
      %dma_wait3A_64 = arith.constant 0 : i32
      %dma_wait3A_65 = tpu.memref_slice %arg5[%add3A_52, %dma_wait3A_64] : memref<20480x128xf32, #tpu.memory_space<hbm>> -> memref<128x128xf32, #tpu.memory_space<hbm>>
      tpu.wait_dma2 semaphore(%run_scoped3A : memref<!tpu.dma_semaphore, #tpu.memory_space<semaphore_mem>>) src(%arg8 : memref<128x128xf32, #tpu.memory_space<vmem>>) dst(%dma_wait3A_65 : memref<128x128xf32, #tpu.memory_space<hbm>>)
      tpu.yield
    }) : () -> ()
    %mul3A_53 = arith.constant 640 : i32
    %mul3A_54 = arith.muli %arg1, %mul3A_53 : i32
    %add3A_55 = arith.constant 512 : i32
    %add3A_56 = arith.addi %mul3A_54, %add3A_55 : i32
    "tpu.region"() ({
      %run_scoped3A = tpu.sem_alloc : memref<!tpu.dma_semaphore, #tpu.memory_space<semaphore_mem>>
      %dma_start3A = arith.constant 0 : i32
      %dma_start3A_60 = tpu.memref_slice %arg6[%add3A_56, %dma_start3A] : memref<10240x128xf32, #tpu.memory_space<vmem_shared>> -> memref<128x128xf32, #tpu.memory_space<vmem_shared>>
      %dma_start3A_61 = arith.constant 0 : i32
      %dma_start3A_62 = tpu.memref_slice %arg6[%add3A_56, %dma_start3A_61] : memref<10240x128xf32, #tpu.memory_space<vmem_shared>> -> memref<128x128xf32, #tpu.memory_space<vmem_shared>>
      tpu.enqueue_dma source(%dma_start3A_62 : memref<128x128xf32, #tpu.memory_space<vmem_shared>>) target(%arg8 : memref<128x128xf32, #tpu.memory_space<vmem>>) target_semaphore(%run_scoped3A : memref<!tpu.dma_semaphore, #tpu.memory_space<semaphore_mem>>)
      %dma_wait3A = arith.constant 0 : i32
      %dma_wait3A_63 = tpu.memref_slice %arg6[%add3A_56, %dma_wait3A] : memref<10240x128xf32, #tpu.memory_space<vmem_shared>> -> memref<128x128xf32, #tpu.memory_space<vmem_shared>>
      %dma_wait3A_64 = arith.constant 0 : i32
      %dma_wait3A_65 = tpu.memref_slice %arg6[%add3A_56, %dma_wait3A_64] : memref<10240x128xf32, #tpu.memory_space<vmem_shared>> -> memref<128x128xf32, #tpu.memory_space<vmem_shared>>
      tpu.wait_dma2 semaphore(%run_scoped3A : memref<!tpu.dma_semaphore, #tpu.memory_space<semaphore_mem>>) src(%dma_wait3A_65 : memref<128x128xf32, #tpu.memory_space<vmem_shared>>) dst(%arg8 : memref<128x128xf32, #tpu.memory_space<vmem>>)
      tpu.yield
    }) : () -> ()
    %mul3A_57 = arith.constant 10240 : i32
    %mul3A_58 = arith.muli %arg0, %mul3A_57 : i32
    %add3A_59 = arith.addi %mul3A_58, %add3A_56 : i32
    "tpu.region"() ({
      %run_scoped3A = tpu.sem_alloc : memref<!tpu.dma_semaphore, #tpu.memory_space<semaphore_mem>>
      %dma_start3A = arith.constant 0 : i32
      %dma_start3A_60 = tpu.memref_slice %arg5[%add3A_59, %dma_start3A] : memref<20480x128xf32, #tpu.memory_space<hbm>> -> memref<128x128xf32, #tpu.memory_space<hbm>>
      %dma_start3A_61 = arith.constant 0 : i32
      %dma_start3A_62 = tpu.memref_slice %arg5[%add3A_59, %dma_start3A_61] : memref<20480x128xf32, #tpu.memory_space<hbm>> -> memref<128x128xf32, #tpu.memory_space<hbm>>
      tpu.enqueue_dma source(%arg8 : memref<128x128xf32, #tpu.memory_space<vmem>>) target(%dma_start3A_62 : memref<128x128xf32, #tpu.memory_space<hbm>>) target_semaphore(%run_scoped3A : memref<!tpu.dma_semaphore, #tpu.memory_space<semaphore_mem>>)
      %dma_wait3A = arith.constant 0 : i32
      %dma_wait3A_63 = tpu.memref_slice %arg5[%add3A_59, %dma_wait3A] : memref<20480x128xf32, #tpu.memory_space<hbm>> -> memref<128x128xf32, #tpu.memory_space<hbm>>
      %dma_wait3A_64 = arith.constant 0 : i32
      %dma_wait3A_65 = tpu.memref_slice %arg5[%add3A_59, %dma_wait3A_64] : memref<20480x128xf32, #tpu.memory_space<hbm>> -> memref<128x128xf32, #tpu.memory_space<hbm>>
      tpu.wait_dma2 semaphore(%run_scoped3A : memref<!tpu.dma_semaphore, #tpu.memory_space<semaphore_mem>>) src(%arg8 : memref<128x128xf32, #tpu.memory_space<vmem>>) dst(%dma_wait3A_65 : memref<128x128xf32, #tpu.memory_space<hbm>>)
      tpu.yield
    }) : () -> ()
    return
  }
}

#map = affine_map<(d0, d1) -> (0)>
module attributes {stable_mosaic.version = 14 : i64} {
  func.func @decode(%arg0: i32, %arg1: i32, %arg2: memref<10240xf32, #tpu.memory_space<hbm>>, %arg3: memref<10240xf32, #tpu.memory_space<hbm>>, %arg4: memref<163840xi32, #tpu.memory_space<hbm>>, %arg5: memref<163840xi32, #tpu.memory_space<hbm>>, %arg6: memref<163840xf32, #tpu.memory_space<hbm>>, %arg7: memref<10240xf32, #tpu.memory_space<vmem>>, %arg8: memref<10240xf32, #tpu.memory_space<vmem>>, %arg9: memref<5120xi32, #tpu.memory_space<vmem>>, %arg10: memref<5120xi32, #tpu.memory_space<vmem>>, %arg11: memref<5120xf32, #tpu.memory_space<vmem>>) attributes {dimension_semantics = [#tpu.dimension_semantics<core_parallel>, #tpu.dimension_semantics<subcore_parallel>], iteration_bounds = array<i64: 2, 16>, scalar_prefetch = 0 : i64, scratch_operands = 5 : i64, tpu.core_type = #tpu.core_type<sc_vector_subcore>, window_params = [{transform_indices = #map}, {transform_indices = #map}, {transform_indices = #map}, {transform_indices = #map}, {transform_indices = #map}]} {
    %mul3A = arith.constant 16 : i32
    %mul3A_0 = arith.muli %arg0, %mul3A : i32
    %add3A = arith.addi %mul3A_0, %arg1 : i32
    %mul3A_1 = arith.constant 5120 : i32
    %mul3A_2 = arith.muli %add3A, %mul3A_1 : i32
    "tpu.region"() ({
      %run_scoped3A = tpu.sem_alloc : memref<!tpu.dma_semaphore, #tpu.memory_space<semaphore_mem>>
      tpu.enqueue_dma source(%arg2 : memref<10240xf32, #tpu.memory_space<hbm>>) target(%arg7 : memref<10240xf32, #tpu.memory_space<vmem>>) target_semaphore(%run_scoped3A : memref<!tpu.dma_semaphore, #tpu.memory_space<semaphore_mem>>)
      tpu.wait_dma2 semaphore(%run_scoped3A : memref<!tpu.dma_semaphore, #tpu.memory_space<semaphore_mem>>) src(%arg2 : memref<10240xf32, #tpu.memory_space<hbm>>) dst(%arg7 : memref<10240xf32, #tpu.memory_space<vmem>>)
      tpu.yield
    }) : () -> ()
    "tpu.region"() ({
      %run_scoped3A = tpu.sem_alloc : memref<!tpu.dma_semaphore, #tpu.memory_space<semaphore_mem>>
      tpu.enqueue_dma source(%arg3 : memref<10240xf32, #tpu.memory_space<hbm>>) target(%arg8 : memref<10240xf32, #tpu.memory_space<vmem>>) target_semaphore(%run_scoped3A : memref<!tpu.dma_semaphore, #tpu.memory_space<semaphore_mem>>)
      tpu.wait_dma2 semaphore(%run_scoped3A : memref<!tpu.dma_semaphore, #tpu.memory_space<semaphore_mem>>) src(%arg3 : memref<10240xf32, #tpu.memory_space<hbm>>) dst(%arg8 : memref<10240xf32, #tpu.memory_space<vmem>>)
      tpu.yield
    }) : () -> ()
    "tpu.region"() ({
      %run_scoped3A = tpu.sem_alloc : memref<!tpu.dma_semaphore, #tpu.memory_space<semaphore_mem>>
      %dma_start3A = tpu.memref_slice %arg4[%mul3A_2] : memref<163840xi32, #tpu.memory_space<hbm>> -> memref<5120xi32, #tpu.memory_space<hbm>>
      %dma_start3A_9 = tpu.memref_slice %arg4[%mul3A_2] : memref<163840xi32, #tpu.memory_space<hbm>> -> memref<5120xi32, #tpu.memory_space<hbm>>
      tpu.enqueue_dma source(%dma_start3A_9 : memref<5120xi32, #tpu.memory_space<hbm>>) target(%arg9 : memref<5120xi32, #tpu.memory_space<vmem>>) target_semaphore(%run_scoped3A : memref<!tpu.dma_semaphore, #tpu.memory_space<semaphore_mem>>)
      %dma_wait3A = tpu.memref_slice %arg4[%mul3A_2] : memref<163840xi32, #tpu.memory_space<hbm>> -> memref<5120xi32, #tpu.memory_space<hbm>>
      %dma_wait3A_10 = tpu.memref_slice %arg4[%mul3A_2] : memref<163840xi32, #tpu.memory_space<hbm>> -> memref<5120xi32, #tpu.memory_space<hbm>>
      tpu.wait_dma2 semaphore(%run_scoped3A : memref<!tpu.dma_semaphore, #tpu.memory_space<semaphore_mem>>) src(%dma_wait3A_10 : memref<5120xi32, #tpu.memory_space<hbm>>) dst(%arg9 : memref<5120xi32, #tpu.memory_space<vmem>>)
      tpu.yield
    }) : () -> ()
    "tpu.region"() ({
      %run_scoped3A = tpu.sem_alloc : memref<!tpu.dma_semaphore, #tpu.memory_space<semaphore_mem>>
      %dma_start3A = tpu.memref_slice %arg5[%mul3A_2] : memref<163840xi32, #tpu.memory_space<hbm>> -> memref<5120xi32, #tpu.memory_space<hbm>>
      %dma_start3A_9 = tpu.memref_slice %arg5[%mul3A_2] : memref<163840xi32, #tpu.memory_space<hbm>> -> memref<5120xi32, #tpu.memory_space<hbm>>
      tpu.enqueue_dma source(%dma_start3A_9 : memref<5120xi32, #tpu.memory_space<hbm>>) target(%arg10 : memref<5120xi32, #tpu.memory_space<vmem>>) target_semaphore(%run_scoped3A : memref<!tpu.dma_semaphore, #tpu.memory_space<semaphore_mem>>)
      %dma_wait3A = tpu.memref_slice %arg5[%mul3A_2] : memref<163840xi32, #tpu.memory_space<hbm>> -> memref<5120xi32, #tpu.memory_space<hbm>>
      %dma_wait3A_10 = tpu.memref_slice %arg5[%mul3A_2] : memref<163840xi32, #tpu.memory_space<hbm>> -> memref<5120xi32, #tpu.memory_space<hbm>>
      tpu.wait_dma2 semaphore(%run_scoped3A : memref<!tpu.dma_semaphore, #tpu.memory_space<semaphore_mem>>) src(%dma_wait3A_10 : memref<5120xi32, #tpu.memory_space<hbm>>) dst(%arg10 : memref<5120xi32, #tpu.memory_space<vmem>>)
      tpu.yield
    }) : () -> ()
    %scan3A = arith.constant 0 : i32
    %scan3A_3 = arith.constant 0 : i32
    %scan3A_4 = arith.constant 320 : i32
    %scan3A_5 = arith.addi %scan3A_3, %scan3A_4 : i32
    %scan3A_6 = arith.constant 1 : i32
    %scan3A_7 = scf.for %scan3A_9 = %scan3A_3 to %scan3A_5 step %scan3A_6 iter_args(%scan3A_10 = %scan3A) -> (i32)  : i32 {
      %mul3A_11 = arith.constant 16 : i32
      %mul3A_12 = arith.muli %scan3A_9, %mul3A_11 : i32
      %get3A = arith.index_cast %mul3A_12 : i32 to index
      %get3A_13 = tpu.vector_load %arg9[%get3A] {strides = array<i32>} : memref<5120xi32, #tpu.memory_space<vmem>>, vector<16xi32>,
      %gather3A = tpu.vector_load_idx %arg7[%get3A_13] : memref<10240xf32, #tpu.memory_space<vmem>>[vector<16xi32>], vector<16xf32>,
      %get3A_14 = arith.index_cast %mul3A_12 : i32 to index
      %get3A_15 = tpu.vector_load %arg10[%get3A_14] {strides = array<i32>} : memref<5120xi32, #tpu.memory_space<vmem>>, vector<16xi32>,
      %gather3A_16 = tpu.vector_load_idx %arg8[%get3A_15] : memref<10240xf32, #tpu.memory_space<vmem>>[vector<16xi32>], vector<16xf32>,
      %add3A_17 = arith.addf %gather3A, %gather3A_16 : vector<16xf32>
      %neg3A = arith.constant 0.000000e+00 : f32
      %neg3A_18 = vector.broadcast %neg3A : f32 to vector<16xf32>
      %neg3A_19 = arith.subf %neg3A_18, %add3A_17 : vector<16xf32>
      %exp3A = math.exp %neg3A_19 : vector<16xf32>
      %add3A_20 = arith.constant 1.000000e+00 : f32
      %add3A_21 = vector.broadcast %add3A_20 : f32 to vector<16xf32>
      %add3A_22 = arith.addf %add3A_21, %exp3A : vector<16xf32>
      %div3A = arith.constant 1.000000e+00 : f32
      %div3A_23 = vector.broadcast %div3A : f32 to vector<16xf32>
      %div3A_24 = arith.divf %div3A_23, %add3A_22 : vector<16xf32>
      %swap3A = arith.index_cast %mul3A_12 : i32 to index
      %swap3A_25 = tpu.vector_load %arg11[%swap3A] {strides = array<i32>} : memref<5120xf32, #tpu.memory_space<vmem>>, vector<16xf32>,
      tpu.vector_store %arg11[%swap3A], %div3A_24 {strides = array<i32>} : memref<5120xf32, #tpu.memory_space<vmem>>, vector<16xf32>,
      %scan3A_26 = arith.constant 0 : i32
      scf.yield %scan3A_26 : i32
    }
    %scan3A_8 = arith.constant 320 : i32
    "tpu.region"() ({
      %run_scoped3A = tpu.sem_alloc : memref<!tpu.dma_semaphore, #tpu.memory_space<semaphore_mem>>
      %dma_start3A = tpu.memref_slice %arg6[%mul3A_2] : memref<163840xf32, #tpu.memory_space<hbm>> -> memref<5120xf32, #tpu.memory_space<hbm>>
      %dma_start3A_9 = tpu.memref_slice %arg6[%mul3A_2] : memref<163840xf32, #tpu.memory_space<hbm>> -> memref<5120xf32, #tpu.memory_space<hbm>>
      tpu.enqueue_dma source(%arg11 : memref<5120xf32, #tpu.memory_space<vmem>>) target(%dma_start3A_9 : memref<5120xf32, #tpu.memory_space<hbm>>) target_semaphore(%run_scoped3A : memref<!tpu.dma_semaphore, #tpu.memory_space<semaphore_mem>>)
      %dma_wait3A = tpu.memref_slice %arg6[%mul3A_2] : memref<163840xf32, #tpu.memory_space<hbm>> -> memref<5120xf32, #tpu.memory_space<hbm>>
      %dma_wait3A_10 = tpu.memref_slice %arg6[%mul3A_2] : memref<163840xf32, #tpu.memory_space<hbm>> -> memref<5120xf32, #tpu.memory_space<hbm>>
      tpu.wait_dma2 semaphore(%run_scoped3A : memref<!tpu.dma_semaphore, #tpu.memory_space<semaphore_mem>>) src(%arg11 : memref<5120xf32, #tpu.memory_space<vmem>>) dst(%dma_wait3A_10 : memref<5120xf32, #tpu.memory_space<hbm>>)
      tpu.yield
    }) : () -> ()
    return
  }
}

module attributes {stable_mosaic.version = 14 : i64} {
  func.func @_tc1_body(%arg0: i32, %arg1: memref<2000x256xf32, #tpu.memory_space<vmem>>, %arg2: memref<2000x1xf32, #tpu.memory_space<vmem>>, %arg3: memref<2000x1xf32, #tpu.memory_space<vmem>>, %arg4: memref<2000x256xf32, #tpu.memory_space<vmem>>, %arg5: memref<256x256xf32, #tpu.memory_space<vmem>>, %arg6: memref<256x256xf32, #tpu.memory_space<vmem>>, %arg7: memref<256xf32, #tpu.memory_space<vmem>>, %arg8: memref<2000x256xf32, #tpu.memory_space<vmem>>, %arg9: memref<2000x128xf32, #tpu.memory_space<vmem>>, %arg10: memref<2000x128xf32, #tpu.memory_space<vmem>>) attributes {dimension_semantics = [#tpu.dimension_semantics<arbitrary>], iteration_bounds = array<i64: 5>, scalar_prefetch = 0 : i64, scratch_operands = 0 : i64, tpu.core_type = #tpu.core_type<tc>, window_params = [{transform_indices = @transform_0, window_bounds = array<i64: 2000, 256>}, {transform_indices = @transform_1, window_bounds = array<i64: 2000, 1>}, {transform_indices = @transform_2, window_bounds = array<i64: 2000, 1>}, {transform_indices = @transform_3, window_bounds = array<i64: 2000, 256>}, {pipeline_mode = #tpu.pipeline_mode<synchronous>, transform_indices = @transform_4, window_bounds = array<i64: 256, 256>}, {pipeline_mode = #tpu.pipeline_mode<synchronous>, transform_indices = @transform_5, window_bounds = array<i64: 256, 256>}, {pipeline_mode = #tpu.pipeline_mode<synchronous>, transform_indices = @transform_6, window_bounds = array<i64: 256>}, {transform_indices = @transform_7, window_bounds = array<i64: 2000, 256>}, {transform_indices = @transform_8, window_bounds = array<i64: 2000, 128>}, {transform_indices = @transform_9, window_bounds = array<i64: 2000, 128>}]} {
    %get3A = arith.constant 0 : index
    %get3A_0 = arith.constant 0 : index
    %get3A_1 = vector.load %arg2[%get3A, %get3A_0] : memref<2000x1xf32, #tpu.memory_space<vmem>>, vector<2000x1xf32>
    %get3A_2 = arith.constant 0 : index
    %get3A_3 = arith.constant 0 : index
    %get3A_4 = vector.load %arg3[%get3A_2, %get3A_3] : memref<2000x1xf32, #tpu.memory_space<vmem>>, vector<2000x1xf32>
    %add3A = arith.addf %get3A_1, %get3A_4 : vector<2000x1xf32>
    %max3A = arith.constant 1.000000e+00 : f32
    %max3A_5 = vector.broadcast %max3A : f32 to vector<2000x1xf32>
    %max3A_6 = arith.maximumf %add3A, %max3A_5 : vector<2000x1xf32>
    %div3A = arith.constant 1.000000e+00 : f32
    %div3A_7 = vector.broadcast %div3A : f32 to vector<2000x1xf32>
    %div3A_8 = arith.divf %div3A_7, %max3A_6 : vector<2000x1xf32>
    %get3A_9 = arith.constant 0 : index
    %get3A_10 = arith.constant 0 : index
    %get3A_11 = vector.load %arg1[%get3A_9, %get3A_10] : memref<2000x256xf32, #tpu.memory_space<vmem>>, vector<2000x256xf32>
    %mul3A = vector.broadcast %div3A_8 : vector<2000x1xf32> to vector<2000x256xf32>
    %mul3A_12 = arith.mulf %get3A_11, %mul3A : vector<2000x256xf32>
    %get3A_13 = arith.constant 0 : index
    %get3A_14 = arith.constant 0 : index
    %get3A_15 = vector.load %arg5[%get3A_13, %get3A_14] : memref<256x256xf32, #tpu.memory_space<vmem>>, vector<256x256xf32>
    %dot_general3A = arith.constant dense<0.000000e+00> : vector<2000x256xf32>
    %dot_general3A_16 = tpu.matmul %mul3A_12, %get3A_15, %dot_general3A {dimension_numbers = #tpu.dot_dimension_numbers<[1], [0], [0], [1], [0, 0, 1, 1], [], []>, transpose_lhs_hint = false} : vector<2000x256xf32>, vector<256x256xf32>, vector<2000x256xf32> -> vector<2000x256xf32>
    %get3A_17 = arith.constant 0 : index
    %get3A_18 = arith.constant 0 : index
    %get3A_19 = vector.load %arg4[%get3A_17, %get3A_18] : memref<2000x256xf32, #tpu.memory_space<vmem>>, vector<2000x256xf32>
    %get3A_20 = arith.constant 0 : index
    %get3A_21 = arith.constant 0 : index
    %get3A_22 = vector.load %arg6[%get3A_20, %get3A_21] : memref<256x256xf32, #tpu.memory_space<vmem>>, vector<256x256xf32>
    %dot_general3A_23 = arith.constant dense<0.000000e+00> : vector<2000x256xf32>
    %dot_general3A_24 = tpu.matmul %get3A_19, %get3A_22, %dot_general3A_23 {dimension_numbers = #tpu.dot_dimension_numbers<[1], [0], [0], [1], [0, 0, 1, 1], [], []>, transpose_lhs_hint = false} : vector<2000x256xf32>, vector<256x256xf32>, vector<2000x256xf32> -> vector<2000x256xf32>
    %add3A_25 = arith.addf %dot_general3A_16, %dot_general3A_24 : vector<2000x256xf32>
    %get3A_26 = arith.constant 0 : index
    %get3A_27 = vector.load %arg7[%get3A_26] : memref<256xf32, #tpu.memory_space<vmem>>, vector<256xf32>
    %broadcast_in_dim3A = vector.shape_cast %get3A_27 : vector<256xf32> to vector<1x256xf32>
    %add3A_28 = vector.broadcast %broadcast_in_dim3A : vector<1x256xf32> to vector<2000x256xf32>
    %add3A_29 = arith.addf %add3A_25, %add3A_28 : vector<2000x256xf32>
    %max3A_30 = arith.constant 0.000000e+00 : f32
    %max3A_31 = vector.broadcast %max3A_30 : f32 to vector<2000x256xf32>
    %max3A_32 = arith.maximumf %add3A_29, %max3A_31 : vector<2000x256xf32>
    %swap3A = arith.constant 0 : index
    %swap3A_33 = arith.constant 0 : index
    %swap3A_34 = vector.load %arg8[%swap3A, %swap3A_33] : memref<2000x256xf32, #tpu.memory_space<vmem>>, vector<2000x256xf32>
    tpu.vector_store %arg8[%swap3A, %swap3A_33], %max3A_32 {strides = array<i32>} : memref<2000x256xf32, #tpu.memory_space<vmem>>, vector<2000x256xf32>,
    %slice3A = vector.extract_strided_slice %max3A_32 {offsets = [0, 0], sizes = [2000, 128], strides = [1, 1]} : vector<2000x256xf32> to vector<2000x128xf32>
    %swap3A_35 = arith.constant 0 : index
    %swap3A_36 = arith.constant 0 : index
    %swap3A_37 = vector.load %arg9[%swap3A_35, %swap3A_36] : memref<2000x128xf32, #tpu.memory_space<vmem>>, vector<2000x128xf32>
    tpu.vector_store %arg9[%swap3A_35, %swap3A_36], %slice3A {strides = array<i32>} : memref<2000x128xf32, #tpu.memory_space<vmem>>, vector<2000x128xf32>,
    %slice3A_38 = vector.extract_strided_slice %max3A_32 {offsets = [0, 128], sizes = [2000, 128], strides = [1, 1]} : vector<2000x256xf32> to vector<2000x128xf32>
    %swap3A_39 = arith.constant 0 : index
    %swap3A_40 = arith.constant 0 : index
    %swap3A_41 = vector.load %arg10[%swap3A_39, %swap3A_40] : memref<2000x128xf32, #tpu.memory_space<vmem>>, vector<2000x128xf32>
    tpu.vector_store %arg10[%swap3A_39, %swap3A_40], %slice3A_38 {strides = array<i32>} : memref<2000x128xf32, #tpu.memory_space<vmem>>, vector<2000x128xf32>,
    return
  }
  func.func @transform_0(%arg0: i32) -> (i32, i32) {
    %c0_i32 = arith.constant 0 : i32
    %c0_i32_0 = arith.constant 0 : i32
    return %arg0, %c0_i32 : i32, i32
  }
  func.func @transform_1(%arg0: i32) -> (i32, i32) {
    %c0_i32 = arith.constant 0 : i32
    %c0_i32_0 = arith.constant 0 : i32
    return %arg0, %c0_i32 : i32, i32
  }
  func.func @transform_2(%arg0: i32) -> (i32, i32) {
    %c0_i32 = arith.constant 0 : i32
    %c0_i32_0 = arith.constant 0 : i32
    return %arg0, %c0_i32 : i32, i32
  }
  func.func @transform_3(%arg0: i32) -> (i32, i32) {
    %c0_i32 = arith.constant 0 : i32
    %c0_i32_0 = arith.constant 0 : i32
    return %arg0, %c0_i32 : i32, i32
  }
  func.func @transform_4(%arg0: i32) -> (i32, i32) {
    %c0_i32 = arith.constant 0 : i32
    %c0_i32_0 = arith.constant 0 : i32
    %c0_i32_1 = arith.constant 0 : i32
    return %c0_i32, %c0_i32_0 : i32, i32
  }
  func.func @transform_5(%arg0: i32) -> (i32, i32) {
    %c0_i32 = arith.constant 0 : i32
    %c0_i32_0 = arith.constant 0 : i32
    %c0_i32_1 = arith.constant 0 : i32
    return %c0_i32, %c0_i32_0 : i32, i32
  }
  func.func @transform_6(%arg0: i32) -> i32 {
    %c0_i32 = arith.constant 0 : i32
    %c0_i32_0 = arith.constant 0 : i32
    return %c0_i32 : i32
  }
  func.func @transform_7(%arg0: i32) -> (i32, i32) {
    %c0_i32 = arith.constant 0 : i32
    %c0_i32_0 = arith.constant 0 : i32
    return %arg0, %c0_i32 : i32, i32
  }
  func.func @transform_8(%arg0: i32) -> (i32, i32) {
    %c0_i32 = arith.constant 0 : i32
    %c0_i32_0 = arith.constant 0 : i32
    return %arg0, %c0_i32 : i32, i32
  }
  func.func @transform_9(%arg0: i32) -> (i32, i32) {
    %c0_i32 = arith.constant 0 : i32
    %c0_i32_0 = arith.constant 0 : i32
    return %arg0, %c0_i32 : i32, i32
  }
}

module attributes {stable_mosaic.version = 14 : i64} {
  func.func @_tc2_body(%arg0: i32, %arg1: memref<2000x256xf32, #tpu.memory_space<vmem>>, %arg2: memref<2000x1xf32, #tpu.memory_space<vmem>>, %arg3: memref<2000x1xf32, #tpu.memory_space<vmem>>, %arg4: memref<2000x256xf32, #tpu.memory_space<vmem>>, %arg5: memref<256x256xf32, #tpu.memory_space<vmem>>, %arg6: memref<256x256xf32, #tpu.memory_space<vmem>>, %arg7: memref<256xf32, #tpu.memory_space<vmem>>, %arg8: memref<256xf32, #tpu.memory_space<vmem>>, %arg9: memref<256xf32, #tpu.memory_space<vmem>>, %arg10: memref<256x1xf32, #tpu.memory_space<vmem>>, %arg11: memref<256x1xf32, #tpu.memory_space<vmem>>, %arg12: memref<1xf32, #tpu.memory_space<vmem>>, %arg13: memref<2000x256xf32, #tpu.memory_space<vmem>>, %arg14: memref<2000x1xf32, #tpu.memory_space<vmem>>, %arg15: memref<2000x1xf32, #tpu.memory_space<vmem>>) attributes {dimension_semantics = [#tpu.dimension_semantics<arbitrary>], iteration_bounds = array<i64: 5>, scalar_prefetch = 0 : i64, scratch_operands = 0 : i64, tpu.core_type = #tpu.core_type<tc>, window_params = [{transform_indices = @transform_0, window_bounds = array<i64: 2000, 256>}, {transform_indices = @transform_1, window_bounds = array<i64: 2000, 1>}, {transform_indices = @transform_2, window_bounds = array<i64: 2000, 1>}, {transform_indices = @transform_3, window_bounds = array<i64: 2000, 256>}, {pipeline_mode = #tpu.pipeline_mode<synchronous>, transform_indices = @transform_4, window_bounds = array<i64: 256, 256>}, {pipeline_mode = #tpu.pipeline_mode<synchronous>, transform_indices = @transform_5, window_bounds = array<i64: 256, 256>}, {pipeline_mode = #tpu.pipeline_mode<synchronous>, transform_indices = @transform_6, window_bounds = array<i64: 256>}, {pipeline_mode = #tpu.pipeline_mode<synchronous>, transform_indices = @transform_7, window_bounds = array<i64: 256>}, {pipeline_mode = #tpu.pipeline_mode<synchronous>, transform_indices = @transform_8, window_bounds = array<i64: 256>}, {pipeline_mode = #tpu.pipeline_mode<synchronous>, transform_indices = @transform_9, window_bounds = array<i64: 256, 1>}, {pipeline_mode = #tpu.pipeline_mode<synchronous>, transform_indices = @transform_10, window_bounds = array<i64: 256, 1>}, {pipeline_mode = #tpu.pipeline_mode<synchronous>, transform_indices = @transform_11, window_bounds = array<i64: 1>}, {transform_indices = @transform_12, window_bounds = array<i64: 2000, 256>}, {transform_indices = @transform_13, window_bounds = array<i64: 2000, 1>}, {transform_indices = @transform_14, window_bounds = array<i64: 2000, 1>}]} {
    %get3A = arith.constant 0 : index
    %get3A_0 = arith.constant 0 : index
    %get3A_1 = vector.load %arg2[%get3A, %get3A_0] : memref<2000x1xf32, #tpu.memory_space<vmem>>, vector<2000x1xf32>
    %get3A_2 = arith.constant 0 : index
    %get3A_3 = arith.constant 0 : index
    %get3A_4 = vector.load %arg3[%get3A_2, %get3A_3] : memref<2000x1xf32, #tpu.memory_space<vmem>>, vector<2000x1xf32>
    %add3A = arith.addf %get3A_1, %get3A_4 : vector<2000x1xf32>
    %max3A = arith.constant 1.000000e+00 : f32
    %max3A_5 = vector.broadcast %max3A : f32 to vector<2000x1xf32>
    %max3A_6 = arith.maximumf %add3A, %max3A_5 : vector<2000x1xf32>
    %div3A = arith.constant 1.000000e+00 : f32
    %div3A_7 = vector.broadcast %div3A : f32 to vector<2000x1xf32>
    %div3A_8 = arith.divf %div3A_7, %max3A_6 : vector<2000x1xf32>
    %get3A_9 = arith.constant 0 : index
    %get3A_10 = arith.constant 0 : index
    %get3A_11 = vector.load %arg1[%get3A_9, %get3A_10] : memref<2000x256xf32, #tpu.memory_space<vmem>>, vector<2000x256xf32>
    %mul3A = vector.broadcast %div3A_8 : vector<2000x1xf32> to vector<2000x256xf32>
    %mul3A_12 = arith.mulf %get3A_11, %mul3A : vector<2000x256xf32>
    %get3A_13 = arith.constant 0 : index
    %get3A_14 = arith.constant 0 : index
    %get3A_15 = vector.load %arg5[%get3A_13, %get3A_14] : memref<256x256xf32, #tpu.memory_space<vmem>>, vector<256x256xf32>
    %dot_general3A = arith.constant dense<0.000000e+00> : vector<2000x256xf32>
    %dot_general3A_16 = tpu.matmul %mul3A_12, %get3A_15, %dot_general3A {dimension_numbers = #tpu.dot_dimension_numbers<[1], [0], [0], [1], [0, 0, 1, 1], [], []>, transpose_lhs_hint = false} : vector<2000x256xf32>, vector<256x256xf32>, vector<2000x256xf32> -> vector<2000x256xf32>
    %get3A_17 = arith.constant 0 : index
    %get3A_18 = arith.constant 0 : index
    %get3A_19 = vector.load %arg4[%get3A_17, %get3A_18] : memref<2000x256xf32, #tpu.memory_space<vmem>>, vector<2000x256xf32>
    %get3A_20 = arith.constant 0 : index
    %get3A_21 = arith.constant 0 : index
    %get3A_22 = vector.load %arg6[%get3A_20, %get3A_21] : memref<256x256xf32, #tpu.memory_space<vmem>>, vector<256x256xf32>
    %dot_general3A_23 = arith.constant dense<0.000000e+00> : vector<2000x256xf32>
    %dot_general3A_24 = tpu.matmul %get3A_19, %get3A_22, %dot_general3A_23 {dimension_numbers = #tpu.dot_dimension_numbers<[1], [0], [0], [1], [0, 0, 1, 1], [], []>, transpose_lhs_hint = false} : vector<2000x256xf32>, vector<256x256xf32>, vector<2000x256xf32> -> vector<2000x256xf32>
    %add3A_25 = arith.addf %dot_general3A_16, %dot_general3A_24 : vector<2000x256xf32>
    %get3A_26 = arith.constant 0 : index
    %get3A_27 = vector.load %arg7[%get3A_26] : memref<256xf32, #tpu.memory_space<vmem>>, vector<256xf32>
    %broadcast_in_dim3A = vector.shape_cast %get3A_27 : vector<256xf32> to vector<1x256xf32>
    %add3A_28 = vector.broadcast %broadcast_in_dim3A : vector<1x256xf32> to vector<2000x256xf32>
    %add3A_29 = arith.addf %add3A_25, %add3A_28 : vector<2000x256xf32>
    %max3A_30 = arith.constant 0.000000e+00 : f32
    %max3A_31 = vector.broadcast %max3A_30 : f32 to vector<2000x256xf32>
    %max3A_32 = arith.maximumf %add3A_29, %max3A_31 : vector<2000x256xf32>
    %reduce_sum3A = arith.constant dense<0.000000e+00> : vector<2000xf32>
    %reduce_sum3A_33 = vector.multi_reduction <add>, %max3A_32, %reduce_sum3A [1] : vector<2000x256xf32> to vector<2000xf32>
    %broadcast_in_dim3A_34 = vector.shape_cast %reduce_sum3A_33 : vector<2000xf32> to vector<2000x1xf32>
    %div3A_35 = arith.constant 2.560000e+02 : f32
    %div3A_36 = vector.broadcast %div3A_35 : f32 to vector<2000x1xf32>
    %div3A_37 = arith.divf %broadcast_in_dim3A_34, %div3A_36 : vector<2000x1xf32>
    %sub3A = vector.broadcast %div3A_37 : vector<2000x1xf32> to vector<2000x256xf32>
    %sub3A_38 = arith.subf %max3A_32, %sub3A : vector<2000x256xf32>
    %integer_pow3A = arith.mulf %sub3A_38, %sub3A_38 : vector<2000x256xf32>
    %reduce_sum3A_39 = arith.constant dense<0.000000e+00> : vector<2000xf32>
    %reduce_sum3A_40 = vector.multi_reduction <add>, %integer_pow3A, %reduce_sum3A_39 [1] : vector<2000x256xf32> to vector<2000xf32>
    %broadcast_in_dim3A_41 = vector.shape_cast %reduce_sum3A_40 : vector<2000xf32> to vector<2000x1xf32>
    %div3A_42 = arith.constant 2.560000e+02 : f32
    %div3A_43 = vector.broadcast %div3A_42 : f32 to vector<2000x1xf32>
    %div3A_44 = arith.divf %broadcast_in_dim3A_41, %div3A_43 : vector<2000x1xf32>
    %sub3A_45 = vector.broadcast %div3A_37 : vector<2000x1xf32> to vector<2000x256xf32>
    %sub3A_46 = arith.subf %max3A_32, %sub3A_45 : vector<2000x256xf32>
    %add3A_47 = arith.constant 9.99999974E-6 : f32
    %add3A_48 = vector.broadcast %add3A_47 : f32 to vector<2000x1xf32>
    %add3A_49 = arith.addf %div3A_44, %add3A_48 : vector<2000x1xf32>
    %rsqrt3A = math.rsqrt %add3A_49 : vector<2000x1xf32>
    %mul3A_50 = vector.broadcast %rsqrt3A : vector<2000x1xf32> to vector<2000x256xf32>
    %mul3A_51 = arith.mulf %sub3A_46, %mul3A_50 : vector<2000x256xf32>
    %get3A_52 = arith.constant 0 : index
    %get3A_53 = vector.load %arg8[%get3A_52] : memref<256xf32, #tpu.memory_space<vmem>>, vector<256xf32>
    %broadcast_in_dim3A_54 = vector.shape_cast %get3A_53 : vector<256xf32> to vector<1x256xf32>
    %mul3A_55 = vector.broadcast %broadcast_in_dim3A_54 : vector<1x256xf32> to vector<2000x256xf32>
    %mul3A_56 = arith.mulf %mul3A_51, %mul3A_55 : vector<2000x256xf32>
    %get3A_57 = arith.constant 0 : index
    %get3A_58 = vector.load %arg9[%get3A_57] : memref<256xf32, #tpu.memory_space<vmem>>, vector<256xf32>
    %broadcast_in_dim3A_59 = vector.shape_cast %get3A_58 : vector<256xf32> to vector<1x256xf32>
    %add3A_60 = vector.broadcast %broadcast_in_dim3A_59 : vector<1x256xf32> to vector<2000x256xf32>
    %add3A_61 = arith.addf %mul3A_56, %add3A_60 : vector<2000x256xf32>
    %swap3A = arith.constant 0 : index
    %swap3A_62 = arith.constant 0 : index
    %swap3A_63 = vector.load %arg13[%swap3A, %swap3A_62] : memref<2000x256xf32, #tpu.memory_space<vmem>>, vector<2000x256xf32>
    tpu.vector_store %arg13[%swap3A, %swap3A_62], %add3A_61 {strides = array<i32>} : memref<2000x256xf32, #tpu.memory_space<vmem>>, vector<2000x256xf32>,
    %get3A_64 = arith.constant 0 : index
    %get3A_65 = arith.constant 0 : index
    %get3A_66 = vector.load %arg10[%get3A_64, %get3A_65] : memref<256x1xf32, #tpu.memory_space<vmem>>, vector<256x1xf32>
    %dot_general3A_67 = arith.constant dense<0.000000e+00> : vector<2000x1xf32>
    %dot_general3A_68 = tpu.matmul %add3A_61, %get3A_66, %dot_general3A_67 {dimension_numbers = #tpu.dot_dimension_numbers<[1], [0], [0], [1], [0, 0, 1, 1], [], []>, transpose_lhs_hint = false} : vector<2000x256xf32>, vector<256x1xf32>, vector<2000x1xf32> -> vector<2000x1xf32>
    %get3A_69 = arith.constant 0 : index
    %get3A_70 = vector.load %arg12[%get3A_69] : memref<1xf32, #tpu.memory_space<vmem>>, vector<1xf32>
    %broadcast_in_dim3A_71 = vector.shape_cast %get3A_70 : vector<1xf32> to vector<1x1xf32>
    %add3A_72 = vector.broadcast %broadcast_in_dim3A_71 : vector<1x1xf32> to vector<2000x1xf32>
    %add3A_73 = arith.addf %dot_general3A_68, %add3A_72 : vector<2000x1xf32>
    %swap3A_74 = arith.constant 0 : index
    %swap3A_75 = arith.constant 0 : index
    %swap3A_76 = vector.load %arg14[%swap3A_74, %swap3A_75] : memref<2000x1xf32, #tpu.memory_space<vmem>>, vector<2000x1xf32>
    tpu.vector_store %arg14[%swap3A_74, %swap3A_75], %add3A_73 {strides = array<i32>} : memref<2000x1xf32, #tpu.memory_space<vmem>>, vector<2000x1xf32>,
    %get3A_77 = arith.constant 0 : index
    %get3A_78 = arith.constant 0 : index
    %get3A_79 = vector.load %arg11[%get3A_77, %get3A_78] : memref<256x1xf32, #tpu.memory_space<vmem>>, vector<256x1xf32>
    %dot_general3A_80 = arith.constant dense<0.000000e+00> : vector<2000x1xf32>
    %dot_general3A_81 = tpu.matmul %add3A_61, %get3A_79, %dot_general3A_80 {dimension_numbers = #tpu.dot_dimension_numbers<[1], [0], [0], [1], [0, 0, 1, 1], [], []>, transpose_lhs_hint = false} : vector<2000x256xf32>, vector<256x1xf32>, vector<2000x1xf32> -> vector<2000x1xf32>
    %swap3A_82 = arith.constant 0 : index
    %swap3A_83 = arith.constant 0 : index
    %swap3A_84 = vector.load %arg15[%swap3A_82, %swap3A_83] : memref<2000x1xf32, #tpu.memory_space<vmem>>, vector<2000x1xf32>
    tpu.vector_store %arg15[%swap3A_82, %swap3A_83], %dot_general3A_81 {strides = array<i32>} : memref<2000x1xf32, #tpu.memory_space<vmem>>, vector<2000x1xf32>,
    return
  }
  func.func @transform_0(%arg0: i32) -> (i32, i32) {
    %c0_i32 = arith.constant 0 : i32
    %c0_i32_0 = arith.constant 0 : i32
    return %arg0, %c0_i32 : i32, i32
  }
  func.func @transform_1(%arg0: i32) -> (i32, i32) {
    %c0_i32 = arith.constant 0 : i32
    %c0_i32_0 = arith.constant 0 : i32
    return %arg0, %c0_i32 : i32, i32
  }
  func.func @transform_2(%arg0: i32) -> (i32, i32) {
    %c0_i32 = arith.constant 0 : i32
    %c0_i32_0 = arith.constant 0 : i32
    return %arg0, %c0_i32 : i32, i32
  }
  func.func @transform_3(%arg0: i32) -> (i32, i32) {
    %c0_i32 = arith.constant 0 : i32
    %c0_i32_0 = arith.constant 0 : i32
    return %arg0, %c0_i32 : i32, i32
  }
  func.func @transform_4(%arg0: i32) -> (i32, i32) {
    %c0_i32 = arith.constant 0 : i32
    %c0_i32_0 = arith.constant 0 : i32
    %c0_i32_1 = arith.constant 0 : i32
    return %c0_i32, %c0_i32_0 : i32, i32
  }
  func.func @transform_5(%arg0: i32) -> (i32, i32) {
    %c0_i32 = arith.constant 0 : i32
    %c0_i32_0 = arith.constant 0 : i32
    %c0_i32_1 = arith.constant 0 : i32
    return %c0_i32, %c0_i32_0 : i32, i32
  }
  func.func @transform_6(%arg0: i32) -> i32 {
    %c0_i32 = arith.constant 0 : i32
    %c0_i32_0 = arith.constant 0 : i32
    return %c0_i32 : i32
  }
  func.func @transform_7(%arg0: i32) -> i32 {
    %c0_i32 = arith.constant 0 : i32
    %c0_i32_0 = arith.constant 0 : i32
    return %c0_i32 : i32
  }
  func.func @transform_8(%arg0: i32) -> i32 {
    %c0_i32 = arith.constant 0 : i32
    %c0_i32_0 = arith.constant 0 : i32
    return %c0_i32 : i32
  }
  func.func @transform_9(%arg0: i32) -> (i32, i32) {
    %c0_i32 = arith.constant 0 : i32
    %c0_i32_0 = arith.constant 0 : i32
    %c0_i32_1 = arith.constant 0 : i32
    return %c0_i32, %c0_i32_0 : i32, i32
  }
  func.func @transform_10(%arg0: i32) -> (i32, i32) {
    %c0_i32 = arith.constant 0 : i32
    %c0_i32_0 = arith.constant 0 : i32
    %c0_i32_1 = arith.constant 0 : i32
    return %c0_i32, %c0_i32_0 : i32, i32
  }
  func.func @transform_11(%arg0: i32) -> i32 {
    %c0_i32 = arith.constant 0 : i32
    %c0_i32_0 = arith.constant 0 : i32
    return %c0_i32 : i32
  }
  func.func @transform_12(%arg0: i32) -> (i32, i32) {
    %c0_i32 = arith.constant 0 : i32
    %c0_i32_0 = arith.constant 0 : i32
    return %arg0, %c0_i32 : i32, i32
  }
  func.func @transform_13(%arg0: i32) -> (i32, i32) {
    %c0_i32 = arith.constant 0 : i32
    %c0_i32_0 = arith.constant 0 : i32
    return %arg0, %c0_i32 : i32, i32
  }
  func.func @transform_14(%arg0: i32) -> (i32, i32) {
    %c0_i32 = arith.constant 0 : i32
    %c0_i32_0 = arith.constant 0 : i32
    return %arg0, %c0_i32 : i32, i32
  }
}

</mosaic_0001>

<sc_bundles>
// kernel: kernel.11.cloned.1.call-start
scs
__scs_entry_jumppad:
0x0: {  	(pc) =	sbr.rel $0x88, $3  }
0x1: {  	(tag) =	ssettag $0x0;
	lr =	simm.s32 $0x1  }
0x2: {  	[smem:$0x3F95] =	sst lr;
	_ =	strace $0xD0000000  }
0x3: {  	_ = 	snop  }
0x4: {  	_ = 	snop  }
0x5: {  	_ = 	snop  }
0x6: {  	_ = 	snop  }
0x7: {  	_ = 	snop  }
__scs_overlays_trampoline_lowered:
0x8: {  	[smem:$0x3FA4] =	sst s0  }
0x9: {  	[smem:$0x3FA5] =	sst s1  }
0xa: {  	[smem:$0x3FA6] =	sst s2  }
0xb: {  	[smem:$0x3FA7] =	sst s3  }
0xc: {  	[smem:$0x3FA8] =	sst s4  }
0xd: {  	[smem:$0x3FA9] =	sst s5  }
0xe: {  	[smem:$0x3FAA] =	sst s6  }
0xf: {  	[smem:$0x3FAB] =	sst s7  }
0x10: {  	[smem:$0x3FAC] =	sst s8  }
0x11: {  	[smem:$0x3FAD] =	sst s9;
	s0 =	simm.s32 @!p0 $0x0  }
0x12: {  	s1 =	sld [smem:$0x3F93];
	s0 =	simm.s32 @p0 $0x1  }
0x13: {  	[smem:$0x3FAE] =	sst s0;
	s0 =	simm.s32 @!p1 $0x0  }
0x14: {  	s2 =	sld [smem:$0x3F92];
	s0 =	simm.s32 @p1 $0x1  }
0x15: {  	[smem:$0x3FAF] =	sst s0;
	s0 =	simm.s32 @!p2 $0x0  }
0x16: {  	s3 =	sld [smem:$0x3FDB];
	s0 =	simm.s32 @p2 $0x1  }
0x17: {  	s4 =	simm.s32 $0x1BF5;
	[smem:$0x3FB1] =	sst s0  }
0x18: {  	s0 =	sld [smem:$0x3F94];
	_ =	swait.ge [sflag:s4], $0x0  }
0x19: {  	s7 =	sld [smem:$0x3F95]  }
0x1a: {  	s8 =	sadd.s32 $0xFFFFE003, lr  }
0x1b: {  	s9 =	sadd.s32 $0xFFFFFEF7, lr;
	s5 =	simm.s32 $0xFFFFFFFF;
	p2 =	slt.u32 s8, $0xFFFFF086  }
0x1c: {  	p1 =	slt.u32 s9, $0xF7A;
	s5 =	simm.s32 @!p2 $0x0  }
0x1d: {  	s5 =	simm.s32 @p1 $0x1;
	p0 =	seq.s32 s7, s2  }
0x1e: {  	s7 =	smul.u32 @!p0 $0xF7A, s2;
	p2 =	seq.s32 @!p0 s5, $0x0  }
0x1f: {  	s9 =	smul.u32 $0xF7A, s1;
	s8 =	simm.s32 @!p0 $0x1BF5;
	p2 =	por !p2, p0  }
0x20: {  	[sflag:s8] =	ssyncset.s32 @!p0 $0xFFFFF086;
	s6 =	sadd.s32 @!p0 s3, s7;
	s7 =	simm.s32 @!p0 $0x108  }
0x21: {  	s3 =	sadd.s32 s3, s9;
	s6 =	sadd.s32 @!p0 $0x88, s6;
	s7 =	simm.s32 @p2 $0x1082  }
0x22: {  	[simem:s7], [sflag:s8] =	dma.local @!p0 [hbm:s6], $0xF7A  }
0x23: {  	s9 =	sor.u32 $0xD0000000, s2;
	s6 =	simm.s32 $0x108;
	_ =	swait.ge @!p0 [sflag:s8], $0x0  }
0x24: {  	s3 =	sadd.s32 $0x88, s3;
	s6 =	simm.s32 @!p1 $0x1082;
	[sflag:s4] =	ssyncset.s32 $0xFFFFF086  }
0x25: {  	[simem:s6], [sflag:s4] =	dma.local [hbm:s3], $0xF7A  }
0x26: {  	[smem:$0x3F95] =	sst s1;
	(tag) =	ssettag s2;
	_ =	strace s9  }
0x27: {  	s1 =	sld [smem:$0x3FA5]  }
0x28: {  	s2 =	sld [smem:$0x3FA6]  }
0x29: {  	s4 =	sld [smem:$0x3FA8]  }
0x2a: {  	p0 =	seq.s32 s5, $0x0;
	s5 =	sld [smem:$0x3FA9]  }
0x2b: {  	s6 =	sld [smem:$0x3FAA]  }
0x2c: {  	s7 =	sld [smem:$0x3FAB]  }
0x2d: {  	s3 =	simm.s32 $0x108;
	s8 =	sld [smem:$0x3FAC]  }
0x2e: {  	s3 =	simm.s32 @!p0 $0x1082;
	s9 =	sld [smem:$0x3FAD]  }
0x2f: {  	lr =	sadd.s32 s0, s3;
	s0 =	sld [smem:$0x3FA4]  }
0x30: {  	s3 =	sld [smem:$0x3FA7]  }
0x31: {  	[smem:$0x3FB0] =	sst s10  }
0x32: {  	s10 =	sld [smem:$0x3FAE];
	_ =	sdelay $0x3  }
0x33: {  	p0 =	seq.s32 s10, $0x1;
	s10 =	sld [smem:$0x3FB0];
	_ =	sdelay $0x3  }
0x34: {  	[smem:$0x3FB0] =	sst s10  }
0x35: {  	s10 =	sld [smem:$0x3FAF];
	_ =	sdelay $0x3  }
0x36: {  	p1 =	seq.s32 s10, $0x1;
	s10 =	sld [smem:$0x3FB0];
	_ =	sdelay $0x3  }
0x37: {  	[smem:$0x3FB0] =	sst s10  }
0x38: {  	s10 =	sld [smem:$0x3FB1]  }
0x39: {  	_ = 	snop;
	(pc) =	sbr.ind lr, $3  }
0x3a: {  	_ = 	snop  }
0x3b: {  	_ = 	snop  }
0x3c: {  	p2 =	seq.s32 s10, $0x1;
	s10 =	sld [smem:$0x3FB0]  }
0x3d: {  	_ =	shalt  }
0x3e: {  	_ =	shalt  }
0x3f: {  	_ =	shalt  }
0x40: {  	_ =	shalt  }
0x41: {  	_ =	shalt  }
0x42: {  	_ =	shalt  }
0x43: {  	_ =	shalt  }
0x44: {  	_ =	shalt  }
0x45: {  	_ =	shalt  }
0x46: {  	_ =	shalt  }
0x47: {  	_ =	shalt  }
0x48: {  	_ =	shalt  }
0x49: {  	_ =	shalt  }
0x4a: {  	_ =	shalt  }
0x4b: {  	_ =	shalt  }
0x4c: {  	_ =	shalt  }
0x4d: {  	_ =	shalt  }
0x4e: {  	_ =	shalt  }
0x4f: {  	_ =	shalt  }
0x50: {  	_ =	shalt  }
0x51: {  	_ =	shalt  }
0x52: {  	_ =	shalt  }
0x53: {  	_ =	shalt  }
0x54: {  	_ =	shalt  }
0x55: {  	_ =	shalt  }
0x56: {  	_ =	shalt  }
0x57: {  	_ =	shalt  }
0x58: {  	_ =	shalt  }
0x59: {  	_ =	shalt  }
0x5a: {  	_ =	shalt  }
0x5b: {  	_ =	shalt  }
0x5c: {  	_ =	shalt  }
0x5d: {  	_ =	shalt  }
0x5e: {  	_ =	shalt  }
0x5f: {  	_ =	shalt  }
0x60: {  	_ =	shalt  }
0x61: {  	_ =	shalt  }
0x62: {  	_ =	shalt  }
0x63: {  	_ =	shalt  }
0x64: {  	_ =	shalt  }
0x65: {  	_ =	shalt  }
0x66: {  	_ =	shalt  }
0x67: {  	_ =	shalt  }
0x68: {  	_ =	shalt  }
0x69: {  	_ =	shalt  }
0x6a: {  	_ =	shalt  }
0x6b: {  	_ =	shalt  }
0x6c: {  	_ =	shalt  }
0x6d: {  	_ =	shalt  }
0x6e: {  	_ =	shalt  }
0x6f: {  	_ =	shalt  }
0x70: {  	_ =	shalt  }
0x71: {  	_ =	shalt  }
0x72: {  	_ =	shalt  }
0x73: {  	_ =	shalt  }
0x74: {  	_ =	shalt  }
0x75: {  	_ =	shalt  }
0x76: {  	_ =	shalt  }
0x77: {  	_ =	shalt  }
0x78: {  	_ =	shalt  }
0x79: {  	_ =	shalt  }
0x7a: {  	_ =	shalt  }
0x7b: {  	_ =	shalt  }
0x7c: {  	_ =	shalt  }
0x7d: {  	_ =	shalt  }
0x7e: {  	_ =	shalt  }
0x7f: {  	_ =	shalt  }
0x80: {  	_ =	shalt  }
0x81: {  	_ =	shalt  }
0x82: {  	_ =	shalt  }
0x83: {  	_ =	shalt  }
0x84: {  	_ =	shalt  }
0x85: {  	_ =	shalt  }
0x86: {  	_ =	shalt  }
0x87: {  	_ =	shalt  }
.Lfunc_end0:
.L_simem_size_0:
called_computation.1_lowered:
.L_overlay_start_0:
0x88: {  	s2 =	sld [smem:$0x3FD9]  }
0x89: {  	s3 =	sld [smem:$0x3FFE];
	_ =	sdelay $0x1  }
0x8a: {  	s1 =	srdreg.scid  }
0x8b: {  	s0 =	sand.u32 $0x1, s1  }
0x8c: {  	s14 =	sshll.u32 s0, $0xA;
	s2 =	sadd.s32 s3, s2  }
0x8d: {  	s2 =	sadd.s32 s2, s14  }
0x8e: {  	[smem:$0x3FBC] =	sst s2  }
0x8f: {  	_ = 	snop  }
0x90: {  	s2 =	sld [smem:$0x3FD0];
	_ =	sdelay $0x2  }
0x91: {  	s15 =	simm.s32 $0xB;
	s4 =	simm.s32 $0x10  }
0x92: {  	[smem:s4], [sflag:s15] =	dma.local [hbm:s2], $0x1  }
0x93: {  	_ =	swait.eq [sflag:s15], $0x1  }
0x94: {  	[sflag:s15] =	ssyncset.done $0x0  }
0x95: {  	s16 =	sld [smem:$0x10];
	[sflag:s15] =	ssyncadd.s32 $0xFFFFFFFF  }
0x96: {  	s17 =	sld [smem:$0x11];
	(tm) =	ssettm $0x1  }
0x97: {  	s18 =	sld [smem:$0x3FFB];
	_ =	sdelay $0x3  }
0x98: {  	_ =	strace s18  }
0x99: {  	s4 =	sld [smem:$0x3FFC];
	_ =	sdelay $0x3  }
0x9a: {  	_ =	strace s4  }
0x9b: {  	s4 =	sld [smem:$0x3FFD];
	_ =	sdelay $0x3  }
0x9c: {  	_ =	strace s4  }
0x9d: {  	_ =	strace $0x8FFFFFFF  }
0x9e: {  	s19 =	sld [smem:$0x3FDB];
	_ =	sdelay $0x1  }
0x9f: {  	s5 =	simm.s32 $_scs_section_size  }
0xa0: {  	s6 =	simm.s32 $_size__tile_overlayer_lowered;
	s7 =	simm.s32 $_tile_overlayer_lowered  }
0xa1: {  	s22 =	simm.s32 $0x1BFF;
	s21 =	sshll.u32 s7, $0x1;
	s4 =	sadd.s32 s5, s19  }
0xa2: {  	s8 =	simm.s32 $0x0;
	s20 =	sshll.u32 s6, $0x1;
	s6 =	sadd.s32 s21, s4  }
0xa3: {  	[timem:s8], [sflag:s22] =	dma.local [hbm:s6], s20  }
0xa4: {  	_ =	swait.ge [sflag:s22], s20  }
0xa5: {  	s5 =	ssub.s32 $0x0, s20;
	[sflag:s22] =	ssyncset.done $0x0  }
0xa6: {  	[sflag:s22] =	ssyncadd.s32 s5;
	_ =	sdelay $0x1  }
0xa7: {  	s23 =	simm.s32 $0x1B8B  }
0xa8: {  	_ =	swait.ge [sflag:s23], $0x1  }
0xa9: {  	[sflag:s23] =	ssyncset.done $0x0  }
0xaa: {  	s25 =	simm.s32 $0x1B8E;
	s24 =	sld [smem:$0x3FFE];
	[sflag:s23] =	ssyncadd.s32 $0xFFFFFFFF  }
0xab: {  	s26 =	simm.s32 $execute0_lowered;
	[smem:$0x3FD2] =	sst s25  }
0xac: {  	s6 =	sshll.u32 s26, $0x1;
	_ =	strace $0x80000046;
	[dreg:$0x1] =	wrdreg $0xFFFFFFFF  }
0xad: {  	s28 =	simm.s32 $_size_execute0_lowered;
	s4 =	sadd.s32 s4, s6;
	[dreg:$0x0] =	wrdreg $0x0  }
0xae: {  	s6 =	sshll.u32 s28, $0x1;
	[dreg:$0x2] =	wrdreg s4  }
0xaf: {  	[dreg:$0x3] =	wrdreg s6  }
0xb0: {  	[dreg:$0x4] =	wrdreg $0xC0  }
0xb1: {  	_ =	task [dreg:s8], $0x5FFFF  }
0xb2: {  	[dreg:$0x1] =	wrdreg $0xFFFFFFFF  }
0xb3: {  	[dreg:$0x0] =	wrdreg $0x60  }
0xb4: {  	[dreg:$0x2] =	wrdreg s24  }
0xb5: {  	[dreg:$0x3] =	wrdreg s16  }
0xb6: {  	[dreg:$0x4] =	wrdreg s17  }
0xb7: {  	[dreg:$0x5] =	wrdreg $0x0  }
0xb8: {  	[dreg:$0x6] =	wrdreg $0xA  }
0xb9: {  	_ =	task.clear_ibuf [dreg:s8], $0x7FFFF;
	_ =	strace $0x90000046  }
0xba: {  	s29 =	simm.s32 $0xA;
	_ =	strace $0x80000048  }
0xbb: {  	_ =	swait.ge [sflag:s29], $0x1  }
0xbc: {  	[sflag:s29] =	ssyncadd.s32 $0xFFFFFFFF  }
0xbd: {  	_ =	strace $0x90000048  }
0xbe: {  	_ =	sfence  }
0xbf: {  	s30 =	sld [smem:$0x0];
	_ =	sdelay $0x2  }
0xc0: {  	s31 =	sshll.u32 s1, $0xD;
	s1 =	sshrl.u32 s1, $0x2  }
0xc1: {  	s3 =	sand.u32 $0x4000, s31;
	s1 =	sadd.s32 s1, s30  }
0xc2: {  	s0 =	sor.u32 s3, s0;
	s1 =	sshll.u32 s1, $0x11  }
0xc3: {  	s0 =	sor.u32 s1, s0  }
0xc4: {  	s0 =	sadd.s32 $0x8F2B, s0  }
0xc5: {  	[sflag:s0] =	ssyncadd.remote.s32 $0x1  }
0xc6: {  	_ =	sfence.sel $0xFFFF  }
0xc7: {  	[dreg:$0x0] =	wrdreg $0xFFFFFFFF;
	(pc) =	sbr.abs _section_cstart, $3  }
0xc8: {  	[dreg:$0x1] =	wrdreg $0xFFFFFFFF  }
0xc9: {  	_ =	task.clear_ibuf [dreg:s8], $0x2FFFF;
	_ =	strace $0x9FFFFFFF  }
0xca: {  	(tm) =	ssettm $0x7FFFFFFF  }
0xcb: {  	_ =	shalt  }
tec
execute0_lowered:
.L_overlay_start_1:
0x0: {  	(tag) =	ssettag $0x1  }
0x1: {  	s0 =	rddreg [dreg:$0x0]  }
0x2: {  	s1 =	rddreg [dreg:$0x1]  }
0x3: {  	s4 =	rddreg [dreg:$0x3];
	s5 =	simm.s32 $0x0  }
0x4: {  	s8 =	stileid.u32;
	s3 =	srdreg.scid;
	s28 =	simm.s32 $0x5  }
0x5: {  	s29 =	simm.s32 $0x80;
	s30 =	simm.s32 $0x1;
	s2 =	smul.u32 $0x500, s8  }
0x6: {  	s31 =	simm.s32 $0x18000;
	[smem:$0x7FF] =	sst s5;
	s12 =	smul.u32 $0x280, s8  }
0x7: {  	s3 =	sand.u32 $0x1, s3;
	s6 =	sadd.s32 $0xC200, s0;
	s8 =	smul.u32 $0x50000, s8  }
0x8: {  	_ =	strace $0x80000047;
	s7 =	ssub.s32 $0x2, s3;
	s20 =	smul.u32 $0x2800, s3  }
0x9: {  	p0 =	seq.s32 s3, $0x1;
	s2 =	sadd.s32 s2, s0;
	s0 =	sadd.s32 $0x38400, s0  }
0xa: {  	s9 =	sshrl.u32 s7, $0x1;
	s13 =	sadd.s32 $0x80, s12;
	s24 =	sshrl.u32 s8, $0x2  }
0xb: {  	s16 =	sadd.s32 $0x100, s12;
	s17 =	sadd.s32 $0x180, s12;
	s18 =	sadd.s32 $0x200, s12  }
0xc: {  	s19 =	ssub.s32 s7, s9;
	s25 =	sshll.u32 s13, $0x7;
	s7 =	sadd.s32 s24, s4  }
0xd: {  	s26 =	sshll.u32 s16, $0x7;
	s10 =	sshll.u32 s17, $0x7;
	s11 =	sshll.u32 s18, $0x7  }
0xe: {  	s14 =	sadd.s32 s12, s20;
	s15 =	sadd.s32 s20, s13;
	s21 =	sadd.s32 $0x2200, s2  }
0xf: {  	s22 =	sadd.s32 $0x33400, s2;
	s24 =	sadd.s32 s20, s16;
	s8 =	sadd.s32 s25, s4  }
0x10: {  	s9 =	sadd.s32 s26, s4;
	s10 =	sadd.s32 s10, s4;
	s11 =	sadd.s32 s11, s4  }
0x11: {  	[dreg:$0x5] =	wrdreg s21;
	s3 =	sshll.u32 s14, $0x4;
	s12 =	sshll.u32 s15, $0x4  }
0x12: {  	[dreg:$0x6] =	wrdreg s22;
	s25 =	sadd.s32 s20, s17;
	s26 =	sadd.s32 s20, s18  }
0x13: {  	s19 =	smax.u32 s19, $0x1;
	s21 =	sadd.s32 $0x33480, s2;
	s22 =	simm.s32 $0x14000  }
0x14: {  	s3 =	sadd.s32 s0, s3;
	s23 =	sadd.s32 s0, s12;
	s12 =	sshll.u32 s25, $0x4  }
.Ltmp0:
0x15: {  	s13 =	sshll.u32 s26, $0x4;
	[dreg:$0x7] =	wrdreg s3;
	(pc) =	sbr.rel .LBB2_1-.Ltmp0, $4  }
0x16: {  	s26 =	simm.s32 $0x4;
	[dreg:$0x8] =	wrdreg s23;
	s3 =	sshll.u32 s24, $0x4  }
0x17: {  	s17 =	sadd.s32 s0, s12;
	s18 =	sadd.s32 s0, s13;
	s12 =	sadd.s32 $0x2280, s2  }
0x18: {  	s23 =	simm.s32 $0x6;
	s24 =	simm.s32 $0x0;
	s3 =	sadd.s32 s0, s3  }
0x19: {  	s0 =	simm.s32 $0x2;
	[dreg:$0x9] =	wrdreg s3;
	s3 =	simm.s32 $0x3  }
.LBB2_7:
0x1a: {  	[sflag:s3] =	ssyncset.done $0x0  }
0x1b: {  	[sflag:s3] =	ssyncadd.s32 $0xFFFFC000  }
.LBB2_8:
0x1c: {  	s2 =	stileid.u32  }
0x1d: {  	[bflag:$0x0] =	sbarrier.arrive $0xFFFF;
	s2 =	sshll.u32 s2, $0x6  }
0x1e: {  	s13 =	sshrl.u32 s7, $0x3;
	s14 =	rddreg [dreg:$0x7];
	s2 =	sor.u32 $0x1C06, s2  }
0x1f: {  	[hbm:s14], [sflag:s2] =	dma.local [spmem:s13], $0x800  }
0x20: {  	_ =	swait.ge [sflag:s23], $0x800  }
0x21: {  	[sflag:s23] =	ssyncset.done $0x0  }
0x22: {  	s20 =	sshrl.u32 s8, $0x3;
	s25 =	rddreg [dreg:$0x8];
	[sflag:s23] =	ssyncadd.s32 $0xFFFFF800  }
0x23: {  	[hbm:s25], [sflag:s2] =	dma.local [spmem:s20], $0x800  }
0x24: {  	_ =	swait.ge [sflag:s23], $0x800  }
0x25: {  	[sflag:s23] =	ssyncset.done $0x0  }
0x26: {  	s15 =	sshrl.u32 s9, $0x3;
	s16 =	rddreg [dreg:$0x9];
	[sflag:s23] =	ssyncadd.s32 $0xFFFFF800  }
0x27: {  	[hbm:s16], [sflag:s2] =	dma.local [spmem:s15], $0x800  }
0x28: {  	_ =	swait.ge [sflag:s23], $0x800  }
0x29: {  	[sflag:s23] =	ssyncset.done $0x0  }
0x2a: {  	s20 =	sshrl.u32 s10, $0x3;
	[sflag:s23] =	ssyncadd.s32 $0xFFFFF800  }
0x2b: {  	[hbm:s17], [sflag:s2] =	dma.local [spmem:s20], $0x800  }
0x2c: {  	s24 =	sadd.s32 $0x1, s24;
	_ =	swait.ge [sflag:s23], $0x800  }
0x2d: {  	p1 =	sne.s32 s24, s19;
	[sflag:s23] =	ssyncset.done $0x0  }
.Ltmp1:
0x2e: {  	s25 =	sshrl.u32 s11, $0x3;
	[sflag:s23] =	ssyncadd.s32 $0xFFFFF800;
	(pc) =	sbr.rel @!p1 .LBB2_9-.Ltmp1, $4  }
0x2f: {  	[hbm:s18], [sflag:s2] =	dma.local [spmem:s25], $0x800  }
0x30: {  	_ =	swait.ge [sflag:s23], $0x800  }
0x31: {  	[sflag:s23] =	ssyncset.done $0x0  }
0x32: {  	[sflag:s23] =	ssyncadd.s32 $0xFFFFF800  }
.LBB2_1:
0x33: {  	s2 =	rddreg [dreg:$0x2]  }
0x34: {  	[tilespmem:s22], [sflag:$0x6] =	stream.linear.gather [hbm4b:s2+s5], $0x4000, $0x38;
	[tilespmem:$0x1D000] =	vst v63  }
0x35: {  	_ =	swait.ge [sflag:s23], $0x4000  }
0x36: {  	[sflag:s23] =	ssyncset.done $0x0  }
0x37: {  	[sflag:s23] =	ssyncadd.s32 $0xFFFFC000  }
0x38: {  	[spmem:s7] =	stream.linear.scatter [tilespmem:s22], [sflag:$0x6], $0x4000, $0x38;
	[tilespmem:$0x1D000] =	vst v63  }
0x39: {  	_ =	swait.ge [sflag:s23], $0x4000  }
0x3a: {  	[sflag:s23] =	ssyncset.done $0x0  }
0x3b: {  	[sflag:s23] =	ssyncadd.s32 $0xFFFFC000  }
0x3c: {  	[spmem:s8] =	stream.linear.scatter [tilespmem:s22], [sflag:$0x6], $0x4000, $0x38;
	[tilespmem:$0x1D000] =	vst v63  }
0x3d: {  	_ =	swait.ge [sflag:s23], $0x4000  }
0x3e: {  	[sflag:s23] =	ssyncset.done $0x0  }
0x3f: {  	[sflag:s23] =	ssyncadd.s32 $0xFFFFC000  }
0x40: {  	[spmem:s9] =	stream.linear.scatter [tilespmem:s22], [sflag:$0x6], $0x4000, $0x38;
	[tilespmem:$0x1D000] =	vst v63  }
0x41: {  	_ =	swait.ge [sflag:s23], $0x4000  }
0x42: {  	[sflag:s23] =	ssyncset.done $0x0  }
0x43: {  	[sflag:s23] =	ssyncadd.s32 $0xFFFFC000  }
0x44: {  	[spmem:s10] =	stream.linear.scatter [tilespmem:s22], [sflag:$0x6], $0x4000, $0x38;
	[tilespmem:$0x1D000] =	vst v63  }
0x45: {  	_ =	swait.ge [sflag:s23], $0x4000  }
0x46: {  	[sflag:s23] =	ssyncset.done $0x0  }
0x47: {  	[sflag:s23] =	ssyncadd.s32 $0xFFFFC000  }
0x48: {  	[spmem:s11] =	stream.linear.scatter [tilespmem:s22], [sflag:$0x6], $0x4000, $0x38;
	[tilespmem:$0x1D000] =	vst v63  }
0x49: {  	_ =	swait.ge [sflag:s23], $0x4000  }
0x4a: {  	[sflag:s23] =	ssyncset.done $0x0  }
0x4b: {  	[sflag:s23] =	ssyncadd.s32 $0xFFFFC000  }
.Ltmp2:
0x4c: {  	[bflag:$0x0] =	sbarrier.arrive $0xFFFF;
	(pc) =	sbr.rel @!p0 .LBB2_2-.Ltmp2, $4  }
0x4d: {  	s13 =	simm.s32 $0x1C000;
	s16 =	rddreg [dreg:$0x5]  }
0x4e: {  	[tilespmem:s13], [sflag:$0x4] =	stream.linear.gather [hbm4b:s16+s5], $0x400, $0x38;
	[tilespmem:$0x1D000] =	vst v63  }
0x4f: {  	s25 =	simm.s32 $0x1C800;
	s2 =	simm.s32 $0x400;
	s20 =	rddreg [dreg:$0x6]  }
0x50: {  	[tilespmem:s25], [sflag:$0x5] =	stream.linear.gather [hbm4b:s20+s5], $0x400, $0x38;
	[tilespmem:$0x1D000] =	vst v63  }
0x51: {  	_ =	swait.ge [sflag:s26], $0x400  }
0x52: {  	[sflag:s26] =	ssyncset.done $0x0  }
0x53: {  	[sflag:s26] =	ssyncadd.s32 $0xFFFFFC00  }
0x54: {  	p1 =	por $0x0, $0x0;
	_ =	swait.ge [sflag:s28], $0x400  }
0x55: {  	s2 =	sand.u32 @!p1 $0x400, s2;
	[sflag:s28] =	ssyncset.done $0x0  }
0x56: {  	s14 =	simm.s32 @!p1 $0x0;
	s13 =	sor.u32 @!p1 $0x1C000, s2;
	[sflag:s28] =	ssyncadd.s32 $0xFFFFFC00  }
0x57: {  	[tilespmem:s13], [sflag:$0x4] =	stream.linear.gather @!p1 [hbm4b:s12+s14], $0x400, $0x38;
	[tilespmem:$0x1D000] =	vst v63  }
0x58: {  	s25 =	simm.s32 $0x0;
	s2 =	sor.u32 @!p1 $0x1C800, s2  }
0x59: {  	[tilespmem:s2], [sflag:$0x5] =	stream.linear.gather @!p1 [hbm4b:s21+s14], $0x400, $0x38;
	[tilespmem:$0x1D000] =	vst v63  }
0x5a: {  	s2 =	sand.u32 $0x400, s25  }
0x5b: {  	s13 =	sor.u32 $0x1C000, s2  }
0x5c: {  	[tilespmem:s22], [sflag:$0x1] =	stream.indirect.gather [hbm4b:s1+s29], $0x80, s13, s29, $0xb8;
	[tilespmem:$0x1D000] =	vst v63  }
0x5d: {  	_ =	swait.ge [sflag:s30], $0x4000  }
0x5e: {  	[sflag:s30] =	ssyncset.done $0x0  }
0x5f: {  	s15 =	sor.u32 $0x1C800, s2;
	[sflag:s30] =	ssyncadd.s32 $0xFFFFC000  }
0x60: {  	[spmem:s4] =	stream.indirect.scatter.add.f32 [tilespmem:s22], [sflag:$0x2], $0x80, s15, s29, $0xb8;
	[tilespmem:$0x1D000] =	vst v63  }
0x61: {  	s16 =	sor.u32 $0x1C080, s2  }
0x62: {  	[tilespmem:s31], [sflag:$0x1] =	stream.indirect.gather [hbm4b:s1+s29], $0x80, s16, s29, $0xb8;
	[tilespmem:$0x1D000] =	vst v63  }
0x63: {  	_ =	swait.ge [sflag:s30], $0x4000  }
0x64: {  	[sflag:s30] =	ssyncset.done $0x0  }
0x65: {  	s20 =	sor.u32 $0x1C880, s2;
	[sflag:s30] =	ssyncadd.s32 $0xFFFFC000  }
0x66: {  	[spmem:s4] =	stream.indirect.scatter.add.f32 [tilespmem:s31], [sflag:$0x3], $0x80, s20, s29, $0xb8;
	[tilespmem:$0x1D000] =	vst v63  }
0x67: {  	_ =	swait.ge [sflag:s0], $0x4000  }
0x68: {  	[sflag:s0] =	ssyncset.done $0x0  }
0x69: {  	s25 =	sor.u32 $0x1C100, s2;
	[sflag:s0] =	ssyncadd.s32 $0xFFFFC000  }
0x6a: {  	[tilespmem:s22], [sflag:$0x1] =	stream.indirect.gather [hbm4b:s1+s29], $0x80, s25, s29, $0xb8;
	[tilespmem:$0x1D000] =	vst v63  }
0x6b: {  	_ =	swait.ge [sflag:s30], $0x4000  }
0x6c: {  	[sflag:s30] =	ssyncset.done $0x0  }
0x6d: {  	s14 =	sor.u32 $0x1C900, s2;
	[sflag:s30] =	ssyncadd.s32 $0xFFFFC000  }
0x6e: {  	[spmem:s4] =	stream.indirect.scatter.add.f32 [tilespmem:s22], [sflag:$0x2], $0x80, s14, s29, $0xb8;
	[tilespmem:$0x1D000] =	vst v63  }
0x6f: {  	_ =	swait.ge [sflag:s3], $0x4000  }
0x70: {  	[sflag:s3] =	ssyncset.done $0x0  }
0x71: {  	s15 =	sor.u32 $0x1C180, s2;
	[sflag:s3] =	ssyncadd.s32 $0xFFFFC000  }
0x72: {  	[tilespmem:s31], [sflag:$0x1] =	stream.indirect.gather [hbm4b:s1+s29], $0x80, s15, s29, $0xb8;
	[tilespmem:$0x1D000] =	vst v63  }
0x73: {  	_ =	swait.ge [sflag:s30], $0x4000  }
0x74: {  	[sflag:s30] =	ssyncset.done $0x0  }
0x75: {  	s16 =	sor.u32 $0x1C980, s2;
	[sflag:s30] =	ssyncadd.s32 $0xFFFFC000  }
0x76: {  	[spmem:s4] =	stream.indirect.scatter.add.f32 [tilespmem:s31], [sflag:$0x3], $0x80, s16, s29, $0xb8;
	[tilespmem:$0x1D000] =	vst v63  }
0x77: {  	_ =	swait.ge [sflag:s0], $0x4000  }
0x78: {  	[sflag:s0] =	ssyncset.done $0x0  }
0x79: {  	s20 =	sor.u32 $0x1C200, s2;
	[sflag:s0] =	ssyncadd.s32 $0xFFFFC000  }
0x7a: {  	[tilespmem:s22], [sflag:$0x1] =	stream.indirect.gather [hbm4b:s1+s29], $0x80, s20, s29, $0xb8;
	[tilespmem:$0x1D000] =	vst v63  }
0x7b: {  	_ =	swait.ge [sflag:s30], $0x4000  }
0x7c: {  	[sflag:s30] =	ssyncset.done $0x0  }
0x7d: {  	s25 =	sor.u32 $0x1CA00, s2;
	[sflag:s30] =	ssyncadd.s32 $0xFFFFC000  }
0x7e: {  	[spmem:s4] =	stream.indirect.scatter.add.f32 [tilespmem:s22], [sflag:$0x2], $0x80, s25, s29, $0xb8;
	[tilespmem:$0x1D000] =	vst v63  }
0x7f: {  	_ =	swait.ge [sflag:s3], $0x4000  }
0x80: {  	[sflag:s3] =	ssyncset.done $0x0  }
0x81: {  	s14 =	sor.u32 $0x1C280, s2;
	[sflag:s3] =	ssyncadd.s32 $0xFFFFC000  }
0x82: {  	[tilespmem:s31], [sflag:$0x1] =	stream.indirect.gather [hbm4b:s1+s29], $0x80, s14, s29, $0xb8;
	[tilespmem:$0x1D000] =	vst v63  }
0x83: {  	_ =	swait.ge [sflag:s30], $0x4000  }
0x84: {  	[sflag:s30] =	ssyncset.done $0x0  }
0x85: {  	s15 =	sor.u32 $0x1CA80, s2;
	[sflag:s30] =	ssyncadd.s32 $0xFFFFC000  }
0x86: {  	[spmem:s4] =	stream.indirect.scatter.add.f32 [tilespmem:s31], [sflag:$0x3], $0x80, s15, s29, $0xb8;
	[tilespmem:$0x1D000] =	vst v63  }
0x87: {  	_ =	swait.ge [sflag:s0], $0x4000  }
0x88: {  	[sflag:s0] =	ssyncset.done $0x0  }
0x89: {  	s16 =	sor.u32 $0x1C300, s2;
	[sflag:s0] =	ssyncadd.s32 $0xFFFFC000  }
0x8a: {  	[tilespmem:s22], [sflag:$0x1] =	stream.indirect.gather [hbm4b:s1+s29], $0x80, s16, s29, $0xb8;
	[tilespmem:$0x1D000] =	vst v63  }
0x8b: {  	_ =	swait.ge [sflag:s30], $0x4000  }
0x8c: {  	[sflag:s30] =	ssyncset.done $0x0  }
0x8d: {  	s20 =	sor.u32 $0x1CB00, s2;
	[sflag:s30] =	ssyncadd.s32 $0xFFFFC000  }
0x8e: {  	[spmem:s4] =	stream.indirect.scatter.add.f32 [tilespmem:s22], [sflag:$0x2], $0x80, s20, s29, $0xb8;
	[tilespmem:$0x1D000] =	vst v63  }
0x8f: {  	_ =	swait.ge [sflag:s3], $0x4000  }
0x90: {  	[sflag:s3] =	ssyncset.done $0x0  }
0x91: {  	s25 =	sor.u32 $0x1C380, s2;
	[sflag:s3] =	ssyncadd.s32 $0xFFFFC000  }
0x92: {  	[tilespmem:s31], [sflag:$0x1] =	stream.indirect.gather [hbm4b:s1+s29], $0x80, s25, s29, $0xb8;
	[tilespmem:$0x1D000] =	vst v63  }
0x93: {  	_ =	swait.ge [sflag:s30], $0x4000  }
0x94: {  	[sflag:s30] =	ssyncset.done $0x0  }
0x95: {  	s2 =	sor.u32 $0x1CB80, s2;
	[sflag:s30] =	ssyncadd.s32 $0xFFFFC000  }
0x96: {  	[spmem:s4] =	stream.indirect.scatter.add.f32 [tilespmem:s31], [sflag:$0x3], $0x80, s2, s29, $0xb8;
	[tilespmem:$0x1D000] =	vst v63  }
0x97: {  	_ =	swait.ge [sflag:s0], $0x4000  }
0x98: {  	[sflag:s0] =	ssyncset.done $0x0  }
0x99: {  	s20 =	smov.u32 s21;
	[sflag:s0] =	ssyncadd.s32 $0xFFFFC000  }
0x9a: {  	s25 =	simm.s32 $0x800;
	s2 =	sadd.s32 $0x80, s12;
	_ =	swait.ge [sflag:s3], $0x4000  }
.LBB2_6:
0x9b: {  	[sflag:s3] =	ssyncset.done $0x0  }
0x9c: {  	s20 =	sadd.s32 $0x80, s20;
	s13 =	smov.u32 s25;
	s25 =	sadd.s32 $0x400, s25  }
0x9d: {  	p1 =	sne.s32 s25, $0x2C00;
	[sflag:s3] =	ssyncadd.s32 $0xFFFFC000  }
0x9e: {  	_ =	swait.ge [sflag:s26], $0x400  }
0x9f: {  	[sflag:s26] =	ssyncset.done $0x0  }
0xa0: {  	[sflag:s26] =	ssyncadd.s32 $0xFFFFFC00  }
0xa1: {  	p2 =	seq.s32 s13, $0x2800;
	_ =	swait.ge [sflag:s28], $0x400  }
0xa2: {  	s14 =	sand.u32 @!p2 $0x400, s13;
	[sflag:s28] =	ssyncset.done $0x0  }
0xa3: {  	s16 =	simm.s32 @!p2 $0x0;
	s15 =	sor.u32 @!p2 $0x1C000, s14;
	[sflag:s28] =	ssyncadd.s32 $0xFFFFFC00  }
0xa4: {  	[tilespmem:s15], [sflag:$0x4] =	stream.linear.gather @!p2 [hbm4b:s2+s16], $0x400, $0x38;
	[tilespmem:$0x1D000] =	vst v63  }
0xa5: {  	s13 =	sadd.s32 $0xFFFFFC00, s13;
	s14 =	sor.u32 @!p2 $0x1C800, s14  }
0xa6: {  	[tilespmem:s14], [sflag:$0x5] =	stream.linear.gather @!p2 [hbm4b:s20+s16], $0x400, $0x38;
	[tilespmem:$0x1D000] =	vst v63  }
0xa7: {  	s13 =	sand.u32 $0x400, s13  }
0xa8: {  	s14 =	sor.u32 $0x1C000, s13  }
0xa9: {  	[tilespmem:s22], [sflag:$0x1] =	stream.indirect.gather [hbm4b:s1+s29], $0x80, s14, s29, $0xb8;
	[tilespmem:$0x1D000] =	vst v63  }
0xaa: {  	_ =	swait.ge [sflag:s30], $0x4000  }
0xab: {  	s14 =	sor.u32 $0x1C800, s13;
	[sflag:s30] =	ssyncset.done $0x0  }
0xac: {  	s15 =	sor.u32 $0x1C080, s13;
	[sflag:s30] =	ssyncadd.s32 $0xFFFFC000  }
0xad: {  	[spmem:s4] =	stream.indirect.scatter.add.f32 [tilespmem:s22], [sflag:$0x2], $0x80, s14, s29, $0xb8;
	[tilespmem:$0x1D000] =	vst v63  }
0xae: {  	_ = 	snop  }
0xaf: {  	[tilespmem:s31], [sflag:$0x1] =	stream.indirect.gather [hbm4b:s1+s29], $0x80, s15, s29, $0xb8;
	[tilespmem:$0x1D000] =	vst v63  }
0xb0: {  	_ =	swait.ge [sflag:s30], $0x4000  }
0xb1: {  	s14 =	sor.u32 $0x1C880, s13;
	[sflag:s30] =	ssyncset.done $0x0  }
0xb2: {  	[sflag:s30] =	ssyncadd.s32 $0xFFFFC000  }
0xb3: {  	[spmem:s4] =	stream.indirect.scatter.add.f32 [tilespmem:s31], [sflag:$0x3], $0x80, s14, s29, $0xb8;
	[tilespmem:$0x1D000] =	vst v63  }
0xb4: {  	_ =	swait.ge [sflag:s0], $0x4000  }
0xb5: {  	s14 =	sor.u32 $0x1C100, s13;
	[sflag:s0] =	ssyncset.done $0x0  }
0xb6: {  	[sflag:s0] =	ssyncadd.s32 $0xFFFFC000  }
0xb7: {  	[tilespmem:s22], [sflag:$0x1] =	stream.indirect.gather [hbm4b:s1+s29], $0x80, s14, s29, $0xb8;
	[tilespmem:$0x1D000] =	vst v63  }
0xb8: {  	_ =	swait.ge [sflag:s30], $0x4000  }
0xb9: {  	s14 =	sor.u32 $0x1C900, s13;
	[sflag:s30] =	ssyncset.done $0x0  }
0xba: {  	[sflag:s30] =	ssyncadd.s32 $0xFFFFC000  }
0xbb: {  	[spmem:s4] =	stream.indirect.scatter.add.f32 [tilespmem:s22], [sflag:$0x2], $0x80, s14, s29, $0xb8;
	[tilespmem:$0x1D000] =	vst v63  }
0xbc: {  	_ =	swait.ge [sflag:s3], $0x4000  }
0xbd: {  	s14 =	sor.u32 $0x1C180, s13;
	[sflag:s3] =	ssyncset.done $0x0  }
0xbe: {  	[sflag:s3] =	ssyncadd.s32 $0xFFFFC000  }
0xbf: {  	[tilespmem:s31], [sflag:$0x1] =	stream.indirect.gather [hbm4b:s1+s29], $0x80, s14, s29, $0xb8;
	[tilespmem:$0x1D000] =	vst v63  }
0xc0: {  	_ =	swait.ge [sflag:s30], $0x4000  }
0xc1: {  	s14 =	sor.u32 $0x1C980, s13;
	[sflag:s30] =	ssyncset.done $0x0  }
0xc2: {  	[sflag:s30] =	ssyncadd.s32 $0xFFFFC000  }
0xc3: {  	[spmem:s4] =	stream.indirect.scatter.add.f32 [tilespmem:s31], [sflag:$0x3], $0x80, s14, s29, $0xb8;
	[tilespmem:$0x1D000] =	vst v63  }
0xc4: {  	_ =	swait.ge [sflag:s0], $0x4000  }
0xc5: {  	s14 =	sor.u32 $0x1C200, s13;
	[sflag:s0] =	ssyncset.done $0x0  }
0xc6: {  	[sflag:s0] =	ssyncadd.s32 $0xFFFFC000  }
0xc7: {  	[tilespmem:s22], [sflag:$0x1] =	stream.indirect.gather [hbm4b:s1+s29], $0x80, s14, s29, $0xb8;
	[tilespmem:$0x1D000] =	vst v63  }
0xc8: {  	_ =	swait.ge [sflag:s30], $0x4000  }
0xc9: {  	s14 =	sor.u32 $0x1CA00, s13;
	[sflag:s30] =	ssyncset.done $0x0  }
0xca: {  	[sflag:s30] =	ssyncadd.s32 $0xFFFFC000  }
0xcb: {  	[spmem:s4] =	stream.indirect.scatter.add.f32 [tilespmem:s22], [sflag:$0x2], $0x80, s14, s29, $0xb8;
	[tilespmem:$0x1D000] =	vst v63  }
0xcc: {  	_ =	swait.ge [sflag:s3], $0x4000  }
0xcd: {  	s14 =	sor.u32 $0x1C280, s13;
	[sflag:s3] =	ssyncset.done $0x0  }
0xce: {  	[sflag:s3] =	ssyncadd.s32 $0xFFFFC000  }
0xcf: {  	[tilespmem:s31], [sflag:$0x1] =	stream.indirect.gather [hbm4b:s1+s29], $0x80, s14, s29, $0xb8;
	[tilespmem:$0x1D000] =	vst v63  }
0xd0: {  	_ =	swait.ge [sflag:s30], $0x4000  }
0xd1: {  	s14 =	sor.u32 $0x1CA80, s13;
	[sflag:s30] =	ssyncset.done $0x0  }
0xd2: {  	[sflag:s30] =	ssyncadd.s32 $0xFFFFC000  }
0xd3: {  	[spmem:s4] =	stream.indirect.scatter.add.f32 [tilespmem:s31], [sflag:$0x3], $0x80, s14, s29, $0xb8;
	[tilespmem:$0x1D000] =	vst v63  }
0xd4: {  	_ =	swait.ge [sflag:s0], $0x4000  }
0xd5: {  	s14 =	sor.u32 $0x1C300, s13;
	[sflag:s0] =	ssyncset.done $0x0  }
0xd6: {  	[sflag:s0] =	ssyncadd.s32 $0xFFFFC000  }
0xd7: {  	[tilespmem:s22], [sflag:$0x1] =	stream.indirect.gather [hbm4b:s1+s29], $0x80, s14, s29, $0xb8;
	[tilespmem:$0x1D000] =	vst v63  }
0xd8: {  	_ =	swait.ge [sflag:s30], $0x4000  }
0xd9: {  	s14 =	sor.u32 $0x1CB00, s13;
	[sflag:s30] =	ssyncset.done $0x0  }
0xda: {  	[sflag:s30] =	ssyncadd.s32 $0xFFFFC000  }
0xdb: {  	[spmem:s4] =	stream.indirect.scatter.add.f32 [tilespmem:s22], [sflag:$0x2], $0x80, s14, s29, $0xb8;
	[tilespmem:$0x1D000] =	vst v63  }
0xdc: {  	_ =	swait.ge [sflag:s3], $0x4000  }
0xdd: {  	s14 =	sor.u32 $0x1C380, s13;
	[sflag:s3] =	ssyncset.done $0x0  }
0xde: {  	[sflag:s3] =	ssyncadd.s32 $0xFFFFC000  }
0xdf: {  	[tilespmem:s31], [sflag:$0x1] =	stream.indirect.gather [hbm4b:s1+s29], $0x80, s14, s29, $0xb8;
	[tilespmem:$0x1D000] =	vst v63  }
0xe0: {  	_ =	swait.ge [sflag:s30], $0x4000  }
0xe1: {  	s13 =	sor.u32 $0x1CB80, s13;
	[sflag:s30] =	ssyncset.done $0x0  }
0xe2: {  	[sflag:s30] =	ssyncadd.s32 $0xFFFFC000  }
0xe3: {  	[spmem:s4] =	stream.indirect.scatter.add.f32 [tilespmem:s31], [sflag:$0x3], $0x80, s13, s29, $0xb8;
	[tilespmem:$0x1D000] =	vst v63  }
.Ltmp3:
0xe4: {  	_ = 	snop;
	(pc) =	sbr.rel @p1 .LBB2_6-.Ltmp3, $4  }
0xe5: {  	_ =	swait.ge [sflag:s0], $0x4000  }
0xe6: {  	[sflag:s0] =	ssyncset.done $0x0  }
0xe7: {  	[sflag:s0] =	ssyncadd.s32 $0xFFFFC000  }
0xe8: {  	s2 =	sadd.s32 $0x80, s2;
	_ =	swait.ge [sflag:s3], $0x4000  }
.Ltmp4:
0xe9: {  	_ = 	snop;
	(pc) =	sbr.rel .LBB2_7-.Ltmp4, $1  }
0xea: {  	_ =	sdelay $0x3  }
.LBB2_2:
0xeb: {  	_ =	swait.ge [sflag:s26], $0x400  }
0xec: {  	[sflag:s26] =	ssyncset.done $0x0  }
0xed: {  	[sflag:s26] =	ssyncadd.s32 $0xFFFFFC00  }
0xee: {  	p1 =	por $0x0, $0x0;
	_ =	swait.ge [sflag:s28], $0x400  }
0xef: {  	s2 =	sand.u32 @!p1 $0x400, s2;
	[sflag:s28] =	ssyncset.done $0x0  }
0xf0: {  	s20 =	simm.s32 @!p1 $0x0;
	s13 =	sor.u32 @!p1 $0x1C000, s2;
	[sflag:s28] =	ssyncadd.s32 $0xFFFFFC00  }
0xf1: {  	[tilespmem:s13], [sflag:$0x4] =	stream.linear.gather @!p1 [hbm4b:s12+s20], $0x400, $0x38;
	[tilespmem:$0x1D000] =	vst v63  }
0xf2: {  	s14 =	simm.s32 $0x0;
	s2 =	sor.u32 @!p1 $0x1C800, s2  }
0xf3: {  	[tilespmem:s2], [sflag:$0x5] =	stream.linear.gather @!p1 [hbm4b:s21+s20], $0x400, $0x38;
	[tilespmem:$0x1D000] =	vst v63  }
0xf4: {  	s2 =	sand.u32 $0x400, s14  }
0xf5: {  	s13 =	sor.u32 $0x1C000, s2  }
0xf6: {  	[tilespmem:s22], [sflag:$0x1] =	stream.indirect.gather [hbm4b:s6+s29], $0x80, s13, s29, $0xb8;
	[tilespmem:$0x1D000] =	vst v63  }
0xf7: {  	_ =	swait.ge [sflag:s30], $0x4000  }
0xf8: {  	[sflag:s30] =	ssyncset.done $0x0  }
0xf9: {  	s15 =	sor.u32 $0x1C800, s2;
	[sflag:s30] =	ssyncadd.s32 $0xFFFFC000  }
0xfa: {  	[spmem:s4] =	stream.indirect.scatter.add.f32 [tilespmem:s22], [sflag:$0x2], $0x80, s15, s29, $0xb8;
	[tilespmem:$0x1D000] =	vst v63  }
0xfb: {  	s16 =	sor.u32 $0x1C080, s2  }
0xfc: {  	[tilespmem:s31], [sflag:$0x1] =	stream.indirect.gather [hbm4b:s6+s29], $0x80, s16, s29, $0xb8;
	[tilespmem:$0x1D000] =	vst v63  }
0xfd: {  	_ =	swait.ge [sflag:s30], $0x4000  }
0xfe: {  	[sflag:s30] =	ssyncset.done $0x0  }
0xff: {  	s20 =	sor.u32 $0x1C880, s2;
	[sflag:s30] =	ssyncadd.s32 $0xFFFFC000  }
0x100: {  	[spmem:s4] =	stream.indirect.scatter.add.f32 [tilespmem:s31], [sflag:$0x3], $0x80, s20, s29, $0xb8;
	[tilespmem:$0x1D000] =	vst v63  }
0x101: {  	_ =	swait.ge [sflag:s0], $0x4000  }
0x102: {  	[sflag:s0] =	ssyncset.done $0x0  }
0x103: {  	s25 =	sor.u32 $0x1C100, s2;
	[sflag:s0] =	ssyncadd.s32 $0xFFFFC000  }
0x104: {  	[tilespmem:s22], [sflag:$0x1] =	stream.indirect.gather [hbm4b:s6+s29], $0x80, s25, s29, $0xb8;
	[tilespmem:$0x1D000] =	vst v63  }
0x105: {  	_ =	swait.ge [sflag:s30], $0x4000  }
0x106: {  	[sflag:s30] =	ssyncset.done $0x0  }
0x107: {  	s14 =	sor.u32 $0x1C900, s2;
	[sflag:s30] =	ssyncadd.s32 $0xFFFFC000  }
0x108: {  	[spmem:s4] =	stream.indirect.scatter.add.f32 [tilespmem:s22], [sflag:$0x2], $0x80, s14, s29, $0xb8;
	[tilespmem:$0x1D000] =	vst v63  }
0x109: {  	_ =	swait.ge [sflag:s3], $0x4000  }
0x10a: {  	[sflag:s3] =	ssyncset.done $0x0  }
0x10b: {  	s15 =	sor.u32 $0x1C180, s2;
	[sflag:s3] =	ssyncadd.s32 $0xFFFFC000  }
0x10c: {  	[tilespmem:s31], [sflag:$0x1] =	stream.indirect.gather [hbm4b:s6+s29], $0x80, s15, s29, $0xb8;
	[tilespmem:$0x1D000] =	vst v63  }
0x10d: {  	_ =	swait.ge [sflag:s30], $0x4000  }
0x10e: {  	[sflag:s30] =	ssyncset.done $0x0  }
0x10f: {  	s16 =	sor.u32 $0x1C980, s2;
	[sflag:s30] =	ssyncadd.s32 $0xFFFFC000  }
0x110: {  	[spmem:s4] =	stream.indirect.scatter.add.f32 [tilespmem:s31], [sflag:$0x3], $0x80, s16, s29, $0xb8;
	[tilespmem:$0x1D000] =	vst v63  }
0x111: {  	_ =	swait.ge [sflag:s0], $0x4000  }
0x112: {  	[sflag:s0] =	ssyncset.done $0x0  }
0x113: {  	s20 =	sor.u32 $0x1C200, s2;
	[sflag:s0] =	ssyncadd.s32 $0xFFFFC000  }
0x114: {  	[tilespmem:s22], [sflag:$0x1] =	stream.indirect.gather [hbm4b:s6+s29], $0x80, s20, s29, $0xb8;
	[tilespmem:$0x1D000] =	vst v63  }
0x115: {  	_ =	swait.ge [sflag:s30], $0x4000  }
0x116: {  	[sflag:s30] =	ssyncset.done $0x0  }
0x117: {  	s25 =	sor.u32 $0x1CA00, s2;
	[sflag:s30] =	ssyncadd.s32 $0xFFFFC000  }
0x118: {  	[spmem:s4] =	stream.indirect.scatter.add.f32 [tilespmem:s22], [sflag:$0x2], $0x80, s25, s29, $0xb8;
	[tilespmem:$0x1D000] =	vst v63  }
0x119: {  	_ =	swait.ge [sflag:s3], $0x4000  }
0x11a: {  	[sflag:s3] =	ssyncset.done $0x0  }
0x11b: {  	s14 =	sor.u32 $0x1C280, s2;
	[sflag:s3] =	ssyncadd.s32 $0xFFFFC000  }
0x11c: {  	[tilespmem:s31], [sflag:$0x1] =	stream.indirect.gather [hbm4b:s6+s29], $0x80, s14, s29, $0xb8;
	[tilespmem:$0x1D000] =	vst v63  }
0x11d: {  	_ =	swait.ge [sflag:s30], $0x4000  }
0x11e: {  	[sflag:s30] =	ssyncset.done $0x0  }
0x11f: {  	s15 =	sor.u32 $0x1CA80, s2;
	[sflag:s30] =	ssyncadd.s32 $0xFFFFC000  }
0x120: {  	[spmem:s4] =	stream.indirect.scatter.add.f32 [tilespmem:s31], [sflag:$0x3], $0x80, s15, s29, $0xb8;
	[tilespmem:$0x1D000] =	vst v63  }
0x121: {  	_ =	swait.ge [sflag:s0], $0x4000  }
0x122: {  	[sflag:s0] =	ssyncset.done $0x0  }
0x123: {  	s16 =	sor.u32 $0x1C300, s2;
	[sflag:s0] =	ssyncadd.s32 $0xFFFFC000  }
0x124: {  	[tilespmem:s22], [sflag:$0x1] =	stream.indirect.gather [hbm4b:s6+s29], $0x80, s16, s29, $0xb8;
	[tilespmem:$0x1D000] =	vst v63  }
0x125: {  	_ =	swait.ge [sflag:s30], $0x4000  }
0x126: {  	[sflag:s30] =	ssyncset.done $0x0  }
0x127: {  	s20 =	sor.u32 $0x1CB00, s2;
	[sflag:s30] =	ssyncadd.s32 $0xFFFFC000  }
0x128: {  	[spmem:s4] =	stream.indirect.scatter.add.f32 [tilespmem:s22], [sflag:$0x2], $0x80, s20, s29, $0xb8;
	[tilespmem:$0x1D000] =	vst v63  }
0x129: {  	_ =	swait.ge [sflag:s3], $0x4000  }
0x12a: {  	[sflag:s3] =	ssyncset.done $0x0  }
0x12b: {  	s25 =	sor.u32 $0x1C380, s2;
	[sflag:s3] =	ssyncadd.s32 $0xFFFFC000  }
0x12c: {  	[tilespmem:s31], [sflag:$0x1] =	stream.indirect.gather [hbm4b:s6+s29], $0x80, s25, s29, $0xb8;
	[tilespmem:$0x1D000] =	vst v63  }
0x12d: {  	_ =	swait.ge [sflag:s30], $0x4000  }
0x12e: {  	[sflag:s30] =	ssyncset.done $0x0  }
0x12f: {  	s2 =	sor.u32 $0x1CB80, s2;
	[sflag:s30] =	ssyncadd.s32 $0xFFFFC000  }
0x130: {  	[spmem:s4] =	stream.indirect.scatter.add.f32 [tilespmem:s31], [sflag:$0x3], $0x80, s2, s29, $0xb8;
	[tilespmem:$0x1D000] =	vst v63  }
0x131: {  	_ =	swait.ge [sflag:s0], $0x4000  }
0x132: {  	[sflag:s0] =	ssyncset.done $0x0  }
0x133: {  	s20 =	smov.u32 s12;
	[sflag:s0] =	ssyncadd.s32 $0xFFFFC000  }
0x134: {  	s25 =	simm.s32 $0x800;
	s2 =	sadd.s32 $0x80, s21;
	_ =	swait.ge [sflag:s3], $0x4000  }
.LBB2_3:
0x135: {  	[sflag:s3] =	ssyncset.done $0x0  }
0x136: {  	s20 =	sadd.s32 $0x80, s20;
	s13 =	smov.u32 s25;
	s25 =	sadd.s32 $0x400, s25  }
0x137: {  	p1 =	seq.s32 s25, $0x2C00;
	[sflag:s3] =	ssyncadd.s32 $0xFFFFC000  }
0x138: {  	_ =	swait.ge [sflag:s26], $0x400  }
0x139: {  	[sflag:s26] =	ssyncset.done $0x0  }
0x13a: {  	[sflag:s26] =	ssyncadd.s32 $0xFFFFFC00  }
0x13b: {  	p2 =	seq.s32 s13, $0x2800;
	_ =	swait.ge [sflag:s28], $0x400  }
0x13c: {  	s14 =	sand.u32 @!p2 $0x400, s13;
	[sflag:s28] =	ssyncset.done $0x0  }
0x13d: {  	s16 =	simm.s32 @!p2 $0x0;
	s15 =	sor.u32 @!p2 $0x1C000, s14;
	[sflag:s28] =	ssyncadd.s32 $0xFFFFFC00  }
0x13e: {  	[tilespmem:s15], [sflag:$0x4] =	stream.linear.gather @!p2 [hbm4b:s20+s16], $0x400, $0x38;
	[tilespmem:$0x1D000] =	vst v63  }
0x13f: {  	s13 =	sadd.s32 $0xFFFFFC00, s13;
	s14 =	sor.u32 @!p2 $0x1C800, s14  }
0x140: {  	[tilespmem:s14], [sflag:$0x5] =	stream.linear.gather @!p2 [hbm4b:s2+s16], $0x400, $0x38;
	[tilespmem:$0x1D000] =	vst v63  }
0x141: {  	s13 =	sand.u32 $0x400, s13  }
0x142: {  	s14 =	sor.u32 $0x1C000, s13  }
0x143: {  	[tilespmem:s22], [sflag:$0x1] =	stream.indirect.gather [hbm4b:s6+s29], $0x80, s14, s29, $0xb8;
	[tilespmem:$0x1D000] =	vst v63  }
0x144: {  	_ =	swait.ge [sflag:s30], $0x4000  }
0x145: {  	s14 =	sor.u32 $0x1C800, s13;
	[sflag:s30] =	ssyncset.done $0x0  }
0x146: {  	s15 =	sor.u32 $0x1C080, s13;
	[sflag:s30] =	ssyncadd.s32 $0xFFFFC000  }
0x147: {  	[spmem:s4] =	stream.indirect.scatter.add.f32 [tilespmem:s22], [sflag:$0x2], $0x80, s14, s29, $0xb8;
	[tilespmem:$0x1D000] =	vst v63  }
0x148: {  	_ = 	snop  }
0x149: {  	[tilespmem:s31], [sflag:$0x1] =	stream.indirect.gather [hbm4b:s6+s29], $0x80, s15, s29, $0xb8;
	[tilespmem:$0x1D000] =	vst v63  }
0x14a: {  	_ =	swait.ge [sflag:s30], $0x4000  }
0x14b: {  	s14 =	sor.u32 $0x1C880, s13;
	[sflag:s30] =	ssyncset.done $0x0  }
0x14c: {  	[sflag:s30] =	ssyncadd.s32 $0xFFFFC000  }
0x14d: {  	[spmem:s4] =	stream.indirect.scatter.add.f32 [tilespmem:s31], [sflag:$0x3], $0x80, s14, s29, $0xb8;
	[tilespmem:$0x1D000] =	vst v63  }
0x14e: {  	_ =	swait.ge [sflag:s0], $0x4000  }
0x14f: {  	s14 =	sor.u32 $0x1C100, s13;
	[sflag:s0] =	ssyncset.done $0x0  }
0x150: {  	[sflag:s0] =	ssyncadd.s32 $0xFFFFC000  }
0x151: {  	[tilespmem:s22], [sflag:$0x1] =	stream.indirect.gather [hbm4b:s6+s29], $0x80, s14, s29, $0xb8;
	[tilespmem:$0x1D000] =	vst v63  }
0x152: {  	_ =	swait.ge [sflag:s30], $0x4000  }
0x153: {  	s14 =	sor.u32 $0x1C900, s13;
	[sflag:s30] =	ssyncset.done $0x0  }
0x154: {  	[sflag:s30] =	ssyncadd.s32 $0xFFFFC000  }
0x155: {  	[spmem:s4] =	stream.indirect.scatter.add.f32 [tilespmem:s22], [sflag:$0x2], $0x80, s14, s29, $0xb8;
	[tilespmem:$0x1D000] =	vst v63  }
0x156: {  	_ =	swait.ge [sflag:s3], $0x4000  }
0x157: {  	s14 =	sor.u32 $0x1C180, s13;
	[sflag:s3] =	ssyncset.done $0x0  }
0x158: {  	[sflag:s3] =	ssyncadd.s32 $0xFFFFC000  }
0x159: {  	[tilespmem:s31], [sflag:$0x1] =	stream.indirect.gather [hbm4b:s6+s29], $0x80, s14, s29, $0xb8;
	[tilespmem:$0x1D000] =	vst v63  }
0x15a: {  	_ =	swait.ge [sflag:s30], $0x4000  }
0x15b: {  	s14 =	sor.u32 $0x1C980, s13;
	[sflag:s30] =	ssyncset.done $0x0  }
0x15c: {  	[sflag:s30] =	ssyncadd.s32 $0xFFFFC000  }
0x15d: {  	[spmem:s4] =	stream.indirect.scatter.add.f32 [tilespmem:s31], [sflag:$0x3], $0x80, s14, s29, $0xb8;
	[tilespmem:$0x1D000] =	vst v63  }
0x15e: {  	_ =	swait.ge [sflag:s0], $0x4000  }
0x15f: {  	s14 =	sor.u32 $0x1C200, s13;
	[sflag:s0] =	ssyncset.done $0x0  }
0x160: {  	[sflag:s0] =	ssyncadd.s32 $0xFFFFC000  }
0x161: {  	[tilespmem:s22], [sflag:$0x1] =	stream.indirect.gather [hbm4b:s6+s29], $0x80, s14, s29, $0xb8;
	[tilespmem:$0x1D000] =	vst v63  }
0x162: {  	_ =	swait.ge [sflag:s30], $0x4000  }
0x163: {  	s14 =	sor.u32 $0x1CA00, s13;
	[sflag:s30] =	ssyncset.done $0x0  }
0x164: {  	[sflag:s30] =	ssyncadd.s32 $0xFFFFC000  }
0x165: {  	[spmem:s4] =	stream.indirect.scatter.add.f32 [tilespmem:s22], [sflag:$0x2], $0x80, s14, s29, $0xb8;
	[tilespmem:$0x1D000] =	vst v63  }
0x166: {  	_ =	swait.ge [sflag:s3], $0x4000  }
0x167: {  	s14 =	sor.u32 $0x1C280, s13;
	[sflag:s3] =	ssyncset.done $0x0  }
0x168: {  	[sflag:s3] =	ssyncadd.s32 $0xFFFFC000  }
0x169: {  	[tilespmem:s31], [sflag:$0x1] =	stream.indirect.gather [hbm4b:s6+s29], $0x80, s14, s29, $0xb8;
	[tilespmem:$0x1D000] =	vst v63  }
0x16a: {  	_ =	swait.ge [sflag:s30], $0x4000  }
0x16b: {  	s14 =	sor.u32 $0x1CA80, s13;
	[sflag:s30] =	ssyncset.done $0x0  }
0x16c: {  	[sflag:s30] =	ssyncadd.s32 $0xFFFFC000  }
0x16d: {  	[spmem:s4] =	stream.indirect.scatter.add.f32 [tilespmem:s31], [sflag:$0x3], $0x80, s14, s29, $0xb8;
	[tilespmem:$0x1D000] =	vst v63  }
0x16e: {  	_ =	swait.ge [sflag:s0], $0x4000  }
0x16f: {  	s14 =	sor.u32 $0x1C300, s13;
	[sflag:s0] =	ssyncset.done $0x0  }
0x170: {  	[sflag:s0] =	ssyncadd.s32 $0xFFFFC000  }
0x171: {  	[tilespmem:s22], [sflag:$0x1] =	stream.indirect.gather [hbm4b:s6+s29], $0x80, s14, s29, $0xb8;
	[tilespmem:$0x1D000] =	vst v63  }
0x172: {  	_ =	swait.ge [sflag:s30], $0x4000  }
0x173: {  	s14 =	sor.u32 $0x1CB00, s13;
	[sflag:s30] =	ssyncset.done $0x0  }
0x174: {  	[sflag:s30] =	ssyncadd.s32 $0xFFFFC000  }
0x175: {  	[spmem:s4] =	stream.indirect.scatter.add.f32 [tilespmem:s22], [sflag:$0x2], $0x80, s14, s29, $0xb8;
	[tilespmem:$0x1D000] =	vst v63  }
0x176: {  	_ =	swait.ge [sflag:s3], $0x4000  }
0x177: {  	s14 =	sor.u32 $0x1C380, s13;
	[sflag:s3] =	ssyncset.done $0x0  }
0x178: {  	[sflag:s3] =	ssyncadd.s32 $0xFFFFC000  }
0x179: {  	[tilespmem:s31], [sflag:$0x1] =	stream.indirect.gather [hbm4b:s6+s29], $0x80, s14, s29, $0xb8;
	[tilespmem:$0x1D000] =	vst v63  }
0x17a: {  	_ =	swait.ge [sflag:s30], $0x4000  }
0x17b: {  	s13 =	sor.u32 $0x1CB80, s13;
	[sflag:s30] =	ssyncset.done $0x0  }
0x17c: {  	[sflag:s30] =	ssyncadd.s32 $0xFFFFC000  }
0x17d: {  	[spmem:s4] =	stream.indirect.scatter.add.f32 [tilespmem:s31], [sflag:$0x3], $0x80, s13, s29, $0xb8;
	[tilespmem:$0x1D000] =	vst v63  }
.Ltmp5:
0x17e: {  	_ = 	snop;
	(pc) =	sbr.rel @!p1 .LBB2_3-.Ltmp5, $4  }
0x17f: {  	_ =	swait.ge [sflag:s0], $0x4000  }
0x180: {  	[sflag:s0] =	ssyncset.done $0x0  }
0x181: {  	[sflag:s0] =	ssyncadd.s32 $0xFFFFC000  }
0x182: {  	s2 =	sadd.s32 $0x80, s2;
	_ =	swait.ge [sflag:s3], $0x4000  }
.Ltmp6:
0x183: {  	(pc) =	sbr.rel .LBB2_8-.Ltmp6, $3  }
0x184: {  	_ =	sdelay $0x1  }
0x185: {  	[sflag:s3] =	ssyncset.done $0x0  }
0x186: {  	[sflag:s3] =	ssyncadd.s32 $0xFFFFC000  }
.LBB2_9:
0x187: {  	_ =	sfence.sel $0x180000  }
0x188: {  	[bflag:$0x0] =	sbarrier.arrive $0xFFFF  }
0x189: {  	_ =	strace $0x90000047  }
0x18a: {  	s0 =	stileid.u32;
	[bflag:$0x2] =	sbarrier.arrive $0xFFFF  }
0x18b: {  	p0 =	sne.s32 s0, $0x0;
	s0 =	rddreg [dreg:$0x4]  }
0x18c: {  	s0 =	sadd.s32 @!p0 $0x100000, s0  }
0x18d: {  	[sflag:s0] =	ssyncadd.tile.s32 @!p0 $0x1;
	_ =	shalt  }
.Lfunc_end2:
_tile_overlayer_lowered:
.L_overlay_start_2:
0x18e: {  	(tag) =	ssettag $0x2  }
0x18f: {  	s0 =	rddreg [dreg:$0x0];
	s2 =	stileid.u32  }
0x190: {  	s1 =	rddreg [dreg:$0x1];
	p0 =	sne.s32 s2, $0x0  }
0x191: {  	s3 =	rddreg [dreg:$0x2];
	[bflag:$0x3] =	sbarrier.arrive $0xFFFF;
	s2 =	simm.s32 @!p0 $0x1C06  }
0x192: {  	[timem:s3], [sflag:s2] =	dma.local @!p0 [hbm:s0], s1  }
0x193: {  	s0 =	simm.s32 @!p0 $0x6  }
0x194: {  	_ =	swait.ge @!p0 [sflag:s0], s1  }
0x195: {  	s1 =	ssub.s32 @!p0 $0x0, s1;
	[sflag:s0] =	ssyncset.done @!p0 $0x0  }
0x196: {  	[sflag:s0] =	ssyncadd.s32 @!p0 s1  }
0x197: {  	[bflag:$0x3] =	sbarrier.arrive $0xFFFF  }
0x198: {  	_ =	shalt  }

// kernel: kernel.14.cloned.1.call-start
scs
__scs_entry_jumppad:
0x0: {  	(pc) =	sbr.rel $0x88, $3  }
0x1: {  	(tag) =	ssettag $0x0;
	lr =	simm.s32 $0x1  }
0x2: {  	[smem:$0x3F95] =	sst lr;
	_ =	strace $0xD0000000  }
0x3: {  	_ = 	snop  }
0x4: {  	_ = 	snop  }
0x5: {  	_ = 	snop  }
0x6: {  	_ = 	snop  }
0x7: {  	_ = 	snop  }
__scs_overlays_trampoline_lowered:
0x8: {  	[smem:$0x3FA4] =	sst s0  }
0x9: {  	[smem:$0x3FA5] =	sst s1  }
0xa: {  	[smem:$0x3FA6] =	sst s2  }
0xb: {  	[smem:$0x3FA7] =	sst s3  }
0xc: {  	[smem:$0x3FA8] =	sst s4  }
0xd: {  	[smem:$0x3FA9] =	sst s5  }
0xe: {  	[smem:$0x3FAA] =	sst s6  }
0xf: {  	[smem:$0x3FAB] =	sst s7  }
0x10: {  	[smem:$0x3FAC] =	sst s8  }
0x11: {  	[smem:$0x3FAD] =	sst s9;
	s0 =	simm.s32 @!p0 $0x0  }
0x12: {  	s1 =	sld [smem:$0x3F93];
	s0 =	simm.s32 @p0 $0x1  }
0x13: {  	[smem:$0x3FAE] =	sst s0;
	s0 =	simm.s32 @!p1 $0x0  }
0x14: {  	s2 =	sld [smem:$0x3F92];
	s0 =	simm.s32 @p1 $0x1  }
0x15: {  	[smem:$0x3FAF] =	sst s0;
	s0 =	simm.s32 @!p2 $0x0  }
0x16: {  	s3 =	sld [smem:$0x3FDB];
	s0 =	simm.s32 @p2 $0x1  }
0x17: {  	s4 =	simm.s32 $0x1BF5;
	[smem:$0x3FB1] =	sst s0  }
0x18: {  	s0 =	sld [smem:$0x3F94];
	_ =	swait.ge [sflag:s4], $0x0  }
0x19: {  	s7 =	sld [smem:$0x3F95]  }
0x1a: {  	s8 =	sadd.s32 $0xFFFFE003, lr  }
0x1b: {  	s9 =	sadd.s32 $0xFFFFFEF7, lr;
	s5 =	simm.s32 $0xFFFFFFFF;
	p2 =	slt.u32 s8, $0xFFFFF086  }
0x1c: {  	p1 =	slt.u32 s9, $0xF7A;
	s5 =	simm.s32 @!p2 $0x0  }
0x1d: {  	s5 =	simm.s32 @p1 $0x1;
	p0 =	seq.s32 s7, s2  }
0x1e: {  	s7 =	smul.u32 @!p0 $0xF7A, s2;
	p2 =	seq.s32 @!p0 s5, $0x0  }
0x1f: {  	s9 =	smul.u32 $0xF7A, s1;
	s8 =	simm.s32 @!p0 $0x1BF5;
	p2 =	por !p2, p0  }
0x20: {  	[sflag:s8] =	ssyncset.s32 @!p0 $0xFFFFF086;
	s6 =	sadd.s32 @!p0 s3, s7;
	s7 =	simm.s32 @!p0 $0x108  }
0x21: {  	s3 =	sadd.s32 s3, s9;
	s6 =	sadd.s32 @!p0 $0x88, s6;
	s7 =	simm.s32 @p2 $0x1082  }
0x22: {  	[simem:s7], [sflag:s8] =	dma.local @!p0 [hbm:s6], $0xF7A  }
0x23: {  	s9 =	sor.u32 $0xD0000000, s2;
	s6 =	simm.s32 $0x108;
	_ =	swait.ge @!p0 [sflag:s8], $0x0  }
0x24: {  	s3 =	sadd.s32 $0x88, s3;
	s6 =	simm.s32 @!p1 $0x1082;
	[sflag:s4] =	ssyncset.s32 $0xFFFFF086  }
0x25: {  	[simem:s6], [sflag:s4] =	dma.local [hbm:s3], $0xF7A  }
0x26: {  	[smem:$0x3F95] =	sst s1;
	(tag) =	ssettag s2;
	_ =	strace s9  }
0x27: {  	s1 =	sld [smem:$0x3FA5]  }
0x28: {  	s2 =	sld [smem:$0x3FA6]  }
0x29: {  	s4 =	sld [smem:$0x3FA8]  }
0x2a: {  	p0 =	seq.s32 s5, $0x0;
	s5 =	sld [smem:$0x3FA9]  }
0x2b: {  	s6 =	sld [smem:$0x3FAA]  }
0x2c: {  	s7 =	sld [smem:$0x3FAB]  }
0x2d: {  	s3 =	simm.s32 $0x108;
	s8 =	sld [smem:$0x3FAC]  }
0x2e: {  	s3 =	simm.s32 @!p0 $0x1082;
	s9 =	sld [smem:$0x3FAD]  }
0x2f: {  	lr =	sadd.s32 s0, s3;
	s0 =	sld [smem:$0x3FA4]  }
0x30: {  	s3 =	sld [smem:$0x3FA7]  }
0x31: {  	[smem:$0x3FB0] =	sst s10  }
0x32: {  	s10 =	sld [smem:$0x3FAE];
	_ =	sdelay $0x3  }
0x33: {  	p0 =	seq.s32 s10, $0x1;
	s10 =	sld [smem:$0x3FB0];
	_ =	sdelay $0x3  }
0x34: {  	[smem:$0x3FB0] =	sst s10  }
0x35: {  	s10 =	sld [smem:$0x3FAF];
	_ =	sdelay $0x3  }
0x36: {  	p1 =	seq.s32 s10, $0x1;
	s10 =	sld [smem:$0x3FB0];
	_ =	sdelay $0x3  }
0x37: {  	[smem:$0x3FB0] =	sst s10  }
0x38: {  	s10 =	sld [smem:$0x3FB1]  }
0x39: {  	_ = 	snop;
	(pc) =	sbr.ind lr, $3  }
0x3a: {  	_ = 	snop  }
0x3b: {  	_ = 	snop  }
0x3c: {  	p2 =	seq.s32 s10, $0x1;
	s10 =	sld [smem:$0x3FB0]  }
0x3d: {  	_ =	shalt  }
0x3e: {  	_ =	shalt  }
0x3f: {  	_ =	shalt  }
0x40: {  	_ =	shalt  }
0x41: {  	_ =	shalt  }
0x42: {  	_ =	shalt  }
0x43: {  	_ =	shalt  }
0x44: {  	_ =	shalt  }
0x45: {  	_ =	shalt  }
0x46: {  	_ =	shalt  }
0x47: {  	_ =	shalt  }
0x48: {  	_ =	shalt  }
0x49: {  	_ =	shalt  }
0x4a: {  	_ =	shalt  }
0x4b: {  	_ =	shalt  }
0x4c: {  	_ =	shalt  }
0x4d: {  	_ =	shalt  }
0x4e: {  	_ =	shalt  }
0x4f: {  	_ =	shalt  }
0x50: {  	_ =	shalt  }
0x51: {  	_ =	shalt  }
0x52: {  	_ =	shalt  }
0x53: {  	_ =	shalt  }
0x54: {  	_ =	shalt  }
0x55: {  	_ =	shalt  }
0x56: {  	_ =	shalt  }
0x57: {  	_ =	shalt  }
0x58: {  	_ =	shalt  }
0x59: {  	_ =	shalt  }
0x5a: {  	_ =	shalt  }
0x5b: {  	_ =	shalt  }
0x5c: {  	_ =	shalt  }
0x5d: {  	_ =	shalt  }
0x5e: {  	_ =	shalt  }
0x5f: {  	_ =	shalt  }
0x60: {  	_ =	shalt  }
0x61: {  	_ =	shalt  }
0x62: {  	_ =	shalt  }
0x63: {  	_ =	shalt  }
0x64: {  	_ =	shalt  }
0x65: {  	_ =	shalt  }
0x66: {  	_ =	shalt  }
0x67: {  	_ =	shalt  }
0x68: {  	_ =	shalt  }
0x69: {  	_ =	shalt  }
0x6a: {  	_ =	shalt  }
0x6b: {  	_ =	shalt  }
0x6c: {  	_ =	shalt  }
0x6d: {  	_ =	shalt  }
0x6e: {  	_ =	shalt  }
0x6f: {  	_ =	shalt  }
0x70: {  	_ =	shalt  }
0x71: {  	_ =	shalt  }
0x72: {  	_ =	shalt  }
0x73: {  	_ =	shalt  }
0x74: {  	_ =	shalt  }
0x75: {  	_ =	shalt  }
0x76: {  	_ =	shalt  }
0x77: {  	_ =	shalt  }
0x78: {  	_ =	shalt  }
0x79: {  	_ =	shalt  }
0x7a: {  	_ =	shalt  }
0x7b: {  	_ =	shalt  }
0x7c: {  	_ =	shalt  }
0x7d: {  	_ =	shalt  }
0x7e: {  	_ =	shalt  }
0x7f: {  	_ =	shalt  }
0x80: {  	_ =	shalt  }
0x81: {  	_ =	shalt  }
0x82: {  	_ =	shalt  }
0x83: {  	_ =	shalt  }
0x84: {  	_ =	shalt  }
0x85: {  	_ =	shalt  }
0x86: {  	_ =	shalt  }
0x87: {  	_ =	shalt  }
.Lfunc_end0:
.L_simem_size_0:
called_computation.2_lowered:
.L_overlay_start_0:
0x88: {  	s2 =	sld [smem:$0x3FD9]  }
0x89: {  	s3 =	sld [smem:$0x3FFE];
	_ =	sdelay $0x1  }
0x8a: {  	s1 =	srdreg.scid  }
0x8b: {  	s0 =	sand.u32 $0x1, s1  }
0x8c: {  	s14 =	sshll.u32 s0, $0xA;
	s2 =	sadd.s32 s3, s2  }
0x8d: {  	s2 =	sadd.s32 s2, s14  }
0x8e: {  	[smem:$0x3FBC] =	sst s2  }
0x8f: {  	_ = 	snop  }
0x90: {  	s2 =	sld [smem:$0x3FD0];
	_ =	sdelay $0x2  }
0x91: {  	s15 =	simm.s32 $0xB;
	s4 =	simm.s32 $0x10  }
0x92: {  	[smem:s4], [sflag:s15] =	dma.local [hbm:s2], $0x1  }
0x93: {  	_ =	swait.eq [sflag:s15], $0x1  }
0x94: {  	[sflag:s15] =	ssyncset.done $0x0  }
0x95: {  	s16 =	sld [smem:$0x10];
	[sflag:s15] =	ssyncadd.s32 $0xFFFFFFFF  }
0x96: {  	s17 =	sld [smem:$0x11];
	(tm) =	ssettm $0x1  }
0x97: {  	s18 =	sld [smem:$0x3FFB];
	_ =	sdelay $0x3  }
0x98: {  	_ =	strace s18  }
0x99: {  	s4 =	sld [smem:$0x3FFC];
	_ =	sdelay $0x3  }
0x9a: {  	_ =	strace s4  }
0x9b: {  	s4 =	sld [smem:$0x3FFD];
	_ =	sdelay $0x3  }
0x9c: {  	_ =	strace s4  }
0x9d: {  	_ =	strace $0x8FFFFFFF  }
0x9e: {  	s19 =	sld [smem:$0x3FDB];
	_ =	sdelay $0x1  }
0x9f: {  	s5 =	simm.s32 $_scs_section_size  }
0xa0: {  	s6 =	simm.s32 $_size__tile_overlayer_lowered;
	s7 =	simm.s32 $_tile_overlayer_lowered  }
0xa1: {  	s22 =	simm.s32 $0x1BFF;
	s21 =	sshll.u32 s7, $0x1;
	s4 =	sadd.s32 s5, s19  }
0xa2: {  	s8 =	simm.s32 $0x0;
	s20 =	sshll.u32 s6, $0x1;
	s6 =	sadd.s32 s21, s4  }
0xa3: {  	[timem:s8], [sflag:s22] =	dma.local [hbm:s6], s20  }
0xa4: {  	_ =	swait.ge [sflag:s22], s20  }
0xa5: {  	s5 =	ssub.s32 $0x0, s20;
	[sflag:s22] =	ssyncset.done $0x0  }
0xa6: {  	[sflag:s22] =	ssyncadd.s32 s5;
	_ =	sdelay $0x1  }
0xa7: {  	s23 =	simm.s32 $0x1B8B  }
0xa8: {  	_ =	swait.ge [sflag:s23], $0x1  }
0xa9: {  	[sflag:s23] =	ssyncset.done $0x0  }
0xaa: {  	s25 =	simm.s32 $0x1B8E;
	s24 =	sld [smem:$0x3FFE];
	[sflag:s23] =	ssyncadd.s32 $0xFFFFFFFF  }
0xab: {  	s26 =	simm.s32 $execute0_lowered;
	[smem:$0x3FD2] =	sst s25  }
0xac: {  	s6 =	sshll.u32 s26, $0x1;
	_ =	strace $0x8000004C;
	[dreg:$0x1] =	wrdreg $0xFFFFFFFF  }
0xad: {  	s28 =	simm.s32 $_size_execute0_lowered;
	s4 =	sadd.s32 s4, s6;
	[dreg:$0x0] =	wrdreg $0x0  }
0xae: {  	s6 =	sshll.u32 s28, $0x1;
	[dreg:$0x2] =	wrdreg s4  }
0xaf: {  	[dreg:$0x3] =	wrdreg s6  }
0xb0: {  	[dreg:$0x4] =	wrdreg $0xC0  }
0xb1: {  	_ =	task [dreg:s8], $0x5FFFF  }
0xb2: {  	[dreg:$0x1] =	wrdreg $0xFFFFFFFF  }
0xb3: {  	[dreg:$0x0] =	wrdreg $0x60  }
0xb4: {  	[dreg:$0x2] =	wrdreg s24  }
0xb5: {  	[dreg:$0x3] =	wrdreg s16  }
0xb6: {  	[dreg:$0x4] =	wrdreg s17  }
0xb7: {  	[dreg:$0x5] =	wrdreg $0x0  }
0xb8: {  	[dreg:$0x6] =	wrdreg $0x9  }
0xb9: {  	_ =	task.clear_ibuf [dreg:s8], $0x7FFFF;
	_ =	strace $0x9000004C  }
0xba: {  	s29 =	simm.s32 $0x9;
	_ =	strace $0x8000004E  }
0xbb: {  	_ =	swait.ge [sflag:s29], $0x1  }
0xbc: {  	[sflag:s29] =	ssyncadd.s32 $0xFFFFFFFF  }
0xbd: {  	_ =	strace $0x9000004E  }
0xbe: {  	_ =	sfence  }
0xbf: {  	s30 =	sld [smem:$0x0];
	_ =	sdelay $0x2  }
0xc0: {  	s31 =	sshll.u32 s1, $0xD;
	s1 =	sshrl.u32 s1, $0x2  }
0xc1: {  	s3 =	sand.u32 $0x4000, s31;
	s1 =	sadd.s32 s1, s30  }
0xc2: {  	s0 =	sor.u32 s3, s0;
	s1 =	sshll.u32 s1, $0x11  }
0xc3: {  	s0 =	sor.u32 s1, s0  }
0xc4: {  	s0 =	sadd.s32 $0x8F2B, s0  }
0xc5: {  	[sflag:s0] =	ssyncadd.remote.s32 $0x1  }
0xc6: {  	_ =	sfence.sel $0xFFFF  }
0xc7: {  	[dreg:$0x0] =	wrdreg $0xFFFFFFFF;
	(pc) =	sbr.abs _section_cstart, $3  }
0xc8: {  	[dreg:$0x1] =	wrdreg $0xFFFFFFFF  }
0xc9: {  	_ =	task.clear_ibuf [dreg:s8], $0x2FFFF;
	_ =	strace $0x9FFFFFFF  }
0xca: {  	(tm) =	ssettm $0x7FFFFFFF  }
0xcb: {  	_ =	shalt  }
tec
execute0_lowered:
.L_overlay_start_1:
0x0: {  	(tag) =	ssettag $0x1  }
0x1: {  	s0 =	rddreg [dreg:$0x0]  }
0x2: {  	s1 =	rddreg [dreg:$0x1]  }
0x3: {  	s4 =	rddreg [dreg:$0x3];
	s5 =	simm.s32 $0x0  }
0x4: {  	s8 =	stileid.u32;
	s3 =	srdreg.scid;
	s28 =	simm.s32 $0x5  }
0x5: {  	s29 =	simm.s32 $0x80;
	s30 =	simm.s32 $0x1;
	s2 =	smul.u32 $0x500, s8  }
0x6: {  	s31 =	simm.s32 $0x18000;
	[smem:$0x7FF] =	sst s5;
	s12 =	smul.u32 $0x280, s8  }
0x7: {  	s3 =	sand.u32 $0x1, s3;
	s6 =	sadd.s32 $0xC200, s0;
	s8 =	smul.u32 $0x50000, s8  }
0x8: {  	_ =	strace $0x8000004D;
	s7 =	ssub.s32 $0x2, s3;
	s20 =	smul.u32 $0x2800, s3  }
0x9: {  	p0 =	seq.s32 s3, $0x1;
	s2 =	sadd.s32 s2, s0;
	s0 =	sadd.s32 $0x86600, s0  }
0xa: {  	s9 =	sshrl.u32 s7, $0x1;
	s13 =	sadd.s32 $0x80, s12;
	s24 =	sshrl.u32 s8, $0x2  }
0xb: {  	s16 =	sadd.s32 $0x100, s12;
	s17 =	sadd.s32 $0x180, s12;
	s18 =	sadd.s32 $0x200, s12  }
0xc: {  	s19 =	ssub.s32 s7, s9;
	s25 =	sshll.u32 s13, $0x7;
	s7 =	sadd.s32 s24, s4  }
0xd: {  	s26 =	sshll.u32 s16, $0x7;
	s10 =	sshll.u32 s17, $0x7;
	s11 =	sshll.u32 s18, $0x7  }
0xe: {  	s14 =	sadd.s32 s12, s20;
	s15 =	sadd.s32 s20, s13;
	s21 =	sadd.s32 $0x2200, s2  }
0xf: {  	s22 =	sadd.s32 $0x33400, s2;
	s24 =	sadd.s32 s20, s16;
	s8 =	sadd.s32 s25, s4  }
0x10: {  	s9 =	sadd.s32 s26, s4;
	s10 =	sadd.s32 s10, s4;
	s11 =	sadd.s32 s11, s4  }
0x11: {  	[dreg:$0x5] =	wrdreg s21;
	s3 =	sshll.u32 s14, $0x4;
	s12 =	sshll.u32 s15, $0x4  }
0x12: {  	[dreg:$0x6] =	wrdreg s22;
	s25 =	sadd.s32 s20, s17;
	s26 =	sadd.s32 s20, s18  }
0x13: {  	s19 =	smax.u32 s19, $0x1;
	s21 =	sadd.s32 $0x33480, s2;
	s22 =	simm.s32 $0x14000  }
0x14: {  	s3 =	sadd.s32 s0, s3;
	s23 =	sadd.s32 s0, s12;
	s12 =	sshll.u32 s25, $0x4  }
.Ltmp0:
0x15: {  	s13 =	sshll.u32 s26, $0x4;
	[dreg:$0x7] =	wrdreg s3;
	(pc) =	sbr.rel .LBB2_1-.Ltmp0, $4  }
0x16: {  	s26 =	simm.s32 $0x4;
	[dreg:$0x8] =	wrdreg s23;
	s3 =	sshll.u32 s24, $0x4  }
0x17: {  	s17 =	sadd.s32 s0, s12;
	s18 =	sadd.s32 s0, s13;
	s12 =	sadd.s32 $0x2280, s2  }
0x18: {  	s23 =	simm.s32 $0x6;
	s24 =	simm.s32 $0x0;
	s3 =	sadd.s32 s0, s3  }
0x19: {  	s0 =	simm.s32 $0x2;
	[dreg:$0x9] =	wrdreg s3;
	s3 =	simm.s32 $0x3  }
.LBB2_7:
0x1a: {  	[sflag:s3] =	ssyncset.done $0x0  }
0x1b: {  	[sflag:s3] =	ssyncadd.s32 $0xFFFFC000  }
.LBB2_8:
0x1c: {  	s2 =	stileid.u32  }
0x1d: {  	[bflag:$0x0] =	sbarrier.arrive $0xFFFF;
	s2 =	sshll.u32 s2, $0x6  }
0x1e: {  	s13 =	sshrl.u32 s7, $0x3;
	s14 =	rddreg [dreg:$0x7];
	s2 =	sor.u32 $0x1C06, s2  }
0x1f: {  	[hbm:s14], [sflag:s2] =	dma.local [spmem:s13], $0x800  }
0x20: {  	_ =	swait.ge [sflag:s23], $0x800  }
0x21: {  	[sflag:s23] =	ssyncset.done $0x0  }
0x22: {  	s20 =	sshrl.u32 s8, $0x3;
	s25 =	rddreg [dreg:$0x8];
	[sflag:s23] =	ssyncadd.s32 $0xFFFFF800  }
0x23: {  	[hbm:s25], [sflag:s2] =	dma.local [spmem:s20], $0x800  }
0x24: {  	_ =	swait.ge [sflag:s23], $0x800  }
0x25: {  	[sflag:s23] =	ssyncset.done $0x0  }
0x26: {  	s15 =	sshrl.u32 s9, $0x3;
	s16 =	rddreg [dreg:$0x9];
	[sflag:s23] =	ssyncadd.s32 $0xFFFFF800  }
0x27: {  	[hbm:s16], [sflag:s2] =	dma.local [spmem:s15], $0x800  }
0x28: {  	_ =	swait.ge [sflag:s23], $0x800  }
0x29: {  	[sflag:s23] =	ssyncset.done $0x0  }
0x2a: {  	s20 =	sshrl.u32 s10, $0x3;
	[sflag:s23] =	ssyncadd.s32 $0xFFFFF800  }
0x2b: {  	[hbm:s17], [sflag:s2] =	dma.local [spmem:s20], $0x800  }
0x2c: {  	s24 =	sadd.s32 $0x1, s24;
	_ =	swait.ge [sflag:s23], $0x800  }
0x2d: {  	p1 =	sne.s32 s24, s19;
	[sflag:s23] =	ssyncset.done $0x0  }
.Ltmp1:
0x2e: {  	s25 =	sshrl.u32 s11, $0x3;
	[sflag:s23] =	ssyncadd.s32 $0xFFFFF800;
	(pc) =	sbr.rel @!p1 .LBB2_9-.Ltmp1, $4  }
0x2f: {  	[hbm:s18], [sflag:s2] =	dma.local [spmem:s25], $0x800  }
0x30: {  	_ =	swait.ge [sflag:s23], $0x800  }
0x31: {  	[sflag:s23] =	ssyncset.done $0x0  }
0x32: {  	[sflag:s23] =	ssyncadd.s32 $0xFFFFF800  }
.LBB2_1:
0x33: {  	s2 =	rddreg [dreg:$0x2]  }
0x34: {  	[tilespmem:s22], [sflag:$0x6] =	stream.linear.gather [hbm4b:s2+s5], $0x4000, $0x38;
	[tilespmem:$0x1D000] =	vst v63  }
0x35: {  	_ =	swait.ge [sflag:s23], $0x4000  }
0x36: {  	[sflag:s23] =	ssyncset.done $0x0  }
0x37: {  	[sflag:s23] =	ssyncadd.s32 $0xFFFFC000  }
0x38: {  	[spmem:s7] =	stream.linear.scatter [tilespmem:s22], [sflag:$0x6], $0x4000, $0x38;
	[tilespmem:$0x1D000] =	vst v63  }
0x39: {  	_ =	swait.ge [sflag:s23], $0x4000  }
0x3a: {  	[sflag:s23] =	ssyncset.done $0x0  }
0x3b: {  	[sflag:s23] =	ssyncadd.s32 $0xFFFFC000  }
0x3c: {  	[spmem:s8] =	stream.linear.scatter [tilespmem:s22], [sflag:$0x6], $0x4000, $0x38;
	[tilespmem:$0x1D000] =	vst v63  }
0x3d: {  	_ =	swait.ge [sflag:s23], $0x4000  }
0x3e: {  	[sflag:s23] =	ssyncset.done $0x0  }
0x3f: {  	[sflag:s23] =	ssyncadd.s32 $0xFFFFC000  }
0x40: {  	[spmem:s9] =	stream.linear.scatter [tilespmem:s22], [sflag:$0x6], $0x4000, $0x38;
	[tilespmem:$0x1D000] =	vst v63  }
0x41: {  	_ =	swait.ge [sflag:s23], $0x4000  }
0x42: {  	[sflag:s23] =	ssyncset.done $0x0  }
0x43: {  	[sflag:s23] =	ssyncadd.s32 $0xFFFFC000  }
0x44: {  	[spmem:s10] =	stream.linear.scatter [tilespmem:s22], [sflag:$0x6], $0x4000, $0x38;
	[tilespmem:$0x1D000] =	vst v63  }
0x45: {  	_ =	swait.ge [sflag:s23], $0x4000  }
0x46: {  	[sflag:s23] =	ssyncset.done $0x0  }
0x47: {  	[sflag:s23] =	ssyncadd.s32 $0xFFFFC000  }
0x48: {  	[spmem:s11] =	stream.linear.scatter [tilespmem:s22], [sflag:$0x6], $0x4000, $0x38;
	[tilespmem:$0x1D000] =	vst v63  }
0x49: {  	_ =	swait.ge [sflag:s23], $0x4000  }
0x4a: {  	[sflag:s23] =	ssyncset.done $0x0  }
0x4b: {  	[sflag:s23] =	ssyncadd.s32 $0xFFFFC000  }
.Ltmp2:
0x4c: {  	[bflag:$0x0] =	sbarrier.arrive $0xFFFF;
	(pc) =	sbr.rel @!p0 .LBB2_2-.Ltmp2, $4  }
0x4d: {  	s13 =	simm.s32 $0x1C000;
	s16 =	rddreg [dreg:$0x5]  }
0x4e: {  	[tilespmem:s13], [sflag:$0x4] =	stream.linear.gather [hbm4b:s16+s5], $0x400, $0x38;
	[tilespmem:$0x1D000] =	vst v63  }
0x4f: {  	s25 =	simm.s32 $0x1C800;
	s2 =	simm.s32 $0x400;
	s20 =	rddreg [dreg:$0x6]  }
0x50: {  	[tilespmem:s25], [sflag:$0x5] =	stream.linear.gather [hbm4b:s20+s5], $0x400, $0x38;
	[tilespmem:$0x1D000] =	vst v63  }
0x51: {  	_ =	swait.ge [sflag:s26], $0x400  }
0x52: {  	[sflag:s26] =	ssyncset.done $0x0  }
0x53: {  	[sflag:s26] =	ssyncadd.s32 $0xFFFFFC00  }
0x54: {  	p1 =	por $0x0, $0x0;
	_ =	swait.ge [sflag:s28], $0x400  }
0x55: {  	s2 =	sand.u32 @!p1 $0x400, s2;
	[sflag:s28] =	ssyncset.done $0x0  }
0x56: {  	s14 =	simm.s32 @!p1 $0x0;
	s13 =	sor.u32 @!p1 $0x1C000, s2;
	[sflag:s28] =	ssyncadd.s32 $0xFFFFFC00  }
0x57: {  	[tilespmem:s13], [sflag:$0x4] =	stream.linear.gather @!p1 [hbm4b:s12+s14], $0x400, $0x38;
	[tilespmem:$0x1D000] =	vst v63  }
0x58: {  	s25 =	simm.s32 $0x0;
	s2 =	sor.u32 @!p1 $0x1C800, s2  }
0x59: {  	[tilespmem:s2], [sflag:$0x5] =	stream.linear.gather @!p1 [hbm4b:s21+s14], $0x400, $0x38;
	[tilespmem:$0x1D000] =	vst v63  }
0x5a: {  	s2 =	sand.u32 $0x400, s25  }
0x5b: {  	s13 =	sor.u32 $0x1C000, s2  }
0x5c: {  	[tilespmem:s22], [sflag:$0x1] =	stream.indirect.gather [hbm4b:s6+s29], $0x80, s13, s29, $0xb8;
	[tilespmem:$0x1D000] =	vst v63  }
0x5d: {  	_ =	swait.ge [sflag:s30], $0x4000  }
0x5e: {  	[sflag:s30] =	ssyncset.done $0x0  }
0x5f: {  	s15 =	sor.u32 $0x1C800, s2;
	[sflag:s30] =	ssyncadd.s32 $0xFFFFC000  }
0x60: {  	[spmem:s4] =	stream.indirect.scatter.add.f32 [tilespmem:s22], [sflag:$0x2], $0x80, s15, s29, $0xb8;
	[tilespmem:$0x1D000] =	vst v63  }
0x61: {  	s16 =	sor.u32 $0x1C080, s2  }
0x62: {  	[tilespmem:s31], [sflag:$0x1] =	stream.indirect.gather [hbm4b:s6+s29], $0x80, s16, s29, $0xb8;
	[tilespmem:$0x1D000] =	vst v63  }
0x63: {  	_ =	swait.ge [sflag:s30], $0x4000  }
0x64: {  	[sflag:s30] =	ssyncset.done $0x0  }
0x65: {  	s20 =	sor.u32 $0x1C880, s2;
	[sflag:s30] =	ssyncadd.s32 $0xFFFFC000  }
0x66: {  	[spmem:s4] =	stream.indirect.scatter.add.f32 [tilespmem:s31], [sflag:$0x3], $0x80, s20, s29, $0xb8;
	[tilespmem:$0x1D000] =	vst v63  }
0x67: {  	_ =	swait.ge [sflag:s0], $0x4000  }
0x68: {  	[sflag:s0] =	ssyncset.done $0x0  }
0x69: {  	s25 =	sor.u32 $0x1C100, s2;
	[sflag:s0] =	ssyncadd.s32 $0xFFFFC000  }
0x6a: {  	[tilespmem:s22], [sflag:$0x1] =	stream.indirect.gather [hbm4b:s6+s29], $0x80, s25, s29, $0xb8;
	[tilespmem:$0x1D000] =	vst v63  }
0x6b: {  	_ =	swait.ge [sflag:s30], $0x4000  }
0x6c: {  	[sflag:s30] =	ssyncset.done $0x0  }
0x6d: {  	s14 =	sor.u32 $0x1C900, s2;
	[sflag:s30] =	ssyncadd.s32 $0xFFFFC000  }
0x6e: {  	[spmem:s4] =	stream.indirect.scatter.add.f32 [tilespmem:s22], [sflag:$0x2], $0x80, s14, s29, $0xb8;
	[tilespmem:$0x1D000] =	vst v63  }
0x6f: {  	_ =	swait.ge [sflag:s3], $0x4000  }
0x70: {  	[sflag:s3] =	ssyncset.done $0x0  }
0x71: {  	s15 =	sor.u32 $0x1C180, s2;
	[sflag:s3] =	ssyncadd.s32 $0xFFFFC000  }
0x72: {  	[tilespmem:s31], [sflag:$0x1] =	stream.indirect.gather [hbm4b:s6+s29], $0x80, s15, s29, $0xb8;
	[tilespmem:$0x1D000] =	vst v63  }
0x73: {  	_ =	swait.ge [sflag:s30], $0x4000  }
0x74: {  	[sflag:s30] =	ssyncset.done $0x0  }
0x75: {  	s16 =	sor.u32 $0x1C980, s2;
	[sflag:s30] =	ssyncadd.s32 $0xFFFFC000  }
0x76: {  	[spmem:s4] =	stream.indirect.scatter.add.f32 [tilespmem:s31], [sflag:$0x3], $0x80, s16, s29, $0xb8;
	[tilespmem:$0x1D000] =	vst v63  }
0x77: {  	_ =	swait.ge [sflag:s0], $0x4000  }
0x78: {  	[sflag:s0] =	ssyncset.done $0x0  }
0x79: {  	s20 =	sor.u32 $0x1C200, s2;
	[sflag:s0] =	ssyncadd.s32 $0xFFFFC000  }
0x7a: {  	[tilespmem:s22], [sflag:$0x1] =	stream.indirect.gather [hbm4b:s6+s29], $0x80, s20, s29, $0xb8;
	[tilespmem:$0x1D000] =	vst v63  }
0x7b: {  	_ =	swait.ge [sflag:s30], $0x4000  }
0x7c: {  	[sflag:s30] =	ssyncset.done $0x0  }
0x7d: {  	s25 =	sor.u32 $0x1CA00, s2;
	[sflag:s30] =	ssyncadd.s32 $0xFFFFC000  }
0x7e: {  	[spmem:s4] =	stream.indirect.scatter.add.f32 [tilespmem:s22], [sflag:$0x2], $0x80, s25, s29, $0xb8;
	[tilespmem:$0x1D000] =	vst v63  }
0x7f: {  	_ =	swait.ge [sflag:s3], $0x4000  }
0x80: {  	[sflag:s3] =	ssyncset.done $0x0  }
0x81: {  	s14 =	sor.u32 $0x1C280, s2;
	[sflag:s3] =	ssyncadd.s32 $0xFFFFC000  }
0x82: {  	[tilespmem:s31], [sflag:$0x1] =	stream.indirect.gather [hbm4b:s6+s29], $0x80, s14, s29, $0xb8;
	[tilespmem:$0x1D000] =	vst v63  }
0x83: {  	_ =	swait.ge [sflag:s30], $0x4000  }
0x84: {  	[sflag:s30] =	ssyncset.done $0x0  }
0x85: {  	s15 =	sor.u32 $0x1CA80, s2;
	[sflag:s30] =	ssyncadd.s32 $0xFFFFC000  }
0x86: {  	[spmem:s4] =	stream.indirect.scatter.add.f32 [tilespmem:s31], [sflag:$0x3], $0x80, s15, s29, $0xb8;
	[tilespmem:$0x1D000] =	vst v63  }
0x87: {  	_ =	swait.ge [sflag:s0], $0x4000  }
0x88: {  	[sflag:s0] =	ssyncset.done $0x0  }
0x89: {  	s16 =	sor.u32 $0x1C300, s2;
	[sflag:s0] =	ssyncadd.s32 $0xFFFFC000  }
0x8a: {  	[tilespmem:s22], [sflag:$0x1] =	stream.indirect.gather [hbm4b:s6+s29], $0x80, s16, s29, $0xb8;
	[tilespmem:$0x1D000] =	vst v63  }
0x8b: {  	_ =	swait.ge [sflag:s30], $0x4000  }
0x8c: {  	[sflag:s30] =	ssyncset.done $0x0  }
0x8d: {  	s20 =	sor.u32 $0x1CB00, s2;
	[sflag:s30] =	ssyncadd.s32 $0xFFFFC000  }
0x8e: {  	[spmem:s4] =	stream.indirect.scatter.add.f32 [tilespmem:s22], [sflag:$0x2], $0x80, s20, s29, $0xb8;
	[tilespmem:$0x1D000] =	vst v63  }
0x8f: {  	_ =	swait.ge [sflag:s3], $0x4000  }
0x90: {  	[sflag:s3] =	ssyncset.done $0x0  }
0x91: {  	s25 =	sor.u32 $0x1C380, s2;
	[sflag:s3] =	ssyncadd.s32 $0xFFFFC000  }
0x92: {  	[tilespmem:s31], [sflag:$0x1] =	stream.indirect.gather [hbm4b:s6+s29], $0x80, s25, s29, $0xb8;
	[tilespmem:$0x1D000] =	vst v63  }
0x93: {  	_ =	swait.ge [sflag:s30], $0x4000  }
0x94: {  	[sflag:s30] =	ssyncset.done $0x0  }
0x95: {  	s2 =	sor.u32 $0x1CB80, s2;
	[sflag:s30] =	ssyncadd.s32 $0xFFFFC000  }
0x96: {  	[spmem:s4] =	stream.indirect.scatter.add.f32 [tilespmem:s31], [sflag:$0x3], $0x80, s2, s29, $0xb8;
	[tilespmem:$0x1D000] =	vst v63  }
0x97: {  	_ =	swait.ge [sflag:s0], $0x4000  }
0x98: {  	[sflag:s0] =	ssyncset.done $0x0  }
0x99: {  	s20 =	smov.u32 s21;
	[sflag:s0] =	ssyncadd.s32 $0xFFFFC000  }
0x9a: {  	s25 =	simm.s32 $0x800;
	s2 =	sadd.s32 $0x80, s12;
	_ =	swait.ge [sflag:s3], $0x4000  }
.LBB2_6:
0x9b: {  	[sflag:s3] =	ssyncset.done $0x0  }
0x9c: {  	s20 =	sadd.s32 $0x80, s20;
	s13 =	smov.u32 s25;
	s25 =	sadd.s32 $0x400, s25  }
0x9d: {  	p1 =	sne.s32 s25, $0x2C00;
	[sflag:s3] =	ssyncadd.s32 $0xFFFFC000  }
0x9e: {  	_ =	swait.ge [sflag:s26], $0x400  }
0x9f: {  	[sflag:s26] =	ssyncset.done $0x0  }
0xa0: {  	[sflag:s26] =	ssyncadd.s32 $0xFFFFFC00  }
0xa1: {  	p2 =	seq.s32 s13, $0x2800;
	_ =	swait.ge [sflag:s28], $0x400  }
0xa2: {  	s14 =	sand.u32 @!p2 $0x400, s13;
	[sflag:s28] =	ssyncset.done $0x0  }
0xa3: {  	s16 =	simm.s32 @!p2 $0x0;
	s15 =	sor.u32 @!p2 $0x1C000, s14;
	[sflag:s28] =	ssyncadd.s32 $0xFFFFFC00  }
0xa4: {  	[tilespmem:s15], [sflag:$0x4] =	stream.linear.gather @!p2 [hbm4b:s2+s16], $0x400, $0x38;
	[tilespmem:$0x1D000] =	vst v63  }
0xa5: {  	s13 =	sadd.s32 $0xFFFFFC00, s13;
	s14 =	sor.u32 @!p2 $0x1C800, s14  }
0xa6: {  	[tilespmem:s14], [sflag:$0x5] =	stream.linear.gather @!p2 [hbm4b:s20+s16], $0x400, $0x38;
	[tilespmem:$0x1D000] =	vst v63  }
0xa7: {  	s13 =	sand.u32 $0x400, s13  }
0xa8: {  	s14 =	sor.u32 $0x1C000, s13  }
0xa9: {  	[tilespmem:s22], [sflag:$0x1] =	stream.indirect.gather [hbm4b:s6+s29], $0x80, s14, s29, $0xb8;
	[tilespmem:$0x1D000] =	vst v63  }
0xaa: {  	_ =	swait.ge [sflag:s30], $0x4000  }
0xab: {  	s14 =	sor.u32 $0x1C800, s13;
	[sflag:s30] =	ssyncset.done $0x0  }
0xac: {  	s15 =	sor.u32 $0x1C080, s13;
	[sflag:s30] =	ssyncadd.s32 $0xFFFFC000  }
0xad: {  	[spmem:s4] =	stream.indirect.scatter.add.f32 [tilespmem:s22], [sflag:$0x2], $0x80, s14, s29, $0xb8;
	[tilespmem:$0x1D000] =	vst v63  }
0xae: {  	_ = 	snop  }
0xaf: {  	[tilespmem:s31], [sflag:$0x1] =	stream.indirect.gather [hbm4b:s6+s29], $0x80, s15, s29, $0xb8;
	[tilespmem:$0x1D000] =	vst v63  }
0xb0: {  	_ =	swait.ge [sflag:s30], $0x4000  }
0xb1: {  	s14 =	sor.u32 $0x1C880, s13;
	[sflag:s30] =	ssyncset.done $0x0  }
0xb2: {  	[sflag:s30] =	ssyncadd.s32 $0xFFFFC000  }
0xb3: {  	[spmem:s4] =	stream.indirect.scatter.add.f32 [tilespmem:s31], [sflag:$0x3], $0x80, s14, s29, $0xb8;
	[tilespmem:$0x1D000] =	vst v63  }
0xb4: {  	_ =	swait.ge [sflag:s0], $0x4000  }
0xb5: {  	s14 =	sor.u32 $0x1C100, s13;
	[sflag:s0] =	ssyncset.done $0x0  }
0xb6: {  	[sflag:s0] =	ssyncadd.s32 $0xFFFFC000  }
0xb7: {  	[tilespmem:s22], [sflag:$0x1] =	stream.indirect.gather [hbm4b:s6+s29], $0x80, s14, s29, $0xb8;
	[tilespmem:$0x1D000] =	vst v63  }
0xb8: {  	_ =	swait.ge [sflag:s30], $0x4000  }
0xb9: {  	s14 =	sor.u32 $0x1C900, s13;
	[sflag:s30] =	ssyncset.done $0x0  }
0xba: {  	[sflag:s30] =	ssyncadd.s32 $0xFFFFC000  }
0xbb: {  	[spmem:s4] =	stream.indirect.scatter.add.f32 [tilespmem:s22], [sflag:$0x2], $0x80, s14, s29, $0xb8;
	[tilespmem:$0x1D000] =	vst v63  }
0xbc: {  	_ =	swait.ge [sflag:s3], $0x4000  }
0xbd: {  	s14 =	sor.u32 $0x1C180, s13;
	[sflag:s3] =	ssyncset.done $0x0  }
0xbe: {  	[sflag:s3] =	ssyncadd.s32 $0xFFFFC000  }
0xbf: {  	[tilespmem:s31], [sflag:$0x1] =	stream.indirect.gather [hbm4b:s6+s29], $0x80, s14, s29, $0xb8;
	[tilespmem:$0x1D000] =	vst v63  }
0xc0: {  	_ =	swait.ge [sflag:s30], $0x4000  }
0xc1: {  	s14 =	sor.u32 $0x1C980, s13;
	[sflag:s30] =	ssyncset.done $0x0  }
0xc2: {  	[sflag:s30] =	ssyncadd.s32 $0xFFFFC000  }
0xc3: {  	[spmem:s4] =	stream.indirect.scatter.add.f32 [tilespmem:s31], [sflag:$0x3], $0x80, s14, s29, $0xb8;
	[tilespmem:$0x1D000] =	vst v63  }
0xc4: {  	_ =	swait.ge [sflag:s0], $0x4000  }
0xc5: {  	s14 =	sor.u32 $0x1C200, s13;
	[sflag:s0] =	ssyncset.done $0x0  }
0xc6: {  	[sflag:s0] =	ssyncadd.s32 $0xFFFFC000  }
0xc7: {  	[tilespmem:s22], [sflag:$0x1] =	stream.indirect.gather [hbm4b:s6+s29], $0x80, s14, s29, $0xb8;
	[tilespmem:$0x1D000] =	vst v63  }
0xc8: {  	_ =	swait.ge [sflag:s30], $0x4000  }
0xc9: {  	s14 =	sor.u32 $0x1CA00, s13;
	[sflag:s30] =	ssyncset.done $0x0  }
0xca: {  	[sflag:s30] =	ssyncadd.s32 $0xFFFFC000  }
0xcb: {  	[spmem:s4] =	stream.indirect.scatter.add.f32 [tilespmem:s22], [sflag:$0x2], $0x80, s14, s29, $0xb8;
	[tilespmem:$0x1D000] =	vst v63  }
0xcc: {  	_ =	swait.ge [sflag:s3], $0x4000  }
0xcd: {  	s14 =	sor.u32 $0x1C280, s13;
	[sflag:s3] =	ssyncset.done $0x0  }
0xce: {  	[sflag:s3] =	ssyncadd.s32 $0xFFFFC000  }
0xcf: {  	[tilespmem:s31], [sflag:$0x1] =	stream.indirect.gather [hbm4b:s6+s29], $0x80, s14, s29, $0xb8;
	[tilespmem:$0x1D000] =	vst v63  }
0xd0: {  	_ =	swait.ge [sflag:s30], $0x4000  }
0xd1: {  	s14 =	sor.u32 $0x1CA80, s13;
	[sflag:s30] =	ssyncset.done $0x0  }
0xd2: {  	[sflag:s30] =	ssyncadd.s32 $0xFFFFC000  }
0xd3: {  	[spmem:s4] =	stream.indirect.scatter.add.f32 [tilespmem:s31], [sflag:$0x3], $0x80, s14, s29, $0xb8;
	[tilespmem:$0x1D000] =	vst v63  }
0xd4: {  	_ =	swait.ge [sflag:s0], $0x4000  }
0xd5: {  	s14 =	sor.u32 $0x1C300, s13;
	[sflag:s0] =	ssyncset.done $0x0  }
0xd6: {  	[sflag:s0] =	ssyncadd.s32 $0xFFFFC000  }
0xd7: {  	[tilespmem:s22], [sflag:$0x1] =	stream.indirect.gather [hbm4b:s6+s29], $0x80, s14, s29, $0xb8;
	[tilespmem:$0x1D000] =	vst v63  }
0xd8: {  	_ =	swait.ge [sflag:s30], $0x4000  }
0xd9: {  	s14 =	sor.u32 $0x1CB00, s13;
	[sflag:s30] =	ssyncset.done $0x0  }
0xda: {  	[sflag:s30] =	ssyncadd.s32 $0xFFFFC000  }
0xdb: {  	[spmem:s4] =	stream.indirect.scatter.add.f32 [tilespmem:s22], [sflag:$0x2], $0x80, s14, s29, $0xb8;
	[tilespmem:$0x1D000] =	vst v63  }
0xdc: {  	_ =	swait.ge [sflag:s3], $0x4000  }
0xdd: {  	s14 =	sor.u32 $0x1C380, s13;
	[sflag:s3] =	ssyncset.done $0x0  }
0xde: {  	[sflag:s3] =	ssyncadd.s32 $0xFFFFC000  }
0xdf: {  	[tilespmem:s31], [sflag:$0x1] =	stream.indirect.gather [hbm4b:s6+s29], $0x80, s14, s29, $0xb8;
	[tilespmem:$0x1D000] =	vst v63  }
0xe0: {  	_ =	swait.ge [sflag:s30], $0x4000  }
0xe1: {  	s13 =	sor.u32 $0x1CB80, s13;
	[sflag:s30] =	ssyncset.done $0x0  }
0xe2: {  	[sflag:s30] =	ssyncadd.s32 $0xFFFFC000  }
0xe3: {  	[spmem:s4] =	stream.indirect.scatter.add.f32 [tilespmem:s31], [sflag:$0x3], $0x80, s13, s29, $0xb8;
	[tilespmem:$0x1D000] =	vst v63  }
.Ltmp3:
0xe4: {  	_ = 	snop;
	(pc) =	sbr.rel @p1 .LBB2_6-.Ltmp3, $4  }
0xe5: {  	_ =	swait.ge [sflag:s0], $0x4000  }
0xe6: {  	[sflag:s0] =	ssyncset.done $0x0  }
0xe7: {  	[sflag:s0] =	ssyncadd.s32 $0xFFFFC000  }
0xe8: {  	s2 =	sadd.s32 $0x80, s2;
	_ =	swait.ge [sflag:s3], $0x4000  }
.Ltmp4:
0xe9: {  	_ = 	snop;
	(pc) =	sbr.rel .LBB2_7-.Ltmp4, $1  }
0xea: {  	_ =	sdelay $0x3  }
.LBB2_2:
0xeb: {  	_ =	swait.ge [sflag:s26], $0x400  }
0xec: {  	[sflag:s26] =	ssyncset.done $0x0  }
0xed: {  	[sflag:s26] =	ssyncadd.s32 $0xFFFFFC00  }
0xee: {  	p1 =	por $0x0, $0x0;
	_ =	swait.ge [sflag:s28], $0x400  }
0xef: {  	s2 =	sand.u32 @!p1 $0x400, s2;
	[sflag:s28] =	ssyncset.done $0x0  }
0xf0: {  	s20 =	simm.s32 @!p1 $0x0;
	s13 =	sor.u32 @!p1 $0x1C000, s2;
	[sflag:s28] =	ssyncadd.s32 $0xFFFFFC00  }
0xf1: {  	[tilespmem:s13], [sflag:$0x4] =	stream.linear.gather @!p1 [hbm4b:s12+s20], $0x400, $0x38;
	[tilespmem:$0x1D000] =	vst v63  }
0xf2: {  	s14 =	simm.s32 $0x0;
	s2 =	sor.u32 @!p1 $0x1C800, s2  }
0xf3: {  	[tilespmem:s2], [sflag:$0x5] =	stream.linear.gather @!p1 [hbm4b:s21+s20], $0x400, $0x38;
	[tilespmem:$0x1D000] =	vst v63  }
0xf4: {  	s2 =	sand.u32 $0x400, s14  }
0xf5: {  	s13 =	sor.u32 $0x1C000, s2  }
0xf6: {  	[tilespmem:s22], [sflag:$0x1] =	stream.indirect.gather [hbm4b:s1+s29], $0x80, s13, s29, $0xb8;
	[tilespmem:$0x1D000] =	vst v63  }
0xf7: {  	_ =	swait.ge [sflag:s30], $0x4000  }
0xf8: {  	[sflag:s30] =	ssyncset.done $0x0  }
0xf9: {  	s15 =	sor.u32 $0x1C800, s2;
	[sflag:s30] =	ssyncadd.s32 $0xFFFFC000  }
0xfa: {  	[spmem:s4] =	stream.indirect.scatter.add.f32 [tilespmem:s22], [sflag:$0x2], $0x80, s15, s29, $0xb8;
	[tilespmem:$0x1D000] =	vst v63  }
0xfb: {  	s16 =	sor.u32 $0x1C080, s2  }
0xfc: {  	[tilespmem:s31], [sflag:$0x1] =	stream.indirect.gather [hbm4b:s1+s29], $0x80, s16, s29, $0xb8;
	[tilespmem:$0x1D000] =	vst v63  }
0xfd: {  	_ =	swait.ge [sflag:s30], $0x4000  }
0xfe: {  	[sflag:s30] =	ssyncset.done $0x0  }
0xff: {  	s20 =	sor.u32 $0x1C880, s2;
	[sflag:s30] =	ssyncadd.s32 $0xFFFFC000  }
0x100: {  	[spmem:s4] =	stream.indirect.scatter.add.f32 [tilespmem:s31], [sflag:$0x3], $0x80, s20, s29, $0xb8;
	[tilespmem:$0x1D000] =	vst v63  }
0x101: {  	_ =	swait.ge [sflag:s0], $0x4000  }
0x102: {  	[sflag:s0] =	ssyncset.done $0x0  }
0x103: {  	s25 =	sor.u32 $0x1C100, s2;
	[sflag:s0] =	ssyncadd.s32 $0xFFFFC000  }
0x104: {  	[tilespmem:s22], [sflag:$0x1] =	stream.indirect.gather [hbm4b:s1+s29], $0x80, s25, s29, $0xb8;
	[tilespmem:$0x1D000] =	vst v63  }
0x105: {  	_ =	swait.ge [sflag:s30], $0x4000  }
0x106: {  	[sflag:s30] =	ssyncset.done $0x0  }
0x107: {  	s14 =	sor.u32 $0x1C900, s2;
	[sflag:s30] =	ssyncadd.s32 $0xFFFFC000  }
0x108: {  	[spmem:s4] =	stream.indirect.scatter.add.f32 [tilespmem:s22], [sflag:$0x2], $0x80, s14, s29, $0xb8;
	[tilespmem:$0x1D000] =	vst v63  }
0x109: {  	_ =	swait.ge [sflag:s3], $0x4000  }
0x10a: {  	[sflag:s3] =	ssyncset.done $0x0  }
0x10b: {  	s15 =	sor.u32 $0x1C180, s2;
	[sflag:s3] =	ssyncadd.s32 $0xFFFFC000  }
0x10c: {  	[tilespmem:s31], [sflag:$0x1] =	stream.indirect.gather [hbm4b:s1+s29], $0x80, s15, s29, $0xb8;
	[tilespmem:$0x1D000] =	vst v63  }
0x10d: {  	_ =	swait.ge [sflag:s30], $0x4000  }
0x10e: {  	[sflag:s30] =	ssyncset.done $0x0  }
0x10f: {  	s16 =	sor.u32 $0x1C980, s2;
	[sflag:s30] =	ssyncadd.s32 $0xFFFFC000  }
0x110: {  	[spmem:s4] =	stream.indirect.scatter.add.f32 [tilespmem:s31], [sflag:$0x3], $0x80, s16, s29, $0xb8;
	[tilespmem:$0x1D000] =	vst v63  }
0x111: {  	_ =	swait.ge [sflag:s0], $0x4000  }
0x112: {  	[sflag:s0] =	ssyncset.done $0x0  }
0x113: {  	s20 =	sor.u32 $0x1C200, s2;
	[sflag:s0] =	ssyncadd.s32 $0xFFFFC000  }
0x114: {  	[tilespmem:s22], [sflag:$0x1] =	stream.indirect.gather [hbm4b:s1+s29], $0x80, s20, s29, $0xb8;
	[tilespmem:$0x1D000] =	vst v63  }
0x115: {  	_ =	swait.ge [sflag:s30], $0x4000  }
0x116: {  	[sflag:s30] =	ssyncset.done $0x0  }
0x117: {  	s25 =	sor.u32 $0x1CA00, s2;
	[sflag:s30] =	ssyncadd.s32 $0xFFFFC000  }
0x118: {  	[spmem:s4] =	stream.indirect.scatter.add.f32 [tilespmem:s22], [sflag:$0x2], $0x80, s25, s29, $0xb8;
	[tilespmem:$0x1D000] =	vst v63  }
0x119: {  	_ =	swait.ge [sflag:s3], $0x4000  }
0x11a: {  	[sflag:s3] =	ssyncset.done $0x0  }
0x11b: {  	s14 =	sor.u32 $0x1C280, s2;
	[sflag:s3] =	ssyncadd.s32 $0xFFFFC000  }
0x11c: {  	[tilespmem:s31], [sflag:$0x1] =	stream.indirect.gather [hbm4b:s1+s29], $0x80, s14, s29, $0xb8;
	[tilespmem:$0x1D000] =	vst v63  }
0x11d: {  	_ =	swait.ge [sflag:s30], $0x4000  }
0x11e: {  	[sflag:s30] =	ssyncset.done $0x0  }
0x11f: {  	s15 =	sor.u32 $0x1CA80, s2;
	[sflag:s30] =	ssyncadd.s32 $0xFFFFC000  }
0x120: {  	[spmem:s4] =	stream.indirect.scatter.add.f32 [tilespmem:s31], [sflag:$0x3], $0x80, s15, s29, $0xb8;
	[tilespmem:$0x1D000] =	vst v63  }
0x121: {  	_ =	swait.ge [sflag:s0], $0x4000  }
0x122: {  	[sflag:s0] =	ssyncset.done $0x0  }
0x123: {  	s16 =	sor.u32 $0x1C300, s2;
	[sflag:s0] =	ssyncadd.s32 $0xFFFFC000  }
0x124: {  	[tilespmem:s22], [sflag:$0x1] =	stream.indirect.gather [hbm4b:s1+s29], $0x80, s16, s29, $0xb8;
	[tilespmem:$0x1D000] =	vst v63  }
0x125: {  	_ =	swait.ge [sflag:s30], $0x4000  }
0x126: {  	[sflag:s30] =	ssyncset.done $0x0  }
0x127: {  	s20 =	sor.u32 $0x1CB00, s2;
	[sflag:s30] =	ssyncadd.s32 $0xFFFFC000  }
0x128: {  	[spmem:s4] =	stream.indirect.scatter.add.f32 [tilespmem:s22], [sflag:$0x2], $0x80, s20, s29, $0xb8;
	[tilespmem:$0x1D000] =	vst v63  }
0x129: {  	_ =	swait.ge [sflag:s3], $0x4000  }
0x12a: {  	[sflag:s3] =	ssyncset.done $0x0  }
0x12b: {  	s25 =	sor.u32 $0x1C380, s2;
	[sflag:s3] =	ssyncadd.s32 $0xFFFFC000  }
0x12c: {  	[tilespmem:s31], [sflag:$0x1] =	stream.indirect.gather [hbm4b:s1+s29], $0x80, s25, s29, $0xb8;
	[tilespmem:$0x1D000] =	vst v63  }
0x12d: {  	_ =	swait.ge [sflag:s30], $0x4000  }
0x12e: {  	[sflag:s30] =	ssyncset.done $0x0  }
0x12f: {  	s2 =	sor.u32 $0x1CB80, s2;
	[sflag:s30] =	ssyncadd.s32 $0xFFFFC000  }
0x130: {  	[spmem:s4] =	stream.indirect.scatter.add.f32 [tilespmem:s31], [sflag:$0x3], $0x80, s2, s29, $0xb8;
	[tilespmem:$0x1D000] =	vst v63  }
0x131: {  	_ =	swait.ge [sflag:s0], $0x4000  }
0x132: {  	[sflag:s0] =	ssyncset.done $0x0  }
0x133: {  	s20 =	smov.u32 s12;
	[sflag:s0] =	ssyncadd.s32 $0xFFFFC000  }
0x134: {  	s25 =	simm.s32 $0x800;
	s2 =	sadd.s32 $0x80, s21;
	_ =	swait.ge [sflag:s3], $0x4000  }
.LBB2_3:
0x135: {  	[sflag:s3] =	ssyncset.done $0x0  }
0x136: {  	s20 =	sadd.s32 $0x80, s20;
	s13 =	smov.u32 s25;
	s25 =	sadd.s32 $0x400, s25  }
0x137: {  	p1 =	seq.s32 s25, $0x2C00;
	[sflag:s3] =	ssyncadd.s32 $0xFFFFC000  }
0x138: {  	_ =	swait.ge [sflag:s26], $0x400  }
0x139: {  	[sflag:s26] =	ssyncset.done $0x0  }
0x13a: {  	[sflag:s26] =	ssyncadd.s32 $0xFFFFFC00  }
0x13b: {  	p2 =	seq.s32 s13, $0x2800;
	_ =	swait.ge [sflag:s28], $0x400  }
0x13c: {  	s14 =	sand.u32 @!p2 $0x400, s13;
	[sflag:s28] =	ssyncset.done $0x0  }
0x13d: {  	s16 =	simm.s32 @!p2 $0x0;
	s15 =	sor.u32 @!p2 $0x1C000, s14;
	[sflag:s28] =	ssyncadd.s32 $0xFFFFFC00  }
0x13e: {  	[tilespmem:s15], [sflag:$0x4] =	stream.linear.gather @!p2 [hbm4b:s20+s16], $0x400, $0x38;
	[tilespmem:$0x1D000] =	vst v63  }
0x13f: {  	s13 =	sadd.s32 $0xFFFFFC00, s13;
	s14 =	sor.u32 @!p2 $0x1C800, s14  }
0x140: {  	[tilespmem:s14], [sflag:$0x5] =	stream.linear.gather @!p2 [hbm4b:s2+s16], $0x400, $0x38;
	[tilespmem:$0x1D000] =	vst v63  }
0x141: {  	s13 =	sand.u32 $0x400, s13  }
0x142: {  	s14 =	sor.u32 $0x1C000, s13  }
0x143: {  	[tilespmem:s22], [sflag:$0x1] =	stream.indirect.gather [hbm4b:s1+s29], $0x80, s14, s29, $0xb8;
	[tilespmem:$0x1D000] =	vst v63  }
0x144: {  	_ =	swait.ge [sflag:s30], $0x4000  }
0x145: {  	s14 =	sor.u32 $0x1C800, s13;
	[sflag:s30] =	ssyncset.done $0x0  }
0x146: {  	s15 =	sor.u32 $0x1C080, s13;
	[sflag:s30] =	ssyncadd.s32 $0xFFFFC000  }
0x147: {  	[spmem:s4] =	stream.indirect.scatter.add.f32 [tilespmem:s22], [sflag:$0x2], $0x80, s14, s29, $0xb8;
	[tilespmem:$0x1D000] =	vst v63  }
0x148: {  	_ = 	snop  }
0x149: {  	[tilespmem:s31], [sflag:$0x1] =	stream.indirect.gather [hbm4b:s1+s29], $0x80, s15, s29, $0xb8;
	[tilespmem:$0x1D000] =	vst v63  }
0x14a: {  	_ =	swait.ge [sflag:s30], $0x4000  }
0x14b: {  	s14 =	sor.u32 $0x1C880, s13;
	[sflag:s30] =	ssyncset.done $0x0  }
0x14c: {  	[sflag:s30] =	ssyncadd.s32 $0xFFFFC000  }
0x14d: {  	[spmem:s4] =	stream.indirect.scatter.add.f32 [tilespmem:s31], [sflag:$0x3], $0x80, s14, s29, $0xb8;
	[tilespmem:$0x1D000] =	vst v63  }
0x14e: {  	_ =	swait.ge [sflag:s0], $0x4000  }
0x14f: {  	s14 =	sor.u32 $0x1C100, s13;
	[sflag:s0] =	ssyncset.done $0x0  }
0x150: {  	[sflag:s0] =	ssyncadd.s32 $0xFFFFC000  }
0x151: {  	[tilespmem:s22], [sflag:$0x1] =	stream.indirect.gather [hbm4b:s1+s29], $0x80, s14, s29, $0xb8;
	[tilespmem:$0x1D000] =	vst v63  }
0x152: {  	_ =	swait.ge [sflag:s30], $0x4000  }
0x153: {  	s14 =	sor.u32 $0x1C900, s13;
	[sflag:s30] =	ssyncset.done $0x0  }
0x154: {  	[sflag:s30] =	ssyncadd.s32 $0xFFFFC000  }
0x155: {  	[spmem:s4] =	stream.indirect.scatter.add.f32 [tilespmem:s22], [sflag:$0x2], $0x80, s14, s29, $0xb8;
	[tilespmem:$0x1D000] =	vst v63  }
0x156: {  	_ =	swait.ge [sflag:s3], $0x4000  }
0x157: {  	s14 =	sor.u32 $0x1C180, s13;
	[sflag:s3] =	ssyncset.done $0x0  }
0x158: {  	[sflag:s3] =	ssyncadd.s32 $0xFFFFC000  }
0x159: {  	[tilespmem:s31], [sflag:$0x1] =	stream.indirect.gather [hbm4b:s1+s29], $0x80, s14, s29, $0xb8;
	[tilespmem:$0x1D000] =	vst v63  }
0x15a: {  	_ =	swait.ge [sflag:s30], $0x4000  }
0x15b: {  	s14 =	sor.u32 $0x1C980, s13;
	[sflag:s30] =	ssyncset.done $0x0  }
0x15c: {  	[sflag:s30] =	ssyncadd.s32 $0xFFFFC000  }
0x15d: {  	[spmem:s4] =	stream.indirect.scatter.add.f32 [tilespmem:s31], [sflag:$0x3], $0x80, s14, s29, $0xb8;
	[tilespmem:$0x1D000] =	vst v63  }
0x15e: {  	_ =	swait.ge [sflag:s0], $0x4000  }
0x15f: {  	s14 =	sor.u32 $0x1C200, s13;
	[sflag:s0] =	ssyncset.done $0x0  }
0x160: {  	[sflag:s0] =	ssyncadd.s32 $0xFFFFC000  }
0x161: {  	[tilespmem:s22], [sflag:$0x1] =	stream.indirect.gather [hbm4b:s1+s29], $0x80, s14, s29, $0xb8;
	[tilespmem:$0x1D000] =	vst v63  }
0x162: {  	_ =	swait.ge [sflag:s30], $0x4000  }
0x163: {  	s14 =	sor.u32 $0x1CA00, s13;
	[sflag:s30] =	ssyncset.done $0x0  }
0x164: {  	[sflag:s30] =	ssyncadd.s32 $0xFFFFC000  }
0x165: {  	[spmem:s4] =	stream.indirect.scatter.add.f32 [tilespmem:s22], [sflag:$0x2], $0x80, s14, s29, $0xb8;
	[tilespmem:$0x1D000] =	vst v63  }
0x166: {  	_ =	swait.ge [sflag:s3], $0x4000  }
0x167: {  	s14 =	sor.u32 $0x1C280, s13;
	[sflag:s3] =	ssyncset.done $0x0  }
0x168: {  	[sflag:s3] =	ssyncadd.s32 $0xFFFFC000  }
0x169: {  	[tilespmem:s31], [sflag:$0x1] =	stream.indirect.gather [hbm4b:s1+s29], $0x80, s14, s29, $0xb8;
	[tilespmem:$0x1D000] =	vst v63  }
0x16a: {  	_ =	swait.ge [sflag:s30], $0x4000  }
0x16b: {  	s14 =	sor.u32 $0x1CA80, s13;
	[sflag:s30] =	ssyncset.done $0x0  }
0x16c: {  	[sflag:s30] =	ssyncadd.s32 $0xFFFFC000  }
0x16d: {  	[spmem:s4] =	stream.indirect.scatter.add.f32 [tilespmem:s31], [sflag:$0x3], $0x80, s14, s29, $0xb8;
	[tilespmem:$0x1D000] =	vst v63  }
0x16e: {  	_ =	swait.ge [sflag:s0], $0x4000  }
0x16f: {  	s14 =	sor.u32 $0x1C300, s13;
	[sflag:s0] =	ssyncset.done $0x0  }
0x170: {  	[sflag:s0] =	ssyncadd.s32 $0xFFFFC000  }
0x171: {  	[tilespmem:s22], [sflag:$0x1] =	stream.indirect.gather [hbm4b:s1+s29], $0x80, s14, s29, $0xb8;
	[tilespmem:$0x1D000] =	vst v63  }
0x172: {  	_ =	swait.ge [sflag:s30], $0x4000  }
0x173: {  	s14 =	sor.u32 $0x1CB00, s13;
	[sflag:s30] =	ssyncset.done $0x0  }
0x174: {  	[sflag:s30] =	ssyncadd.s32 $0xFFFFC000  }
0x175: {  	[spmem:s4] =	stream.indirect.scatter.add.f32 [tilespmem:s22], [sflag:$0x2], $0x80, s14, s29, $0xb8;
	[tilespmem:$0x1D000] =	vst v63  }
0x176: {  	_ =	swait.ge [sflag:s3], $0x4000  }
0x177: {  	s14 =	sor.u32 $0x1C380, s13;
	[sflag:s3] =	ssyncset.done $0x0  }
0x178: {  	[sflag:s3] =	ssyncadd.s32 $0xFFFFC000  }
0x179: {  	[tilespmem:s31], [sflag:$0x1] =	stream.indirect.gather [hbm4b:s1+s29], $0x80, s14, s29, $0xb8;
	[tilespmem:$0x1D000] =	vst v63  }
0x17a: {  	_ =	swait.ge [sflag:s30], $0x4000  }
0x17b: {  	s13 =	sor.u32 $0x1CB80, s13;
	[sflag:s30] =	ssyncset.done $0x0  }
0x17c: {  	[sflag:s30] =	ssyncadd.s32 $0xFFFFC000  }
0x17d: {  	[spmem:s4] =	stream.indirect.scatter.add.f32 [tilespmem:s31], [sflag:$0x3], $0x80, s13, s29, $0xb8;
	[tilespmem:$0x1D000] =	vst v63  }
.Ltmp5:
0x17e: {  	_ = 	snop;
	(pc) =	sbr.rel @!p1 .LBB2_3-.Ltmp5, $4  }
0x17f: {  	_ =	swait.ge [sflag:s0], $0x4000  }
0x180: {  	[sflag:s0] =	ssyncset.done $0x0  }
0x181: {  	[sflag:s0] =	ssyncadd.s32 $0xFFFFC000  }
0x182: {  	s2 =	sadd.s32 $0x80, s2;
	_ =	swait.ge [sflag:s3], $0x4000  }
.Ltmp6:
0x183: {  	(pc) =	sbr.rel .LBB2_8-.Ltmp6, $3  }
0x184: {  	_ =	sdelay $0x1  }
0x185: {  	[sflag:s3] =	ssyncset.done $0x0  }
0x186: {  	[sflag:s3] =	ssyncadd.s32 $0xFFFFC000  }
.LBB2_9:
0x187: {  	_ =	sfence.sel $0x180000  }
0x188: {  	[bflag:$0x0] =	sbarrier.arrive $0xFFFF  }
0x189: {  	_ =	strace $0x9000004D  }
0x18a: {  	s0 =	stileid.u32;
	[bflag:$0x2] =	sbarrier.arrive $0xFFFF  }
0x18b: {  	p0 =	sne.s32 s0, $0x0;
	s0 =	rddreg [dreg:$0x4]  }
0x18c: {  	s0 =	sadd.s32 @!p0 $0x100000, s0  }
0x18d: {  	[sflag:s0] =	ssyncadd.tile.s32 @!p0 $0x1;
	_ =	shalt  }
.Lfunc_end2:
_tile_overlayer_lowered:
.L_overlay_start_2:
0x18e: {  	(tag) =	ssettag $0x2  }
0x18f: {  	s0 =	rddreg [dreg:$0x0];
	s2 =	stileid.u32  }
0x190: {  	s1 =	rddreg [dreg:$0x1];
	p0 =	sne.s32 s2, $0x0  }
0x191: {  	s3 =	rddreg [dreg:$0x2];
	[bflag:$0x3] =	sbarrier.arrive $0xFFFF;
	s2 =	simm.s32 @!p0 $0x1C06  }
0x192: {  	[timem:s3], [sflag:s2] =	dma.local @!p0 [hbm:s0], s1  }
0x193: {  	s0 =	simm.s32 @!p0 $0x6  }
0x194: {  	_ =	swait.ge @!p0 [sflag:s0], s1  }
0x195: {  	s1 =	ssub.s32 @!p0 $0x0, s1;
	[sflag:s0] =	ssyncset.done @!p0 $0x0  }
0x196: {  	[sflag:s0] =	ssyncadd.s32 @!p0 s1  }
0x197: {  	[bflag:$0x3] =	sbarrier.arrive $0xFFFF  }
0x198: {  	_ =	shalt  }

// kernel: kernel.17.cloned.1.call-start
scs
__scs_entry_jumppad:
0x0: {  	(pc) =	sbr.rel $0x88, $3  }
0x1: {  	(tag) =	ssettag $0x0;
	lr =	simm.s32 $0x1  }
0x2: {  	[smem:$0x3F95] =	sst lr;
	_ =	strace $0xD0000000  }
0x3: {  	_ = 	snop  }
0x4: {  	_ = 	snop  }
0x5: {  	_ = 	snop  }
0x6: {  	_ = 	snop  }
0x7: {  	_ = 	snop  }
__scs_overlays_trampoline_lowered:
0x8: {  	[smem:$0x3FA4] =	sst s0  }
0x9: {  	[smem:$0x3FA5] =	sst s1  }
0xa: {  	[smem:$0x3FA6] =	sst s2  }
0xb: {  	[smem:$0x3FA7] =	sst s3  }
0xc: {  	[smem:$0x3FA8] =	sst s4  }
0xd: {  	[smem:$0x3FA9] =	sst s5  }
0xe: {  	[smem:$0x3FAA] =	sst s6  }
0xf: {  	[smem:$0x3FAB] =	sst s7  }
0x10: {  	[smem:$0x3FAC] =	sst s8  }
0x11: {  	[smem:$0x3FAD] =	sst s9;
	s0 =	simm.s32 @!p0 $0x0  }
0x12: {  	s1 =	sld [smem:$0x3F93];
	s0 =	simm.s32 @p0 $0x1  }
0x13: {  	[smem:$0x3FAE] =	sst s0;
	s0 =	simm.s32 @!p1 $0x0  }
0x14: {  	s2 =	sld [smem:$0x3F92];
	s0 =	simm.s32 @p1 $0x1  }
0x15: {  	[smem:$0x3FAF] =	sst s0;
	s0 =	simm.s32 @!p2 $0x0  }
0x16: {  	s3 =	sld [smem:$0x3FDB];
	s0 =	simm.s32 @p2 $0x1  }
0x17: {  	s4 =	simm.s32 $0x1BF5;
	[smem:$0x3FB1] =	sst s0  }
0x18: {  	s0 =	sld [smem:$0x3F94];
	_ =	swait.ge [sflag:s4], $0x0  }
0x19: {  	s7 =	sld [smem:$0x3F95]  }
0x1a: {  	s8 =	sadd.s32 $0xFFFFE003, lr  }
0x1b: {  	s9 =	sadd.s32 $0xFFFFFEF7, lr;
	s5 =	simm.s32 $0xFFFFFFFF;
	p2 =	slt.u32 s8, $0xFFFFF086  }
0x1c: {  	p1 =	slt.u32 s9, $0xF7A;
	s5 =	simm.s32 @!p2 $0x0  }
0x1d: {  	s5 =	simm.s32 @p1 $0x1;
	p0 =	seq.s32 s7, s2  }
0x1e: {  	s7 =	smul.u32 @!p0 $0xF7A, s2;
	p2 =	seq.s32 @!p0 s5, $0x0  }
0x1f: {  	s9 =	smul.u32 $0xF7A, s1;
	s8 =	simm.s32 @!p0 $0x1BF5;
	p2 =	por !p2, p0  }
0x20: {  	[sflag:s8] =	ssyncset.s32 @!p0 $0xFFFFF086;
	s6 =	sadd.s32 @!p0 s3, s7;
	s7 =	simm.s32 @!p0 $0x108  }
0x21: {  	s3 =	sadd.s32 s3, s9;
	s6 =	sadd.s32 @!p0 $0x88, s6;
	s7 =	simm.s32 @p2 $0x1082  }
0x22: {  	[simem:s7], [sflag:s8] =	dma.local @!p0 [hbm:s6], $0xF7A  }
0x23: {  	s9 =	sor.u32 $0xD0000000, s2;
	s6 =	simm.s32 $0x108;
	_ =	swait.ge @!p0 [sflag:s8], $0x0  }
0x24: {  	s3 =	sadd.s32 $0x88, s3;
	s6 =	simm.s32 @!p1 $0x1082;
	[sflag:s4] =	ssyncset.s32 $0xFFFFF086  }
0x25: {  	[simem:s6], [sflag:s4] =	dma.local [hbm:s3], $0xF7A  }
0x26: {  	[smem:$0x3F95] =	sst s1;
	(tag) =	ssettag s2;
	_ =	strace s9  }
0x27: {  	s1 =	sld [smem:$0x3FA5]  }
0x28: {  	s2 =	sld [smem:$0x3FA6]  }
0x29: {  	s4 =	sld [smem:$0x3FA8]  }
0x2a: {  	p0 =	seq.s32 s5, $0x0;
	s5 =	sld [smem:$0x3FA9]  }
0x2b: {  	s6 =	sld [smem:$0x3FAA]  }
0x2c: {  	s7 =	sld [smem:$0x3FAB]  }
0x2d: {  	s3 =	simm.s32 $0x108;
	s8 =	sld [smem:$0x3FAC]  }
0x2e: {  	s3 =	simm.s32 @!p0 $0x1082;
	s9 =	sld [smem:$0x3FAD]  }
0x2f: {  	lr =	sadd.s32 s0, s3;
	s0 =	sld [smem:$0x3FA4]  }
0x30: {  	s3 =	sld [smem:$0x3FA7]  }
0x31: {  	[smem:$0x3FB0] =	sst s10  }
0x32: {  	s10 =	sld [smem:$0x3FAE];
	_ =	sdelay $0x3  }
0x33: {  	p0 =	seq.s32 s10, $0x1;
	s10 =	sld [smem:$0x3FB0];
	_ =	sdelay $0x3  }
0x34: {  	[smem:$0x3FB0] =	sst s10  }
0x35: {  	s10 =	sld [smem:$0x3FAF];
	_ =	sdelay $0x3  }
0x36: {  	p1 =	seq.s32 s10, $0x1;
	s10 =	sld [smem:$0x3FB0];
	_ =	sdelay $0x3  }
0x37: {  	[smem:$0x3FB0] =	sst s10  }
0x38: {  	s10 =	sld [smem:$0x3FB1]  }
0x39: {  	_ = 	snop;
	(pc) =	sbr.ind lr, $3  }
0x3a: {  	_ = 	snop  }
0x3b: {  	_ = 	snop  }
0x3c: {  	p2 =	seq.s32 s10, $0x1;
	s10 =	sld [smem:$0x3FB0]  }
0x3d: {  	_ =	shalt  }
0x3e: {  	_ =	shalt  }
0x3f: {  	_ =	shalt  }
0x40: {  	_ =	shalt  }
0x41: {  	_ =	shalt  }
0x42: {  	_ =	shalt  }
0x43: {  	_ =	shalt  }
0x44: {  	_ =	shalt  }
0x45: {  	_ =	shalt  }
0x46: {  	_ =	shalt  }
0x47: {  	_ =	shalt  }
0x48: {  	_ =	shalt  }
0x49: {  	_ =	shalt  }
0x4a: {  	_ =	shalt  }
0x4b: {  	_ =	shalt  }
0x4c: {  	_ =	shalt  }
0x4d: {  	_ =	shalt  }
0x4e: {  	_ =	shalt  }
0x4f: {  	_ =	shalt  }
0x50: {  	_ =	shalt  }
0x51: {  	_ =	shalt  }
0x52: {  	_ =	shalt  }
0x53: {  	_ =	shalt  }
0x54: {  	_ =	shalt  }
0x55: {  	_ =	shalt  }
0x56: {  	_ =	shalt  }
0x57: {  	_ =	shalt  }
0x58: {  	_ =	shalt  }
0x59: {  	_ =	shalt  }
0x5a: {  	_ =	shalt  }
0x5b: {  	_ =	shalt  }
0x5c: {  	_ =	shalt  }
0x5d: {  	_ =	shalt  }
0x5e: {  	_ =	shalt  }
0x5f: {  	_ =	shalt  }
0x60: {  	_ =	shalt  }
0x61: {  	_ =	shalt  }
0x62: {  	_ =	shalt  }
0x63: {  	_ =	shalt  }
0x64: {  	_ =	shalt  }
0x65: {  	_ =	shalt  }
0x66: {  	_ =	shalt  }
0x67: {  	_ =	shalt  }
0x68: {  	_ =	shalt  }
0x69: {  	_ =	shalt  }
0x6a: {  	_ =	shalt  }
0x6b: {  	_ =	shalt  }
0x6c: {  	_ =	shalt  }
0x6d: {  	_ =	shalt  }
0x6e: {  	_ =	shalt  }
0x6f: {  	_ =	shalt  }
0x70: {  	_ =	shalt  }
0x71: {  	_ =	shalt  }
0x72: {  	_ =	shalt  }
0x73: {  	_ =	shalt  }
0x74: {  	_ =	shalt  }
0x75: {  	_ =	shalt  }
0x76: {  	_ =	shalt  }
0x77: {  	_ =	shalt  }
0x78: {  	_ =	shalt  }
0x79: {  	_ =	shalt  }
0x7a: {  	_ =	shalt  }
0x7b: {  	_ =	shalt  }
0x7c: {  	_ =	shalt  }
0x7d: {  	_ =	shalt  }
0x7e: {  	_ =	shalt  }
0x7f: {  	_ =	shalt  }
0x80: {  	_ =	shalt  }
0x81: {  	_ =	shalt  }
0x82: {  	_ =	shalt  }
0x83: {  	_ =	shalt  }
0x84: {  	_ =	shalt  }
0x85: {  	_ =	shalt  }
0x86: {  	_ =	shalt  }
0x87: {  	_ =	shalt  }
.Lfunc_end0:
.L_simem_size_0:
called_computation.3_lowered:
.L_overlay_start_0:
0x88: {  	s2 =	sld [smem:$0x3FD9]  }
0x89: {  	s3 =	sld [smem:$0x3FFE];
	_ =	sdelay $0x1  }
0x8a: {  	s1 =	srdreg.scid  }
0x8b: {  	s0 =	sand.u32 $0x1, s1  }
0x8c: {  	s14 =	sshll.u32 s0, $0xA;
	s2 =	sadd.s32 s3, s2  }
0x8d: {  	s2 =	sadd.s32 s2, s14  }
0x8e: {  	[smem:$0x3FBC] =	sst s2  }
0x8f: {  	_ = 	snop  }
0x90: {  	s2 =	sld [smem:$0x3FD0];
	_ =	sdelay $0x2  }
0x91: {  	s15 =	simm.s32 $0xB;
	s4 =	simm.s32 $0x10  }
0x92: {  	[smem:s4], [sflag:s15] =	dma.local [hbm:s2], $0x1  }
0x93: {  	_ =	swait.eq [sflag:s15], $0x1  }
0x94: {  	[sflag:s15] =	ssyncset.done $0x0  }
0x95: {  	[sflag:s15] =	ssyncadd.s32 $0xFFFFFFFF  }
0x96: {  	s16 =	sld [smem:$0x11];
	(tm) =	ssettm $0x1  }
0x97: {  	s17 =	sld [smem:$0x3FFB];
	_ =	sdelay $0x3  }
0x98: {  	_ =	strace s17  }
0x99: {  	s3 =	sld [smem:$0x3FFC];
	_ =	sdelay $0x3  }
0x9a: {  	_ =	strace s3  }
0x9b: {  	s3 =	sld [smem:$0x3FFD];
	_ =	sdelay $0x3  }
0x9c: {  	_ =	strace s3  }
0x9d: {  	_ =	strace $0x8FFFFFFF  }
0x9e: {  	s18 =	sld [smem:$0x3FDB];
	_ =	sdelay $0x1  }
0x9f: {  	s19 =	simm.s32 $_scs_section_size  }
0xa0: {  	s5 =	simm.s32 $_size__tile_overlayer_lowered;
	s6 =	simm.s32 $_tile_overlayer_lowered  }
0xa1: {  	s22 =	simm.s32 $0x1BFF;
	s21 =	sshll.u32 s6, $0x1;
	s3 =	sadd.s32 s19, s18  }
0xa2: {  	s7 =	simm.s32 $0x0;
	s20 =	sshll.u32 s5, $0x1;
	s5 =	sadd.s32 s21, s3  }
0xa3: {  	[timem:s7], [sflag:s22] =	dma.local [hbm:s5], s20  }
0xa4: {  	_ =	swait.ge [sflag:s22], s20  }
0xa5: {  	s4 =	ssub.s32 $0x0, s20;
	[sflag:s22] =	ssyncset.done $0x0  }
0xa6: {  	[sflag:s22] =	ssyncadd.s32 s4;
	_ =	sdelay $0x1  }
0xa7: {  	s23 =	simm.s32 $0x1B8B  }
0xa8: {  	_ =	swait.ge [sflag:s23], $0x1  }
0xa9: {  	[sflag:s23] =	ssyncset.done $0x0  }
0xaa: {  	s25 =	simm.s32 $0x1B8E;
	s24 =	sld [smem:$0x3FFE];
	[sflag:s23] =	ssyncadd.s32 $0xFFFFFFFF  }
0xab: {  	s26 =	simm.s32 $execute0_lowered;
	[smem:$0x3FD2] =	sst s25  }
0xac: {  	s5 =	sshll.u32 s26, $0x1;
	_ =	strace $0x8000004F;
	[dreg:$0x1] =	wrdreg $0xFFFFFFFF  }
0xad: {  	s28 =	simm.s32 $_size_execute0_lowered;
	s3 =	sadd.s32 s3, s5;
	[dreg:$0x0] =	wrdreg $0x0  }
0xae: {  	s5 =	sshll.u32 s28, $0x1;
	[dreg:$0x2] =	wrdreg s3  }
0xaf: {  	[dreg:$0x3] =	wrdreg s5  }
0xb0: {  	[dreg:$0x4] =	wrdreg $0xC0  }
0xb1: {  	_ =	task [dreg:s7], $0x5FFFF  }
0xb2: {  	[dreg:$0x1] =	wrdreg $0xFFFFFFFF  }
0xb3: {  	[dreg:$0x0] =	wrdreg $0x60  }
0xb4: {  	[dreg:$0x2] =	wrdreg s16  }
0xb5: {  	[dreg:$0x3] =	wrdreg s24  }
0xb6: {  	[dreg:$0x4] =	wrdreg $0x9  }
0xb7: {  	_ =	task.clear_ibuf [dreg:s7], $0x5FFFF;
	_ =	strace $0x9000004F  }
0xb8: {  	s29 =	simm.s32 $0x9;
	_ =	strace $0x80000051  }
0xb9: {  	_ =	swait.ge [sflag:s29], $0x1  }
0xba: {  	[sflag:s29] =	ssyncadd.s32 $0xFFFFFFFF  }
0xbb: {  	_ =	strace $0x90000051  }
0xbc: {  	_ =	sfence  }
0xbd: {  	s30 =	sld [smem:$0x0];
	_ =	sdelay $0x2  }
0xbe: {  	s31 =	sshll.u32 s1, $0xD;
	s1 =	sshrl.u32 s1, $0x2  }
0xbf: {  	s3 =	sand.u32 $0x4000, s31;
	s1 =	sadd.s32 s1, s30  }
0xc0: {  	s0 =	sor.u32 s3, s0;
	s1 =	sshll.u32 s1, $0x11  }
0xc1: {  	s0 =	sor.u32 s1, s0  }
0xc2: {  	s0 =	sadd.s32 $0x8F2B, s0  }
0xc3: {  	[sflag:s0] =	ssyncadd.remote.s32 $0x1  }
0xc4: {  	_ =	sfence.sel $0xFFFF  }
0xc5: {  	[dreg:$0x0] =	wrdreg $0xFFFFFFFF;
	(pc) =	sbr.abs _section_cstart, $3  }
0xc6: {  	[dreg:$0x1] =	wrdreg $0xFFFFFFFF  }
0xc7: {  	_ =	task.clear_ibuf [dreg:s7], $0x2FFFF;
	_ =	strace $0x9FFFFFFF  }
0xc8: {  	(tm) =	ssettm $0x7FFFFFFF  }
0xc9: {  	_ =	shalt  }
tec
execute0_lowered:
.L_overlay_start_1:
0x0: {  	(tag) =	ssettag $0x1  }
0x1: {  	s2 =	rddreg [dreg:$0x0]  }
0x2: {  	s0 =	srdreg.scid;
	s5 =	rddreg [dreg:$0x1]  }
0x3: {  	s3 =	simm.s32 $0x0;
	s10 =	simm.s32 $0x2800;
	s4 =	sand.u32 $0x1, s0  }
0x4: {  	s11 =	simm.s32 $0x5000;
	s0 =	stileid.u32;
	s1 =	sshll.u32 s4, $0x4  }
0x5: {  	s12 =	simm.s32 $0x6400;
	s13 =	simm.s32 $0x7800;
	s6 =	sor.u32 s0, s1  }
0x6: {  	s14 =	simm.s32 $0x0;
	[smem:$0x7FF] =	sst s3;
	s6 =	smul.u32 $0x280, s6  }
0x7: {  	s7 =	ssub.s32 $0x2, s4;
	s4 =	sadd.s32 $0x2200, s5;
	s1 =	rddreg [dreg:$0x2]  }
0x8: {  	_ =	strace $0x80000050;
	s31 =	sshrl.u32 s7, $0x1;
	s8 =	sadd.s32 s6, s5  }
0x9: {  	s9 =	ssub.s32 s7, s31;
	s5 =	sadd.s32 $0x7200, s8;
	s6 =	sadd.s32 $0x33400, s8  }
0xa: {  	s7 =	sadd.s32 $0xC200, s8;
	s8 =	smax.u32 s9, $0x1;
	s9 =	simm.s32 $0x1  }
.LBB2_1:
0xb: {  	[tilespmem:s3], [sflag:$0x1] =	stream.linear.gather [hbm4b:s2+s3], $0x2800, $0x38;
	[tilespmem:$0x8C00] =	vst v63  }
0xc: {  	_ =	swait.ge [sflag:s9], $0x2800  }
0xd: {  	[sflag:s9] =	ssyncset.done $0x0  }
0xe: {  	[sflag:s9] =	ssyncadd.s32 $0xFFFFD800  }
0xf: {  	[tilespmem:s10], [sflag:$0x1] =	stream.linear.gather [hbm4b:s4+s3], $0x2800, $0x38;
	[tilespmem:$0x8C00] =	vst v63  }
0x10: {  	_ =	swait.ge [sflag:s9], $0x2800  }
0x11: {  	[sflag:s9] =	ssyncset.done $0x0  }
0x12: {  	[sflag:s9] =	ssyncadd.s32 $0xFFFFD800  }
0x13: {  	[tilespmem:s11], [sflag:$0x1] =	stream.linear.gather [hbm4b:s5+s3], $0x1400, $0x38;
	[tilespmem:$0x8C00] =	vst v63  }
0x14: {  	_ =	swait.ge [sflag:s9], $0x1400  }
0x15: {  	[sflag:s9] =	ssyncset.done $0x0  }
0x16: {  	[sflag:s9] =	ssyncadd.s32 $0xFFFFEC00  }
0x17: {  	[tilespmem:s12], [sflag:$0x1] =	stream.linear.gather [hbm4b:s6+s3], $0x1400, $0x38;
	[tilespmem:$0x8C00] =	vst v63  }
0x18: {  	_ =	swait.ge [sflag:s9], $0x1400  }
0x19: {  	[sflag:s9] =	ssyncset.done $0x0  }
0x1a: {  	s15 =	simm.s32 $0x0;
	[sflag:s9] =	ssyncadd.s32 $0xFFFFEC00  }
0x1b: {  	v0 =	vld [tilespmem:s15+$0x6400]  }
0x1c: {  	v1 =	vld [tilespmem:s15+$0x5000];
	_ =	sdelay $0x6  }
0x1d: {  	v0 =	vld.idx.msk [tilespmem:v0+s10+$0x0], $0xffff  }
0x1e: {  	v1 =	vld.idx.msk [tilespmem:v1+s3+$0x0], $0xffff;
	_ =	sdelay $0x4  }
0x1f: {  	v0 =	vadd.f32 v0, v1;
	_ =	sdelay $0x1  }
0x20: {  	v0 =	vsub.f32 $0.0e+00, v0;
	_ =	sdelay $0x1  }
0x21: {  	v0 =	vmul.f32 $1.442695020e+00, v0;
	_ =	sdelay $0x1  }
0x22: {  	(erf) = vpow2.f32 v0;
	_ =	sdelay $0x8  }
0x23: {  	v0 =	vpop (erf)  }
0x24: {  	v0 =	vadd.f32 $1.000000000e+00, v0;
	_ =	sdelay $0x1  }
0x25: {  	(erf) = vrcp.f32 v0;
	_ =	sdelay $0x1  }
0x26: {  	s17 =	simm.s32 $0x10  }
0x27: {  	s16 =	simm.s32 $0x80;
	v0 =	vld [tilespmem:s17+$0x6400]  }
.LBB2_2:
0x28: {  	p0 =	sne.s32 s16, $0x4FC0;
	v1 =	vld [tilespmem:s17+$0x5000];
	_ =	sdelay $0x4  }
0x29: {  	v2 =	vpop (erf)  }
0x2a: {  	[tilespmem:s15+$0x7800] =	vst v2;
	s15 =	smov.u32 s17  }
0x2b: {  	v0 =	vld.idx.msk [tilespmem:v0+s10+$0x0], $0xffff  }
0x2c: {  	v1 =	vld.idx.msk [tilespmem:v1+s3+$0x0], $0xffff;
	_ =	sdelay $0x5  }
0x2d: {  	v0 =	vadd.f32 v0, v1;
	_ =	sdelay $0x1  }
0x2e: {  	v0 =	vsub.f32 $0.0e+00, v0;
	_ =	sdelay $0x1  }
0x2f: {  	v0 =	vmul.f32 $1.442695020e+00, v0;
	_ =	sdelay $0x1  }
0x30: {  	(erf) = vpow2.f32 v0;
	_ =	sdelay $0x8  }
0x31: {  	v0 =	vpop (erf)  }
0x32: {  	v0 =	vadd.f32 $1.000000000e+00, v0  }
.Ltmp0:
0x33: {  	(pc) =	sbr.rel @p0 .LBB2_2-.Ltmp0, $3  }
0x34: {  	(erf) = vrcp.f32 v0;
	_ =	sdelay $0x1  }
0x35: {  	s17 =	sshra.s32 s16, $0x2  }
0x36: {  	s16 =	sadd.s32 $0x40, s16;
	v0 =	vld [tilespmem:s17+$0x6400]  }
0x37: {  	_ = 	snop  }
0x38: {  	v1 =	vld [tilespmem:s17+$0x5000];
	_ =	sdelay $0x4  }
0x39: {  	v2 =	vpop (erf)  }
0x3a: {  	[tilespmem:s15+$0x7800] =	vst v2  }
0x3b: {  	v0 =	vld.idx.msk [tilespmem:v0+s10+$0x0], $0xffff  }
0x3c: {  	v1 =	vld.idx.msk [tilespmem:v1+s3+$0x0], $0xffff;
	_ =	sdelay $0x4  }
0x3d: {  	v0 =	vadd.f32 v0, v1;
	_ =	sdelay $0x1  }
0x3e: {  	v0 =	vsub.f32 $0.0e+00, v0;
	_ =	sdelay $0x1  }
0x3f: {  	v0 =	vmul.f32 $1.442695020e+00, v0;
	_ =	sdelay $0x1  }
0x40: {  	(erf) = vpow2.f32 v0;
	_ =	sdelay $0x8  }
0x41: {  	v0 =	vpop (erf)  }
0x42: {  	v0 =	vadd.f32 $1.000000000e+00, v0;
	_ =	sdelay $0x1  }
0x43: {  	(erf) = vrcp.f32 v0;
	_ =	sdelay $0x7  }
0x44: {  	s14 =	sadd.s32 $0x1, s14  }
0x45: {  	p0 =	sne.s32 s14, s8;
	v0 =	vpop (erf)  }
.Ltmp1:
0x46: {  	[tilespmem:s17+$0x7800] =	vst v0;
	(pc) =	sbr.rel @p0 .LBB2_1-.Ltmp1, $4  }
0x47: {  	[hbm4b:s7+s3] =	stream.linear.scatter [tilespmem:s13], [sflag:$0x1], $0x1400, $0x38;
	[tilespmem:$0x8C00] =	vst v63  }
0x48: {  	_ =	swait.ge [sflag:s9], $0x1400  }
0x49: {  	[sflag:s9] =	ssyncset.done $0x0  }
0x4a: {  	[sflag:s9] =	ssyncadd.s32 $0xFFFFEC00  }
0x4b: {  	_ =	sfence.sel $0x180000  }
0x4c: {  	[bflag:$0x0] =	sbarrier.arrive $0xFFFF  }
0x4d: {  	p0 =	sne.s32 s0, $0x0;
	_ =	strace $0x90000050  }
0x4e: {  	s0 =	sadd.s32 @!p0 $0x100000, s1;
	[bflag:$0x2] =	sbarrier.arrive $0xFFFF  }
0x4f: {  	[sflag:s0] =	ssyncadd.tile.s32 @!p0 $0x1;
	_ =	shalt  }
.Lfunc_end2:
_tile_overlayer_lowered:
.L_overlay_start_2:
0x50: {  	(tag) =	ssettag $0x2  }
0x51: {  	s0 =	rddreg [dreg:$0x0];
	s2 =	stileid.u32  }
0x52: {  	s1 =	rddreg [dreg:$0x1];
	p0 =	sne.s32 s2, $0x0  }
0x53: {  	s3 =	rddreg [dreg:$0x2];
	[bflag:$0x3] =	sbarrier.arrive $0xFFFF;
	s2 =	simm.s32 @!p0 $0x1C01  }
0x54: {  	[timem:s3], [sflag:s2] =	dma.local @!p0 [hbm:s0], s1  }
0x55: {  	s0 =	simm.s32 @!p0 $0x1  }
0x56: {  	_ =	swait.ge @!p0 [sflag:s0], s1  }
0x57: {  	s1 =	ssub.s32 @!p0 $0x0, s1;
	[sflag:s0] =	ssyncset.done @!p0 $0x0  }
0x58: {  	[sflag:s0] =	ssyncadd.s32 @!p0 s1  }
0x59: {  	[bflag:$0x3] =	sbarrier.arrive $0xFFFF  }
0x5a: {  	_ =	shalt  }

// kernel: kernel.8.cloned.1.call-start
scs
__scs_entry_jumppad:
0x0: {  	(pc) =	sbr.rel $0x88, $3  }
0x1: {  	(tag) =	ssettag $0x0;
	lr =	simm.s32 $0x1  }
0x2: {  	[smem:$0x3F95] =	sst lr;
	_ =	strace $0xD0000000  }
0x3: {  	_ = 	snop  }
0x4: {  	_ = 	snop  }
0x5: {  	_ = 	snop  }
0x6: {  	_ = 	snop  }
0x7: {  	_ = 	snop  }
__scs_overlays_trampoline_lowered:
0x8: {  	[smem:$0x3FA4] =	sst s0  }
0x9: {  	[smem:$0x3FA5] =	sst s1  }
0xa: {  	[smem:$0x3FA6] =	sst s2  }
0xb: {  	[smem:$0x3FA7] =	sst s3  }
0xc: {  	[smem:$0x3FA8] =	sst s4  }
0xd: {  	[smem:$0x3FA9] =	sst s5  }
0xe: {  	[smem:$0x3FAA] =	sst s6  }
0xf: {  	[smem:$0x3FAB] =	sst s7  }
0x10: {  	[smem:$0x3FAC] =	sst s8  }
0x11: {  	[smem:$0x3FAD] =	sst s9;
	s0 =	simm.s32 @!p0 $0x0  }
0x12: {  	s1 =	sld [smem:$0x3F93];
	s0 =	simm.s32 @p0 $0x1  }
0x13: {  	[smem:$0x3FAE] =	sst s0;
	s0 =	simm.s32 @!p1 $0x0  }
0x14: {  	s2 =	sld [smem:$0x3F92];
	s0 =	simm.s32 @p1 $0x1  }
0x15: {  	[smem:$0x3FAF] =	sst s0;
	s0 =	simm.s32 @!p2 $0x0  }
0x16: {  	s3 =	sld [smem:$0x3FDB];
	s0 =	simm.s32 @p2 $0x1  }
0x17: {  	s4 =	simm.s32 $0x1BF5;
	[smem:$0x3FB1] =	sst s0  }
0x18: {  	s0 =	sld [smem:$0x3F94];
	_ =	swait.ge [sflag:s4], $0x0  }
0x19: {  	s7 =	sld [smem:$0x3F95]  }
0x1a: {  	s8 =	sadd.s32 $0xFFFFE003, lr  }
0x1b: {  	s9 =	sadd.s32 $0xFFFFFEF7, lr;
	s5 =	simm.s32 $0xFFFFFFFF;
	p2 =	slt.u32 s8, $0xFFFFF086  }
0x1c: {  	p1 =	slt.u32 s9, $0xF7A;
	s5 =	simm.s32 @!p2 $0x0  }
0x1d: {  	s5 =	simm.s32 @p1 $0x1;
	p0 =	seq.s32 s7, s2  }
0x1e: {  	s7 =	smul.u32 @!p0 $0xF7A, s2;
	p2 =	seq.s32 @!p0 s5, $0x0  }
0x1f: {  	s9 =	smul.u32 $0xF7A, s1;
	s8 =	simm.s32 @!p0 $0x1BF5;
	p2 =	por !p2, p0  }
0x20: {  	[sflag:s8] =	ssyncset.s32 @!p0 $0xFFFFF086;
	s6 =	sadd.s32 @!p0 s3, s7;
	s7 =	simm.s32 @!p0 $0x108  }
0x21: {  	s3 =	sadd.s32 s3, s9;
	s6 =	sadd.s32 @!p0 $0x88, s6;
	s7 =	simm.s32 @p2 $0x1082  }
0x22: {  	[simem:s7], [sflag:s8] =	dma.local @!p0 [hbm:s6], $0xF7A  }
0x23: {  	s9 =	sor.u32 $0xD0000000, s2;
	s6 =	simm.s32 $0x108;
	_ =	swait.ge @!p0 [sflag:s8], $0x0  }
0x24: {  	s3 =	sadd.s32 $0x88, s3;
	s6 =	simm.s32 @!p1 $0x1082;
	[sflag:s4] =	ssyncset.s32 $0xFFFFF086  }
0x25: {  	[simem:s6], [sflag:s4] =	dma.local [hbm:s3], $0xF7A  }
0x26: {  	[smem:$0x3F95] =	sst s1;
	(tag) =	ssettag s2;
	_ =	strace s9  }
0x27: {  	s1 =	sld [smem:$0x3FA5]  }
0x28: {  	s2 =	sld [smem:$0x3FA6]  }
0x29: {  	s4 =	sld [smem:$0x3FA8]  }
0x2a: {  	p0 =	seq.s32 s5, $0x0;
	s5 =	sld [smem:$0x3FA9]  }
0x2b: {  	s6 =	sld [smem:$0x3FAA]  }
0x2c: {  	s7 =	sld [smem:$0x3FAB]  }
0x2d: {  	s3 =	simm.s32 $0x108;
	s8 =	sld [smem:$0x3FAC]  }
0x2e: {  	s3 =	simm.s32 @!p0 $0x1082;
	s9 =	sld [smem:$0x3FAD]  }
0x2f: {  	lr =	sadd.s32 s0, s3;
	s0 =	sld [smem:$0x3FA4]  }
0x30: {  	s3 =	sld [smem:$0x3FA7]  }
0x31: {  	[smem:$0x3FB0] =	sst s10  }
0x32: {  	s10 =	sld [smem:$0x3FAE];
	_ =	sdelay $0x3  }
0x33: {  	p0 =	seq.s32 s10, $0x1;
	s10 =	sld [smem:$0x3FB0];
	_ =	sdelay $0x3  }
0x34: {  	[smem:$0x3FB0] =	sst s10  }
0x35: {  	s10 =	sld [smem:$0x3FAF];
	_ =	sdelay $0x3  }
0x36: {  	p1 =	seq.s32 s10, $0x1;
	s10 =	sld [smem:$0x3FB0];
	_ =	sdelay $0x3  }
0x37: {  	[smem:$0x3FB0] =	sst s10  }
0x38: {  	s10 =	sld [smem:$0x3FB1]  }
0x39: {  	_ = 	snop;
	(pc) =	sbr.ind lr, $3  }
0x3a: {  	_ = 	snop  }
0x3b: {  	_ = 	snop  }
0x3c: {  	p2 =	seq.s32 s10, $0x1;
	s10 =	sld [smem:$0x3FB0]  }
0x3d: {  	_ =	shalt  }
0x3e: {  	_ =	shalt  }
0x3f: {  	_ =	shalt  }
0x40: {  	_ =	shalt  }
0x41: {  	_ =	shalt  }
0x42: {  	_ =	shalt  }
0x43: {  	_ =	shalt  }
0x44: {  	_ =	shalt  }
0x45: {  	_ =	shalt  }
0x46: {  	_ =	shalt  }
0x47: {  	_ =	shalt  }
0x48: {  	_ =	shalt  }
0x49: {  	_ =	shalt  }
0x4a: {  	_ =	shalt  }
0x4b: {  	_ =	shalt  }
0x4c: {  	_ =	shalt  }
0x4d: {  	_ =	shalt  }
0x4e: {  	_ =	shalt  }
0x4f: {  	_ =	shalt  }
0x50: {  	_ =	shalt  }
0x51: {  	_ =	shalt  }
0x52: {  	_ =	shalt  }
0x53: {  	_ =	shalt  }
0x54: {  	_ =	shalt  }
0x55: {  	_ =	shalt  }
0x56: {  	_ =	shalt  }
0x57: {  	_ =	shalt  }
0x58: {  	_ =	shalt  }
0x59: {  	_ =	shalt  }
0x5a: {  	_ =	shalt  }
0x5b: {  	_ =	shalt  }
0x5c: {  	_ =	shalt  }
0x5d: {  	_ =	shalt  }
0x5e: {  	_ =	shalt  }
0x5f: {  	_ =	shalt  }
0x60: {  	_ =	shalt  }
0x61: {  	_ =	shalt  }
0x62: {  	_ =	shalt  }
0x63: {  	_ =	shalt  }
0x64: {  	_ =	shalt  }
0x65: {  	_ =	shalt  }
0x66: {  	_ =	shalt  }
0x67: {  	_ =	shalt  }
0x68: {  	_ =	shalt  }
0x69: {  	_ =	shalt  }
0x6a: {  	_ =	shalt  }
0x6b: {  	_ =	shalt  }
0x6c: {  	_ =	shalt  }
0x6d: {  	_ =	shalt  }
0x6e: {  	_ =	shalt  }
0x6f: {  	_ =	shalt  }
0x70: {  	_ =	shalt  }
0x71: {  	_ =	shalt  }
0x72: {  	_ =	shalt  }
0x73: {  	_ =	shalt  }
0x74: {  	_ =	shalt  }
0x75: {  	_ =	shalt  }
0x76: {  	_ =	shalt  }
0x77: {  	_ =	shalt  }
0x78: {  	_ =	shalt  }
0x79: {  	_ =	shalt  }
0x7a: {  	_ =	shalt  }
0x7b: {  	_ =	shalt  }
0x7c: {  	_ =	shalt  }
0x7d: {  	_ =	shalt  }
0x7e: {  	_ =	shalt  }
0x7f: {  	_ =	shalt  }
0x80: {  	_ =	shalt  }
0x81: {  	_ =	shalt  }
0x82: {  	_ =	shalt  }
0x83: {  	_ =	shalt  }
0x84: {  	_ =	shalt  }
0x85: {  	_ =	shalt  }
0x86: {  	_ =	shalt  }
0x87: {  	_ =	shalt  }
.Lfunc_end0:
.L_simem_size_0:
called_computation_lowered:
.L_overlay_start_0:
0x88: {  	s2 =	sld [smem:$0x3FD9]  }
0x89: {  	s3 =	sld [smem:$0x3FFE];
	_ =	sdelay $0x1  }
0x8a: {  	s1 =	srdreg.scid  }
0x8b: {  	s0 =	sand.u32 $0x1, s1  }
0x8c: {  	s15 =	sshll.u32 s0, $0xA;
	s2 =	sadd.s32 s3, s2  }
0x8d: {  	s2 =	sadd.s32 s2, s15  }
0x8e: {  	[smem:$0x3FBC] =	sst s2  }
0x8f: {  	_ = 	snop  }
0x90: {  	s2 =	sld [smem:$0x3FD0];
	_ =	sdelay $0x2  }
0x91: {  	s16 =	simm.s32 $0xB;
	s4 =	simm.s32 $0x10  }
0x92: {  	[smem:s4], [sflag:s16] =	dma.local [hbm:s2], $0x1  }
0x93: {  	_ =	swait.eq [sflag:s16], $0x1  }
0x94: {  	[sflag:s16] =	ssyncset.done $0x0  }
0x95: {  	[sflag:s16] =	ssyncadd.s32 $0xFFFFFFFF  }
0x96: {  	s17 =	sld [smem:$0x11];
	(tm) =	ssettm $0x1  }
0x97: {  	s18 =	sld [smem:$0x3FFB];
	_ =	sdelay $0x3  }
0x98: {  	_ =	strace s18  }
0x99: {  	s2 =	sld [smem:$0x3FFC];
	_ =	sdelay $0x3  }
0x9a: {  	_ =	strace s2  }
0x9b: {  	s2 =	sld [smem:$0x3FFD];
	_ =	sdelay $0x3  }
0x9c: {  	_ =	strace s2  }
0x9d: {  	_ =	strace $0x8FFFFFFF  }
0x9e: {  	s19 =	sld [smem:$0x3FDB];
	_ =	sdelay $0x1  }
0x9f: {  	s20 =	simm.s32 $_scs_section_size  }
0xa0: {  	s5 =	simm.s32 $_size__tile_overlayer_lowered;
	s6 =	simm.s32 $_tile_overlayer_lowered  }
0xa1: {  	s7 =	simm.s32 $0x1BFF;
	s21 =	sshll.u32 s6, $0x1;
	s4 =	sadd.s32 s20, s19  }
0xa2: {  	s22 =	simm.s32 $0x0;
	s5 =	sshll.u32 s5, $0x1;
	s6 =	sadd.s32 s21, s4  }
0xa3: {  	[timem:s22], [sflag:s7] =	dma.local [hbm:s6], s5  }
0xa4: {  	_ =	swait.ge [sflag:s7], s5  }
0xa5: {  	s5 =	ssub.s32 $0x0, s5;
	[sflag:s7] =	ssyncset.done $0x0  }
0xa6: {  	[sflag:s7] =	ssyncadd.s32 s5;
	_ =	sdelay $0x1  }
0xa7: {  	s23 =	simm.s32 $0x1B8B  }
0xa8: {  	_ =	swait.ge [sflag:s23], $0x1  }
0xa9: {  	[sflag:s23] =	ssyncset.done $0x0  }
0xaa: {  	[sflag:s23] =	ssyncadd.s32 $0xFFFFFFFF  }
0xab: {  	s5 =	sld [smem:$0x0]  }
0xac: {  	s6 =	sand.u32 $0xFFFFFFFE, s1  }
0xad: {  	p0 =	sne.s32 s1, s6  }
0xae: {  	s6 =	sshll.u32 @p0 s6, $0xE  }
0xaf: {  	s6 =	sadd.s32 @p0 $0x11B8D, s6;
	s7 =	sshll.u32 @p0 s5, $0x11  }
0xb0: {  	s6 =	sor.u32 @p0 s7, s6  }
0xb1: {  	[sflag:s6] =	ssyncadd.remote.s32 @p0 $0x1;
	_ =	sdelay $0x1  }
0xb2: {  	s6 =	simm.s32 @p0 $0x1B8D  }
0xb3: {  	_ =	swait.eq @p0 [sflag:s6], $0x1  }
0xb4: {  	[sflag:s6] =	ssyncadd.s32 @p0 $0xFFFFFFFF  }
0xb5: {  	s7 =	sshll.u32 @!p0 s1, $0xE  }
0xb6: {  	s7 =	sor.u32 @!p0 $0x4000, s7;
	s6 =	simm.s32 @!p0 $0x1B8D  }
0xb7: {  	s5 =	sshll.u32 @!p0 s5, $0x11;
	s7 =	sadd.s32 @!p0 $0x11B8D, s7;
	_ =	swait.eq @!p0 [sflag:s6], $0x1  }
0xb8: {  	s5 =	sor.u32 @!p0 s5, s7;
	[sflag:s6] =	ssyncadd.s32 @!p0 $0xFFFFFFFF  }
0xb9: {  	s25 =	simm.s32 $0x1B8E;
	s24 =	sld [smem:$0x3FFE];
	[sflag:s5] =	ssyncadd.remote.s32 @!p0 $0x1  }
0xba: {  	s26 =	simm.s32 $execute0_lowered;
	[smem:$0x3FD2] =	sst s25  }
0xbb: {  	s6 =	sshll.u32 s26, $0x1;
	_ =	strace $0x80000049;
	[dreg:$0x1] =	wrdreg $0xFFFFFFFF  }
0xbc: {  	s28 =	simm.s32 $_size_execute0_lowered;
	s4 =	sadd.s32 s4, s6;
	[dreg:$0x0] =	wrdreg $0x0  }
0xbd: {  	s6 =	sshll.u32 s28, $0x1;
	[dreg:$0x2] =	wrdreg s4  }
0xbe: {  	[dreg:$0x3] =	wrdreg s6  }
0xbf: {  	[dreg:$0x4] =	wrdreg $0xC0  }
0xc0: {  	_ =	task [dreg:s22], $0x5FFFF  }
0xc1: {  	[dreg:$0x1] =	wrdreg $0xFFFFFFFF  }
0xc2: {  	[dreg:$0x0] =	wrdreg $0x60  }
0xc3: {  	[dreg:$0x2] =	wrdreg s24  }
0xc4: {  	[dreg:$0x3] =	wrdreg s17  }
0xc5: {  	[dreg:$0x4] =	wrdreg $0x0  }
0xc6: {  	[dreg:$0x5] =	wrdreg $0x9  }
0xc7: {  	_ =	task.clear_ibuf [dreg:s22], $0x6FFFF;
	_ =	strace $0x90000049  }
0xc8: {  	s29 =	simm.s32 $0x9;
	_ =	strace $0x8000004B  }
0xc9: {  	_ =	swait.ge [sflag:s29], $0x1  }
0xca: {  	[sflag:s29] =	ssyncadd.s32 $0xFFFFFFFF  }
0xcb: {  	_ =	strace $0x9000004B  }
0xcc: {  	_ =	sfence  }
0xcd: {  	s30 =	sld [smem:$0x0];
	_ =	sdelay $0x2  }
0xce: {  	s31 =	sshll.u32 s1, $0xD;
	s1 =	sshrl.u32 s1, $0x2  }
0xcf: {  	s4 =	sand.u32 $0x4000, s31;
	s1 =	sadd.s32 s1, s30  }
0xd0: {  	s0 =	sor.u32 s4, s0;
	s1 =	sshll.u32 s1, $0x11  }
0xd1: {  	s0 =	sor.u32 s1, s0  }
0xd2: {  	s0 =	sadd.s32 $0x8F2B, s0  }
0xd3: {  	[sflag:s0] =	ssyncadd.remote.s32 $0x1  }
0xd4: {  	_ =	sfence.sel $0xFFFF  }
0xd5: {  	[dreg:$0x0] =	wrdreg $0xFFFFFFFF;
	(pc) =	sbr.abs _section_cstart, $3  }
0xd6: {  	[dreg:$0x1] =	wrdreg $0xFFFFFFFF  }
0xd7: {  	_ =	task.clear_ibuf [dreg:s22], $0x2FFFF;
	_ =	strace $0x9FFFFFFF  }
0xd8: {  	(tm) =	ssettm $0x7FFFFFFF  }
0xd9: {  	_ =	shalt  }
tec
execute0_lowered:
.L_overlay_start_1:
0x0: {  	(tag) =	ssettag $0x1  }
0x1: {  	s0 =	srdreg.scid;
	s1 =	rddreg [dreg:$0x0]  }
0x2: {  	s6 =	stileid.u32;
	s3 =	rddreg [dreg:$0x2];
	s4 =	simm.s32 $0x0  }
0x3: {  	s18 =	simm.s32 $0x14000;
	s19 =	simm.s32 $0x2;
	s20 =	simm.s32 $0x18000  }
0x4: {  	s28 =	simm.s32 $0x1C280;
	s29 =	simm.s32 $0x1C300;
	s5 =	smul.u32 $0x1400, s6  }
0x5: {  	s30 =	simm.s32 $0x1C380;
	s31 =	simm.s32 $0x1;
	s21 =	smul.u32 $0x280, s6  }
0x6: {  	s0 =	sand.u32 $0x1, s0;
	[smem:$0x7FF] =	sst s4;
	s6 =	smul.u32 $0x50000, s6  }
0x7: {  	s7 =	sadd.s32 $0x88400, s1;
	s2 =	smul.u32 $0x14000, s0;
	_ =	strace $0x8000004A  }
0x8: {  	[dreg:$0x4] =	wrdreg s7;
	s22 =	ssub.s32 $0x2, s0;
	s0 =	smul.u32 $0x2800, s0  }
0x9: {  	s8 =	sshrl.u32 s22, $0x1;
	s6 =	sshrl.u32 s6, $0x2;
	s10 =	sadd.s32 $0x80, s21  }
0xa: {  	s13 =	sadd.s32 $0x100, s21;
	s14 =	sadd.s32 $0x180, s21;
	s15 =	sadd.s32 $0x200, s21  }
0xb: {  	s2 =	sadd.s32 s5, s2;
	s16 =	ssub.s32 s22, s8;
	s6 =	sadd.s32 s6, s3  }
0xc: {  	s23 =	sshll.u32 s10, $0x7;
	s24 =	sshll.u32 s13, $0x7;
	s9 =	sshll.u32 s14, $0x7  }
0xd: {  	s11 =	sshll.u32 s15, $0x7;
	s5 =	sadd.s32 s21, s0;
	s12 =	sadd.s32 s0, s10  }
0xe: {  	s25 =	sadd.s32 s0, s13;
	s14 =	sadd.s32 s0, s14;
	s0 =	sadd.s32 s0, s15  }
0xf: {  	s21 =	simm.s32 $0x1C000;
	s22 =	simm.s32 $0x80;
	s2 =	sshrl.u32 s2, $0x3  }
0x10: {  	s7 =	sadd.s32 s23, s3;
	s8 =	sadd.s32 s24, s3;
	s9 =	sadd.s32 s9, s3  }
0x11: {  	s10 =	sadd.s32 s11, s3;
	s5 =	sshll.u32 s5, $0x4;
	s12 =	sshll.u32 s12, $0x4  }
0x12: {  	s26 =	sshll.u32 s14, $0x4;
	s0 =	sshll.u32 s0, $0x4;
	s16 =	smax.u32 s16, $0x1  }
0x13: {  	s23 =	simm.s32 $0x1C080;
	s2 =	sadd.s32 s2, s1;
	s1 =	sadd.s32 $0x88C00, s1  }
0x14: {  	s24 =	simm.s32 $0x1C100;
	s5 =	sadd.s32 s1, s5;
	s12 =	sadd.s32 s1, s12  }
0x15: {  	s14 =	sadd.s32 s1, s26;
	s15 =	sadd.s32 s1, s0;
	s17 =	sadd.s32 $0x33400, s2  }
0x16: {  	s26 =	simm.s32 $0x1C200;
	[dreg:$0x5] =	wrdreg s5;
	s5 =	sshll.u32 s25, $0x4  }
0x17: {  	s25 =	simm.s32 $0x1C180;
	s13 =	sadd.s32 s1, s5;
	s1 =	simm.s32 $0x0  }
.LBB2_1:
0x18: {  	s0 =	rddreg [dreg:$0x4]  }
0x19: {  	[tilespmem:s18], [sflag:$0x2] =	stream.linear.gather [hbm4b:s0+s4], $0x4000, $0x38;
	[tilespmem:$0x1C400] =	vst v63  }
0x1a: {  	_ =	swait.ge [sflag:s19], $0x4000  }
0x1b: {  	[sflag:s19] =	ssyncset.done $0x0  }
0x1c: {  	[sflag:s19] =	ssyncadd.s32 $0xFFFFC000  }
0x1d: {  	s5 =	rddreg [dreg:$0x1]  }
0x1e: {  	[tilespmem:s20], [sflag:$0x2] =	stream.linear.gather [hbm4b:s5+s4], $0x4000, $0x38;
	[tilespmem:$0x1C400] =	vst v63  }
0x1f: {  	_ =	swait.ge [sflag:s19], $0x4000  }
0x20: {  	[sflag:s19] =	ssyncset.done $0x0  }
0x21: {  	[sflag:s19] =	ssyncadd.s32 $0xFFFFC000  }
0x22: {  	[spmem:s6] =	stream.linear.scatter [tilespmem:s20], [sflag:$0x2], $0x4000, $0x38;
	[tilespmem:$0x1C400] =	vst v63  }
0x23: {  	_ =	swait.ge [sflag:s19], $0x4000  }
0x24: {  	[sflag:s19] =	ssyncset.done $0x0  }
0x25: {  	[sflag:s19] =	ssyncadd.s32 $0xFFFFC000  }
0x26: {  	[spmem:s7] =	stream.linear.scatter [tilespmem:s20], [sflag:$0x2], $0x4000, $0x38;
	[tilespmem:$0x1C400] =	vst v63  }
0x27: {  	_ =	swait.ge [sflag:s19], $0x4000  }
0x28: {  	[sflag:s19] =	ssyncset.done $0x0  }
0x29: {  	[sflag:s19] =	ssyncadd.s32 $0xFFFFC000  }
0x2a: {  	[spmem:s8] =	stream.linear.scatter [tilespmem:s20], [sflag:$0x2], $0x4000, $0x38;
	[tilespmem:$0x1C400] =	vst v63  }
0x2b: {  	_ =	swait.ge [sflag:s19], $0x4000  }
0x2c: {  	[sflag:s19] =	ssyncset.done $0x0  }
0x2d: {  	[sflag:s19] =	ssyncadd.s32 $0xFFFFC000  }
0x2e: {  	[spmem:s9] =	stream.linear.scatter [tilespmem:s20], [sflag:$0x2], $0x4000, $0x38;
	[tilespmem:$0x1C400] =	vst v63  }
0x2f: {  	_ =	swait.ge [sflag:s19], $0x4000  }
0x30: {  	[sflag:s19] =	ssyncset.done $0x0  }
0x31: {  	[sflag:s19] =	ssyncadd.s32 $0xFFFFC000  }
0x32: {  	[spmem:s10] =	stream.linear.scatter [tilespmem:s20], [sflag:$0x2], $0x4000, $0x38;
	[tilespmem:$0x1C400] =	vst v63  }
0x33: {  	_ =	swait.ge [sflag:s19], $0x4000  }
0x34: {  	[sflag:s19] =	ssyncset.done $0x0  }
0x35: {  	[sflag:s19] =	ssyncadd.s32 $0xFFFFC000  }
0x36: {  	s11 =	sadd.s32 $0x0, s17;
	[bflag:$0x0] =	sbarrier.arrive $0xFFFF  }
0x37: {  	[tilespmem:s21], [sflag:$0x2] =	stream.linear.gather [hbm4b:s11+s4], $0x400, $0x38;
	[tilespmem:$0x1C400] =	vst v63  }
0x38: {  	_ =	swait.ge [sflag:s19], $0x400  }
0x39: {  	[sflag:s19] =	ssyncset.done $0x0  }
0x3a: {  	[sflag:s19] =	ssyncadd.s32 $0xFFFFFC00  }
0x3b: {  	[spmem:s3] =	stream.indirect.scatter.add.f32 [tilespmem:s18], [sflag:$0x1], $0x80, s21, s22, $0xb8;
	[tilespmem:$0x1C400] =	vst v63  }
0x3c: {  	_ = 	snop  }
0x3d: {  	[spmem:s3] =	stream.indirect.scatter.add.f32 [tilespmem:s18], [sflag:$0x1], $0x80, s23, s22, $0xb8;
	[tilespmem:$0x1C400] =	vst v63  }
0x3e: {  	_ = 	snop  }
0x3f: {  	[spmem:s3] =	stream.indirect.scatter.add.f32 [tilespmem:s18], [sflag:$0x1], $0x80, s24, s22, $0xb8;
	[tilespmem:$0x1C400] =	vst v63  }
0x40: {  	_ = 	snop  }
0x41: {  	[spmem:s3] =	stream.indirect.scatter.add.f32 [tilespmem:s18], [sflag:$0x1], $0x80, s25, s22, $0xb8;
	[tilespmem:$0x1C400] =	vst v63  }
0x42: {  	_ = 	snop  }
0x43: {  	[spmem:s3] =	stream.indirect.scatter.add.f32 [tilespmem:s18], [sflag:$0x1], $0x80, s26, s22, $0xb8;
	[tilespmem:$0x1C400] =	vst v63  }
0x44: {  	_ = 	snop  }
0x45: {  	[spmem:s3] =	stream.indirect.scatter.add.f32 [tilespmem:s18], [sflag:$0x1], $0x80, s28, s22, $0xb8;
	[tilespmem:$0x1C400] =	vst v63  }
0x46: {  	_ = 	snop  }
0x47: {  	[spmem:s3] =	stream.indirect.scatter.add.f32 [tilespmem:s18], [sflag:$0x1], $0x80, s29, s22, $0xb8;
	[tilespmem:$0x1C400] =	vst v63  }
0x48: {  	_ = 	snop  }
0x49: {  	[spmem:s3] =	stream.indirect.scatter.add.f32 [tilespmem:s18], [sflag:$0x1], $0x80, s30, s22, $0xb8;
	[tilespmem:$0x1C400] =	vst v63  }
0x4a: {  	_ =	swait.ge [sflag:s31], $0x4000  }
0x4b: {  	[sflag:s31] =	ssyncset.done $0x0  }
0x4c: {  	[sflag:s31] =	ssyncadd.s32 $0xFFFFC000  }
0x4d: {  	_ =	swait.ge [sflag:s31], $0x4000  }
0x4e: {  	[sflag:s31] =	ssyncset.done $0x0  }
0x4f: {  	[sflag:s31] =	ssyncadd.s32 $0xFFFFC000  }
0x50: {  	_ =	swait.ge [sflag:s31], $0x4000  }
0x51: {  	[sflag:s31] =	ssyncset.done $0x0  }
0x52: {  	[sflag:s31] =	ssyncadd.s32 $0xFFFFC000  }
0x53: {  	_ =	swait.ge [sflag:s31], $0x4000  }
0x54: {  	[sflag:s31] =	ssyncset.done $0x0  }
0x55: {  	[sflag:s31] =	ssyncadd.s32 $0xFFFFC000  }
0x56: {  	_ =	swait.ge [sflag:s31], $0x4000  }
0x57: {  	[sflag:s31] =	ssyncset.done $0x0  }
0x58: {  	[sflag:s31] =	ssyncadd.s32 $0xFFFFC000  }
0x59: {  	_ =	swait.ge [sflag:s31], $0x4000  }
0x5a: {  	[sflag:s31] =	ssyncset.done $0x0  }
0x5b: {  	[sflag:s31] =	ssyncadd.s32 $0xFFFFC000  }
0x5c: {  	_ =	swait.ge [sflag:s31], $0x4000  }
0x5d: {  	[sflag:s31] =	ssyncset.done $0x0  }
0x5e: {  	[sflag:s31] =	ssyncadd.s32 $0xFFFFC000  }
0x5f: {  	_ =	swait.ge [sflag:s31], $0x4000  }
0x60: {  	s2 =	simm.s32 $0x100;
	s0 =	simm.s32 $0x80;
	[sflag:s31] =	ssyncset.done $0x0  }
.LBB2_2:
0x61: {  	s11 =	sadd.s32 s0, s17  }
0x62: {  	[sflag:s31] =	ssyncadd.s32 $0xFFFFC000;
	s0 =	smov.u32 s2;
	s5 =	sadd.s32 $0x80, s2  }
0x63: {  	[tilespmem:s21], [sflag:$0x2] =	stream.linear.gather [hbm4b:s11+s4], $0x400, $0x38;
	[tilespmem:$0x1C400] =	vst v63  }
0x64: {  	p0 =	sne.s32 s2, $0x200;
	_ =	swait.ge [sflag:s19], $0x400  }
0x65: {  	[sflag:s19] =	ssyncset.done $0x0  }
0x66: {  	[sflag:s19] =	ssyncadd.s32 $0xFFFFFC00  }
0x67: {  	[spmem:s3] =	stream.indirect.scatter.add.f32 [tilespmem:s18], [sflag:$0x1], $0x80, s21, s22, $0xb8;
	[tilespmem:$0x1C400] =	vst v63  }
0x68: {  	_ = 	snop  }
0x69: {  	[spmem:s3] =	stream.indirect.scatter.add.f32 [tilespmem:s18], [sflag:$0x1], $0x80, s23, s22, $0xb8;
	[tilespmem:$0x1C400] =	vst v63  }
0x6a: {  	_ = 	snop  }
0x6b: {  	[spmem:s3] =	stream.indirect.scatter.add.f32 [tilespmem:s18], [sflag:$0x1], $0x80, s24, s22, $0xb8;
	[tilespmem:$0x1C400] =	vst v63  }
0x6c: {  	_ = 	snop  }
0x6d: {  	[spmem:s3] =	stream.indirect.scatter.add.f32 [tilespmem:s18], [sflag:$0x1], $0x80, s25, s22, $0xb8;
	[tilespmem:$0x1C400] =	vst v63  }
0x6e: {  	_ = 	snop  }
0x6f: {  	[spmem:s3] =	stream.indirect.scatter.add.f32 [tilespmem:s18], [sflag:$0x1], $0x80, s26, s22, $0xb8;
	[tilespmem:$0x1C400] =	vst v63  }
0x70: {  	_ = 	snop  }
0x71: {  	[spmem:s3] =	stream.indirect.scatter.add.f32 [tilespmem:s18], [sflag:$0x1], $0x80, s28, s22, $0xb8;
	[tilespmem:$0x1C400] =	vst v63  }
0x72: {  	_ = 	snop  }
0x73: {  	[spmem:s3] =	stream.indirect.scatter.add.f32 [tilespmem:s18], [sflag:$0x1], $0x80, s29, s22, $0xb8;
	[tilespmem:$0x1C400] =	vst v63  }
0x74: {  	_ = 	snop  }
0x75: {  	[spmem:s3] =	stream.indirect.scatter.add.f32 [tilespmem:s18], [sflag:$0x1], $0x80, s30, s22, $0xb8;
	[tilespmem:$0x1C400] =	vst v63  }
0x76: {  	_ =	swait.ge [sflag:s31], $0x4000  }
0x77: {  	[sflag:s31] =	ssyncset.done $0x0  }
0x78: {  	[sflag:s31] =	ssyncadd.s32 $0xFFFFC000  }
0x79: {  	_ =	swait.ge [sflag:s31], $0x4000  }
0x7a: {  	[sflag:s31] =	ssyncset.done $0x0  }
0x7b: {  	[sflag:s31] =	ssyncadd.s32 $0xFFFFC000  }
0x7c: {  	_ =	swait.ge [sflag:s31], $0x4000  }
0x7d: {  	[sflag:s31] =	ssyncset.done $0x0  }
0x7e: {  	[sflag:s31] =	ssyncadd.s32 $0xFFFFC000  }
0x7f: {  	_ =	swait.ge [sflag:s31], $0x4000  }
0x80: {  	[sflag:s31] =	ssyncset.done $0x0  }
0x81: {  	[sflag:s31] =	ssyncadd.s32 $0xFFFFC000  }
0x82: {  	_ =	swait.ge [sflag:s31], $0x4000  }
0x83: {  	[sflag:s31] =	ssyncset.done $0x0  }
0x84: {  	[sflag:s31] =	ssyncadd.s32 $0xFFFFC000  }
0x85: {  	_ =	swait.ge [sflag:s31], $0x4000  }
0x86: {  	[sflag:s31] =	ssyncset.done $0x0  }
0x87: {  	[sflag:s31] =	ssyncadd.s32 $0xFFFFC000  }
.Ltmp0:
0x88: {  	_ =	swait.ge [sflag:s31], $0x4000;
	(pc) =	sbr.rel @p0 .LBB2_2-.Ltmp0, $4  }
0x89: {  	[sflag:s31] =	ssyncset.done $0x0  }
0x8a: {  	[sflag:s31] =	ssyncadd.s32 $0xFFFFC000  }
0x8b: {  	_ =	swait.ge [sflag:s31], $0x4000  }
0x8c: {  	s2 =	smov.u32 s5;
	[sflag:s31] =	ssyncset.done $0x0  }
0x8d: {  	s0 =	sadd.s32 s0, s17;
	[sflag:s31] =	ssyncadd.s32 $0xFFFFC000  }
0x8e: {  	[tilespmem:s21], [sflag:$0x2] =	stream.linear.gather [hbm4b:s0+s4], $0x400, $0x38;
	[tilespmem:$0x1C400] =	vst v63  }
0x8f: {  	_ =	swait.ge [sflag:s19], $0x400  }
0x90: {  	[sflag:s19] =	ssyncset.done $0x0  }
0x91: {  	[sflag:s19] =	ssyncadd.s32 $0xFFFFFC00  }
0x92: {  	[spmem:s3] =	stream.indirect.scatter.add.f32 [tilespmem:s18], [sflag:$0x1], $0x80, s21, s22, $0xb8;
	[tilespmem:$0x1C400] =	vst v63  }
0x93: {  	_ = 	snop  }
0x94: {  	[spmem:s3] =	stream.indirect.scatter.add.f32 [tilespmem:s18], [sflag:$0x1], $0x80, s23, s22, $0xb8;
	[tilespmem:$0x1C400] =	vst v63  }
0x95: {  	_ = 	snop  }
0x96: {  	[spmem:s3] =	stream.indirect.scatter.add.f32 [tilespmem:s18], [sflag:$0x1], $0x80, s24, s22, $0xb8;
	[tilespmem:$0x1C400] =	vst v63  }
0x97: {  	_ = 	snop  }
0x98: {  	[spmem:s3] =	stream.indirect.scatter.add.f32 [tilespmem:s18], [sflag:$0x1], $0x80, s25, s22, $0xb8;
	[tilespmem:$0x1C400] =	vst v63  }
0x99: {  	_ = 	snop  }
0x9a: {  	[spmem:s3] =	stream.indirect.scatter.add.f32 [tilespmem:s18], [sflag:$0x1], $0x80, s26, s22, $0xb8;
	[tilespmem:$0x1C400] =	vst v63  }
0x9b: {  	_ = 	snop  }
0x9c: {  	[spmem:s3] =	stream.indirect.scatter.add.f32 [tilespmem:s18], [sflag:$0x1], $0x80, s28, s22, $0xb8;
	[tilespmem:$0x1C400] =	vst v63  }
0x9d: {  	_ = 	snop  }
0x9e: {  	[spmem:s3] =	stream.indirect.scatter.add.f32 [tilespmem:s18], [sflag:$0x1], $0x80, s29, s22, $0xb8;
	[tilespmem:$0x1C400] =	vst v63  }
0x9f: {  	_ = 	snop  }
0xa0: {  	[spmem:s3] =	stream.indirect.scatter.add.f32 [tilespmem:s18], [sflag:$0x1], $0x80, s30, s22, $0xb8;
	[tilespmem:$0x1C400] =	vst v63  }
0xa1: {  	_ =	swait.ge [sflag:s31], $0x4000  }
0xa2: {  	[sflag:s31] =	ssyncset.done $0x0  }
0xa3: {  	[sflag:s31] =	ssyncadd.s32 $0xFFFFC000  }
0xa4: {  	_ =	swait.ge [sflag:s31], $0x4000  }
0xa5: {  	[sflag:s31] =	ssyncset.done $0x0  }
0xa6: {  	[sflag:s31] =	ssyncadd.s32 $0xFFFFC000  }
0xa7: {  	_ =	swait.ge [sflag:s31], $0x4000  }
0xa8: {  	[sflag:s31] =	ssyncset.done $0x0  }
0xa9: {  	[sflag:s31] =	ssyncadd.s32 $0xFFFFC000  }
0xaa: {  	_ =	swait.ge [sflag:s31], $0x4000  }
0xab: {  	[sflag:s31] =	ssyncset.done $0x0  }
0xac: {  	[sflag:s31] =	ssyncadd.s32 $0xFFFFC000  }
0xad: {  	_ =	swait.ge [sflag:s31], $0x4000  }
0xae: {  	[sflag:s31] =	ssyncset.done $0x0  }
0xaf: {  	[sflag:s31] =	ssyncadd.s32 $0xFFFFC000  }
0xb0: {  	_ =	swait.ge [sflag:s31], $0x4000  }
0xb1: {  	[sflag:s31] =	ssyncset.done $0x0  }
0xb2: {  	[sflag:s31] =	ssyncadd.s32 $0xFFFFC000  }
0xb3: {  	_ =	swait.ge [sflag:s31], $0x4000  }
0xb4: {  	[sflag:s31] =	ssyncset.done $0x0  }
0xb5: {  	[sflag:s31] =	ssyncadd.s32 $0xFFFFC000  }
0xb6: {  	_ =	swait.ge [sflag:s31], $0x4000  }
0xb7: {  	[sflag:s31] =	ssyncset.done $0x0  }
0xb8: {  	[sflag:s31] =	ssyncadd.s32 $0xFFFFC000  }
0xb9: {  	[bflag:$0x0] =	sbarrier.arrive $0xFFFF  }
0xba: {  	[tilespmem:s20], [sflag:$0x2] =	stream.linear.gather [spmem:s6], $0x4000, $0x38;
	[tilespmem:$0x1C400] =	vst v63  }
0xbb: {  	_ =	swait.ge [sflag:s19], $0x4000  }
0xbc: {  	[sflag:s19] =	ssyncset.done $0x0  }
0xbd: {  	s11 =	rddreg [dreg:$0x5];
	[sflag:s19] =	ssyncadd.s32 $0xFFFFC000  }
0xbe: {  	[hbm4b:s11+s4] =	stream.linear.scatter [tilespmem:s20], [sflag:$0x2], $0x4000, $0x38;
	[tilespmem:$0x1C400] =	vst v63  }
0xbf: {  	_ =	swait.ge [sflag:s19], $0x4000  }
0xc0: {  	[sflag:s19] =	ssyncset.done $0x0  }
0xc1: {  	[sflag:s19] =	ssyncadd.s32 $0xFFFFC000  }
0xc2: {  	[tilespmem:s20], [sflag:$0x2] =	stream.linear.gather [spmem:s7], $0x4000, $0x38;
	[tilespmem:$0x1C400] =	vst v63  }
0xc3: {  	_ =	swait.ge [sflag:s19], $0x4000  }
0xc4: {  	[sflag:s19] =	ssyncset.done $0x0  }
0xc5: {  	[sflag:s19] =	ssyncadd.s32 $0xFFFFC000  }
0xc6: {  	[hbm4b:s12+s4] =	stream.linear.scatter [tilespmem:s20], [sflag:$0x2], $0x4000, $0x38;
	[tilespmem:$0x1C400] =	vst v63  }
0xc7: {  	_ =	swait.ge [sflag:s19], $0x4000  }
0xc8: {  	[sflag:s19] =	ssyncset.done $0x0  }
0xc9: {  	[sflag:s19] =	ssyncadd.s32 $0xFFFFC000  }
0xca: {  	[tilespmem:s20], [sflag:$0x2] =	stream.linear.gather [spmem:s8], $0x4000, $0x38;
	[tilespmem:$0x1C400] =	vst v63  }
0xcb: {  	_ =	swait.ge [sflag:s19], $0x4000  }
0xcc: {  	[sflag:s19] =	ssyncset.done $0x0  }
0xcd: {  	[sflag:s19] =	ssyncadd.s32 $0xFFFFC000  }
0xce: {  	[hbm4b:s13+s4] =	stream.linear.scatter [tilespmem:s20], [sflag:$0x2], $0x4000, $0x38;
	[tilespmem:$0x1C400] =	vst v63  }
0xcf: {  	_ =	swait.ge [sflag:s19], $0x4000  }
0xd0: {  	[sflag:s19] =	ssyncset.done $0x0  }
0xd1: {  	[sflag:s19] =	ssyncadd.s32 $0xFFFFC000  }
0xd2: {  	[tilespmem:s20], [sflag:$0x2] =	stream.linear.gather [spmem:s9], $0x4000, $0x38;
	[tilespmem:$0x1C400] =	vst v63  }
0xd3: {  	_ =	swait.ge [sflag:s19], $0x4000  }
0xd4: {  	[sflag:s19] =	ssyncset.done $0x0  }
0xd5: {  	[sflag:s19] =	ssyncadd.s32 $0xFFFFC000  }
0xd6: {  	[hbm4b:s14+s4] =	stream.linear.scatter [tilespmem:s20], [sflag:$0x2], $0x4000, $0x38;
	[tilespmem:$0x1C400] =	vst v63  }
0xd7: {  	_ =	swait.ge [sflag:s19], $0x4000  }
0xd8: {  	[sflag:s19] =	ssyncset.done $0x0  }
0xd9: {  	[sflag:s19] =	ssyncadd.s32 $0xFFFFC000  }
0xda: {  	[tilespmem:s20], [sflag:$0x2] =	stream.linear.gather [spmem:s10], $0x4000, $0x38;
	[tilespmem:$0x1C400] =	vst v63  }
0xdb: {  	s1 =	sadd.s32 $0x1, s1;
	_ =	swait.ge [sflag:s19], $0x4000  }
0xdc: {  	p0 =	sne.s32 s1, s16;
	[sflag:s19] =	ssyncset.done $0x0  }
.Ltmp1:
0xdd: {  	[sflag:s19] =	ssyncadd.s32 $0xFFFFC000;
	(pc) =	sbr.rel @p0 .LBB2_1-.Ltmp1, $4  }
0xde: {  	[hbm4b:s15+s4] =	stream.linear.scatter [tilespmem:s20], [sflag:$0x2], $0x4000, $0x38;
	[tilespmem:$0x1C400] =	vst v63  }
0xdf: {  	_ =	swait.ge [sflag:s19], $0x4000  }
0xe0: {  	[sflag:s19] =	ssyncset.done $0x0  }
0xe1: {  	[sflag:s19] =	ssyncadd.s32 $0xFFFFC000  }
0xe2: {  	_ =	sfence.sel $0x180000  }
0xe3: {  	[bflag:$0x0] =	sbarrier.arrive $0xFFFF  }
0xe4: {  	_ =	strace $0x9000004A  }
0xe5: {  	s0 =	stileid.u32;
	[bflag:$0x2] =	sbarrier.arrive $0xFFFF  }
0xe6: {  	p0 =	sne.s32 s0, $0x0;
	s0 =	rddreg [dreg:$0x3]  }
0xe7: {  	s0 =	sadd.s32 @!p0 $0x100000, s0  }
0xe8: {  	[sflag:s0] =	ssyncadd.tile.s32 @!p0 $0x1;
	_ =	shalt  }
.Lfunc_end2:
_tile_overlayer_lowered:
.L_overlay_start_2:
0xe9: {  	(tag) =	ssettag $0x2  }
0xea: {  	s0 =	rddreg [dreg:$0x0];
	s2 =	stileid.u32  }
0xeb: {  	s1 =	rddreg [dreg:$0x1];
	p0 =	sne.s32 s2, $0x0  }
0xec: {  	s3 =	rddreg [dreg:$0x2];
	[bflag:$0x3] =	sbarrier.arrive $0xFFFF;
	s2 =	simm.s32 @!p0 $0x1C02  }
0xed: {  	[timem:s3], [sflag:s2] =	dma.local @!p0 [hbm:s0], s1  }
0xee: {  	s0 =	simm.s32 @!p0 $0x2  }
0xef: {  	_ =	swait.ge @!p0 [sflag:s0], s1  }
0xf0: {  	s1 =	ssub.s32 @!p0 $0x0, s1;
	[sflag:s0] =	ssyncset.done @!p0 $0x0  }
0xf1: {  	[sflag:s0] =	ssyncadd.s32 @!p0 s1  }
0xf2: {  	[bflag:$0x3] =	sbarrier.arrive $0xFFFF  }
0xf3: {  	_ =	shalt  }

</sc_bundles>
